<compile_context>
chip_gen: v7x
topology: tpu7x:2x2x1
jax: 0.10.2.dev20260603
libtpu: 0.0.44.dev20260713+nightly
codegen_flags: <defaults>
</compile_context>

<pallas_src>
import functools

import jax
import jax.numpy as jnp
import numpy as np
from jax import lax
from jax.experimental import pallas as pl
from jax.experimental.pallas import tpu as pltpu
from jax.experimental.pallas import tpu_sc as plsc

B = 4096
F = 8192
K = 512
L = 16
NC, NS = 2, 16
NW = NC * NS
ROWS_PER_W = B // NW
NVR = F // L
KV = K // L
MARGIN = 0x000C0000
HI_INIT = np.int32(0x7F800001)

_mesh = plsc.VectorSubcoreMesh(
    core_axis_name="c", subcore_axis_name="s", num_cores=NC, num_subcores=NS
)


def _row_work(row, xb, ck, ci, ck2, ci2, sk0, si0, sk1, si1, ob, out_hbm, t_est):
    iota = lax.iota(jnp.int32, L)
    p1 = t_est + np.int32(MARGIN)
    p2 = jnp.maximum(t_est - np.int32(MARGIN), np.int32(-1))

    def pass_a(j, c):
        c1, c2 = c
        xv = xb[pl.ds(j * L, L)]
        key = lax.bitcast_convert_type(jnp.abs(xv), jnp.int32)
        idx = iota + j * L
        m1 = key > p1
        m2 = (key > p2) & jnp.logical_not(m1)
        c1c = jnp.minimum(c1, np.int32(K))
        plsc.store_compressed(sk0.at[pl.ds(c1c, L)], key, mask=m1)
        plsc.store_compressed(si0.at[pl.ds(c1c, L)], idx, mask=m1)
        plsc.store_compressed(ck.at[pl.ds(c2, L)], key, mask=m2)
        plsc.store_compressed(ci.at[pl.ds(c2, L)], idx, mask=m2)
        return (c1 + jnp.sum(m1.astype(jnp.int32)), c2 + jnp.sum(m2.astype(jnp.int32)))

    c1, nc = lax.fori_loop(0, NVR, pass_a, (np.int32(0), np.int32(0)))

    bad = (c1 > np.int32(K)) | (c1 + nc < np.int32(K))

    def _fallback(_):
        def fill(j, carry):
            xv = xb[pl.ds(j * L, L)]
            ck[pl.ds(j * L, L)] = lax.bitcast_convert_type(jnp.abs(xv), jnp.int32)
            ci[pl.ds(j * L, L)] = iota + j * L
            return carry

        lax.fori_loop(0, NVR, fill, np.int32(0))
        return np.int32(0), np.int32(F), np.int32(-1), HI_INIT

    def _keep(_):
        return c1, nc, p2, p1

    c1, nc, lo, hi = lax.cond(bad, _fallback, _keep, 0)
    krem = np.int32(K) - c1
    selo = c1

    def _cond(st):
        krem, nc, lo, hi, selo = st
        return (krem > np.int32(0)) & (nc > krem) & (hi > lo + np.int32(1))

    def _body(st):
        krem, nc, lo, hi, selo = st
        piv = lo + ((hi - lo) >> 1)
        nvr_c = (nc + np.int32(L - 1)) // jnp.int32(L)

        def cnt_body(j, acc):
            key = ck[pl.ds(j * L, L)]
            m = ((iota + j * L) < nc) & (key > piv)
            return acc + jnp.sum(m.astype(jnp.int32))

        cnt = lax.fori_loop(0, nvr_c, cnt_body, np.int32(0))
        take_hi = cnt >= krem

        def cpt_body(j, st2):
            co, so = st2
            key = ck[pl.ds(j * L, L)]
            idx = ci[pl.ds(j * L, L)]
            valid = (iota + j * L) < nc
            ones = valid & (key > piv)
            surv = jnp.where(take_hi, ones, valid & jnp.logical_not(ones))
            app = ones & jnp.logical_not(take_hi)
            plsc.store_compressed(ck2.at[pl.ds(co, L)], key, mask=surv)
            plsc.store_compressed(ci2.at[pl.ds(co, L)], idx, mask=surv)
            plsc.store_compressed(sk0.at[pl.ds(so, L)], key, mask=app)
            plsc.store_compressed(si0.at[pl.ds(so, L)], idx, mask=app)
            return (co + jnp.sum(surv.astype(jnp.int32)),
                    so + jnp.sum(app.astype(jnp.int32)))

        co, so = lax.fori_loop(0, nvr_c, cpt_body, (np.int32(0), selo))

        def cpy_body(j, carry):
            ck[pl.ds(j * L, L)] = ck2[pl.ds(j * L, L)]
            ci[pl.ds(j * L, L)] = ci2[pl.ds(j * L, L)]
            return carry

        nvr_o = (co + np.int32(L - 1)) // jnp.int32(L)
        lax.fori_loop(0, nvr_o, cpy_body, np.int32(0))

        new_lo = jnp.where(take_hi, piv, lo)
        new_hi = jnp.where(take_hi, hi, piv)
        new_krem = jnp.where(take_hi, krem, krem - cnt)
        new_nc = jnp.where(take_hi, cnt, nc - cnt)
        return (new_krem, new_nc, new_lo, new_hi, so)

    krem, nc, lo, hi, selo = lax.while_loop(
        _cond, _body, (krem, nc, lo, hi, selo)
    )

    def fin_body(j, carry):
        key = ck[pl.ds(j * L, L)]
        idx = ci[pl.ds(j * L, L)]
        gpos = iota + j * L
        m = gpos < krem
        so = selo + j * L
        plsc.store_compressed(sk0.at[pl.ds(so, L)], key, mask=m)
        plsc.store_compressed(si0.at[pl.ds(so, L)], idx, mask=m)
        return carry

    lax.fori_loop(0, (krem + np.int32(L - 1)) // jnp.int32(L), fin_body, 0)
    t_new = lo + ((hi - lo) >> 1)

    def vsort_pass(kr, ir):
        def vb(v, carry):
            o = v * L
            sk, si = plsc.sort_key_val(kr[pl.ds(o, L)], ir[pl.ds(o, L)],
                                       descending=True)
            kr[pl.ds(o, L)] = sk
            ir[pl.ds(o, L)] = si
            return carry

        lax.fori_loop(0, KV, vb, 0)

    def split_stage(r, src_k, src_i, dst_k, dst_i):
        def sb(q, carry):
            m = q // r
            t = q % r
            base = 2 * m * r
            oa = (base + t) * L
            obv = (base + r + (r - 1 - t)) * L
            ka = src_k[pl.ds(oa, L)]
            ia = src_i[pl.ds(oa, L)]
            kb = lax.rev(src_k[pl.ds(obv, L)], (0,))
            ib = lax.rev(src_i[pl.ds(obv, L)], (0,))
            pred = (ka > kb) | ((ka == kb) & (ia < ib))
            dst_k[pl.ds(oa, L)] = jnp.where(pred, ka, kb)
            dst_i[pl.ds(oa, L)] = jnp.where(pred, ia, ib)
            ol = (base + r + t) * L
            dst_k[pl.ds(ol, L)] = jnp.where(pred, kb, ka)
            dst_i[pl.ds(ol, L)] = jnp.where(pred, ib, ia)
            return carry

        lax.fori_loop(0, KV // 2, sb, 0)

    def plain_stage(d, kr, ir):
        def pb(q, carry):
            blk = q // d
            t = q % d
            pos = (blk * 2 * d + t) * L
            pd = d * L
            ka = kr[pl.ds(pos, L)]
            ia = ir[pl.ds(pos, L)]
            kb = kr[pl.ds(pos + pd, L)]
            ib = ir[pl.ds(pos + pd, L)]
            pred = (ka > kb) | ((ka == kb) & (ia < ib))
            kr[pl.ds(pos, L)] = jnp.where(pred, ka, kb)
            ir[pl.ds(pos, L)] = jnp.where(pred, ia, ib)
            kr[pl.ds(pos + pd, L)] = jnp.where(pred, kb, ka)
            ir[pl.ds(pos + pd, L)] = jnp.where(pred, ib, ia)
            return carry

        lax.fori_loop(0, KV // 2, pb, 0)

    vsort_pass(sk0, si0)
    bufs = [(sk0, si0), (sk1, si1)]
    cur = 0
    for r in (1, 2, 4, 8, 16):
        split_stage(r, bufs[cur][0], bufs[cur][1], bufs[1 - cur][0], bufs[1 - cur][1])
        cur ^= 1
        d = r // 2
        while d >= 1:
            plain_stage(d, bufs[cur][0], bufs[cur][1])
            d //= 2
        vsort_pass(bufs[cur][0], bufs[cur][1])
    fk, fi = bufs[cur]

    

    def out_body(v, carry):
        o = v * L
        chan0 = iota * 0
        idx = fi[pl.ds(o, L)]
        val = plsc.load_gather(xb, [idx])
        pos = iota + o
        rank = pos.astype(jnp.float32) / np.float32(K - 1)
        drop = (val == np.float32(0.0)).astype(jnp.float32)
        plsc.store_scatter(ob, [pos, chan0], val)
        plsc.store_scatter(ob, [pos, chan0 + 1], rank)
        plsc.store_scatter(ob, [pos, chan0 + 2], drop)
        return carry

    lax.fori_loop(0, KV, out_body, 0)
    pltpu.sync_copy(ob, out_hbm.at[row])
    return t_new


@functools.partial(
    pl.kernel,
    out_type=jax.ShapeDtypeStruct((B, K, 3), jnp.float32),
    mesh=_mesh,
    compiler_params=pltpu.CompilerParams(needs_layout_passes=False),
    scratch_types=[
        pltpu.VMEM((F,), jnp.float32),
        pltpu.VMEM((F,), jnp.float32),
        pltpu.VMEM((F + L,), jnp.int32),
        pltpu.VMEM((F + L,), jnp.int32),
        pltpu.VMEM((F + L,), jnp.int32),
        pltpu.VMEM((F + L,), jnp.int32),
        pltpu.VMEM((K + L,), jnp.int32),
        pltpu.VMEM((K + L,), jnp.int32),
        pltpu.VMEM((K + L,), jnp.int32),
        pltpu.VMEM((K + L,), jnp.int32),
        pltpu.VMEM((K, 3), jnp.float32),
        pltpu.SemaphoreType.DMA,
        pltpu.SemaphoreType.DMA,
    ],
)
def _topk_tokens(x_hbm, out_hbm, xb0, xb1, ck, ci, ck2, ci2,
                 sk0, si0, sk1, si1, ob, sx0, sx1):
    wid = lax.axis_index("s") * NC + lax.axis_index("c")
    row0 = wid * ROWS_PER_W

    pltpu.async_copy(x_hbm.at[row0], xb0, sx0)
    pltpu.async_copy(x_hbm.at[row0 + 1], xb1, sx1)

    def it(i, t_est):
        r0 = row0 + 2 * i
        pltpu.make_async_copy(x_hbm.at[0], xb0, sx0).wait()
        t_est = _row_work(r0, xb0, ck, ci, ck2, ci2, sk0, si0, sk1, si1, ob,
                          out_hbm, t_est)
        pltpu.async_copy(x_hbm.at[jnp.minimum(r0 + 2, B - 1)], xb0, sx0)
        pltpu.make_async_copy(x_hbm.at[0], xb1, sx1).wait()
        t_est = _row_work(r0 + 1, xb1, ck, ci, ck2, ci2, sk0, si0, sk1, si1, ob,
                          out_hbm, t_est)
        pltpu.async_copy(x_hbm.at[jnp.minimum(r0 + 3, B - 1)], xb1, sx1)
        return t_est

    lax.fori_loop(0, ROWS_PER_W // 2, it, np.int32(0x3FF00000))

    pltpu.make_async_copy(x_hbm.at[0], xb0, sx0).wait()
    pltpu.make_async_copy(x_hbm.at[0], xb1, sx1).wait()


def kernel(x):
    return _topk_tokens(x)

# --- scband reference (transcript-rebuilt; emitter-appended) ---
"""Pipeline reference for scband-top-kchannels-tokenizer-32521492365364 (READ-ONLY COPY).

The authoritative reference and input builder live on the scoring server;
editing this copy changes nothing except your own understanding.
"""

import jax, jax.numpy as jnp
import numpy as np

N_TOKENS = 512
CHANNELS = ('value', 'rank', 'dropout')

def setup_inputs(seed: int = 0) -> dict:
    key = jax.random.key(seed)
    x = jax.random.normal(key, (4096, 8192), dtype=jnp.float32)
    return {"x": x}

def reference(x):
    B, F = x.shape
    K = min(N_TOKENS, F)
    _, idx = jax.lax.top_k(jnp.abs(x), K)  # sorted descending, like torch.topk
    vals = jnp.take_along_axis(x, idx, axis=1)
    chans = []
    for c in CHANNELS:
        if c == 'value':
            chans.append(vals)
        elif c == 'dropout':
            chans.append((vals == 0).astype(x.dtype))
        elif c == 'rank':
            r = jnp.arange(K, dtype=x.dtype).reshape(1, K)
            r = jnp.broadcast_to(r, (B, K))
            chans.append(r / max(K - 1, 1))
    tokens = jnp.stack(chans, axis=-1)
    # key_padding_mask is None; add_cls_token is False
    return tokens

if __name__ == "__main__":
    import jax
    _d = setup_inputs()
    print(jax.jit(kernel)(*tuple(_d.values())))

</pallas_src>

<mosaic_0001>
#map = affine_map<(d0, d1) -> (0, 0)>
#map1 = affine_map<(d0, d1) -> (0, 0, 0)>
module attributes {stable_mosaic.version = 14 : i64} {
  func.func @_topk_tokens(%arg0: i32, %arg1: i32, %arg2: memref<4096x8192xf32, #tpu.memory_space<hbm>>, %arg3: memref<4096x512x3xf32, #tpu.memory_space<hbm>>, %arg4: memref<8192xf32, #tpu.memory_space<vmem>>, %arg5: memref<8192xf32, #tpu.memory_space<vmem>>, %arg6: memref<8208xi32, #tpu.memory_space<vmem>>, %arg7: memref<8208xi32, #tpu.memory_space<vmem>>, %arg8: memref<8208xi32, #tpu.memory_space<vmem>>, %arg9: memref<8208xi32, #tpu.memory_space<vmem>>, %arg10: memref<528xi32, #tpu.memory_space<vmem>>, %arg11: memref<528xi32, #tpu.memory_space<vmem>>, %arg12: memref<528xi32, #tpu.memory_space<vmem>>, %arg13: memref<528xi32, #tpu.memory_space<vmem>>, %arg14: memref<512x3xf32, #tpu.memory_space<vmem>>, %arg15: memref<!tpu.dma_semaphore, #tpu.memory_space<semaphore_mem>>, %arg16: memref<!tpu.dma_semaphore, #tpu.memory_space<semaphore_mem>>) attributes {dimension_semantics = [#tpu.dimension_semantics<core_parallel>, #tpu.dimension_semantics<subcore_parallel>], iteration_bounds = array<i64: 2, 16>, scalar_prefetch = 0 : i64, scratch_operands = 13 : i64, tpu.core_type = #tpu.core_type<sc_vector_subcore>, window_params = [{transform_indices = #map}, {transform_indices = #map1}]} {
    %mul3A = arith.constant 2 : i32
    %mul3A_0 = arith.muli %arg1, %mul3A : i32
    %add3A = arith.addi %mul3A_0, %arg0 : i32
    %mul3A_1 = arith.constant 128 : i32
    %mul3A_2 = arith.muli %add3A, %mul3A_1 : i32
    %dma_start3A = arith.constant 0 : i32
    %dma_start3A_3 = tpu.memref_slice %arg2[%mul3A_2, %dma_start3A] : memref<4096x8192xf32, #tpu.memory_space<hbm>> -> memref<1x8192xf32, #tpu.memory_space<hbm>>
    %dma_start3A_4 = tpu.memref_squeeze %dma_start3A_3 : memref<1x8192xf32, #tpu.memory_space<hbm>> -> memref<8192xf32, #tpu.memory_space<hbm>>
    %dma_start3A_5 = arith.constant 0 : i32
    %dma_start3A_6 = tpu.memref_slice %arg2[%mul3A_2, %dma_start3A_5] : memref<4096x8192xf32, #tpu.memory_space<hbm>> -> memref<1x8192xf32, #tpu.memory_space<hbm>>
    %dma_start3A_7 = tpu.memref_squeeze %dma_start3A_6 : memref<1x8192xf32, #tpu.memory_space<hbm>> -> memref<8192xf32, #tpu.memory_space<hbm>>
    tpu.enqueue_dma source(%dma_start3A_7 : memref<8192xf32, #tpu.memory_space<hbm>>) target(%arg4 : memref<8192xf32, #tpu.memory_space<vmem>>) target_semaphore(%arg15 : memref<!tpu.dma_semaphore, #tpu.memory_space<semaphore_mem>>)
    %add3A_8 = arith.constant 1 : i32
    %add3A_9 = arith.addi %mul3A_2, %add3A_8 : i32
    %dma_start3A_10 = arith.constant 0 : i32
    %dma_start3A_11 = tpu.memref_slice %arg2[%add3A_9, %dma_start3A_10] : memref<4096x8192xf32, #tpu.memory_space<hbm>> -> memref<1x8192xf32, #tpu.memory_space<hbm>>
    %dma_start3A_12 = tpu.memref_squeeze %dma_start3A_11 : memref<1x8192xf32, #tpu.memory_space<hbm>> -> memref<8192xf32, #tpu.memory_space<hbm>>
    %dma_start3A_13 = arith.constant 0 : i32
    %dma_start3A_14 = tpu.memref_slice %arg2[%add3A_9, %dma_start3A_13] : memref<4096x8192xf32, #tpu.memory_space<hbm>> -> memref<1x8192xf32, #tpu.memory_space<hbm>>
    %dma_start3A_15 = tpu.memref_squeeze %dma_start3A_14 : memref<1x8192xf32, #tpu.memory_space<hbm>> -> memref<8192xf32, #tpu.memory_space<hbm>>
    tpu.enqueue_dma source(%dma_start3A_15 : memref<8192xf32, #tpu.memory_space<hbm>>) target(%arg5 : memref<8192xf32, #tpu.memory_space<vmem>>) target_semaphore(%arg16 : memref<!tpu.dma_semaphore, #tpu.memory_space<semaphore_mem>>)
    %scan3A = arith.constant 1072693248 : i32
    %scan3A_16 = arith.constant 0 : i32
    %scan3A_17 = arith.constant 64 : i32
    %scan3A_18 = arith.addi %scan3A_16, %scan3A_17 : i32
    %scan3A_19 = arith.constant 1 : i32
    %scan3A_20 = scf.for %scan3A_35 = %scan3A_16 to %scan3A_18 step %scan3A_19 iter_args(%scan3A_36 = %scan3A) -> (i32)  : i32 {
      %mul3A_37 = arith.constant 2 : i32
      %mul3A_38 = arith.muli %mul3A_37, %scan3A_35 : i32
      %add3A_39 = arith.addi %mul3A_2, %mul3A_38 : i32
      %dma_wait3A_40 = arith.constant 0 : i32
      %dma_wait3A_41 = arith.constant 0 : i32
      %dma_wait3A_42 = tpu.memref_slice %arg2[%dma_wait3A_40, %dma_wait3A_41] : memref<4096x8192xf32, #tpu.memory_space<hbm>> -> memref<1x8192xf32, #tpu.memory_space<hbm>>
      %dma_wait3A_43 = tpu.memref_squeeze %dma_wait3A_42 : memref<1x8192xf32, #tpu.memory_space<hbm>> -> memref<8192xf32, #tpu.memory_space<hbm>>
      %dma_wait3A_44 = arith.constant 0 : i32
      %dma_wait3A_45 = tpu.memref_slice %arg2[%dma_wait3A_40, %dma_wait3A_44] : memref<4096x8192xf32, #tpu.memory_space<hbm>> -> memref<1x8192xf32, #tpu.memory_space<hbm>>
      %dma_wait3A_46 = tpu.memref_squeeze %dma_wait3A_45 : memref<1x8192xf32, #tpu.memory_space<hbm>> -> memref<8192xf32, #tpu.memory_space<hbm>>
      tpu.wait_dma2 semaphore(%arg15 : memref<!tpu.dma_semaphore, #tpu.memory_space<semaphore_mem>>) src(%dma_wait3A_46 : memref<8192xf32, #tpu.memory_space<hbm>>) dst(%arg4 : memref<8192xf32, #tpu.memory_space<vmem>>)
      %iota3A = tpu.iota {dimensions = array<i32: 0>} : vector<16xi32>
      %add3A_47 = arith.constant 786432 : i32
      %add3A_48 = arith.addi %scan3A_36, %add3A_47 : i32
      %sub3A = arith.constant 786432 : i32
      %sub3A_49 = arith.subi %scan3A_36, %sub3A : i32
      %max3A = arith.constant -1 : i32
      %max3A_50 = arith.maxsi %sub3A_49, %max3A : i32
      %scan3A_51 = arith.constant 0 : i32
      %scan3A_52 = arith.constant 0 : i32
      %scan3A_53 = arith.constant 0 : i32
      %scan3A_54 = arith.constant 512 : i32
      %scan3A_55 = arith.addi %scan3A_53, %scan3A_54 : i32
      %scan3A_56 = arith.constant 1 : i32
      %scan3A_57:2 = scf.for %scan3A_460 = %scan3A_53 to %scan3A_55 step %scan3A_56 iter_args(%scan3A_461 = %scan3A_51, %scan3A_462 = %scan3A_52) -> (i32, i32)  : i32 {
        %mul3A_463 = arith.constant 16 : i32
        %mul3A_464 = arith.muli %scan3A_460, %mul3A_463 : i32
        %get3A = arith.index_cast %mul3A_464 : i32 to index
        %get3A_465 = tpu.vector_load %arg4[%get3A] {strides = array<i32>} : memref<8192xf32, #tpu.memory_space<vmem>>, vector<16xf32>,
        %abs3A = math.absf %get3A_465 : vector<16xf32>
        %bitcast_convert_type3A = tpu.bitcast %abs3A : vector<16xf32> -> vector<16xi32>
        %mul3A_466 = arith.constant 16 : i32
        %mul3A_467 = arith.muli %scan3A_460, %mul3A_466 : i32
        %add3A_468 = vector.broadcast %mul3A_467 : i32 to vector<16xi32>
        %add3A_469 = arith.addi %iota3A, %add3A_468 : vector<16xi32>
        %gt3A_470 = vector.broadcast %add3A_48 : i32 to vector<16xi32>
        %gt3A_471 = arith.cmpi sgt, %bitcast_convert_type3A, %gt3A_470 : vector<16xi32>
        %gt3A_472 = vector.broadcast %max3A_50 : i32 to vector<16xi32>
        %gt3A_473 = arith.cmpi sgt, %bitcast_convert_type3A, %gt3A_472 : vector<16xi32>
        %not3A = arith.constant dense<true> : vector<16xi1>
        %not3A_474 = arith.xori %gt3A_471, %not3A : vector<16xi1>
        %and3A_475 = arith.andi %gt3A_473, %not3A_474 : vector<16xi1>
        %min3A_476 = arith.constant 512 : i32
        %min3A_477 = arith.minsi %scan3A_461, %min3A_476 : i32
        %swap3A = arith.index_cast %min3A_477 : i32 to index
        %swap3A_478 = tpu.vector_load %arg10[%swap3A] masked %gt3A_471 {strides = array<i32>} : memref<528xi32, #tpu.memory_space<vmem>>, vector<16xi32>, vector<16xi1>
        tpu.vector_store %arg10[%swap3A], %bitcast_convert_type3A masked %gt3A_471 {strides = array<i32>} : memref<528xi32, #tpu.memory_space<vmem>>, vector<16xi32>, vector<16xi1>
        %swap3A_479 = arith.index_cast %min3A_477 : i32 to index
        %swap3A_480 = tpu.vector_load %arg11[%swap3A_479] masked %gt3A_471 {strides = array<i32>} : memref<528xi32, #tpu.memory_space<vmem>>, vector<16xi32>, vector<16xi1>
        tpu.vector_store %arg11[%swap3A_479], %add3A_469 masked %gt3A_471 {strides = array<i32>} : memref<528xi32, #tpu.memory_space<vmem>>, vector<16xi32>, vector<16xi1>
        %swap3A_481 = arith.index_cast %scan3A_462 : i32 to index
        %swap3A_482 = tpu.vector_load %arg6[%swap3A_481] masked %and3A_475 {strides = array<i32>} : memref<8208xi32, #tpu.memory_space<vmem>>, vector<16xi32>, vector<16xi1>
        tpu.vector_store %arg6[%swap3A_481], %bitcast_convert_type3A masked %and3A_475 {strides = array<i32>} : memref<8208xi32, #tpu.memory_space<vmem>>, vector<16xi32>, vector<16xi1>
        %swap3A_483 = arith.index_cast %scan3A_462 : i32 to index
        %swap3A_484 = tpu.vector_load %arg7[%swap3A_483] masked %and3A_475 {strides = array<i32>} : memref<8208xi32, #tpu.memory_space<vmem>>, vector<16xi32>, vector<16xi1>
        tpu.vector_store %arg7[%swap3A_483], %add3A_469 masked %and3A_475 {strides = array<i32>} : memref<8208xi32, #tpu.memory_space<vmem>>, vector<16xi32>, vector<16xi1>
        %convert_element_type3A_485 = arith.extui %gt3A_471 : vector<16xi1> to vector<16xi32>
        %reduce_sum3A = arith.constant true
        %reduce_sum3A_486 = vector.broadcast %reduce_sum3A : i1 to vector<16xi1>
        %reduce_sum3A_487 = tpu.scan <sum>, %convert_element_type3A_485 masked %reduce_sum3A_486 : vector<16xi32>, vector<16xi1> -> vector<16xi32>
        %reduce_sum3A_488 = vector.extract %reduce_sum3A_487[15] : i32 from vector<16xi32>
        %add3A_489 = arith.addi %scan3A_461, %reduce_sum3A_488 : i32
        %convert_element_type3A_490 = arith.extui %and3A_475 : vector<16xi1> to vector<16xi32>
        %reduce_sum3A_491 = arith.constant true
        %reduce_sum3A_492 = vector.broadcast %reduce_sum3A_491 : i1 to vector<16xi1>
        %reduce_sum3A_493 = tpu.scan <sum>, %convert_element_type3A_490 masked %reduce_sum3A_492 : vector<16xi32>, vector<16xi1> -> vector<16xi32>
        %reduce_sum3A_494 = vector.extract %reduce_sum3A_493[15] : i32 from vector<16xi32>
        %add3A_495 = arith.addi %scan3A_462, %reduce_sum3A_494 : i32
        scf.yield %add3A_489, %add3A_495 : i32, i32
      }
      %scan3A_58 = arith.constant 512 : i32
      %gt3A = arith.constant 512 : i32
      %gt3A_59 = arith.cmpi sgt, %scan3A_57#0, %gt3A : i32
      %add3A_60 = arith.addi %scan3A_57#0, %scan3A_57#1 : i32
      %lt3A = arith.constant 512 : i32
      %lt3A_61 = arith.cmpi slt, %add3A_60, %lt3A : i32
      %or3A = arith.ori %gt3A_59, %lt3A_61 : i1
      %convert_element_type3A = arith.extui %or3A : i1 to i32
      %cond3A = arith.constant 0 : i32
      %cond3A_62 = arith.constant 0 : i32
      %cond3A_63 = arith.cmpi ne, %convert_element_type3A, %cond3A_62 : i32
      %cond3A_64:4 = scf.if %cond3A_63 -> (i32, i32, i32, i32) {
        %scan3A_460 = arith.constant 0 : i32
        %scan3A_461 = arith.constant 0 : i32
        %scan3A_462 = arith.constant 512 : i32
        %scan3A_463 = arith.addi %scan3A_461, %scan3A_462 : i32
        %scan3A_464 = arith.constant 1 : i32
        scf.for %scan3A_470 = %scan3A_461 to %scan3A_463 step %scan3A_464  : i32 {
          %mul3A_471 = arith.constant 16 : i32
          %mul3A_472 = arith.muli %scan3A_470, %mul3A_471 : i32
          %get3A = arith.index_cast %mul3A_472 : i32 to index
          %get3A_473 = tpu.vector_load %arg4[%get3A] {strides = array<i32>} : memref<8192xf32, #tpu.memory_space<vmem>>, vector<16xf32>,
          %abs3A = math.absf %get3A_473 : vector<16xf32>
          %bitcast_convert_type3A = tpu.bitcast %abs3A : vector<16xf32> -> vector<16xi32>
          %mul3A_474 = arith.constant 16 : i32
          %mul3A_475 = arith.muli %scan3A_470, %mul3A_474 : i32
          %swap3A = arith.index_cast %mul3A_475 : i32 to index
          %swap3A_476 = tpu.vector_load %arg6[%swap3A] {strides = array<i32>} : memref<8208xi32, #tpu.memory_space<vmem>>, vector<16xi32>,
          tpu.vector_store %arg6[%swap3A], %bitcast_convert_type3A {strides = array<i32>} : memref<8208xi32, #tpu.memory_space<vmem>>, vector<16xi32>,
          %mul3A_477 = arith.constant 16 : i32
          %mul3A_478 = arith.muli %scan3A_470, %mul3A_477 : i32
          %add3A_479 = vector.broadcast %mul3A_478 : i32 to vector<16xi32>
          %add3A_480 = arith.addi %iota3A, %add3A_479 : vector<16xi32>
          %mul3A_481 = arith.constant 16 : i32
          %mul3A_482 = arith.muli %scan3A_470, %mul3A_481 : i32
          %swap3A_483 = arith.index_cast %mul3A_482 : i32 to index
          %swap3A_484 = tpu.vector_load %arg7[%swap3A_483] {strides = array<i32>} : memref<8208xi32, #tpu.memory_space<vmem>>, vector<16xi32>,
          tpu.vector_store %arg7[%swap3A_483], %add3A_480 {strides = array<i32>} : memref<8208xi32, #tpu.memory_space<vmem>>, vector<16xi32>,
        }
        %scan3A_465 = arith.constant 512 : i32
        %cond3A_466 = arith.constant 0 : i32
        %cond3A_467 = arith.constant 8192 : i32
        %cond3A_468 = arith.constant -1 : i32
        %cond3A_469 = arith.constant 2139095041 : i32
        scf.yield %cond3A_466, %cond3A_467, %cond3A_468, %cond3A_469 : i32, i32, i32, i32
      } else {
        scf.yield %scan3A_57#0, %scan3A_57#1, %max3A_50, %add3A_48 : i32, i32, i32, i32
      }
      %sub3A_65 = arith.constant 512 : i32
      %sub3A_66 = arith.subi %sub3A_65, %cond3A_64#0 : i32
      %while3A:5 = scf.while (%while3A_460 = %sub3A_66, %while3A_461 = %cond3A_64#1, %while3A_462 = %cond3A_64#2, %while3A_463 = %cond3A_64#3, %while3A_464 = %cond3A_64#0) : (i32, i32, i32, i32, i32) -> (i32, i32, i32, i32, i32) {
        %gt3A_465 = arith.constant 0 : i32
        %gt3A_466 = arith.cmpi sgt, %while3A_460, %gt3A_465 : i32
        %gt3A_467 = arith.cmpi sgt, %while3A_461, %while3A_460 : i32
        %and3A_468 = arith.andi %gt3A_466, %gt3A_467 : i1
        %add3A_469 = arith.constant 1 : i32
        %add3A_470 = arith.addi %while3A_462, %add3A_469 : i32
        %gt3A_471 = arith.cmpi sgt, %while3A_463, %add3A_470 : i32
        %and3A_472 = arith.andi %and3A_468, %gt3A_471 : i1
        scf.condition(%and3A_472) %while3A_460, %while3A_461, %while3A_462, %while3A_463, %while3A_464 : i32, i32, i32, i32, i32
      } do {
      ^bb0(%while3A_460: i32, %while3A_461: i32, %while3A_462: i32, %while3A_463: i32, %while3A_464: i32):
        %sub3A_465 = arith.subi %while3A_463, %while3A_462 : i32
        %shift_right_arithmetic3A_466 = arith.constant 1 : i32
        %shift_right_arithmetic3A_467 = arith.shrsi %sub3A_465, %shift_right_arithmetic3A_466 : i32
        %add3A_468 = arith.addi %while3A_462, %shift_right_arithmetic3A_467 : i32
        %add3A_469 = arith.constant 15 : i32
        %add3A_470 = arith.addi %while3A_461, %add3A_469 : i32
        %jit3A_471 = arith.constant 16 : i32
        %div3A_472 = arith.divsi %add3A_470, %jit3A_471 : i32
        %sign3A_473 = arith.constant 0 : i32
        %sign3A_474 = arith.cmpi sgt, %add3A_470, %sign3A_473 : i32
        %sign3A_475 = arith.extui %sign3A_474 : i1 to i32
        %sign3A_476 = arith.constant 0 : i32
        %sign3A_477 = arith.cmpi slt, %add3A_470, %sign3A_476 : i32
        %sign3A_478 = arith.extui %sign3A_477 : i1 to i32
        %sign3A_479 = arith.subi %sign3A_475, %sign3A_478 : i32
        %sign3A_480 = arith.constant 0 : i32
        %sign3A_481 = arith.cmpi sgt, %jit3A_471, %sign3A_480 : i32
        %sign3A_482 = arith.extui %sign3A_481 : i1 to i32
        %sign3A_483 = arith.constant 0 : i32
        %sign3A_484 = arith.cmpi slt, %jit3A_471, %sign3A_483 : i32
        %sign3A_485 = arith.extui %sign3A_484 : i1 to i32
        %sign3A_486 = arith.subi %sign3A_482, %sign3A_485 : i32
        %ne3A_487 = arith.cmpi ne, %sign3A_479, %sign3A_486 : i32
        %rem3A_488 = arith.remsi %add3A_470, %jit3A_471 : i32
        %ne3A_489 = arith.constant 0 : i32
        %ne3A_490 = arith.cmpi ne, %rem3A_488, %ne3A_489 : i32
        %and3A_491 = arith.andi %ne3A_487, %ne3A_490 : i1
        %sub3A_492 = arith.constant 1 : i32
        %sub3A_493 = arith.subi %div3A_472, %sub3A_492 : i32
        %select_n3A_494 = arith.select %and3A_491, %sub3A_493, %div3A_472 : i32
        %while3A_495 = arith.constant 0 : i32
        %while3A_496 = arith.constant 0 : i32
        %while3A_497 = arith.subi %select_n3A_494, %while3A_495 : i32
        %while3A_498 = arith.addi %while3A_495, %while3A_497 : i32
        %while3A_499 = arith.constant 1 : i32
        %while3A_500 = arith.divsi %while3A_497, %while3A_499 : i32
        %while3A_501 = arith.muli %while3A_500, %while3A_499 : i32
        %while3A_502 = arith.addi %while3A_495, %while3A_501 : i32
        %while3A_503 = arith.constant 1 : i32
        %while3A_504 = scf.for %while3A_561 = %while3A_495 to %while3A_502 step %while3A_503 iter_args(%while3A_562 = %while3A_496) -> (i32)  : i32 {
          %mul3A_563 = arith.constant 16 : i32
          %mul3A_564 = arith.muli %while3A_561, %mul3A_563 : i32
          %get3A = arith.index_cast %mul3A_564 : i32 to index
          %get3A_565 = tpu.vector_load %arg6[%get3A] {strides = array<i32>} : memref<8208xi32, #tpu.memory_space<vmem>>, vector<16xi32>,
          %mul3A_566 = arith.constant 16 : i32
          %mul3A_567 = arith.muli %while3A_561, %mul3A_566 : i32
          %add3A_568 = vector.broadcast %mul3A_567 : i32 to vector<16xi32>
          %add3A_569 = arith.addi %iota3A, %add3A_568 : vector<16xi32>
          %lt3A_570 = vector.broadcast %while3A_461 : i32 to vector<16xi32>
          %lt3A_571 = arith.cmpi slt, %add3A_569, %lt3A_570 : vector<16xi32>
          %gt3A_572 = vector.broadcast %add3A_468 : i32 to vector<16xi32>
          %gt3A_573 = arith.cmpi sgt, %get3A_565, %gt3A_572 : vector<16xi32>
          %and3A_574 = arith.andi %lt3A_571, %gt3A_573 : vector<16xi1>
          %convert_element_type3A_575 = arith.extui %and3A_574 : vector<16xi1> to vector<16xi32>
          %reduce_sum3A = arith.constant true
          %reduce_sum3A_576 = vector.broadcast %reduce_sum3A : i1 to vector<16xi1>
          %reduce_sum3A_577 = tpu.scan <sum>, %convert_element_type3A_575 masked %reduce_sum3A_576 : vector<16xi32>, vector<16xi1> -> vector<16xi32>
          %reduce_sum3A_578 = vector.extract %reduce_sum3A_577[15] : i32 from vector<16xi32>
          %add3A_579 = arith.addi %while3A_562, %reduce_sum3A_578 : i32
          scf.yield %add3A_579 : i32
        }
        %while3A_505 = arith.constant 1 : i32
        %while3A_506 = scf.for %while3A_561 = %while3A_502 to %while3A_498 step %while3A_505 iter_args(%while3A_562 = %while3A_504) -> (i32)  : i32 {
          %mul3A_563 = arith.constant 16 : i32
          %mul3A_564 = arith.muli %while3A_561, %mul3A_563 : i32
          %get3A = arith.index_cast %mul3A_564 : i32 to index
          %get3A_565 = tpu.vector_load %arg6[%get3A] {strides = array<i32>} : memref<8208xi32, #tpu.memory_space<vmem>>, vector<16xi32>,
          %mul3A_566 = arith.constant 16 : i32
          %mul3A_567 = arith.muli %while3A_561, %mul3A_566 : i32
          %add3A_568 = vector.broadcast %mul3A_567 : i32 to vector<16xi32>
          %add3A_569 = arith.addi %iota3A, %add3A_568 : vector<16xi32>
          %lt3A_570 = vector.broadcast %while3A_461 : i32 to vector<16xi32>
          %lt3A_571 = arith.cmpi slt, %add3A_569, %lt3A_570 : vector<16xi32>
          %gt3A_572 = vector.broadcast %add3A_468 : i32 to vector<16xi32>
          %gt3A_573 = arith.cmpi sgt, %get3A_565, %gt3A_572 : vector<16xi32>
          %and3A_574 = arith.andi %lt3A_571, %gt3A_573 : vector<16xi1>
          %convert_element_type3A_575 = arith.extui %and3A_574 : vector<16xi1> to vector<16xi32>
          %reduce_sum3A = arith.constant true
          %reduce_sum3A_576 = vector.broadcast %reduce_sum3A : i1 to vector<16xi1>
          %reduce_sum3A_577 = tpu.scan <sum>, %convert_element_type3A_575 masked %reduce_sum3A_576 : vector<16xi32>, vector<16xi1> -> vector<16xi32>
          %reduce_sum3A_578 = vector.extract %reduce_sum3A_577[15] : i32 from vector<16xi32>
          %add3A_579 = arith.addi %while3A_562, %reduce_sum3A_578 : i32
          scf.yield %add3A_579 : i32
        }
        %ge3A = arith.cmpi sge, %while3A_506, %while3A_460 : i32
        %while3A_507 = arith.constant 0 : i32
        %while3A_508 = arith.constant 0 : i32
        %while3A_509 = arith.subi %select_n3A_494, %while3A_507 : i32
        %while3A_510 = arith.addi %while3A_507, %while3A_509 : i32
        %while3A_511 = arith.constant 1 : i32
        %while3A_512 = arith.divsi %while3A_509, %while3A_511 : i32
        %while3A_513 = arith.muli %while3A_512, %while3A_511 : i32
        %while3A_514 = arith.addi %while3A_507, %while3A_513 : i32
        %while3A_515 = arith.constant 1 : i32
        %while3A_516:2 = scf.for %while3A_561 = %while3A_507 to %while3A_514 step %while3A_515 iter_args(%while3A_562 = %while3A_508, %while3A_563 = %while3A_464) -> (i32, i32)  : i32 {
          %mul3A_564 = arith.constant 16 : i32
          %mul3A_565 = arith.muli %while3A_561, %mul3A_564 : i32
          %get3A = arith.index_cast %mul3A_565 : i32 to index
          %get3A_566 = tpu.vector_load %arg6[%get3A] {strides = array<i32>} : memref<8208xi32, #tpu.memory_space<vmem>>, vector<16xi32>,
          %mul3A_567 = arith.constant 16 : i32
          %mul3A_568 = arith.muli %while3A_561, %mul3A_567 : i32
          %get3A_569 = arith.index_cast %mul3A_568 : i32 to index
          %get3A_570 = tpu.vector_load %arg7[%get3A_569] {strides = array<i32>} : memref<8208xi32, #tpu.memory_space<vmem>>, vector<16xi32>,
          %mul3A_571 = arith.constant 16 : i32
          %mul3A_572 = arith.muli %while3A_561, %mul3A_571 : i32
          %add3A_573 = vector.broadcast %mul3A_572 : i32 to vector<16xi32>
          %add3A_574 = arith.addi %iota3A, %add3A_573 : vector<16xi32>
          %lt3A_575 = vector.broadcast %while3A_461 : i32 to vector<16xi32>
          %lt3A_576 = arith.cmpi slt, %add3A_574, %lt3A_575 : vector<16xi32>
          %gt3A_577 = vector.broadcast %add3A_468 : i32 to vector<16xi32>
          %gt3A_578 = arith.cmpi sgt, %get3A_566, %gt3A_577 : vector<16xi32>
          %and3A_579 = arith.andi %lt3A_576, %gt3A_578 : vector<16xi1>
          %not3A = arith.constant dense<true> : vector<16xi1>
          %not3A_580 = arith.xori %and3A_579, %not3A : vector<16xi1>
          %and3A_581 = arith.andi %lt3A_576, %not3A_580 : vector<16xi1>
          %select_n3A_582 = arith.select %ge3A, %and3A_579, %and3A_581 : vector<16xi1>
          %not3A_583 = arith.constant true
          %not3A_584 = arith.xori %ge3A, %not3A_583 : i1
          %and3A_585 = vector.broadcast %not3A_584 : i1 to vector<16xi1>
          %and3A_586 = arith.andi %and3A_579, %and3A_585 : vector<16xi1>
          %swap3A = arith.index_cast %while3A_562 : i32 to index
          %swap3A_587 = tpu.vector_load %arg8[%swap3A] masked %select_n3A_582 {strides = array<i32>} : memref<8208xi32, #tpu.memory_space<vmem>>, vector<16xi32>, vector<16xi1>
          tpu.vector_store %arg8[%swap3A], %get3A_566 masked %select_n3A_582 {strides = array<i32>} : memref<8208xi32, #tpu.memory_space<vmem>>, vector<16xi32>, vector<16xi1>
          %swap3A_588 = arith.index_cast %while3A_562 : i32 to index
          %swap3A_589 = tpu.vector_load %arg9[%swap3A_588] masked %select_n3A_582 {strides = array<i32>} : memref<8208xi32, #tpu.memory_space<vmem>>, vector<16xi32>, vector<16xi1>
          tpu.vector_store %arg9[%swap3A_588], %get3A_570 masked %select_n3A_582 {strides = array<i32>} : memref<8208xi32, #tpu.memory_space<vmem>>, vector<16xi32>, vector<16xi1>
          %swap3A_590 = arith.index_cast %while3A_563 : i32 to index
          %swap3A_591 = tpu.vector_load %arg10[%swap3A_590] masked %and3A_586 {strides = array<i32>} : memref<528xi32, #tpu.memory_space<vmem>>, vector<16xi32>, vector<16xi1>
          tpu.vector_store %arg10[%swap3A_590], %get3A_566 masked %and3A_586 {strides = array<i32>} : memref<528xi32, #tpu.memory_space<vmem>>, vector<16xi32>, vector<16xi1>
          %swap3A_592 = arith.index_cast %while3A_563 : i32 to index
          %swap3A_593 = tpu.vector_load %arg11[%swap3A_592] masked %and3A_586 {strides = array<i32>} : memref<528xi32, #tpu.memory_space<vmem>>, vector<16xi32>, vector<16xi1>
          tpu.vector_store %arg11[%swap3A_592], %get3A_570 masked %and3A_586 {strides = array<i32>} : memref<528xi32, #tpu.memory_space<vmem>>, vector<16xi32>, vector<16xi1>
          %convert_element_type3A_594 = arith.extui %select_n3A_582 : vector<16xi1> to vector<16xi32>
          %reduce_sum3A = arith.constant true
          %reduce_sum3A_595 = vector.broadcast %reduce_sum3A : i1 to vector<16xi1>
          %reduce_sum3A_596 = tpu.scan <sum>, %convert_element_type3A_594 masked %reduce_sum3A_595 : vector<16xi32>, vector<16xi1> -> vector<16xi32>
          %reduce_sum3A_597 = vector.extract %reduce_sum3A_596[15] : i32 from vector<16xi32>
          %add3A_598 = arith.addi %while3A_562, %reduce_sum3A_597 : i32
          %convert_element_type3A_599 = arith.extui %and3A_586 : vector<16xi1> to vector<16xi32>
          %reduce_sum3A_600 = arith.constant true
          %reduce_sum3A_601 = vector.broadcast %reduce_sum3A_600 : i1 to vector<16xi1>
          %reduce_sum3A_602 = tpu.scan <sum>, %convert_element_type3A_599 masked %reduce_sum3A_601 : vector<16xi32>, vector<16xi1> -> vector<16xi32>
          %reduce_sum3A_603 = vector.extract %reduce_sum3A_602[15] : i32 from vector<16xi32>
          %add3A_604 = arith.addi %while3A_563, %reduce_sum3A_603 : i32
          scf.yield %add3A_598, %add3A_604 : i32, i32
        }
        %while3A_517 = arith.constant 1 : i32
        %while3A_518:2 = scf.for %while3A_561 = %while3A_514 to %while3A_510 step %while3A_517 iter_args(%while3A_562 = %while3A_516#0, %while3A_563 = %while3A_516#1) -> (i32, i32)  : i32 {
          %mul3A_564 = arith.constant 16 : i32
          %mul3A_565 = arith.muli %while3A_561, %mul3A_564 : i32
          %get3A = arith.index_cast %mul3A_565 : i32 to index
          %get3A_566 = tpu.vector_load %arg6[%get3A] {strides = array<i32>} : memref<8208xi32, #tpu.memory_space<vmem>>, vector<16xi32>,
          %mul3A_567 = arith.constant 16 : i32
          %mul3A_568 = arith.muli %while3A_561, %mul3A_567 : i32
          %get3A_569 = arith.index_cast %mul3A_568 : i32 to index
          %get3A_570 = tpu.vector_load %arg7[%get3A_569] {strides = array<i32>} : memref<8208xi32, #tpu.memory_space<vmem>>, vector<16xi32>,
          %mul3A_571 = arith.constant 16 : i32
          %mul3A_572 = arith.muli %while3A_561, %mul3A_571 : i32
          %add3A_573 = vector.broadcast %mul3A_572 : i32 to vector<16xi32>
          %add3A_574 = arith.addi %iota3A, %add3A_573 : vector<16xi32>
          %lt3A_575 = vector.broadcast %while3A_461 : i32 to vector<16xi32>
          %lt3A_576 = arith.cmpi slt, %add3A_574, %lt3A_575 : vector<16xi32>
          %gt3A_577 = vector.broadcast %add3A_468 : i32 to vector<16xi32>
          %gt3A_578 = arith.cmpi sgt, %get3A_566, %gt3A_577 : vector<16xi32>
          %and3A_579 = arith.andi %lt3A_576, %gt3A_578 : vector<16xi1>
          %not3A = arith.constant dense<true> : vector<16xi1>
          %not3A_580 = arith.xori %and3A_579, %not3A : vector<16xi1>
          %and3A_581 = arith.andi %lt3A_576, %not3A_580 : vector<16xi1>
          %select_n3A_582 = arith.select %ge3A, %and3A_579, %and3A_581 : vector<16xi1>
          %not3A_583 = arith.constant true
          %not3A_584 = arith.xori %ge3A, %not3A_583 : i1
          %and3A_585 = vector.broadcast %not3A_584 : i1 to vector<16xi1>
          %and3A_586 = arith.andi %and3A_579, %and3A_585 : vector<16xi1>
          %swap3A = arith.index_cast %while3A_562 : i32 to index
          %swap3A_587 = tpu.vector_load %arg8[%swap3A] masked %select_n3A_582 {strides = array<i32>} : memref<8208xi32, #tpu.memory_space<vmem>>, vector<16xi32>, vector<16xi1>
          tpu.vector_store %arg8[%swap3A], %get3A_566 masked %select_n3A_582 {strides = array<i32>} : memref<8208xi32, #tpu.memory_space<vmem>>, vector<16xi32>, vector<16xi1>
          %swap3A_588 = arith.index_cast %while3A_562 : i32 to index
          %swap3A_589 = tpu.vector_load %arg9[%swap3A_588] masked %select_n3A_582 {strides = array<i32>} : memref<8208xi32, #tpu.memory_space<vmem>>, vector<16xi32>, vector<16xi1>
          tpu.vector_store %arg9[%swap3A_588], %get3A_570 masked %select_n3A_582 {strides = array<i32>} : memref<8208xi32, #tpu.memory_space<vmem>>, vector<16xi32>, vector<16xi1>
          %swap3A_590 = arith.index_cast %while3A_563 : i32 to index
          %swap3A_591 = tpu.vector_load %arg10[%swap3A_590] masked %and3A_586 {strides = array<i32>} : memref<528xi32, #tpu.memory_space<vmem>>, vector<16xi32>, vector<16xi1>
          tpu.vector_store %arg10[%swap3A_590], %get3A_566 masked %and3A_586 {strides = array<i32>} : memref<528xi32, #tpu.memory_space<vmem>>, vector<16xi32>, vector<16xi1>
          %swap3A_592 = arith.index_cast %while3A_563 : i32 to index
          %swap3A_593 = tpu.vector_load %arg11[%swap3A_592] masked %and3A_586 {strides = array<i32>} : memref<528xi32, #tpu.memory_space<vmem>>, vector<16xi32>, vector<16xi1>
          tpu.vector_store %arg11[%swap3A_592], %get3A_570 masked %and3A_586 {strides = array<i32>} : memref<528xi32, #tpu.memory_space<vmem>>, vector<16xi32>, vector<16xi1>
          %convert_element_type3A_594 = arith.extui %select_n3A_582 : vector<16xi1> to vector<16xi32>
          %reduce_sum3A = arith.constant true
          %reduce_sum3A_595 = vector.broadcast %reduce_sum3A : i1 to vector<16xi1>
          %reduce_sum3A_596 = tpu.scan <sum>, %convert_element_type3A_594 masked %reduce_sum3A_595 : vector<16xi32>, vector<16xi1> -> vector<16xi32>
          %reduce_sum3A_597 = vector.extract %reduce_sum3A_596[15] : i32 from vector<16xi32>
          %add3A_598 = arith.addi %while3A_562, %reduce_sum3A_597 : i32
          %convert_element_type3A_599 = arith.extui %and3A_586 : vector<16xi1> to vector<16xi32>
          %reduce_sum3A_600 = arith.constant true
          %reduce_sum3A_601 = vector.broadcast %reduce_sum3A_600 : i1 to vector<16xi1>
          %reduce_sum3A_602 = tpu.scan <sum>, %convert_element_type3A_599 masked %reduce_sum3A_601 : vector<16xi32>, vector<16xi1> -> vector<16xi32>
          %reduce_sum3A_603 = vector.extract %reduce_sum3A_602[15] : i32 from vector<16xi32>
          %add3A_604 = arith.addi %while3A_563, %reduce_sum3A_603 : i32
          scf.yield %add3A_598, %add3A_604 : i32, i32
        }
        %add3A_519 = arith.constant 15 : i32
        %add3A_520 = arith.addi %while3A_518#0, %add3A_519 : i32
        %jit3A_521 = arith.constant 16 : i32
        %div3A_522 = arith.divsi %add3A_520, %jit3A_521 : i32
        %sign3A_523 = arith.constant 0 : i32
        %sign3A_524 = arith.cmpi sgt, %add3A_520, %sign3A_523 : i32
        %sign3A_525 = arith.extui %sign3A_524 : i1 to i32
        %sign3A_526 = arith.constant 0 : i32
        %sign3A_527 = arith.cmpi slt, %add3A_520, %sign3A_526 : i32
        %sign3A_528 = arith.extui %sign3A_527 : i1 to i32
        %sign3A_529 = arith.subi %sign3A_525, %sign3A_528 : i32
        %sign3A_530 = arith.constant 0 : i32
        %sign3A_531 = arith.cmpi sgt, %jit3A_521, %sign3A_530 : i32
        %sign3A_532 = arith.extui %sign3A_531 : i1 to i32
        %sign3A_533 = arith.constant 0 : i32
        %sign3A_534 = arith.cmpi slt, %jit3A_521, %sign3A_533 : i32
        %sign3A_535 = arith.extui %sign3A_534 : i1 to i32
        %sign3A_536 = arith.subi %sign3A_532, %sign3A_535 : i32
        %ne3A_537 = arith.cmpi ne, %sign3A_529, %sign3A_536 : i32
        %rem3A_538 = arith.remsi %add3A_520, %jit3A_521 : i32
        %ne3A_539 = arith.constant 0 : i32
        %ne3A_540 = arith.cmpi ne, %rem3A_538, %ne3A_539 : i32
        %and3A_541 = arith.andi %ne3A_537, %ne3A_540 : i1
        %sub3A_542 = arith.constant 1 : i32
        %sub3A_543 = arith.subi %div3A_522, %sub3A_542 : i32
        %select_n3A_544 = arith.select %and3A_541, %sub3A_543, %div3A_522 : i32
        %while3A_545 = arith.constant 0 : i32
        %while3A_546 = arith.constant 0 : i32
        %while3A_547 = arith.subi %select_n3A_544, %while3A_546 : i32
        %while3A_548 = arith.addi %while3A_546, %while3A_547 : i32
        %while3A_549 = arith.constant 1 : i32
        %while3A_550 = arith.divsi %while3A_547, %while3A_549 : i32
        %while3A_551 = arith.muli %while3A_550, %while3A_549 : i32
        %while3A_552 = arith.addi %while3A_546, %while3A_551 : i32
        %while3A_553 = arith.constant 1 : i32
        scf.for %while3A_561 = %while3A_546 to %while3A_552 step %while3A_553  : i32 {
          %mul3A_562 = arith.constant 16 : i32
          %mul3A_563 = arith.muli %while3A_561, %mul3A_562 : i32
          %get3A = arith.index_cast %mul3A_563 : i32 to index
          %get3A_564 = tpu.vector_load %arg8[%get3A] {strides = array<i32>} : memref<8208xi32, #tpu.memory_space<vmem>>, vector<16xi32>,
          %mul3A_565 = arith.constant 16 : i32
          %mul3A_566 = arith.muli %while3A_561, %mul3A_565 : i32
          %swap3A = arith.index_cast %mul3A_566 : i32 to index
          %swap3A_567 = tpu.vector_load %arg6[%swap3A] {strides = array<i32>} : memref<8208xi32, #tpu.memory_space<vmem>>, vector<16xi32>,
          tpu.vector_store %arg6[%swap3A], %get3A_564 {strides = array<i32>} : memref<8208xi32, #tpu.memory_space<vmem>>, vector<16xi32>,
          %mul3A_568 = arith.constant 16 : i32
          %mul3A_569 = arith.muli %while3A_561, %mul3A_568 : i32
          %get3A_570 = arith.index_cast %mul3A_569 : i32 to index
          %get3A_571 = tpu.vector_load %arg9[%get3A_570] {strides = array<i32>} : memref<8208xi32, #tpu.memory_space<vmem>>, vector<16xi32>,
          %mul3A_572 = arith.constant 16 : i32
          %mul3A_573 = arith.muli %while3A_561, %mul3A_572 : i32
          %swap3A_574 = arith.index_cast %mul3A_573 : i32 to index
          %swap3A_575 = tpu.vector_load %arg7[%swap3A_574] {strides = array<i32>} : memref<8208xi32, #tpu.memory_space<vmem>>, vector<16xi32>,
          tpu.vector_store %arg7[%swap3A_574], %get3A_571 {strides = array<i32>} : memref<8208xi32, #tpu.memory_space<vmem>>, vector<16xi32>,
        }
        %while3A_554 = arith.constant 1 : i32
        scf.for %while3A_561 = %while3A_552 to %while3A_548 step %while3A_554  : i32 {
          %mul3A_562 = arith.constant 16 : i32
          %mul3A_563 = arith.muli %while3A_561, %mul3A_562 : i32
          %get3A = arith.index_cast %mul3A_563 : i32 to index
          %get3A_564 = tpu.vector_load %arg8[%get3A] {strides = array<i32>} : memref<8208xi32, #tpu.memory_space<vmem>>, vector<16xi32>,
          %mul3A_565 = arith.constant 16 : i32
          %mul3A_566 = arith.muli %while3A_561, %mul3A_565 : i32
          %swap3A = arith.index_cast %mul3A_566 : i32 to index
          %swap3A_567 = tpu.vector_load %arg6[%swap3A] {strides = array<i32>} : memref<8208xi32, #tpu.memory_space<vmem>>, vector<16xi32>,
          tpu.vector_store %arg6[%swap3A], %get3A_564 {strides = array<i32>} : memref<8208xi32, #tpu.memory_space<vmem>>, vector<16xi32>,
          %mul3A_568 = arith.constant 16 : i32
          %mul3A_569 = arith.muli %while3A_561, %mul3A_568 : i32
          %get3A_570 = arith.index_cast %mul3A_569 : i32 to index
          %get3A_571 = tpu.vector_load %arg9[%get3A_570] {strides = array<i32>} : memref<8208xi32, #tpu.memory_space<vmem>>, vector<16xi32>,
          %mul3A_572 = arith.constant 16 : i32
          %mul3A_573 = arith.muli %while3A_561, %mul3A_572 : i32
          %swap3A_574 = arith.index_cast %mul3A_573 : i32 to index
          %swap3A_575 = tpu.vector_load %arg7[%swap3A_574] {strides = array<i32>} : memref<8208xi32, #tpu.memory_space<vmem>>, vector<16xi32>,
          tpu.vector_store %arg7[%swap3A_574], %get3A_571 {strides = array<i32>} : memref<8208xi32, #tpu.memory_space<vmem>>, vector<16xi32>,
        }
        %select_n3A_555 = arith.select %ge3A, %add3A_468, %while3A_462 : i32
        %select_n3A_556 = arith.select %ge3A, %while3A_463, %add3A_468 : i32
        %sub3A_557 = arith.subi %while3A_460, %while3A_506 : i32
        %select_n3A_558 = arith.select %ge3A, %while3A_460, %sub3A_557 : i32
        %sub3A_559 = arith.subi %while3A_461, %while3A_506 : i32
        %select_n3A_560 = arith.select %ge3A, %while3A_506, %sub3A_559 : i32
        scf.yield %select_n3A_558, %select_n3A_560, %select_n3A_555, %select_n3A_556, %while3A_518#1 : i32, i32, i32, i32, i32
      }
      %add3A_67 = arith.constant 15 : i32
      %add3A_68 = arith.addi %while3A#0, %add3A_67 : i32
      %jit3A = arith.constant 16 : i32
      %div3A = arith.divsi %add3A_68, %jit3A : i32
      %sign3A = arith.constant 0 : i32
      %sign3A_69 = arith.cmpi sgt, %add3A_68, %sign3A : i32
      %sign3A_70 = arith.extui %sign3A_69 : i1 to i32
      %sign3A_71 = arith.constant 0 : i32
      %sign3A_72 = arith.cmpi slt, %add3A_68, %sign3A_71 : i32
      %sign3A_73 = arith.extui %sign3A_72 : i1 to i32
      %sign3A_74 = arith.subi %sign3A_70, %sign3A_73 : i32
      %sign3A_75 = arith.constant 0 : i32
      %sign3A_76 = arith.cmpi sgt, %jit3A, %sign3A_75 : i32
      %sign3A_77 = arith.extui %sign3A_76 : i1 to i32
      %sign3A_78 = arith.constant 0 : i32
      %sign3A_79 = arith.cmpi slt, %jit3A, %sign3A_78 : i32
      %sign3A_80 = arith.extui %sign3A_79 : i1 to i32
      %sign3A_81 = arith.subi %sign3A_77, %sign3A_80 : i32
      %ne3A = arith.cmpi ne, %sign3A_74, %sign3A_81 : i32
      %rem3A = arith.remsi %add3A_68, %jit3A : i32
      %ne3A_82 = arith.constant 0 : i32
      %ne3A_83 = arith.cmpi ne, %rem3A, %ne3A_82 : i32
      %and3A = arith.andi %ne3A, %ne3A_83 : i1
      %sub3A_84 = arith.constant 1 : i32
      %sub3A_85 = arith.subi %div3A, %sub3A_84 : i32
      %select_n3A = arith.select %and3A, %sub3A_85, %div3A : i32
      %while3A_86 = arith.constant 0 : i32
      %while3A_87 = arith.constant 0 : i32
      %while3A_88 = arith.subi %select_n3A, %while3A_87 : i32
      %while3A_89 = arith.addi %while3A_87, %while3A_88 : i32
      %while3A_90 = arith.constant 1 : i32
      %while3A_91 = arith.divsi %while3A_88, %while3A_90 : i32
      %while3A_92 = arith.muli %while3A_91, %while3A_90 : i32
      %while3A_93 = arith.addi %while3A_87, %while3A_92 : i32
      %while3A_94 = arith.constant 1 : i32
      scf.for %while3A_460 = %while3A_87 to %while3A_93 step %while3A_94  : i32 {
        %mul3A_461 = arith.constant 16 : i32
        %mul3A_462 = arith.muli %while3A_460, %mul3A_461 : i32
        %get3A = arith.index_cast %mul3A_462 : i32 to index
        %get3A_463 = tpu.vector_load %arg6[%get3A] {strides = array<i32>} : memref<8208xi32, #tpu.memory_space<vmem>>, vector<16xi32>,
        %mul3A_464 = arith.constant 16 : i32
        %mul3A_465 = arith.muli %while3A_460, %mul3A_464 : i32
        %get3A_466 = arith.index_cast %mul3A_465 : i32 to index
        %get3A_467 = tpu.vector_load %arg7[%get3A_466] {strides = array<i32>} : memref<8208xi32, #tpu.memory_space<vmem>>, vector<16xi32>,
        %mul3A_468 = arith.constant 16 : i32
        %mul3A_469 = arith.muli %while3A_460, %mul3A_468 : i32
        %add3A_470 = vector.broadcast %mul3A_469 : i32 to vector<16xi32>
        %add3A_471 = arith.addi %iota3A, %add3A_470 : vector<16xi32>
        %lt3A_472 = vector.broadcast %while3A#0 : i32 to vector<16xi32>
        %lt3A_473 = arith.cmpi slt, %add3A_471, %lt3A_472 : vector<16xi32>
        %mul3A_474 = arith.constant 16 : i32
        %mul3A_475 = arith.muli %while3A_460, %mul3A_474 : i32
        %add3A_476 = arith.addi %while3A#4, %mul3A_475 : i32
        %swap3A = arith.index_cast %add3A_476 : i32 to index
        %swap3A_477 = tpu.vector_load %arg10[%swap3A] masked %lt3A_473 {strides = array<i32>} : memref<528xi32, #tpu.memory_space<vmem>>, vector<16xi32>, vector<16xi1>
        tpu.vector_store %arg10[%swap3A], %get3A_463 masked %lt3A_473 {strides = array<i32>} : memref<528xi32, #tpu.memory_space<vmem>>, vector<16xi32>, vector<16xi1>
        %swap3A_478 = arith.index_cast %add3A_476 : i32 to index
        %swap3A_479 = tpu.vector_load %arg11[%swap3A_478] masked %lt3A_473 {strides = array<i32>} : memref<528xi32, #tpu.memory_space<vmem>>, vector<16xi32>, vector<16xi1>
        tpu.vector_store %arg11[%swap3A_478], %get3A_467 masked %lt3A_473 {strides = array<i32>} : memref<528xi32, #tpu.memory_space<vmem>>, vector<16xi32>, vector<16xi1>
      }
      %while3A_95 = arith.constant 1 : i32
      scf.for %while3A_460 = %while3A_93 to %while3A_89 step %while3A_95  : i32 {
        %mul3A_461 = arith.constant 16 : i32
        %mul3A_462 = arith.muli %while3A_460, %mul3A_461 : i32
        %get3A = arith.index_cast %mul3A_462 : i32 to index
        %get3A_463 = tpu.vector_load %arg6[%get3A] {strides = array<i32>} : memref<8208xi32, #tpu.memory_space<vmem>>, vector<16xi32>,
        %mul3A_464 = arith.constant 16 : i32
        %mul3A_465 = arith.muli %while3A_460, %mul3A_464 : i32
        %get3A_466 = arith.index_cast %mul3A_465 : i32 to index
        %get3A_467 = tpu.vector_load %arg7[%get3A_466] {strides = array<i32>} : memref<8208xi32, #tpu.memory_space<vmem>>, vector<16xi32>,
        %mul3A_468 = arith.constant 16 : i32
        %mul3A_469 = arith.muli %while3A_460, %mul3A_468 : i32
        %add3A_470 = vector.broadcast %mul3A_469 : i32 to vector<16xi32>
        %add3A_471 = arith.addi %iota3A, %add3A_470 : vector<16xi32>
        %lt3A_472 = vector.broadcast %while3A#0 : i32 to vector<16xi32>
        %lt3A_473 = arith.cmpi slt, %add3A_471, %lt3A_472 : vector<16xi32>
        %mul3A_474 = arith.constant 16 : i32
        %mul3A_475 = arith.muli %while3A_460, %mul3A_474 : i32
        %add3A_476 = arith.addi %while3A#4, %mul3A_475 : i32
        %swap3A = arith.index_cast %add3A_476 : i32 to index
        %swap3A_477 = tpu.vector_load %arg10[%swap3A] masked %lt3A_473 {strides = array<i32>} : memref<528xi32, #tpu.memory_space<vmem>>, vector<16xi32>, vector<16xi1>
        tpu.vector_store %arg10[%swap3A], %get3A_463 masked %lt3A_473 {strides = array<i32>} : memref<528xi32, #tpu.memory_space<vmem>>, vector<16xi32>, vector<16xi1>
        %swap3A_478 = arith.index_cast %add3A_476 : i32 to index
        %swap3A_479 = tpu.vector_load %arg11[%swap3A_478] masked %lt3A_473 {strides = array<i32>} : memref<528xi32, #tpu.memory_space<vmem>>, vector<16xi32>, vector<16xi1>
        tpu.vector_store %arg11[%swap3A_478], %get3A_467 masked %lt3A_473 {strides = array<i32>} : memref<528xi32, #tpu.memory_space<vmem>>, vector<16xi32>, vector<16xi1>
      }
      %sub3A_96 = arith.subi %while3A#3, %while3A#2 : i32
      %shift_right_arithmetic3A = arith.constant 1 : i32
      %shift_right_arithmetic3A_97 = arith.shrsi %sub3A_96, %shift_right_arithmetic3A : i32
      %add3A_98 = arith.addi %while3A#2, %shift_right_arithmetic3A_97 : i32
      %scan3A_99 = arith.constant 0 : i32
      %scan3A_100 = arith.constant 0 : i32
      %scan3A_101 = arith.constant 32 : i32
      %scan3A_102 = arith.addi %scan3A_100, %scan3A_101 : i32
      %scan3A_103 = arith.constant 1 : i32
      scf.for %scan3A_460 = %scan3A_100 to %scan3A_102 step %scan3A_103  : i32 {
        %mul3A_461 = arith.constant 16 : i32
        %mul3A_462 = arith.muli %scan3A_460, %mul3A_461 : i32
        %get3A = arith.index_cast %mul3A_462 : i32 to index
        %get3A_463 = tpu.vector_load %arg10[%get3A] {strides = array<i32>} : memref<528xi32, #tpu.memory_space<vmem>>, vector<16xi32>,
        %get3A_464 = arith.index_cast %mul3A_462 : i32 to index
        %get3A_465 = tpu.vector_load %arg11[%get3A_464] {strides = array<i32>} : memref<528xi32, #tpu.memory_space<vmem>>, vector<16xi32>,
        %masked_sort3A = arith.constant dense<true> : vector<16xi1>
        %masked_sort3A_466 = arith.constant -2147483648 : i32
        %masked_sort3A_467 = vector.broadcast %masked_sort3A_466 : i32 to vector<16xi32>
        %masked_sort3A_468 = arith.xori %get3A_463, %masked_sort3A_467 : vector<16xi32>
        %masked_sort3A_469, %masked_sort3A_470, %masked_sort3A_471 = tpu.sort %masked_sort3A_468, %get3A_465 masked %masked_sort3A {descending = true} : (vector<16xi32>, vector<16xi32>, vector<16xi1>) -> (vector<16xi1>, vector<16xi32>, vector<16xi32>)
        %masked_sort3A_472 = arith.xori %masked_sort3A_470, %masked_sort3A_467 : vector<16xi32>
        %swap3A = arith.index_cast %mul3A_462 : i32 to index
        %swap3A_473 = tpu.vector_load %arg10[%swap3A] {strides = array<i32>} : memref<528xi32, #tpu.memory_space<vmem>>, vector<16xi32>,
        tpu.vector_store %arg10[%swap3A], %masked_sort3A_472 {strides = array<i32>} : memref<528xi32, #tpu.memory_space<vmem>>, vector<16xi32>,
        %swap3A_474 = arith.index_cast %mul3A_462 : i32 to index
        %swap3A_475 = tpu.vector_load %arg11[%swap3A_474] {strides = array<i32>} : memref<528xi32, #tpu.memory_space<vmem>>, vector<16xi32>,
        tpu.vector_store %arg11[%swap3A_474], %masked_sort3A_471 {strides = array<i32>} : memref<528xi32, #tpu.memory_space<vmem>>, vector<16xi32>,
      }
      %scan3A_104 = arith.constant 32 : i32
      %scan3A_105 = arith.constant 0 : i32
      %scan3A_106 = arith.constant 0 : i32
      %scan3A_107 = arith.constant 16 : i32
      %scan3A_108 = arith.addi %scan3A_106, %scan3A_107 : i32
      %scan3A_109 = arith.constant 1 : i32
      scf.for %scan3A_460 = %scan3A_106 to %scan3A_108 step %scan3A_109  : i32 {
        %jit3A_461 = arith.constant 1 : i32
        %div3A_462 = arith.divsi %scan3A_460, %jit3A_461 : i32
        %sign3A_463 = arith.constant 0 : i32
        %sign3A_464 = arith.cmpi sgt, %scan3A_460, %sign3A_463 : i32
        %sign3A_465 = arith.extui %sign3A_464 : i1 to i32
        %sign3A_466 = arith.constant 0 : i32
        %sign3A_467 = arith.cmpi slt, %scan3A_460, %sign3A_466 : i32
        %sign3A_468 = arith.extui %sign3A_467 : i1 to i32
        %sign3A_469 = arith.subi %sign3A_465, %sign3A_468 : i32
        %sign3A_470 = arith.constant 0 : i32
        %sign3A_471 = arith.cmpi sgt, %jit3A_461, %sign3A_470 : i32
        %sign3A_472 = arith.extui %sign3A_471 : i1 to i32
        %sign3A_473 = arith.constant 0 : i32
        %sign3A_474 = arith.cmpi slt, %jit3A_461, %sign3A_473 : i32
        %sign3A_475 = arith.extui %sign3A_474 : i1 to i32
        %sign3A_476 = arith.subi %sign3A_472, %sign3A_475 : i32
        %ne3A_477 = arith.cmpi ne, %sign3A_469, %sign3A_476 : i32
        %rem3A_478 = arith.remsi %scan3A_460, %jit3A_461 : i32
        %ne3A_479 = arith.constant 0 : i32
        %ne3A_480 = arith.cmpi ne, %rem3A_478, %ne3A_479 : i32
        %and3A_481 = arith.andi %ne3A_477, %ne3A_480 : i1
        %sub3A_482 = arith.constant 1 : i32
        %sub3A_483 = arith.subi %div3A_462, %sub3A_482 : i32
        %select_n3A_484 = arith.select %and3A_481, %sub3A_483, %div3A_462 : i32
        %jit3A_485 = arith.constant 1 : i32
        %eq3A = arith.constant 0 : i32
        %eq3A_486 = arith.cmpi eq, %jit3A_485, %eq3A : i32
        %jit3A_487 = arith.constant 1 : i32
        %select_n3A_488 = arith.select %eq3A_486, %jit3A_487, %jit3A_485 : i32
        %rem3A_489 = arith.remsi %scan3A_460, %select_n3A_488 : i32
        %ne3A_490 = arith.constant 0 : i32
        %ne3A_491 = arith.cmpi ne, %rem3A_489, %ne3A_490 : i32
        %lt3A_492 = arith.constant 0 : i32
        %lt3A_493 = arith.cmpi slt, %rem3A_489, %lt3A_492 : i32
        %lt3A_494 = arith.constant 0 : i32
        %lt3A_495 = arith.cmpi slt, %select_n3A_488, %lt3A_494 : i32
        %ne3A_496 = arith.xori %lt3A_493, %lt3A_495 : i1
        %and3A_497 = arith.andi %ne3A_496, %ne3A_491 : i1
        %add3A_498 = arith.addi %rem3A_489, %select_n3A_488 : i32
        %select_n3A_499 = arith.select %and3A_497, %add3A_498, %rem3A_489 : i32
        %mul3A_500 = arith.constant 2 : i32
        %mul3A_501 = arith.muli %mul3A_500, %select_n3A_484 : i32
        %mul3A_502 = arith.constant 1 : i32
        %mul3A_503 = arith.muli %mul3A_501, %mul3A_502 : i32
        %add3A_504 = arith.addi %mul3A_503, %select_n3A_499 : i32
        %mul3A_505 = arith.constant 16 : i32
        %mul3A_506 = arith.muli %add3A_504, %mul3A_505 : i32
        %add3A_507 = arith.constant 1 : i32
        %add3A_508 = arith.addi %mul3A_503, %add3A_507 : i32
        %sub3A_509 = arith.constant 0 : i32
        %sub3A_510 = arith.subi %sub3A_509, %select_n3A_499 : i32
        %add3A_511 = arith.addi %add3A_508, %sub3A_510 : i32
        %mul3A_512 = arith.constant 16 : i32
        %mul3A_513 = arith.muli %add3A_511, %mul3A_512 : i32
        %get3A = arith.index_cast %mul3A_506 : i32 to index
        %get3A_514 = tpu.vector_load %arg10[%get3A] {strides = array<i32>} : memref<528xi32, #tpu.memory_space<vmem>>, vector<16xi32>,
        %get3A_515 = arith.index_cast %mul3A_506 : i32 to index
        %get3A_516 = tpu.vector_load %arg11[%get3A_515] {strides = array<i32>} : memref<528xi32, #tpu.memory_space<vmem>>, vector<16xi32>,
        %get3A_517 = arith.index_cast %mul3A_513 : i32 to index
        %get3A_518 = tpu.vector_load %arg10[%get3A_517] {strides = array<i32>} : memref<528xi32, #tpu.memory_space<vmem>>, vector<16xi32>,
        %rev3A = arith.constant 15 : i32
        %rev3A_519 = vector.broadcast %rev3A : i32 to vector<16xi32>
        %rev3A_520 = tpu.iota {dimensions = array<i32: 0>} : vector<16xi32>
        %rev3A_521 = arith.subi %rev3A_519, %rev3A_520 : vector<16xi32>
        %rev3A_522 = tpu.dynamic_gather %get3A_518[%rev3A_521] in [0] : vector<16xi32>, vector<16xi32> -> vector<16xi32>
        %get3A_523 = arith.index_cast %mul3A_513 : i32 to index
        %get3A_524 = tpu.vector_load %arg11[%get3A_523] {strides = array<i32>} : memref<528xi32, #tpu.memory_space<vmem>>, vector<16xi32>,
        %rev3A_525 = arith.constant 15 : i32
        %rev3A_526 = vector.broadcast %rev3A_525 : i32 to vector<16xi32>
        %rev3A_527 = tpu.iota {dimensions = array<i32: 0>} : vector<16xi32>
        %rev3A_528 = arith.subi %rev3A_526, %rev3A_527 : vector<16xi32>
        %rev3A_529 = tpu.dynamic_gather %get3A_524[%rev3A_528] in [0] : vector<16xi32>, vector<16xi32> -> vector<16xi32>
        %gt3A_530 = arith.cmpi sgt, %get3A_514, %rev3A_522 : vector<16xi32>
        %eq3A_531 = arith.cmpi eq, %get3A_514, %rev3A_522 : vector<16xi32>
        %lt3A_532 = arith.cmpi slt, %get3A_516, %rev3A_529 : vector<16xi32>
        %and3A_533 = arith.andi %eq3A_531, %lt3A_532 : vector<16xi1>
        %or3A_534 = arith.ori %gt3A_530, %and3A_533 : vector<16xi1>
        %select_n3A_535 = arith.select %or3A_534, %get3A_514, %rev3A_522 : vector<16xi1>, vector<16xi32>
        %swap3A = arith.index_cast %mul3A_506 : i32 to index
        %swap3A_536 = tpu.vector_load %arg12[%swap3A] {strides = array<i32>} : memref<528xi32, #tpu.memory_space<vmem>>, vector<16xi32>,
        tpu.vector_store %arg12[%swap3A], %select_n3A_535 {strides = array<i32>} : memref<528xi32, #tpu.memory_space<vmem>>, vector<16xi32>,
        %select_n3A_537 = arith.select %or3A_534, %get3A_516, %rev3A_529 : vector<16xi1>, vector<16xi32>
        %swap3A_538 = arith.index_cast %mul3A_506 : i32 to index
        %swap3A_539 = tpu.vector_load %arg13[%swap3A_538] {strides = array<i32>} : memref<528xi32, #tpu.memory_space<vmem>>, vector<16xi32>,
        tpu.vector_store %arg13[%swap3A_538], %select_n3A_537 {strides = array<i32>} : memref<528xi32, #tpu.memory_space<vmem>>, vector<16xi32>,
        %add3A_540 = arith.constant 1 : i32
        %add3A_541 = arith.addi %mul3A_503, %add3A_540 : i32
        %add3A_542 = arith.addi %add3A_541, %select_n3A_499 : i32
        %mul3A_543 = arith.constant 16 : i32
        %mul3A_544 = arith.muli %add3A_542, %mul3A_543 : i32
        %select_n3A_545 = arith.select %or3A_534, %rev3A_522, %get3A_514 : vector<16xi1>, vector<16xi32>
        %swap3A_546 = arith.index_cast %mul3A_544 : i32 to index
        %swap3A_547 = tpu.vector_load %arg12[%swap3A_546] {strides = array<i32>} : memref<528xi32, #tpu.memory_space<vmem>>, vector<16xi32>,
        tpu.vector_store %arg12[%swap3A_546], %select_n3A_545 {strides = array<i32>} : memref<528xi32, #tpu.memory_space<vmem>>, vector<16xi32>,
        %select_n3A_548 = arith.select %or3A_534, %rev3A_529, %get3A_516 : vector<16xi1>, vector<16xi32>
        %swap3A_549 = arith.index_cast %mul3A_544 : i32 to index
        %swap3A_550 = tpu.vector_load %arg13[%swap3A_549] {strides = array<i32>} : memref<528xi32, #tpu.memory_space<vmem>>, vector<16xi32>,
        tpu.vector_store %arg13[%swap3A_549], %select_n3A_548 {strides = array<i32>} : memref<528xi32, #tpu.memory_space<vmem>>, vector<16xi32>,
      }
      %scan3A_110 = arith.constant 16 : i32
      %scan3A_111 = arith.constant 0 : i32
      %scan3A_112 = arith.constant 0 : i32
      %scan3A_113 = arith.constant 32 : i32
      %scan3A_114 = arith.addi %scan3A_112, %scan3A_113 : i32
      %scan3A_115 = arith.constant 1 : i32
      scf.for %scan3A_460 = %scan3A_112 to %scan3A_114 step %scan3A_115  : i32 {
        %mul3A_461 = arith.constant 16 : i32
        %mul3A_462 = arith.muli %scan3A_460, %mul3A_461 : i32
        %get3A = arith.index_cast %mul3A_462 : i32 to index
        %get3A_463 = tpu.vector_load %arg12[%get3A] {strides = array<i32>} : memref<528xi32, #tpu.memory_space<vmem>>, vector<16xi32>,
        %get3A_464 = arith.index_cast %mul3A_462 : i32 to index
        %get3A_465 = tpu.vector_load %arg13[%get3A_464] {strides = array<i32>} : memref<528xi32, #tpu.memory_space<vmem>>, vector<16xi32>,
        %masked_sort3A = arith.constant dense<true> : vector<16xi1>
        %masked_sort3A_466 = arith.constant -2147483648 : i32
        %masked_sort3A_467 = vector.broadcast %masked_sort3A_466 : i32 to vector<16xi32>
        %masked_sort3A_468 = arith.xori %get3A_463, %masked_sort3A_467 : vector<16xi32>
        %masked_sort3A_469, %masked_sort3A_470, %masked_sort3A_471 = tpu.sort %masked_sort3A_468, %get3A_465 masked %masked_sort3A {descending = true} : (vector<16xi32>, vector<16xi32>, vector<16xi1>) -> (vector<16xi1>, vector<16xi32>, vector<16xi32>)
        %masked_sort3A_472 = arith.xori %masked_sort3A_470, %masked_sort3A_467 : vector<16xi32>
        %swap3A = arith.index_cast %mul3A_462 : i32 to index
        %swap3A_473 = tpu.vector_load %arg12[%swap3A] {strides = array<i32>} : memref<528xi32, #tpu.memory_space<vmem>>, vector<16xi32>,
        tpu.vector_store %arg12[%swap3A], %masked_sort3A_472 {strides = array<i32>} : memref<528xi32, #tpu.memory_space<vmem>>, vector<16xi32>,
        %swap3A_474 = arith.index_cast %mul3A_462 : i32 to index
        %swap3A_475 = tpu.vector_load %arg13[%swap3A_474] {strides = array<i32>} : memref<528xi32, #tpu.memory_space<vmem>>, vector<16xi32>,
        tpu.vector_store %arg13[%swap3A_474], %masked_sort3A_471 {strides = array<i32>} : memref<528xi32, #tpu.memory_space<vmem>>, vector<16xi32>,
      }
      %scan3A_116 = arith.constant 32 : i32
      %scan3A_117 = arith.constant 0 : i32
      %scan3A_118 = arith.constant 0 : i32
      %scan3A_119 = arith.constant 16 : i32
      %scan3A_120 = arith.addi %scan3A_118, %scan3A_119 : i32
      %scan3A_121 = arith.constant 1 : i32
      scf.for %scan3A_460 = %scan3A_118 to %scan3A_120 step %scan3A_121  : i32 {
        %jit3A_461 = arith.constant 2 : i32
        %div3A_462 = arith.divsi %scan3A_460, %jit3A_461 : i32
        %sign3A_463 = arith.constant 0 : i32
        %sign3A_464 = arith.cmpi sgt, %scan3A_460, %sign3A_463 : i32
        %sign3A_465 = arith.extui %sign3A_464 : i1 to i32
        %sign3A_466 = arith.constant 0 : i32
        %sign3A_467 = arith.cmpi slt, %scan3A_460, %sign3A_466 : i32
        %sign3A_468 = arith.extui %sign3A_467 : i1 to i32
        %sign3A_469 = arith.subi %sign3A_465, %sign3A_468 : i32
        %sign3A_470 = arith.constant 0 : i32
        %sign3A_471 = arith.cmpi sgt, %jit3A_461, %sign3A_470 : i32
        %sign3A_472 = arith.extui %sign3A_471 : i1 to i32
        %sign3A_473 = arith.constant 0 : i32
        %sign3A_474 = arith.cmpi slt, %jit3A_461, %sign3A_473 : i32
        %sign3A_475 = arith.extui %sign3A_474 : i1 to i32
        %sign3A_476 = arith.subi %sign3A_472, %sign3A_475 : i32
        %ne3A_477 = arith.cmpi ne, %sign3A_469, %sign3A_476 : i32
        %rem3A_478 = arith.remsi %scan3A_460, %jit3A_461 : i32
        %ne3A_479 = arith.constant 0 : i32
        %ne3A_480 = arith.cmpi ne, %rem3A_478, %ne3A_479 : i32
        %and3A_481 = arith.andi %ne3A_477, %ne3A_480 : i1
        %sub3A_482 = arith.constant 1 : i32
        %sub3A_483 = arith.subi %div3A_462, %sub3A_482 : i32
        %select_n3A_484 = arith.select %and3A_481, %sub3A_483, %div3A_462 : i32
        %jit3A_485 = arith.constant 2 : i32
        %eq3A = arith.constant 0 : i32
        %eq3A_486 = arith.cmpi eq, %jit3A_485, %eq3A : i32
        %jit3A_487 = arith.constant 1 : i32
        %select_n3A_488 = arith.select %eq3A_486, %jit3A_487, %jit3A_485 : i32
        %rem3A_489 = arith.remsi %scan3A_460, %select_n3A_488 : i32
        %ne3A_490 = arith.constant 0 : i32
        %ne3A_491 = arith.cmpi ne, %rem3A_489, %ne3A_490 : i32
        %lt3A_492 = arith.constant 0 : i32
        %lt3A_493 = arith.cmpi slt, %rem3A_489, %lt3A_492 : i32
        %lt3A_494 = arith.constant 0 : i32
        %lt3A_495 = arith.cmpi slt, %select_n3A_488, %lt3A_494 : i32
        %ne3A_496 = arith.xori %lt3A_493, %lt3A_495 : i1
        %and3A_497 = arith.andi %ne3A_496, %ne3A_491 : i1
        %add3A_498 = arith.addi %rem3A_489, %select_n3A_488 : i32
        %select_n3A_499 = arith.select %and3A_497, %add3A_498, %rem3A_489 : i32
        %mul3A_500 = arith.constant 2 : i32
        %mul3A_501 = arith.muli %mul3A_500, %select_n3A_484 : i32
        %mul3A_502 = arith.constant 2 : i32
        %mul3A_503 = arith.muli %mul3A_501, %mul3A_502 : i32
        %add3A_504 = arith.addi %mul3A_503, %select_n3A_499 : i32
        %mul3A_505 = arith.constant 16 : i32
        %mul3A_506 = arith.muli %add3A_504, %mul3A_505 : i32
        %add3A_507 = arith.constant 2 : i32
        %add3A_508 = arith.addi %mul3A_503, %add3A_507 : i32
        %sub3A_509 = arith.constant 1 : i32
        %sub3A_510 = arith.subi %sub3A_509, %select_n3A_499 : i32
        %add3A_511 = arith.addi %add3A_508, %sub3A_510 : i32
        %mul3A_512 = arith.constant 16 : i32
        %mul3A_513 = arith.muli %add3A_511, %mul3A_512 : i32
        %get3A = arith.index_cast %mul3A_506 : i32 to index
        %get3A_514 = tpu.vector_load %arg12[%get3A] {strides = array<i32>} : memref<528xi32, #tpu.memory_space<vmem>>, vector<16xi32>,
        %get3A_515 = arith.index_cast %mul3A_506 : i32 to index
        %get3A_516 = tpu.vector_load %arg13[%get3A_515] {strides = array<i32>} : memref<528xi32, #tpu.memory_space<vmem>>, vector<16xi32>,
        %get3A_517 = arith.index_cast %mul3A_513 : i32 to index
        %get3A_518 = tpu.vector_load %arg12[%get3A_517] {strides = array<i32>} : memref<528xi32, #tpu.memory_space<vmem>>, vector<16xi32>,
        %rev3A = arith.constant 15 : i32
        %rev3A_519 = vector.broadcast %rev3A : i32 to vector<16xi32>
        %rev3A_520 = tpu.iota {dimensions = array<i32: 0>} : vector<16xi32>
        %rev3A_521 = arith.subi %rev3A_519, %rev3A_520 : vector<16xi32>
        %rev3A_522 = tpu.dynamic_gather %get3A_518[%rev3A_521] in [0] : vector<16xi32>, vector<16xi32> -> vector<16xi32>
        %get3A_523 = arith.index_cast %mul3A_513 : i32 to index
        %get3A_524 = tpu.vector_load %arg13[%get3A_523] {strides = array<i32>} : memref<528xi32, #tpu.memory_space<vmem>>, vector<16xi32>,
        %rev3A_525 = arith.constant 15 : i32
        %rev3A_526 = vector.broadcast %rev3A_525 : i32 to vector<16xi32>
        %rev3A_527 = tpu.iota {dimensions = array<i32: 0>} : vector<16xi32>
        %rev3A_528 = arith.subi %rev3A_526, %rev3A_527 : vector<16xi32>
        %rev3A_529 = tpu.dynamic_gather %get3A_524[%rev3A_528] in [0] : vector<16xi32>, vector<16xi32> -> vector<16xi32>
        %gt3A_530 = arith.cmpi sgt, %get3A_514, %rev3A_522 : vector<16xi32>
        %eq3A_531 = arith.cmpi eq, %get3A_514, %rev3A_522 : vector<16xi32>
        %lt3A_532 = arith.cmpi slt, %get3A_516, %rev3A_529 : vector<16xi32>
        %and3A_533 = arith.andi %eq3A_531, %lt3A_532 : vector<16xi1>
        %or3A_534 = arith.ori %gt3A_530, %and3A_533 : vector<16xi1>
        %select_n3A_535 = arith.select %or3A_534, %get3A_514, %rev3A_522 : vector<16xi1>, vector<16xi32>
        %swap3A = arith.index_cast %mul3A_506 : i32 to index
        %swap3A_536 = tpu.vector_load %arg10[%swap3A] {strides = array<i32>} : memref<528xi32, #tpu.memory_space<vmem>>, vector<16xi32>,
        tpu.vector_store %arg10[%swap3A], %select_n3A_535 {strides = array<i32>} : memref<528xi32, #tpu.memory_space<vmem>>, vector<16xi32>,
        %select_n3A_537 = arith.select %or3A_534, %get3A_516, %rev3A_529 : vector<16xi1>, vector<16xi32>
        %swap3A_538 = arith.index_cast %mul3A_506 : i32 to index
        %swap3A_539 = tpu.vector_load %arg11[%swap3A_538] {strides = array<i32>} : memref<528xi32, #tpu.memory_space<vmem>>, vector<16xi32>,
        tpu.vector_store %arg11[%swap3A_538], %select_n3A_537 {strides = array<i32>} : memref<528xi32, #tpu.memory_space<vmem>>, vector<16xi32>,
        %add3A_540 = arith.constant 2 : i32
        %add3A_541 = arith.addi %mul3A_503, %add3A_540 : i32
        %add3A_542 = arith.addi %add3A_541, %select_n3A_499 : i32
        %mul3A_543 = arith.constant 16 : i32
        %mul3A_544 = arith.muli %add3A_542, %mul3A_543 : i32
        %select_n3A_545 = arith.select %or3A_534, %rev3A_522, %get3A_514 : vector<16xi1>, vector<16xi32>
        %swap3A_546 = arith.index_cast %mul3A_544 : i32 to index
        %swap3A_547 = tpu.vector_load %arg10[%swap3A_546] {strides = array<i32>} : memref<528xi32, #tpu.memory_space<vmem>>, vector<16xi32>,
        tpu.vector_store %arg10[%swap3A_546], %select_n3A_545 {strides = array<i32>} : memref<528xi32, #tpu.memory_space<vmem>>, vector<16xi32>,
        %select_n3A_548 = arith.select %or3A_534, %rev3A_529, %get3A_516 : vector<16xi1>, vector<16xi32>
        %swap3A_549 = arith.index_cast %mul3A_544 : i32 to index
        %swap3A_550 = tpu.vector_load %arg11[%swap3A_549] {strides = array<i32>} : memref<528xi32, #tpu.memory_space<vmem>>, vector<16xi32>,
        tpu.vector_store %arg11[%swap3A_549], %select_n3A_548 {strides = array<i32>} : memref<528xi32, #tpu.memory_space<vmem>>, vector<16xi32>,
      }
      %scan3A_122 = arith.constant 16 : i32
      %scan3A_123 = arith.constant 0 : i32
      %scan3A_124 = arith.constant 0 : i32
      %scan3A_125 = arith.constant 16 : i32
      %scan3A_126 = arith.addi %scan3A_124, %scan3A_125 : i32
      %scan3A_127 = arith.constant 1 : i32
      scf.for %scan3A_460 = %scan3A_124 to %scan3A_126 step %scan3A_127  : i32 {
        %jit3A_461 = arith.constant 1 : i32
        %div3A_462 = arith.divsi %scan3A_460, %jit3A_461 : i32
        %sign3A_463 = arith.constant 0 : i32
        %sign3A_464 = arith.cmpi sgt, %scan3A_460, %sign3A_463 : i32
        %sign3A_465 = arith.extui %sign3A_464 : i1 to i32
        %sign3A_466 = arith.constant 0 : i32
        %sign3A_467 = arith.cmpi slt, %scan3A_460, %sign3A_466 : i32
        %sign3A_468 = arith.extui %sign3A_467 : i1 to i32
        %sign3A_469 = arith.subi %sign3A_465, %sign3A_468 : i32
        %sign3A_470 = arith.constant 0 : i32
        %sign3A_471 = arith.cmpi sgt, %jit3A_461, %sign3A_470 : i32
        %sign3A_472 = arith.extui %sign3A_471 : i1 to i32
        %sign3A_473 = arith.constant 0 : i32
        %sign3A_474 = arith.cmpi slt, %jit3A_461, %sign3A_473 : i32
        %sign3A_475 = arith.extui %sign3A_474 : i1 to i32
        %sign3A_476 = arith.subi %sign3A_472, %sign3A_475 : i32
        %ne3A_477 = arith.cmpi ne, %sign3A_469, %sign3A_476 : i32
        %rem3A_478 = arith.remsi %scan3A_460, %jit3A_461 : i32
        %ne3A_479 = arith.constant 0 : i32
        %ne3A_480 = arith.cmpi ne, %rem3A_478, %ne3A_479 : i32
        %and3A_481 = arith.andi %ne3A_477, %ne3A_480 : i1
        %sub3A_482 = arith.constant 1 : i32
        %sub3A_483 = arith.subi %div3A_462, %sub3A_482 : i32
        %select_n3A_484 = arith.select %and3A_481, %sub3A_483, %div3A_462 : i32
        %jit3A_485 = arith.constant 1 : i32
        %eq3A = arith.constant 0 : i32
        %eq3A_486 = arith.cmpi eq, %jit3A_485, %eq3A : i32
        %jit3A_487 = arith.constant 1 : i32
        %select_n3A_488 = arith.select %eq3A_486, %jit3A_487, %jit3A_485 : i32
        %rem3A_489 = arith.remsi %scan3A_460, %select_n3A_488 : i32
        %ne3A_490 = arith.constant 0 : i32
        %ne3A_491 = arith.cmpi ne, %rem3A_489, %ne3A_490 : i32
        %lt3A_492 = arith.constant 0 : i32
        %lt3A_493 = arith.cmpi slt, %rem3A_489, %lt3A_492 : i32
        %lt3A_494 = arith.constant 0 : i32
        %lt3A_495 = arith.cmpi slt, %select_n3A_488, %lt3A_494 : i32
        %ne3A_496 = arith.xori %lt3A_493, %lt3A_495 : i1
        %and3A_497 = arith.andi %ne3A_496, %ne3A_491 : i1
        %add3A_498 = arith.addi %rem3A_489, %select_n3A_488 : i32
        %select_n3A_499 = arith.select %and3A_497, %add3A_498, %rem3A_489 : i32
        %mul3A_500 = arith.constant 2 : i32
        %mul3A_501 = arith.muli %select_n3A_484, %mul3A_500 : i32
        %mul3A_502 = arith.constant 1 : i32
        %mul3A_503 = arith.muli %mul3A_501, %mul3A_502 : i32
        %add3A_504 = arith.addi %mul3A_503, %select_n3A_499 : i32
        %mul3A_505 = arith.constant 16 : i32
        %mul3A_506 = arith.muli %add3A_504, %mul3A_505 : i32
        %get3A = arith.index_cast %mul3A_506 : i32 to index
        %get3A_507 = tpu.vector_load %arg10[%get3A] {strides = array<i32>} : memref<528xi32, #tpu.memory_space<vmem>>, vector<16xi32>,
        %get3A_508 = arith.index_cast %mul3A_506 : i32 to index
        %get3A_509 = tpu.vector_load %arg11[%get3A_508] {strides = array<i32>} : memref<528xi32, #tpu.memory_space<vmem>>, vector<16xi32>,
        %add3A_510 = arith.constant 16 : i32
        %add3A_511 = arith.addi %mul3A_506, %add3A_510 : i32
        %get3A_512 = arith.index_cast %add3A_511 : i32 to index
        %get3A_513 = tpu.vector_load %arg10[%get3A_512] {strides = array<i32>} : memref<528xi32, #tpu.memory_space<vmem>>, vector<16xi32>,
        %add3A_514 = arith.constant 16 : i32
        %add3A_515 = arith.addi %mul3A_506, %add3A_514 : i32
        %get3A_516 = arith.index_cast %add3A_515 : i32 to index
        %get3A_517 = tpu.vector_load %arg11[%get3A_516] {strides = array<i32>} : memref<528xi32, #tpu.memory_space<vmem>>, vector<16xi32>,
        %gt3A_518 = arith.cmpi sgt, %get3A_507, %get3A_513 : vector<16xi32>
        %eq3A_519 = arith.cmpi eq, %get3A_507, %get3A_513 : vector<16xi32>
        %lt3A_520 = arith.cmpi slt, %get3A_509, %get3A_517 : vector<16xi32>
        %and3A_521 = arith.andi %eq3A_519, %lt3A_520 : vector<16xi1>
        %or3A_522 = arith.ori %gt3A_518, %and3A_521 : vector<16xi1>
        %select_n3A_523 = arith.select %or3A_522, %get3A_507, %get3A_513 : vector<16xi1>, vector<16xi32>
        %swap3A = arith.index_cast %mul3A_506 : i32 to index
        %swap3A_524 = tpu.vector_load %arg10[%swap3A] {strides = array<i32>} : memref<528xi32, #tpu.memory_space<vmem>>, vector<16xi32>,
        tpu.vector_store %arg10[%swap3A], %select_n3A_523 {strides = array<i32>} : memref<528xi32, #tpu.memory_space<vmem>>, vector<16xi32>,
        %select_n3A_525 = arith.select %or3A_522, %get3A_509, %get3A_517 : vector<16xi1>, vector<16xi32>
        %swap3A_526 = arith.index_cast %mul3A_506 : i32 to index
        %swap3A_527 = tpu.vector_load %arg11[%swap3A_526] {strides = array<i32>} : memref<528xi32, #tpu.memory_space<vmem>>, vector<16xi32>,
        tpu.vector_store %arg11[%swap3A_526], %select_n3A_525 {strides = array<i32>} : memref<528xi32, #tpu.memory_space<vmem>>, vector<16xi32>,
        %select_n3A_528 = arith.select %or3A_522, %get3A_513, %get3A_507 : vector<16xi1>, vector<16xi32>
        %add3A_529 = arith.constant 16 : i32
        %add3A_530 = arith.addi %mul3A_506, %add3A_529 : i32
        %swap3A_531 = arith.index_cast %add3A_530 : i32 to index
        %swap3A_532 = tpu.vector_load %arg10[%swap3A_531] {strides = array<i32>} : memref<528xi32, #tpu.memory_space<vmem>>, vector<16xi32>,
        tpu.vector_store %arg10[%swap3A_531], %select_n3A_528 {strides = array<i32>} : memref<528xi32, #tpu.memory_space<vmem>>, vector<16xi32>,
        %select_n3A_533 = arith.select %or3A_522, %get3A_517, %get3A_509 : vector<16xi1>, vector<16xi32>
        %add3A_534 = arith.constant 16 : i32
        %add3A_535 = arith.addi %mul3A_506, %add3A_534 : i32
        %swap3A_536 = arith.index_cast %add3A_535 : i32 to index
        %swap3A_537 = tpu.vector_load %arg11[%swap3A_536] {strides = array<i32>} : memref<528xi32, #tpu.memory_space<vmem>>, vector<16xi32>,
        tpu.vector_store %arg11[%swap3A_536], %select_n3A_533 {strides = array<i32>} : memref<528xi32, #tpu.memory_space<vmem>>, vector<16xi32>,
      }
      %scan3A_128 = arith.constant 16 : i32
      %scan3A_129 = arith.constant 0 : i32
      %scan3A_130 = arith.constant 0 : i32
      %scan3A_131 = arith.constant 32 : i32
      %scan3A_132 = arith.addi %scan3A_130, %scan3A_131 : i32
      %scan3A_133 = arith.constant 1 : i32
      scf.for %scan3A_460 = %scan3A_130 to %scan3A_132 step %scan3A_133  : i32 {
        %mul3A_461 = arith.constant 16 : i32
        %mul3A_462 = arith.muli %scan3A_460, %mul3A_461 : i32
        %get3A = arith.index_cast %mul3A_462 : i32 to index
        %get3A_463 = tpu.vector_load %arg10[%get3A] {strides = array<i32>} : memref<528xi32, #tpu.memory_space<vmem>>, vector<16xi32>,
        %get3A_464 = arith.index_cast %mul3A_462 : i32 to index
        %get3A_465 = tpu.vector_load %arg11[%get3A_464] {strides = array<i32>} : memref<528xi32, #tpu.memory_space<vmem>>, vector<16xi32>,
        %masked_sort3A = arith.constant dense<true> : vector<16xi1>
        %masked_sort3A_466 = arith.constant -2147483648 : i32
        %masked_sort3A_467 = vector.broadcast %masked_sort3A_466 : i32 to vector<16xi32>
        %masked_sort3A_468 = arith.xori %get3A_463, %masked_sort3A_467 : vector<16xi32>
        %masked_sort3A_469, %masked_sort3A_470, %masked_sort3A_471 = tpu.sort %masked_sort3A_468, %get3A_465 masked %masked_sort3A {descending = true} : (vector<16xi32>, vector<16xi32>, vector<16xi1>) -> (vector<16xi1>, vector<16xi32>, vector<16xi32>)
        %masked_sort3A_472 = arith.xori %masked_sort3A_470, %masked_sort3A_467 : vector<16xi32>
        %swap3A = arith.index_cast %mul3A_462 : i32 to index
        %swap3A_473 = tpu.vector_load %arg10[%swap3A] {strides = array<i32>} : memref<528xi32, #tpu.memory_space<vmem>>, vector<16xi32>,
        tpu.vector_store %arg10[%swap3A], %masked_sort3A_472 {strides = array<i32>} : memref<528xi32, #tpu.memory_space<vmem>>, vector<16xi32>,
        %swap3A_474 = arith.index_cast %mul3A_462 : i32 to index
        %swap3A_475 = tpu.vector_load %arg11[%swap3A_474] {strides = array<i32>} : memref<528xi32, #tpu.memory_space<vmem>>, vector<16xi32>,
        tpu.vector_store %arg11[%swap3A_474], %masked_sort3A_471 {strides = array<i32>} : memref<528xi32, #tpu.memory_space<vmem>>, vector<16xi32>,
      }
      %scan3A_134 = arith.constant 32 : i32
      %scan3A_135 = arith.constant 0 : i32
      %scan3A_136 = arith.constant 0 : i32
      %scan3A_137 = arith.constant 16 : i32
      %scan3A_138 = arith.addi %scan3A_136, %scan3A_137 : i32
      %scan3A_139 = arith.constant 1 : i32
      scf.for %scan3A_460 = %scan3A_136 to %scan3A_138 step %scan3A_139  : i32 {
        %jit3A_461 = arith.constant 4 : i32
        %div3A_462 = arith.divsi %scan3A_460, %jit3A_461 : i32
        %sign3A_463 = arith.constant 0 : i32
        %sign3A_464 = arith.cmpi sgt, %scan3A_460, %sign3A_463 : i32
        %sign3A_465 = arith.extui %sign3A_464 : i1 to i32
        %sign3A_466 = arith.constant 0 : i32
        %sign3A_467 = arith.cmpi slt, %scan3A_460, %sign3A_466 : i32
        %sign3A_468 = arith.extui %sign3A_467 : i1 to i32
        %sign3A_469 = arith.subi %sign3A_465, %sign3A_468 : i32
        %sign3A_470 = arith.constant 0 : i32
        %sign3A_471 = arith.cmpi sgt, %jit3A_461, %sign3A_470 : i32
        %sign3A_472 = arith.extui %sign3A_471 : i1 to i32
        %sign3A_473 = arith.constant 0 : i32
        %sign3A_474 = arith.cmpi slt, %jit3A_461, %sign3A_473 : i32
        %sign3A_475 = arith.extui %sign3A_474 : i1 to i32
        %sign3A_476 = arith.subi %sign3A_472, %sign3A_475 : i32
        %ne3A_477 = arith.cmpi ne, %sign3A_469, %sign3A_476 : i32
        %rem3A_478 = arith.remsi %scan3A_460, %jit3A_461 : i32
        %ne3A_479 = arith.constant 0 : i32
        %ne3A_480 = arith.cmpi ne, %rem3A_478, %ne3A_479 : i32
        %and3A_481 = arith.andi %ne3A_477, %ne3A_480 : i1
        %sub3A_482 = arith.constant 1 : i32
        %sub3A_483 = arith.subi %div3A_462, %sub3A_482 : i32
        %select_n3A_484 = arith.select %and3A_481, %sub3A_483, %div3A_462 : i32
        %jit3A_485 = arith.constant 4 : i32
        %eq3A = arith.constant 0 : i32
        %eq3A_486 = arith.cmpi eq, %jit3A_485, %eq3A : i32
        %jit3A_487 = arith.constant 1 : i32
        %select_n3A_488 = arith.select %eq3A_486, %jit3A_487, %jit3A_485 : i32
        %rem3A_489 = arith.remsi %scan3A_460, %select_n3A_488 : i32
        %ne3A_490 = arith.constant 0 : i32
        %ne3A_491 = arith.cmpi ne, %rem3A_489, %ne3A_490 : i32
        %lt3A_492 = arith.constant 0 : i32
        %lt3A_493 = arith.cmpi slt, %rem3A_489, %lt3A_492 : i32
        %lt3A_494 = arith.constant 0 : i32
        %lt3A_495 = arith.cmpi slt, %select_n3A_488, %lt3A_494 : i32
        %ne3A_496 = arith.xori %lt3A_493, %lt3A_495 : i1
        %and3A_497 = arith.andi %ne3A_496, %ne3A_491 : i1
        %add3A_498 = arith.addi %rem3A_489, %select_n3A_488 : i32
        %select_n3A_499 = arith.select %and3A_497, %add3A_498, %rem3A_489 : i32
        %mul3A_500 = arith.constant 2 : i32
        %mul3A_501 = arith.muli %mul3A_500, %select_n3A_484 : i32
        %mul3A_502 = arith.constant 4 : i32
        %mul3A_503 = arith.muli %mul3A_501, %mul3A_502 : i32
        %add3A_504 = arith.addi %mul3A_503, %select_n3A_499 : i32
        %mul3A_505 = arith.constant 16 : i32
        %mul3A_506 = arith.muli %add3A_504, %mul3A_505 : i32
        %add3A_507 = arith.constant 4 : i32
        %add3A_508 = arith.addi %mul3A_503, %add3A_507 : i32
        %sub3A_509 = arith.constant 3 : i32
        %sub3A_510 = arith.subi %sub3A_509, %select_n3A_499 : i32
        %add3A_511 = arith.addi %add3A_508, %sub3A_510 : i32
        %mul3A_512 = arith.constant 16 : i32
        %mul3A_513 = arith.muli %add3A_511, %mul3A_512 : i32
        %get3A = arith.index_cast %mul3A_506 : i32 to index
        %get3A_514 = tpu.vector_load %arg10[%get3A] {strides = array<i32>} : memref<528xi32, #tpu.memory_space<vmem>>, vector<16xi32>,
        %get3A_515 = arith.index_cast %mul3A_506 : i32 to index
        %get3A_516 = tpu.vector_load %arg11[%get3A_515] {strides = array<i32>} : memref<528xi32, #tpu.memory_space<vmem>>, vector<16xi32>,
        %get3A_517 = arith.index_cast %mul3A_513 : i32 to index
        %get3A_518 = tpu.vector_load %arg10[%get3A_517] {strides = array<i32>} : memref<528xi32, #tpu.memory_space<vmem>>, vector<16xi32>,
        %rev3A = arith.constant 15 : i32
        %rev3A_519 = vector.broadcast %rev3A : i32 to vector<16xi32>
        %rev3A_520 = tpu.iota {dimensions = array<i32: 0>} : vector<16xi32>
        %rev3A_521 = arith.subi %rev3A_519, %rev3A_520 : vector<16xi32>
        %rev3A_522 = tpu.dynamic_gather %get3A_518[%rev3A_521] in [0] : vector<16xi32>, vector<16xi32> -> vector<16xi32>
        %get3A_523 = arith.index_cast %mul3A_513 : i32 to index
        %get3A_524 = tpu.vector_load %arg11[%get3A_523] {strides = array<i32>} : memref<528xi32, #tpu.memory_space<vmem>>, vector<16xi32>,
        %rev3A_525 = arith.constant 15 : i32
        %rev3A_526 = vector.broadcast %rev3A_525 : i32 to vector<16xi32>
        %rev3A_527 = tpu.iota {dimensions = array<i32: 0>} : vector<16xi32>
        %rev3A_528 = arith.subi %rev3A_526, %rev3A_527 : vector<16xi32>
        %rev3A_529 = tpu.dynamic_gather %get3A_524[%rev3A_528] in [0] : vector<16xi32>, vector<16xi32> -> vector<16xi32>
        %gt3A_530 = arith.cmpi sgt, %get3A_514, %rev3A_522 : vector<16xi32>
        %eq3A_531 = arith.cmpi eq, %get3A_514, %rev3A_522 : vector<16xi32>
        %lt3A_532 = arith.cmpi slt, %get3A_516, %rev3A_529 : vector<16xi32>
        %and3A_533 = arith.andi %eq3A_531, %lt3A_532 : vector<16xi1>
        %or3A_534 = arith.ori %gt3A_530, %and3A_533 : vector<16xi1>
        %select_n3A_535 = arith.select %or3A_534, %get3A_514, %rev3A_522 : vector<16xi1>, vector<16xi32>
        %swap3A = arith.index_cast %mul3A_506 : i32 to index
        %swap3A_536 = tpu.vector_load %arg12[%swap3A] {strides = array<i32>} : memref<528xi32, #tpu.memory_space<vmem>>, vector<16xi32>,
        tpu.vector_store %arg12[%swap3A], %select_n3A_535 {strides = array<i32>} : memref<528xi32, #tpu.memory_space<vmem>>, vector<16xi32>,
        %select_n3A_537 = arith.select %or3A_534, %get3A_516, %rev3A_529 : vector<16xi1>, vector<16xi32>
        %swap3A_538 = arith.index_cast %mul3A_506 : i32 to index
        %swap3A_539 = tpu.vector_load %arg13[%swap3A_538] {strides = array<i32>} : memref<528xi32, #tpu.memory_space<vmem>>, vector<16xi32>,
        tpu.vector_store %arg13[%swap3A_538], %select_n3A_537 {strides = array<i32>} : memref<528xi32, #tpu.memory_space<vmem>>, vector<16xi32>,
        %add3A_540 = arith.constant 4 : i32
        %add3A_541 = arith.addi %mul3A_503, %add3A_540 : i32
        %add3A_542 = arith.addi %add3A_541, %select_n3A_499 : i32
        %mul3A_543 = arith.constant 16 : i32
        %mul3A_544 = arith.muli %add3A_542, %mul3A_543 : i32
        %select_n3A_545 = arith.select %or3A_534, %rev3A_522, %get3A_514 : vector<16xi1>, vector<16xi32>
        %swap3A_546 = arith.index_cast %mul3A_544 : i32 to index
        %swap3A_547 = tpu.vector_load %arg12[%swap3A_546] {strides = array<i32>} : memref<528xi32, #tpu.memory_space<vmem>>, vector<16xi32>,
        tpu.vector_store %arg12[%swap3A_546], %select_n3A_545 {strides = array<i32>} : memref<528xi32, #tpu.memory_space<vmem>>, vector<16xi32>,
        %select_n3A_548 = arith.select %or3A_534, %rev3A_529, %get3A_516 : vector<16xi1>, vector<16xi32>
        %swap3A_549 = arith.index_cast %mul3A_544 : i32 to index
        %swap3A_550 = tpu.vector_load %arg13[%swap3A_549] {strides = array<i32>} : memref<528xi32, #tpu.memory_space<vmem>>, vector<16xi32>,
        tpu.vector_store %arg13[%swap3A_549], %select_n3A_548 {strides = array<i32>} : memref<528xi32, #tpu.memory_space<vmem>>, vector<16xi32>,
      }
      %scan3A_140 = arith.constant 16 : i32
      %scan3A_141 = arith.constant 0 : i32
      %scan3A_142 = arith.constant 0 : i32
      %scan3A_143 = arith.constant 16 : i32
      %scan3A_144 = arith.addi %scan3A_142, %scan3A_143 : i32
      %scan3A_145 = arith.constant 1 : i32
      scf.for %scan3A_460 = %scan3A_142 to %scan3A_144 step %scan3A_145  : i32 {
        %jit3A_461 = arith.constant 2 : i32
        %div3A_462 = arith.divsi %scan3A_460, %jit3A_461 : i32
        %sign3A_463 = arith.constant 0 : i32
        %sign3A_464 = arith.cmpi sgt, %scan3A_460, %sign3A_463 : i32
        %sign3A_465 = arith.extui %sign3A_464 : i1 to i32
        %sign3A_466 = arith.constant 0 : i32
        %sign3A_467 = arith.cmpi slt, %scan3A_460, %sign3A_466 : i32
        %sign3A_468 = arith.extui %sign3A_467 : i1 to i32
        %sign3A_469 = arith.subi %sign3A_465, %sign3A_468 : i32
        %sign3A_470 = arith.constant 0 : i32
        %sign3A_471 = arith.cmpi sgt, %jit3A_461, %sign3A_470 : i32
        %sign3A_472 = arith.extui %sign3A_471 : i1 to i32
        %sign3A_473 = arith.constant 0 : i32
        %sign3A_474 = arith.cmpi slt, %jit3A_461, %sign3A_473 : i32
        %sign3A_475 = arith.extui %sign3A_474 : i1 to i32
        %sign3A_476 = arith.subi %sign3A_472, %sign3A_475 : i32
        %ne3A_477 = arith.cmpi ne, %sign3A_469, %sign3A_476 : i32
        %rem3A_478 = arith.remsi %scan3A_460, %jit3A_461 : i32
        %ne3A_479 = arith.constant 0 : i32
        %ne3A_480 = arith.cmpi ne, %rem3A_478, %ne3A_479 : i32
        %and3A_481 = arith.andi %ne3A_477, %ne3A_480 : i1
        %sub3A_482 = arith.constant 1 : i32
        %sub3A_483 = arith.subi %div3A_462, %sub3A_482 : i32
        %select_n3A_484 = arith.select %and3A_481, %sub3A_483, %div3A_462 : i32
        %jit3A_485 = arith.constant 2 : i32
        %eq3A = arith.constant 0 : i32
        %eq3A_486 = arith.cmpi eq, %jit3A_485, %eq3A : i32
        %jit3A_487 = arith.constant 1 : i32
        %select_n3A_488 = arith.select %eq3A_486, %jit3A_487, %jit3A_485 : i32
        %rem3A_489 = arith.remsi %scan3A_460, %select_n3A_488 : i32
        %ne3A_490 = arith.constant 0 : i32
        %ne3A_491 = arith.cmpi ne, %rem3A_489, %ne3A_490 : i32
        %lt3A_492 = arith.constant 0 : i32
        %lt3A_493 = arith.cmpi slt, %rem3A_489, %lt3A_492 : i32
        %lt3A_494 = arith.constant 0 : i32
        %lt3A_495 = arith.cmpi slt, %select_n3A_488, %lt3A_494 : i32
        %ne3A_496 = arith.xori %lt3A_493, %lt3A_495 : i1
        %and3A_497 = arith.andi %ne3A_496, %ne3A_491 : i1
        %add3A_498 = arith.addi %rem3A_489, %select_n3A_488 : i32
        %select_n3A_499 = arith.select %and3A_497, %add3A_498, %rem3A_489 : i32
        %mul3A_500 = arith.constant 2 : i32
        %mul3A_501 = arith.muli %select_n3A_484, %mul3A_500 : i32
        %mul3A_502 = arith.constant 2 : i32
        %mul3A_503 = arith.muli %mul3A_501, %mul3A_502 : i32
        %add3A_504 = arith.addi %mul3A_503, %select_n3A_499 : i32
        %mul3A_505 = arith.constant 16 : i32
        %mul3A_506 = arith.muli %add3A_504, %mul3A_505 : i32
        %get3A = arith.index_cast %mul3A_506 : i32 to index
        %get3A_507 = tpu.vector_load %arg12[%get3A] {strides = array<i32>} : memref<528xi32, #tpu.memory_space<vmem>>, vector<16xi32>,
        %get3A_508 = arith.index_cast %mul3A_506 : i32 to index
        %get3A_509 = tpu.vector_load %arg13[%get3A_508] {strides = array<i32>} : memref<528xi32, #tpu.memory_space<vmem>>, vector<16xi32>,
        %add3A_510 = arith.constant 32 : i32
        %add3A_511 = arith.addi %mul3A_506, %add3A_510 : i32
        %get3A_512 = arith.index_cast %add3A_511 : i32 to index
        %get3A_513 = tpu.vector_load %arg12[%get3A_512] {strides = array<i32>} : memref<528xi32, #tpu.memory_space<vmem>>, vector<16xi32>,
        %add3A_514 = arith.constant 32 : i32
        %add3A_515 = arith.addi %mul3A_506, %add3A_514 : i32
        %get3A_516 = arith.index_cast %add3A_515 : i32 to index
        %get3A_517 = tpu.vector_load %arg13[%get3A_516] {strides = array<i32>} : memref<528xi32, #tpu.memory_space<vmem>>, vector<16xi32>,
        %gt3A_518 = arith.cmpi sgt, %get3A_507, %get3A_513 : vector<16xi32>
        %eq3A_519 = arith.cmpi eq, %get3A_507, %get3A_513 : vector<16xi32>
        %lt3A_520 = arith.cmpi slt, %get3A_509, %get3A_517 : vector<16xi32>
        %and3A_521 = arith.andi %eq3A_519, %lt3A_520 : vector<16xi1>
        %or3A_522 = arith.ori %gt3A_518, %and3A_521 : vector<16xi1>
        %select_n3A_523 = arith.select %or3A_522, %get3A_507, %get3A_513 : vector<16xi1>, vector<16xi32>
        %swap3A = arith.index_cast %mul3A_506 : i32 to index
        %swap3A_524 = tpu.vector_load %arg12[%swap3A] {strides = array<i32>} : memref<528xi32, #tpu.memory_space<vmem>>, vector<16xi32>,
        tpu.vector_store %arg12[%swap3A], %select_n3A_523 {strides = array<i32>} : memref<528xi32, #tpu.memory_space<vmem>>, vector<16xi32>,
        %select_n3A_525 = arith.select %or3A_522, %get3A_509, %get3A_517 : vector<16xi1>, vector<16xi32>
        %swap3A_526 = arith.index_cast %mul3A_506 : i32 to index
        %swap3A_527 = tpu.vector_load %arg13[%swap3A_526] {strides = array<i32>} : memref<528xi32, #tpu.memory_space<vmem>>, vector<16xi32>,
        tpu.vector_store %arg13[%swap3A_526], %select_n3A_525 {strides = array<i32>} : memref<528xi32, #tpu.memory_space<vmem>>, vector<16xi32>,
        %select_n3A_528 = arith.select %or3A_522, %get3A_513, %get3A_507 : vector<16xi1>, vector<16xi32>
        %add3A_529 = arith.constant 32 : i32
        %add3A_530 = arith.addi %mul3A_506, %add3A_529 : i32
        %swap3A_531 = arith.index_cast %add3A_530 : i32 to index
        %swap3A_532 = tpu.vector_load %arg12[%swap3A_531] {strides = array<i32>} : memref<528xi32, #tpu.memory_space<vmem>>, vector<16xi32>,
        tpu.vector_store %arg12[%swap3A_531], %select_n3A_528 {strides = array<i32>} : memref<528xi32, #tpu.memory_space<vmem>>, vector<16xi32>,
        %select_n3A_533 = arith.select %or3A_522, %get3A_517, %get3A_509 : vector<16xi1>, vector<16xi32>
        %add3A_534 = arith.constant 32 : i32
        %add3A_535 = arith.addi %mul3A_506, %add3A_534 : i32
        %swap3A_536 = arith.index_cast %add3A_535 : i32 to index
        %swap3A_537 = tpu.vector_load %arg13[%swap3A_536] {strides = array<i32>} : memref<528xi32, #tpu.memory_space<vmem>>, vector<16xi32>,
        tpu.vector_store %arg13[%swap3A_536], %select_n3A_533 {strides = array<i32>} : memref<528xi32, #tpu.memory_space<vmem>>, vector<16xi32>,
      }
      %scan3A_146 = arith.constant 16 : i32
      %scan3A_147 = arith.constant 0 : i32
      %scan3A_148 = arith.constant 0 : i32
      %scan3A_149 = arith.constant 16 : i32
      %scan3A_150 = arith.addi %scan3A_148, %scan3A_149 : i32
      %scan3A_151 = arith.constant 1 : i32
      scf.for %scan3A_460 = %scan3A_148 to %scan3A_150 step %scan3A_151  : i32 {
        %jit3A_461 = arith.constant 1 : i32
        %div3A_462 = arith.divsi %scan3A_460, %jit3A_461 : i32
        %sign3A_463 = arith.constant 0 : i32
        %sign3A_464 = arith.cmpi sgt, %scan3A_460, %sign3A_463 : i32
        %sign3A_465 = arith.extui %sign3A_464 : i1 to i32
        %sign3A_466 = arith.constant 0 : i32
        %sign3A_467 = arith.cmpi slt, %scan3A_460, %sign3A_466 : i32
        %sign3A_468 = arith.extui %sign3A_467 : i1 to i32
        %sign3A_469 = arith.subi %sign3A_465, %sign3A_468 : i32
        %sign3A_470 = arith.constant 0 : i32
        %sign3A_471 = arith.cmpi sgt, %jit3A_461, %sign3A_470 : i32
        %sign3A_472 = arith.extui %sign3A_471 : i1 to i32
        %sign3A_473 = arith.constant 0 : i32
        %sign3A_474 = arith.cmpi slt, %jit3A_461, %sign3A_473 : i32
        %sign3A_475 = arith.extui %sign3A_474 : i1 to i32
        %sign3A_476 = arith.subi %sign3A_472, %sign3A_475 : i32
        %ne3A_477 = arith.cmpi ne, %sign3A_469, %sign3A_476 : i32
        %rem3A_478 = arith.remsi %scan3A_460, %jit3A_461 : i32
        %ne3A_479 = arith.constant 0 : i32
        %ne3A_480 = arith.cmpi ne, %rem3A_478, %ne3A_479 : i32
        %and3A_481 = arith.andi %ne3A_477, %ne3A_480 : i1
        %sub3A_482 = arith.constant 1 : i32
        %sub3A_483 = arith.subi %div3A_462, %sub3A_482 : i32
        %select_n3A_484 = arith.select %and3A_481, %sub3A_483, %div3A_462 : i32
        %jit3A_485 = arith.constant 1 : i32
        %eq3A = arith.constant 0 : i32
        %eq3A_486 = arith.cmpi eq, %jit3A_485, %eq3A : i32
        %jit3A_487 = arith.constant 1 : i32
        %select_n3A_488 = arith.select %eq3A_486, %jit3A_487, %jit3A_485 : i32
        %rem3A_489 = arith.remsi %scan3A_460, %select_n3A_488 : i32
        %ne3A_490 = arith.constant 0 : i32
        %ne3A_491 = arith.cmpi ne, %rem3A_489, %ne3A_490 : i32
        %lt3A_492 = arith.constant 0 : i32
        %lt3A_493 = arith.cmpi slt, %rem3A_489, %lt3A_492 : i32
        %lt3A_494 = arith.constant 0 : i32
        %lt3A_495 = arith.cmpi slt, %select_n3A_488, %lt3A_494 : i32
        %ne3A_496 = arith.xori %lt3A_493, %lt3A_495 : i1
        %and3A_497 = arith.andi %ne3A_496, %ne3A_491 : i1
        %add3A_498 = arith.addi %rem3A_489, %select_n3A_488 : i32
        %select_n3A_499 = arith.select %and3A_497, %add3A_498, %rem3A_489 : i32
        %mul3A_500 = arith.constant 2 : i32
        %mul3A_501 = arith.muli %select_n3A_484, %mul3A_500 : i32
        %mul3A_502 = arith.constant 1 : i32
        %mul3A_503 = arith.muli %mul3A_501, %mul3A_502 : i32
        %add3A_504 = arith.addi %mul3A_503, %select_n3A_499 : i32
        %mul3A_505 = arith.constant 16 : i32
        %mul3A_506 = arith.muli %add3A_504, %mul3A_505 : i32
        %get3A = arith.index_cast %mul3A_506 : i32 to index
        %get3A_507 = tpu.vector_load %arg12[%get3A] {strides = array<i32>} : memref<528xi32, #tpu.memory_space<vmem>>, vector<16xi32>,
        %get3A_508 = arith.index_cast %mul3A_506 : i32 to index
        %get3A_509 = tpu.vector_load %arg13[%get3A_508] {strides = array<i32>} : memref<528xi32, #tpu.memory_space<vmem>>, vector<16xi32>,
        %add3A_510 = arith.constant 16 : i32
        %add3A_511 = arith.addi %mul3A_506, %add3A_510 : i32
        %get3A_512 = arith.index_cast %add3A_511 : i32 to index
        %get3A_513 = tpu.vector_load %arg12[%get3A_512] {strides = array<i32>} : memref<528xi32, #tpu.memory_space<vmem>>, vector<16xi32>,
        %add3A_514 = arith.constant 16 : i32
        %add3A_515 = arith.addi %mul3A_506, %add3A_514 : i32
        %get3A_516 = arith.index_cast %add3A_515 : i32 to index
        %get3A_517 = tpu.vector_load %arg13[%get3A_516] {strides = array<i32>} : memref<528xi32, #tpu.memory_space<vmem>>, vector<16xi32>,
        %gt3A_518 = arith.cmpi sgt, %get3A_507, %get3A_513 : vector<16xi32>
        %eq3A_519 = arith.cmpi eq, %get3A_507, %get3A_513 : vector<16xi32>
        %lt3A_520 = arith.cmpi slt, %get3A_509, %get3A_517 : vector<16xi32>
        %and3A_521 = arith.andi %eq3A_519, %lt3A_520 : vector<16xi1>
        %or3A_522 = arith.ori %gt3A_518, %and3A_521 : vector<16xi1>
        %select_n3A_523 = arith.select %or3A_522, %get3A_507, %get3A_513 : vector<16xi1>, vector<16xi32>
        %swap3A = arith.index_cast %mul3A_506 : i32 to index
        %swap3A_524 = tpu.vector_load %arg12[%swap3A] {strides = array<i32>} : memref<528xi32, #tpu.memory_space<vmem>>, vector<16xi32>,
        tpu.vector_store %arg12[%swap3A], %select_n3A_523 {strides = array<i32>} : memref<528xi32, #tpu.memory_space<vmem>>, vector<16xi32>,
        %select_n3A_525 = arith.select %or3A_522, %get3A_509, %get3A_517 : vector<16xi1>, vector<16xi32>
        %swap3A_526 = arith.index_cast %mul3A_506 : i32 to index
        %swap3A_527 = tpu.vector_load %arg13[%swap3A_526] {strides = array<i32>} : memref<528xi32, #tpu.memory_space<vmem>>, vector<16xi32>,
        tpu.vector_store %arg13[%swap3A_526], %select_n3A_525 {strides = array<i32>} : memref<528xi32, #tpu.memory_space<vmem>>, vector<16xi32>,
        %select_n3A_528 = arith.select %or3A_522, %get3A_513, %get3A_507 : vector<16xi1>, vector<16xi32>
        %add3A_529 = arith.constant 16 : i32
        %add3A_530 = arith.addi %mul3A_506, %add3A_529 : i32
        %swap3A_531 = arith.index_cast %add3A_530 : i32 to index
        %swap3A_532 = tpu.vector_load %arg12[%swap3A_531] {strides = array<i32>} : memref<528xi32, #tpu.memory_space<vmem>>, vector<16xi32>,
        tpu.vector_store %arg12[%swap3A_531], %select_n3A_528 {strides = array<i32>} : memref<528xi32, #tpu.memory_space<vmem>>, vector<16xi32>,
        %select_n3A_533 = arith.select %or3A_522, %get3A_517, %get3A_509 : vector<16xi1>, vector<16xi32>
        %add3A_534 = arith.constant 16 : i32
        %add3A_535 = arith.addi %mul3A_506, %add3A_534 : i32
        %swap3A_536 = arith.index_cast %add3A_535 : i32 to index
        %swap3A_537 = tpu.vector_load %arg13[%swap3A_536] {strides = array<i32>} : memref<528xi32, #tpu.memory_space<vmem>>, vector<16xi32>,
        tpu.vector_store %arg13[%swap3A_536], %select_n3A_533 {strides = array<i32>} : memref<528xi32, #tpu.memory_space<vmem>>, vector<16xi32>,
      }
      %scan3A_152 = arith.constant 16 : i32
      %scan3A_153 = arith.constant 0 : i32
      %scan3A_154 = arith.constant 0 : i32
      %scan3A_155 = arith.constant 32 : i32
      %scan3A_156 = arith.addi %scan3A_154, %scan3A_155 : i32
      %scan3A_157 = arith.constant 1 : i32
      scf.for %scan3A_460 = %scan3A_154 to %scan3A_156 step %scan3A_157  : i32 {
        %mul3A_461 = arith.constant 16 : i32
        %mul3A_462 = arith.muli %scan3A_460, %mul3A_461 : i32
        %get3A = arith.index_cast %mul3A_462 : i32 to index
        %get3A_463 = tpu.vector_load %arg12[%get3A] {strides = array<i32>} : memref<528xi32, #tpu.memory_space<vmem>>, vector<16xi32>,
        %get3A_464 = arith.index_cast %mul3A_462 : i32 to index
        %get3A_465 = tpu.vector_load %arg13[%get3A_464] {strides = array<i32>} : memref<528xi32, #tpu.memory_space<vmem>>, vector<16xi32>,
        %masked_sort3A = arith.constant dense<true> : vector<16xi1>
        %masked_sort3A_466 = arith.constant -2147483648 : i32
        %masked_sort3A_467 = vector.broadcast %masked_sort3A_466 : i32 to vector<16xi32>
        %masked_sort3A_468 = arith.xori %get3A_463, %masked_sort3A_467 : vector<16xi32>
        %masked_sort3A_469, %masked_sort3A_470, %masked_sort3A_471 = tpu.sort %masked_sort3A_468, %get3A_465 masked %masked_sort3A {descending = true} : (vector<16xi32>, vector<16xi32>, vector<16xi1>) -> (vector<16xi1>, vector<16xi32>, vector<16xi32>)
        %masked_sort3A_472 = arith.xori %masked_sort3A_470, %masked_sort3A_467 : vector<16xi32>
        %swap3A = arith.index_cast %mul3A_462 : i32 to index
        %swap3A_473 = tpu.vector_load %arg12[%swap3A] {strides = array<i32>} : memref<528xi32, #tpu.memory_space<vmem>>, vector<16xi32>,
        tpu.vector_store %arg12[%swap3A], %masked_sort3A_472 {strides = array<i32>} : memref<528xi32, #tpu.memory_space<vmem>>, vector<16xi32>,
        %swap3A_474 = arith.index_cast %mul3A_462 : i32 to index
        %swap3A_475 = tpu.vector_load %arg13[%swap3A_474] {strides = array<i32>} : memref<528xi32, #tpu.memory_space<vmem>>, vector<16xi32>,
        tpu.vector_store %arg13[%swap3A_474], %masked_sort3A_471 {strides = array<i32>} : memref<528xi32, #tpu.memory_space<vmem>>, vector<16xi32>,
      }
      %scan3A_158 = arith.constant 32 : i32
      %scan3A_159 = arith.constant 0 : i32
      %scan3A_160 = arith.constant 0 : i32
      %scan3A_161 = arith.constant 16 : i32
      %scan3A_162 = arith.addi %scan3A_160, %scan3A_161 : i32
      %scan3A_163 = arith.constant 1 : i32
      scf.for %scan3A_460 = %scan3A_160 to %scan3A_162 step %scan3A_163  : i32 {
        %jit3A_461 = arith.constant 8 : i32
        %div3A_462 = arith.divsi %scan3A_460, %jit3A_461 : i32
        %sign3A_463 = arith.constant 0 : i32
        %sign3A_464 = arith.cmpi sgt, %scan3A_460, %sign3A_463 : i32
        %sign3A_465 = arith.extui %sign3A_464 : i1 to i32
        %sign3A_466 = arith.constant 0 : i32
        %sign3A_467 = arith.cmpi slt, %scan3A_460, %sign3A_466 : i32
        %sign3A_468 = arith.extui %sign3A_467 : i1 to i32
        %sign3A_469 = arith.subi %sign3A_465, %sign3A_468 : i32
        %sign3A_470 = arith.constant 0 : i32
        %sign3A_471 = arith.cmpi sgt, %jit3A_461, %sign3A_470 : i32
        %sign3A_472 = arith.extui %sign3A_471 : i1 to i32
        %sign3A_473 = arith.constant 0 : i32
        %sign3A_474 = arith.cmpi slt, %jit3A_461, %sign3A_473 : i32
        %sign3A_475 = arith.extui %sign3A_474 : i1 to i32
        %sign3A_476 = arith.subi %sign3A_472, %sign3A_475 : i32
        %ne3A_477 = arith.cmpi ne, %sign3A_469, %sign3A_476 : i32
        %rem3A_478 = arith.remsi %scan3A_460, %jit3A_461 : i32
        %ne3A_479 = arith.constant 0 : i32
        %ne3A_480 = arith.cmpi ne, %rem3A_478, %ne3A_479 : i32
        %and3A_481 = arith.andi %ne3A_477, %ne3A_480 : i1
        %sub3A_482 = arith.constant 1 : i32
        %sub3A_483 = arith.subi %div3A_462, %sub3A_482 : i32
        %select_n3A_484 = arith.select %and3A_481, %sub3A_483, %div3A_462 : i32
        %jit3A_485 = arith.constant 8 : i32
        %eq3A = arith.constant 0 : i32
        %eq3A_486 = arith.cmpi eq, %jit3A_485, %eq3A : i32
        %jit3A_487 = arith.constant 1 : i32
        %select_n3A_488 = arith.select %eq3A_486, %jit3A_487, %jit3A_485 : i32
        %rem3A_489 = arith.remsi %scan3A_460, %select_n3A_488 : i32
        %ne3A_490 = arith.constant 0 : i32
        %ne3A_491 = arith.cmpi ne, %rem3A_489, %ne3A_490 : i32
        %lt3A_492 = arith.constant 0 : i32
        %lt3A_493 = arith.cmpi slt, %rem3A_489, %lt3A_492 : i32
        %lt3A_494 = arith.constant 0 : i32
        %lt3A_495 = arith.cmpi slt, %select_n3A_488, %lt3A_494 : i32
        %ne3A_496 = arith.xori %lt3A_493, %lt3A_495 : i1
        %and3A_497 = arith.andi %ne3A_496, %ne3A_491 : i1
        %add3A_498 = arith.addi %rem3A_489, %select_n3A_488 : i32
        %select_n3A_499 = arith.select %and3A_497, %add3A_498, %rem3A_489 : i32
        %mul3A_500 = arith.constant 2 : i32
        %mul3A_501 = arith.muli %mul3A_500, %select_n3A_484 : i32
        %mul3A_502 = arith.constant 8 : i32
        %mul3A_503 = arith.muli %mul3A_501, %mul3A_502 : i32
        %add3A_504 = arith.addi %mul3A_503, %select_n3A_499 : i32
        %mul3A_505 = arith.constant 16 : i32
        %mul3A_506 = arith.muli %add3A_504, %mul3A_505 : i32
        %add3A_507 = arith.constant 8 : i32
        %add3A_508 = arith.addi %mul3A_503, %add3A_507 : i32
        %sub3A_509 = arith.constant 7 : i32
        %sub3A_510 = arith.subi %sub3A_509, %select_n3A_499 : i32
        %add3A_511 = arith.addi %add3A_508, %sub3A_510 : i32
        %mul3A_512 = arith.constant 16 : i32
        %mul3A_513 = arith.muli %add3A_511, %mul3A_512 : i32
        %get3A = arith.index_cast %mul3A_506 : i32 to index
        %get3A_514 = tpu.vector_load %arg12[%get3A] {strides = array<i32>} : memref<528xi32, #tpu.memory_space<vmem>>, vector<16xi32>,
        %get3A_515 = arith.index_cast %mul3A_506 : i32 to index
        %get3A_516 = tpu.vector_load %arg13[%get3A_515] {strides = array<i32>} : memref<528xi32, #tpu.memory_space<vmem>>, vector<16xi32>,
        %get3A_517 = arith.index_cast %mul3A_513 : i32 to index
        %get3A_518 = tpu.vector_load %arg12[%get3A_517] {strides = array<i32>} : memref<528xi32, #tpu.memory_space<vmem>>, vector<16xi32>,
        %rev3A = arith.constant 15 : i32
        %rev3A_519 = vector.broadcast %rev3A : i32 to vector<16xi32>
        %rev3A_520 = tpu.iota {dimensions = array<i32: 0>} : vector<16xi32>
        %rev3A_521 = arith.subi %rev3A_519, %rev3A_520 : vector<16xi32>
        %rev3A_522 = tpu.dynamic_gather %get3A_518[%rev3A_521] in [0] : vector<16xi32>, vector<16xi32> -> vector<16xi32>
        %get3A_523 = arith.index_cast %mul3A_513 : i32 to index
        %get3A_524 = tpu.vector_load %arg13[%get3A_523] {strides = array<i32>} : memref<528xi32, #tpu.memory_space<vmem>>, vector<16xi32>,
        %rev3A_525 = arith.constant 15 : i32
        %rev3A_526 = vector.broadcast %rev3A_525 : i32 to vector<16xi32>
        %rev3A_527 = tpu.iota {dimensions = array<i32: 0>} : vector<16xi32>
        %rev3A_528 = arith.subi %rev3A_526, %rev3A_527 : vector<16xi32>
        %rev3A_529 = tpu.dynamic_gather %get3A_524[%rev3A_528] in [0] : vector<16xi32>, vector<16xi32> -> vector<16xi32>
        %gt3A_530 = arith.cmpi sgt, %get3A_514, %rev3A_522 : vector<16xi32>
        %eq3A_531 = arith.cmpi eq, %get3A_514, %rev3A_522 : vector<16xi32>
        %lt3A_532 = arith.cmpi slt, %get3A_516, %rev3A_529 : vector<16xi32>
        %and3A_533 = arith.andi %eq3A_531, %lt3A_532 : vector<16xi1>
        %or3A_534 = arith.ori %gt3A_530, %and3A_533 : vector<16xi1>
        %select_n3A_535 = arith.select %or3A_534, %get3A_514, %rev3A_522 : vector<16xi1>, vector<16xi32>
        %swap3A = arith.index_cast %mul3A_506 : i32 to index
        %swap3A_536 = tpu.vector_load %arg10[%swap3A] {strides = array<i32>} : memref<528xi32, #tpu.memory_space<vmem>>, vector<16xi32>,
        tpu.vector_store %arg10[%swap3A], %select_n3A_535 {strides = array<i32>} : memref<528xi32, #tpu.memory_space<vmem>>, vector<16xi32>,
        %select_n3A_537 = arith.select %or3A_534, %get3A_516, %rev3A_529 : vector<16xi1>, vector<16xi32>
        %swap3A_538 = arith.index_cast %mul3A_506 : i32 to index
        %swap3A_539 = tpu.vector_load %arg11[%swap3A_538] {strides = array<i32>} : memref<528xi32, #tpu.memory_space<vmem>>, vector<16xi32>,
        tpu.vector_store %arg11[%swap3A_538], %select_n3A_537 {strides = array<i32>} : memref<528xi32, #tpu.memory_space<vmem>>, vector<16xi32>,
        %add3A_540 = arith.constant 8 : i32
        %add3A_541 = arith.addi %mul3A_503, %add3A_540 : i32
        %add3A_542 = arith.addi %add3A_541, %select_n3A_499 : i32
        %mul3A_543 = arith.constant 16 : i32
        %mul3A_544 = arith.muli %add3A_542, %mul3A_543 : i32
        %select_n3A_545 = arith.select %or3A_534, %rev3A_522, %get3A_514 : vector<16xi1>, vector<16xi32>
        %swap3A_546 = arith.index_cast %mul3A_544 : i32 to index
        %swap3A_547 = tpu.vector_load %arg10[%swap3A_546] {strides = array<i32>} : memref<528xi32, #tpu.memory_space<vmem>>, vector<16xi32>,
        tpu.vector_store %arg10[%swap3A_546], %select_n3A_545 {strides = array<i32>} : memref<528xi32, #tpu.memory_space<vmem>>, vector<16xi32>,
        %select_n3A_548 = arith.select %or3A_534, %rev3A_529, %get3A_516 : vector<16xi1>, vector<16xi32>
        %swap3A_549 = arith.index_cast %mul3A_544 : i32 to index
        %swap3A_550 = tpu.vector_load %arg11[%swap3A_549] {strides = array<i32>} : memref<528xi32, #tpu.memory_space<vmem>>, vector<16xi32>,
        tpu.vector_store %arg11[%swap3A_549], %select_n3A_548 {strides = array<i32>} : memref<528xi32, #tpu.memory_space<vmem>>, vector<16xi32>,
      }
      %scan3A_164 = arith.constant 16 : i32
      %scan3A_165 = arith.constant 0 : i32
      %scan3A_166 = arith.constant 0 : i32
      %scan3A_167 = arith.constant 16 : i32
      %scan3A_168 = arith.addi %scan3A_166, %scan3A_167 : i32
      %scan3A_169 = arith.constant 1 : i32
      scf.for %scan3A_460 = %scan3A_166 to %scan3A_168 step %scan3A_169  : i32 {
        %jit3A_461 = arith.constant 4 : i32
        %div3A_462 = arith.divsi %scan3A_460, %jit3A_461 : i32
        %sign3A_463 = arith.constant 0 : i32
        %sign3A_464 = arith.cmpi sgt, %scan3A_460, %sign3A_463 : i32
        %sign3A_465 = arith.extui %sign3A_464 : i1 to i32
        %sign3A_466 = arith.constant 0 : i32
        %sign3A_467 = arith.cmpi slt, %scan3A_460, %sign3A_466 : i32
        %sign3A_468 = arith.extui %sign3A_467 : i1 to i32
        %sign3A_469 = arith.subi %sign3A_465, %sign3A_468 : i32
        %sign3A_470 = arith.constant 0 : i32
        %sign3A_471 = arith.cmpi sgt, %jit3A_461, %sign3A_470 : i32
        %sign3A_472 = arith.extui %sign3A_471 : i1 to i32
        %sign3A_473 = arith.constant 0 : i32
        %sign3A_474 = arith.cmpi slt, %jit3A_461, %sign3A_473 : i32
        %sign3A_475 = arith.extui %sign3A_474 : i1 to i32
        %sign3A_476 = arith.subi %sign3A_472, %sign3A_475 : i32
        %ne3A_477 = arith.cmpi ne, %sign3A_469, %sign3A_476 : i32
        %rem3A_478 = arith.remsi %scan3A_460, %jit3A_461 : i32
        %ne3A_479 = arith.constant 0 : i32
        %ne3A_480 = arith.cmpi ne, %rem3A_478, %ne3A_479 : i32
        %and3A_481 = arith.andi %ne3A_477, %ne3A_480 : i1
        %sub3A_482 = arith.constant 1 : i32
        %sub3A_483 = arith.subi %div3A_462, %sub3A_482 : i32
        %select_n3A_484 = arith.select %and3A_481, %sub3A_483, %div3A_462 : i32
        %jit3A_485 = arith.constant 4 : i32
        %eq3A = arith.constant 0 : i32
        %eq3A_486 = arith.cmpi eq, %jit3A_485, %eq3A : i32
        %jit3A_487 = arith.constant 1 : i32
        %select_n3A_488 = arith.select %eq3A_486, %jit3A_487, %jit3A_485 : i32
        %rem3A_489 = arith.remsi %scan3A_460, %select_n3A_488 : i32
        %ne3A_490 = arith.constant 0 : i32
        %ne3A_491 = arith.cmpi ne, %rem3A_489, %ne3A_490 : i32
        %lt3A_492 = arith.constant 0 : i32
        %lt3A_493 = arith.cmpi slt, %rem3A_489, %lt3A_492 : i32
        %lt3A_494 = arith.constant 0 : i32
        %lt3A_495 = arith.cmpi slt, %select_n3A_488, %lt3A_494 : i32
        %ne3A_496 = arith.xori %lt3A_493, %lt3A_495 : i1
        %and3A_497 = arith.andi %ne3A_496, %ne3A_491 : i1
        %add3A_498 = arith.addi %rem3A_489, %select_n3A_488 : i32
        %select_n3A_499 = arith.select %and3A_497, %add3A_498, %rem3A_489 : i32
        %mul3A_500 = arith.constant 2 : i32
        %mul3A_501 = arith.muli %select_n3A_484, %mul3A_500 : i32
        %mul3A_502 = arith.constant 4 : i32
        %mul3A_503 = arith.muli %mul3A_501, %mul3A_502 : i32
        %add3A_504 = arith.addi %mul3A_503, %select_n3A_499 : i32
        %mul3A_505 = arith.constant 16 : i32
        %mul3A_506 = arith.muli %add3A_504, %mul3A_505 : i32
        %get3A = arith.index_cast %mul3A_506 : i32 to index
        %get3A_507 = tpu.vector_load %arg10[%get3A] {strides = array<i32>} : memref<528xi32, #tpu.memory_space<vmem>>, vector<16xi32>,
        %get3A_508 = arith.index_cast %mul3A_506 : i32 to index
        %get3A_509 = tpu.vector_load %arg11[%get3A_508] {strides = array<i32>} : memref<528xi32, #tpu.memory_space<vmem>>, vector<16xi32>,
        %add3A_510 = arith.constant 64 : i32
        %add3A_511 = arith.addi %mul3A_506, %add3A_510 : i32
        %get3A_512 = arith.index_cast %add3A_511 : i32 to index
        %get3A_513 = tpu.vector_load %arg10[%get3A_512] {strides = array<i32>} : memref<528xi32, #tpu.memory_space<vmem>>, vector<16xi32>,
        %add3A_514 = arith.constant 64 : i32
        %add3A_515 = arith.addi %mul3A_506, %add3A_514 : i32
        %get3A_516 = arith.index_cast %add3A_515 : i32 to index
        %get3A_517 = tpu.vector_load %arg11[%get3A_516] {strides = array<i32>} : memref<528xi32, #tpu.memory_space<vmem>>, vector<16xi32>,
        %gt3A_518 = arith.cmpi sgt, %get3A_507, %get3A_513 : vector<16xi32>
        %eq3A_519 = arith.cmpi eq, %get3A_507, %get3A_513 : vector<16xi32>
        %lt3A_520 = arith.cmpi slt, %get3A_509, %get3A_517 : vector<16xi32>
        %and3A_521 = arith.andi %eq3A_519, %lt3A_520 : vector<16xi1>
        %or3A_522 = arith.ori %gt3A_518, %and3A_521 : vector<16xi1>
        %select_n3A_523 = arith.select %or3A_522, %get3A_507, %get3A_513 : vector<16xi1>, vector<16xi32>
        %swap3A = arith.index_cast %mul3A_506 : i32 to index
        %swap3A_524 = tpu.vector_load %arg10[%swap3A] {strides = array<i32>} : memref<528xi32, #tpu.memory_space<vmem>>, vector<16xi32>,
        tpu.vector_store %arg10[%swap3A], %select_n3A_523 {strides = array<i32>} : memref<528xi32, #tpu.memory_space<vmem>>, vector<16xi32>,
        %select_n3A_525 = arith.select %or3A_522, %get3A_509, %get3A_517 : vector<16xi1>, vector<16xi32>
        %swap3A_526 = arith.index_cast %mul3A_506 : i32 to index
        %swap3A_527 = tpu.vector_load %arg11[%swap3A_526] {strides = array<i32>} : memref<528xi32, #tpu.memory_space<vmem>>, vector<16xi32>,
        tpu.vector_store %arg11[%swap3A_526], %select_n3A_525 {strides = array<i32>} : memref<528xi32, #tpu.memory_space<vmem>>, vector<16xi32>,
        %select_n3A_528 = arith.select %or3A_522, %get3A_513, %get3A_507 : vector<16xi1>, vector<16xi32>
        %add3A_529 = arith.constant 64 : i32
        %add3A_530 = arith.addi %mul3A_506, %add3A_529 : i32
        %swap3A_531 = arith.index_cast %add3A_530 : i32 to index
        %swap3A_532 = tpu.vector_load %arg10[%swap3A_531] {strides = array<i32>} : memref<528xi32, #tpu.memory_space<vmem>>, vector<16xi32>,
        tpu.vector_store %arg10[%swap3A_531], %select_n3A_528 {strides = array<i32>} : memref<528xi32, #tpu.memory_space<vmem>>, vector<16xi32>,
        %select_n3A_533 = arith.select %or3A_522, %get3A_517, %get3A_509 : vector<16xi1>, vector<16xi32>
        %add3A_534 = arith.constant 64 : i32
        %add3A_535 = arith.addi %mul3A_506, %add3A_534 : i32
        %swap3A_536 = arith.index_cast %add3A_535 : i32 to index
        %swap3A_537 = tpu.vector_load %arg11[%swap3A_536] {strides = array<i32>} : memref<528xi32, #tpu.memory_space<vmem>>, vector<16xi32>,
        tpu.vector_store %arg11[%swap3A_536], %select_n3A_533 {strides = array<i32>} : memref<528xi32, #tpu.memory_space<vmem>>, vector<16xi32>,
      }
      %scan3A_170 = arith.constant 16 : i32
      %scan3A_171 = arith.constant 0 : i32
      %scan3A_172 = arith.constant 0 : i32
      %scan3A_173 = arith.constant 16 : i32
      %scan3A_174 = arith.addi %scan3A_172, %scan3A_173 : i32
      %scan3A_175 = arith.constant 1 : i32
      scf.for %scan3A_460 = %scan3A_172 to %scan3A_174 step %scan3A_175  : i32 {
        %jit3A_461 = arith.constant 2 : i32
        %div3A_462 = arith.divsi %scan3A_460, %jit3A_461 : i32
        %sign3A_463 = arith.constant 0 : i32
        %sign3A_464 = arith.cmpi sgt, %scan3A_460, %sign3A_463 : i32
        %sign3A_465 = arith.extui %sign3A_464 : i1 to i32
        %sign3A_466 = arith.constant 0 : i32
        %sign3A_467 = arith.cmpi slt, %scan3A_460, %sign3A_466 : i32
        %sign3A_468 = arith.extui %sign3A_467 : i1 to i32
        %sign3A_469 = arith.subi %sign3A_465, %sign3A_468 : i32
        %sign3A_470 = arith.constant 0 : i32
        %sign3A_471 = arith.cmpi sgt, %jit3A_461, %sign3A_470 : i32
        %sign3A_472 = arith.extui %sign3A_471 : i1 to i32
        %sign3A_473 = arith.constant 0 : i32
        %sign3A_474 = arith.cmpi slt, %jit3A_461, %sign3A_473 : i32
        %sign3A_475 = arith.extui %sign3A_474 : i1 to i32
        %sign3A_476 = arith.subi %sign3A_472, %sign3A_475 : i32
        %ne3A_477 = arith.cmpi ne, %sign3A_469, %sign3A_476 : i32
        %rem3A_478 = arith.remsi %scan3A_460, %jit3A_461 : i32
        %ne3A_479 = arith.constant 0 : i32
        %ne3A_480 = arith.cmpi ne, %rem3A_478, %ne3A_479 : i32
        %and3A_481 = arith.andi %ne3A_477, %ne3A_480 : i1
        %sub3A_482 = arith.constant 1 : i32
        %sub3A_483 = arith.subi %div3A_462, %sub3A_482 : i32
        %select_n3A_484 = arith.select %and3A_481, %sub3A_483, %div3A_462 : i32
        %jit3A_485 = arith.constant 2 : i32
        %eq3A = arith.constant 0 : i32
        %eq3A_486 = arith.cmpi eq, %jit3A_485, %eq3A : i32
        %jit3A_487 = arith.constant 1 : i32
        %select_n3A_488 = arith.select %eq3A_486, %jit3A_487, %jit3A_485 : i32
        %rem3A_489 = arith.remsi %scan3A_460, %select_n3A_488 : i32
        %ne3A_490 = arith.constant 0 : i32
        %ne3A_491 = arith.cmpi ne, %rem3A_489, %ne3A_490 : i32
        %lt3A_492 = arith.constant 0 : i32
        %lt3A_493 = arith.cmpi slt, %rem3A_489, %lt3A_492 : i32
        %lt3A_494 = arith.constant 0 : i32
        %lt3A_495 = arith.cmpi slt, %select_n3A_488, %lt3A_494 : i32
        %ne3A_496 = arith.xori %lt3A_493, %lt3A_495 : i1
        %and3A_497 = arith.andi %ne3A_496, %ne3A_491 : i1
        %add3A_498 = arith.addi %rem3A_489, %select_n3A_488 : i32
        %select_n3A_499 = arith.select %and3A_497, %add3A_498, %rem3A_489 : i32
        %mul3A_500 = arith.constant 2 : i32
        %mul3A_501 = arith.muli %select_n3A_484, %mul3A_500 : i32
        %mul3A_502 = arith.constant 2 : i32
        %mul3A_503 = arith.muli %mul3A_501, %mul3A_502 : i32
        %add3A_504 = arith.addi %mul3A_503, %select_n3A_499 : i32
        %mul3A_505 = arith.constant 16 : i32
        %mul3A_506 = arith.muli %add3A_504, %mul3A_505 : i32
        %get3A = arith.index_cast %mul3A_506 : i32 to index
        %get3A_507 = tpu.vector_load %arg10[%get3A] {strides = array<i32>} : memref<528xi32, #tpu.memory_space<vmem>>, vector<16xi32>,
        %get3A_508 = arith.index_cast %mul3A_506 : i32 to index
        %get3A_509 = tpu.vector_load %arg11[%get3A_508] {strides = array<i32>} : memref<528xi32, #tpu.memory_space<vmem>>, vector<16xi32>,
        %add3A_510 = arith.constant 32 : i32
        %add3A_511 = arith.addi %mul3A_506, %add3A_510 : i32
        %get3A_512 = arith.index_cast %add3A_511 : i32 to index
        %get3A_513 = tpu.vector_load %arg10[%get3A_512] {strides = array<i32>} : memref<528xi32, #tpu.memory_space<vmem>>, vector<16xi32>,
        %add3A_514 = arith.constant 32 : i32
        %add3A_515 = arith.addi %mul3A_506, %add3A_514 : i32
        %get3A_516 = arith.index_cast %add3A_515 : i32 to index
        %get3A_517 = tpu.vector_load %arg11[%get3A_516] {strides = array<i32>} : memref<528xi32, #tpu.memory_space<vmem>>, vector<16xi32>,
        %gt3A_518 = arith.cmpi sgt, %get3A_507, %get3A_513 : vector<16xi32>
        %eq3A_519 = arith.cmpi eq, %get3A_507, %get3A_513 : vector<16xi32>
        %lt3A_520 = arith.cmpi slt, %get3A_509, %get3A_517 : vector<16xi32>
        %and3A_521 = arith.andi %eq3A_519, %lt3A_520 : vector<16xi1>
        %or3A_522 = arith.ori %gt3A_518, %and3A_521 : vector<16xi1>
        %select_n3A_523 = arith.select %or3A_522, %get3A_507, %get3A_513 : vector<16xi1>, vector<16xi32>
        %swap3A = arith.index_cast %mul3A_506 : i32 to index
        %swap3A_524 = tpu.vector_load %arg10[%swap3A] {strides = array<i32>} : memref<528xi32, #tpu.memory_space<vmem>>, vector<16xi32>,
        tpu.vector_store %arg10[%swap3A], %select_n3A_523 {strides = array<i32>} : memref<528xi32, #tpu.memory_space<vmem>>, vector<16xi32>,
        %select_n3A_525 = arith.select %or3A_522, %get3A_509, %get3A_517 : vector<16xi1>, vector<16xi32>
        %swap3A_526 = arith.index_cast %mul3A_506 : i32 to index
        %swap3A_527 = tpu.vector_load %arg11[%swap3A_526] {strides = array<i32>} : memref<528xi32, #tpu.memory_space<vmem>>, vector<16xi32>,
        tpu.vector_store %arg11[%swap3A_526], %select_n3A_525 {strides = array<i32>} : memref<528xi32, #tpu.memory_space<vmem>>, vector<16xi32>,
        %select_n3A_528 = arith.select %or3A_522, %get3A_513, %get3A_507 : vector<16xi1>, vector<16xi32>
        %add3A_529 = arith.constant 32 : i32
        %add3A_530 = arith.addi %mul3A_506, %add3A_529 : i32
        %swap3A_531 = arith.index_cast %add3A_530 : i32 to index
        %swap3A_532 = tpu.vector_load %arg10[%swap3A_531] {strides = array<i32>} : memref<528xi32, #tpu.memory_space<vmem>>, vector<16xi32>,
        tpu.vector_store %arg10[%swap3A_531], %select_n3A_528 {strides = array<i32>} : memref<528xi32, #tpu.memory_space<vmem>>, vector<16xi32>,
        %select_n3A_533 = arith.select %or3A_522, %get3A_517, %get3A_509 : vector<16xi1>, vector<16xi32>
        %add3A_534 = arith.constant 32 : i32
        %add3A_535 = arith.addi %mul3A_506, %add3A_534 : i32
        %swap3A_536 = arith.index_cast %add3A_535 : i32 to index
        %swap3A_537 = tpu.vector_load %arg11[%swap3A_536] {strides = array<i32>} : memref<528xi32, #tpu.memory_space<vmem>>, vector<16xi32>,
        tpu.vector_store %arg11[%swap3A_536], %select_n3A_533 {strides = array<i32>} : memref<528xi32, #tpu.memory_space<vmem>>, vector<16xi32>,
      }
      %scan3A_176 = arith.constant 16 : i32
      %scan3A_177 = arith.constant 0 : i32
      %scan3A_178 = arith.constant 0 : i32
      %scan3A_179 = arith.constant 16 : i32
      %scan3A_180 = arith.addi %scan3A_178, %scan3A_179 : i32
      %scan3A_181 = arith.constant 1 : i32
      scf.for %scan3A_460 = %scan3A_178 to %scan3A_180 step %scan3A_181  : i32 {
        %jit3A_461 = arith.constant 1 : i32
        %div3A_462 = arith.divsi %scan3A_460, %jit3A_461 : i32
        %sign3A_463 = arith.constant 0 : i32
        %sign3A_464 = arith.cmpi sgt, %scan3A_460, %sign3A_463 : i32
        %sign3A_465 = arith.extui %sign3A_464 : i1 to i32
        %sign3A_466 = arith.constant 0 : i32
        %sign3A_467 = arith.cmpi slt, %scan3A_460, %sign3A_466 : i32
        %sign3A_468 = arith.extui %sign3A_467 : i1 to i32
        %sign3A_469 = arith.subi %sign3A_465, %sign3A_468 : i32
        %sign3A_470 = arith.constant 0 : i32
        %sign3A_471 = arith.cmpi sgt, %jit3A_461, %sign3A_470 : i32
        %sign3A_472 = arith.extui %sign3A_471 : i1 to i32
        %sign3A_473 = arith.constant 0 : i32
        %sign3A_474 = arith.cmpi slt, %jit3A_461, %sign3A_473 : i32
        %sign3A_475 = arith.extui %sign3A_474 : i1 to i32
        %sign3A_476 = arith.subi %sign3A_472, %sign3A_475 : i32
        %ne3A_477 = arith.cmpi ne, %sign3A_469, %sign3A_476 : i32
        %rem3A_478 = arith.remsi %scan3A_460, %jit3A_461 : i32
        %ne3A_479 = arith.constant 0 : i32
        %ne3A_480 = arith.cmpi ne, %rem3A_478, %ne3A_479 : i32
        %and3A_481 = arith.andi %ne3A_477, %ne3A_480 : i1
        %sub3A_482 = arith.constant 1 : i32
        %sub3A_483 = arith.subi %div3A_462, %sub3A_482 : i32
        %select_n3A_484 = arith.select %and3A_481, %sub3A_483, %div3A_462 : i32
        %jit3A_485 = arith.constant 1 : i32
        %eq3A = arith.constant 0 : i32
        %eq3A_486 = arith.cmpi eq, %jit3A_485, %eq3A : i32
        %jit3A_487 = arith.constant 1 : i32
        %select_n3A_488 = arith.select %eq3A_486, %jit3A_487, %jit3A_485 : i32
        %rem3A_489 = arith.remsi %scan3A_460, %select_n3A_488 : i32
        %ne3A_490 = arith.constant 0 : i32
        %ne3A_491 = arith.cmpi ne, %rem3A_489, %ne3A_490 : i32
        %lt3A_492 = arith.constant 0 : i32
        %lt3A_493 = arith.cmpi slt, %rem3A_489, %lt3A_492 : i32
        %lt3A_494 = arith.constant 0 : i32
        %lt3A_495 = arith.cmpi slt, %select_n3A_488, %lt3A_494 : i32
        %ne3A_496 = arith.xori %lt3A_493, %lt3A_495 : i1
        %and3A_497 = arith.andi %ne3A_496, %ne3A_491 : i1
        %add3A_498 = arith.addi %rem3A_489, %select_n3A_488 : i32
        %select_n3A_499 = arith.select %and3A_497, %add3A_498, %rem3A_489 : i32
        %mul3A_500 = arith.constant 2 : i32
        %mul3A_501 = arith.muli %select_n3A_484, %mul3A_500 : i32
        %mul3A_502 = arith.constant 1 : i32
        %mul3A_503 = arith.muli %mul3A_501, %mul3A_502 : i32
        %add3A_504 = arith.addi %mul3A_503, %select_n3A_499 : i32
        %mul3A_505 = arith.constant 16 : i32
        %mul3A_506 = arith.muli %add3A_504, %mul3A_505 : i32
        %get3A = arith.index_cast %mul3A_506 : i32 to index
        %get3A_507 = tpu.vector_load %arg10[%get3A] {strides = array<i32>} : memref<528xi32, #tpu.memory_space<vmem>>, vector<16xi32>,
        %get3A_508 = arith.index_cast %mul3A_506 : i32 to index
        %get3A_509 = tpu.vector_load %arg11[%get3A_508] {strides = array<i32>} : memref<528xi32, #tpu.memory_space<vmem>>, vector<16xi32>,
        %add3A_510 = arith.constant 16 : i32
        %add3A_511 = arith.addi %mul3A_506, %add3A_510 : i32
        %get3A_512 = arith.index_cast %add3A_511 : i32 to index
        %get3A_513 = tpu.vector_load %arg10[%get3A_512] {strides = array<i32>} : memref<528xi32, #tpu.memory_space<vmem>>, vector<16xi32>,
        %add3A_514 = arith.constant 16 : i32
        %add3A_515 = arith.addi %mul3A_506, %add3A_514 : i32
        %get3A_516 = arith.index_cast %add3A_515 : i32 to index
        %get3A_517 = tpu.vector_load %arg11[%get3A_516] {strides = array<i32>} : memref<528xi32, #tpu.memory_space<vmem>>, vector<16xi32>,
        %gt3A_518 = arith.cmpi sgt, %get3A_507, %get3A_513 : vector<16xi32>
        %eq3A_519 = arith.cmpi eq, %get3A_507, %get3A_513 : vector<16xi32>
        %lt3A_520 = arith.cmpi slt, %get3A_509, %get3A_517 : vector<16xi32>
        %and3A_521 = arith.andi %eq3A_519, %lt3A_520 : vector<16xi1>
        %or3A_522 = arith.ori %gt3A_518, %and3A_521 : vector<16xi1>
        %select_n3A_523 = arith.select %or3A_522, %get3A_507, %get3A_513 : vector<16xi1>, vector<16xi32>
        %swap3A = arith.index_cast %mul3A_506 : i32 to index
        %swap3A_524 = tpu.vector_load %arg10[%swap3A] {strides = array<i32>} : memref<528xi32, #tpu.memory_space<vmem>>, vector<16xi32>,
        tpu.vector_store %arg10[%swap3A], %select_n3A_523 {strides = array<i32>} : memref<528xi32, #tpu.memory_space<vmem>>, vector<16xi32>,
        %select_n3A_525 = arith.select %or3A_522, %get3A_509, %get3A_517 : vector<16xi1>, vector<16xi32>
        %swap3A_526 = arith.index_cast %mul3A_506 : i32 to index
        %swap3A_527 = tpu.vector_load %arg11[%swap3A_526] {strides = array<i32>} : memref<528xi32, #tpu.memory_space<vmem>>, vector<16xi32>,
        tpu.vector_store %arg11[%swap3A_526], %select_n3A_525 {strides = array<i32>} : memref<528xi32, #tpu.memory_space<vmem>>, vector<16xi32>,
        %select_n3A_528 = arith.select %or3A_522, %get3A_513, %get3A_507 : vector<16xi1>, vector<16xi32>
        %add3A_529 = arith.constant 16 : i32
        %add3A_530 = arith.addi %mul3A_506, %add3A_529 : i32
        %swap3A_531 = arith.index_cast %add3A_530 : i32 to index
        %swap3A_532 = tpu.vector_load %arg10[%swap3A_531] {strides = array<i32>} : memref<528xi32, #tpu.memory_space<vmem>>, vector<16xi32>,
        tpu.vector_store %arg10[%swap3A_531], %select_n3A_528 {strides = array<i32>} : memref<528xi32, #tpu.memory_space<vmem>>, vector<16xi32>,
        %select_n3A_533 = arith.select %or3A_522, %get3A_517, %get3A_509 : vector<16xi1>, vector<16xi32>
        %add3A_534 = arith.constant 16 : i32
        %add3A_535 = arith.addi %mul3A_506, %add3A_534 : i32
        %swap3A_536 = arith.index_cast %add3A_535 : i32 to index
        %swap3A_537 = tpu.vector_load %arg11[%swap3A_536] {strides = array<i32>} : memref<528xi32, #tpu.memory_space<vmem>>, vector<16xi32>,
        tpu.vector_store %arg11[%swap3A_536], %select_n3A_533 {strides = array<i32>} : memref<528xi32, #tpu.memory_space<vmem>>, vector<16xi32>,
      }
      %scan3A_182 = arith.constant 16 : i32
      %scan3A_183 = arith.constant 0 : i32
      %scan3A_184 = arith.constant 0 : i32
      %scan3A_185 = arith.constant 32 : i32
      %scan3A_186 = arith.addi %scan3A_184, %scan3A_185 : i32
      %scan3A_187 = arith.constant 1 : i32
      scf.for %scan3A_460 = %scan3A_184 to %scan3A_186 step %scan3A_187  : i32 {
        %mul3A_461 = arith.constant 16 : i32
        %mul3A_462 = arith.muli %scan3A_460, %mul3A_461 : i32
        %get3A = arith.index_cast %mul3A_462 : i32 to index
        %get3A_463 = tpu.vector_load %arg10[%get3A] {strides = array<i32>} : memref<528xi32, #tpu.memory_space<vmem>>, vector<16xi32>,
        %get3A_464 = arith.index_cast %mul3A_462 : i32 to index
        %get3A_465 = tpu.vector_load %arg11[%get3A_464] {strides = array<i32>} : memref<528xi32, #tpu.memory_space<vmem>>, vector<16xi32>,
        %masked_sort3A = arith.constant dense<true> : vector<16xi1>
        %masked_sort3A_466 = arith.constant -2147483648 : i32
        %masked_sort3A_467 = vector.broadcast %masked_sort3A_466 : i32 to vector<16xi32>
        %masked_sort3A_468 = arith.xori %get3A_463, %masked_sort3A_467 : vector<16xi32>
        %masked_sort3A_469, %masked_sort3A_470, %masked_sort3A_471 = tpu.sort %masked_sort3A_468, %get3A_465 masked %masked_sort3A {descending = true} : (vector<16xi32>, vector<16xi32>, vector<16xi1>) -> (vector<16xi1>, vector<16xi32>, vector<16xi32>)
        %masked_sort3A_472 = arith.xori %masked_sort3A_470, %masked_sort3A_467 : vector<16xi32>
        %swap3A = arith.index_cast %mul3A_462 : i32 to index
        %swap3A_473 = tpu.vector_load %arg10[%swap3A] {strides = array<i32>} : memref<528xi32, #tpu.memory_space<vmem>>, vector<16xi32>,
        tpu.vector_store %arg10[%swap3A], %masked_sort3A_472 {strides = array<i32>} : memref<528xi32, #tpu.memory_space<vmem>>, vector<16xi32>,
        %swap3A_474 = arith.index_cast %mul3A_462 : i32 to index
        %swap3A_475 = tpu.vector_load %arg11[%swap3A_474] {strides = array<i32>} : memref<528xi32, #tpu.memory_space<vmem>>, vector<16xi32>,
        tpu.vector_store %arg11[%swap3A_474], %masked_sort3A_471 {strides = array<i32>} : memref<528xi32, #tpu.memory_space<vmem>>, vector<16xi32>,
      }
      %scan3A_188 = arith.constant 32 : i32
      %scan3A_189 = arith.constant 0 : i32
      %scan3A_190 = arith.constant 0 : i32
      %scan3A_191 = arith.constant 16 : i32
      %scan3A_192 = arith.addi %scan3A_190, %scan3A_191 : i32
      %scan3A_193 = arith.constant 1 : i32
      scf.for %scan3A_460 = %scan3A_190 to %scan3A_192 step %scan3A_193  : i32 {
        %jit3A_461 = arith.constant 16 : i32
        %div3A_462 = arith.divsi %scan3A_460, %jit3A_461 : i32
        %sign3A_463 = arith.constant 0 : i32
        %sign3A_464 = arith.cmpi sgt, %scan3A_460, %sign3A_463 : i32
        %sign3A_465 = arith.extui %sign3A_464 : i1 to i32
        %sign3A_466 = arith.constant 0 : i32
        %sign3A_467 = arith.cmpi slt, %scan3A_460, %sign3A_466 : i32
        %sign3A_468 = arith.extui %sign3A_467 : i1 to i32
        %sign3A_469 = arith.subi %sign3A_465, %sign3A_468 : i32
        %sign3A_470 = arith.constant 0 : i32
        %sign3A_471 = arith.cmpi sgt, %jit3A_461, %sign3A_470 : i32
        %sign3A_472 = arith.extui %sign3A_471 : i1 to i32
        %sign3A_473 = arith.constant 0 : i32
        %sign3A_474 = arith.cmpi slt, %jit3A_461, %sign3A_473 : i32
        %sign3A_475 = arith.extui %sign3A_474 : i1 to i32
        %sign3A_476 = arith.subi %sign3A_472, %sign3A_475 : i32
        %ne3A_477 = arith.cmpi ne, %sign3A_469, %sign3A_476 : i32
        %rem3A_478 = arith.remsi %scan3A_460, %jit3A_461 : i32
        %ne3A_479 = arith.constant 0 : i32
        %ne3A_480 = arith.cmpi ne, %rem3A_478, %ne3A_479 : i32
        %and3A_481 = arith.andi %ne3A_477, %ne3A_480 : i1
        %sub3A_482 = arith.constant 1 : i32
        %sub3A_483 = arith.subi %div3A_462, %sub3A_482 : i32
        %select_n3A_484 = arith.select %and3A_481, %sub3A_483, %div3A_462 : i32
        %jit3A_485 = arith.constant 16 : i32
        %eq3A = arith.constant 0 : i32
        %eq3A_486 = arith.cmpi eq, %jit3A_485, %eq3A : i32
        %jit3A_487 = arith.constant 1 : i32
        %select_n3A_488 = arith.select %eq3A_486, %jit3A_487, %jit3A_485 : i32
        %rem3A_489 = arith.remsi %scan3A_460, %select_n3A_488 : i32
        %ne3A_490 = arith.constant 0 : i32
        %ne3A_491 = arith.cmpi ne, %rem3A_489, %ne3A_490 : i32
        %lt3A_492 = arith.constant 0 : i32
        %lt3A_493 = arith.cmpi slt, %rem3A_489, %lt3A_492 : i32
        %lt3A_494 = arith.constant 0 : i32
        %lt3A_495 = arith.cmpi slt, %select_n3A_488, %lt3A_494 : i32
        %ne3A_496 = arith.xori %lt3A_493, %lt3A_495 : i1
        %and3A_497 = arith.andi %ne3A_496, %ne3A_491 : i1
        %add3A_498 = arith.addi %rem3A_489, %select_n3A_488 : i32
        %select_n3A_499 = arith.select %and3A_497, %add3A_498, %rem3A_489 : i32
        %mul3A_500 = arith.constant 2 : i32
        %mul3A_501 = arith.muli %mul3A_500, %select_n3A_484 : i32
        %mul3A_502 = arith.constant 16 : i32
        %mul3A_503 = arith.muli %mul3A_501, %mul3A_502 : i32
        %add3A_504 = arith.addi %mul3A_503, %select_n3A_499 : i32
        %mul3A_505 = arith.constant 16 : i32
        %mul3A_506 = arith.muli %add3A_504, %mul3A_505 : i32
        %add3A_507 = arith.constant 16 : i32
        %add3A_508 = arith.addi %mul3A_503, %add3A_507 : i32
        %sub3A_509 = arith.constant 15 : i32
        %sub3A_510 = arith.subi %sub3A_509, %select_n3A_499 : i32
        %add3A_511 = arith.addi %add3A_508, %sub3A_510 : i32
        %mul3A_512 = arith.constant 16 : i32
        %mul3A_513 = arith.muli %add3A_511, %mul3A_512 : i32
        %get3A = arith.index_cast %mul3A_506 : i32 to index
        %get3A_514 = tpu.vector_load %arg10[%get3A] {strides = array<i32>} : memref<528xi32, #tpu.memory_space<vmem>>, vector<16xi32>,
        %get3A_515 = arith.index_cast %mul3A_506 : i32 to index
        %get3A_516 = tpu.vector_load %arg11[%get3A_515] {strides = array<i32>} : memref<528xi32, #tpu.memory_space<vmem>>, vector<16xi32>,
        %get3A_517 = arith.index_cast %mul3A_513 : i32 to index
        %get3A_518 = tpu.vector_load %arg10[%get3A_517] {strides = array<i32>} : memref<528xi32, #tpu.memory_space<vmem>>, vector<16xi32>,
        %rev3A = arith.constant 15 : i32
        %rev3A_519 = vector.broadcast %rev3A : i32 to vector<16xi32>
        %rev3A_520 = tpu.iota {dimensions = array<i32: 0>} : vector<16xi32>
        %rev3A_521 = arith.subi %rev3A_519, %rev3A_520 : vector<16xi32>
        %rev3A_522 = tpu.dynamic_gather %get3A_518[%rev3A_521] in [0] : vector<16xi32>, vector<16xi32> -> vector<16xi32>
        %get3A_523 = arith.index_cast %mul3A_513 : i32 to index
        %get3A_524 = tpu.vector_load %arg11[%get3A_523] {strides = array<i32>} : memref<528xi32, #tpu.memory_space<vmem>>, vector<16xi32>,
        %rev3A_525 = arith.constant 15 : i32
        %rev3A_526 = vector.broadcast %rev3A_525 : i32 to vector<16xi32>
        %rev3A_527 = tpu.iota {dimensions = array<i32: 0>} : vector<16xi32>
        %rev3A_528 = arith.subi %rev3A_526, %rev3A_527 : vector<16xi32>
        %rev3A_529 = tpu.dynamic_gather %get3A_524[%rev3A_528] in [0] : vector<16xi32>, vector<16xi32> -> vector<16xi32>
        %gt3A_530 = arith.cmpi sgt, %get3A_514, %rev3A_522 : vector<16xi32>
        %eq3A_531 = arith.cmpi eq, %get3A_514, %rev3A_522 : vector<16xi32>
        %lt3A_532 = arith.cmpi slt, %get3A_516, %rev3A_529 : vector<16xi32>
        %and3A_533 = arith.andi %eq3A_531, %lt3A_532 : vector<16xi1>
        %or3A_534 = arith.ori %gt3A_530, %and3A_533 : vector<16xi1>
        %select_n3A_535 = arith.select %or3A_534, %get3A_514, %rev3A_522 : vector<16xi1>, vector<16xi32>
        %swap3A = arith.index_cast %mul3A_506 : i32 to index
        %swap3A_536 = tpu.vector_load %arg12[%swap3A] {strides = array<i32>} : memref<528xi32, #tpu.memory_space<vmem>>, vector<16xi32>,
        tpu.vector_store %arg12[%swap3A], %select_n3A_535 {strides = array<i32>} : memref<528xi32, #tpu.memory_space<vmem>>, vector<16xi32>,
        %select_n3A_537 = arith.select %or3A_534, %get3A_516, %rev3A_529 : vector<16xi1>, vector<16xi32>
        %swap3A_538 = arith.index_cast %mul3A_506 : i32 to index
        %swap3A_539 = tpu.vector_load %arg13[%swap3A_538] {strides = array<i32>} : memref<528xi32, #tpu.memory_space<vmem>>, vector<16xi32>,
        tpu.vector_store %arg13[%swap3A_538], %select_n3A_537 {strides = array<i32>} : memref<528xi32, #tpu.memory_space<vmem>>, vector<16xi32>,
        %add3A_540 = arith.constant 16 : i32
        %add3A_541 = arith.addi %mul3A_503, %add3A_540 : i32
        %add3A_542 = arith.addi %add3A_541, %select_n3A_499 : i32
        %mul3A_543 = arith.constant 16 : i32
        %mul3A_544 = arith.muli %add3A_542, %mul3A_543 : i32
        %select_n3A_545 = arith.select %or3A_534, %rev3A_522, %get3A_514 : vector<16xi1>, vector<16xi32>
        %swap3A_546 = arith.index_cast %mul3A_544 : i32 to index
        %swap3A_547 = tpu.vector_load %arg12[%swap3A_546] {strides = array<i32>} : memref<528xi32, #tpu.memory_space<vmem>>, vector<16xi32>,
        tpu.vector_store %arg12[%swap3A_546], %select_n3A_545 {strides = array<i32>} : memref<528xi32, #tpu.memory_space<vmem>>, vector<16xi32>,
        %select_n3A_548 = arith.select %or3A_534, %rev3A_529, %get3A_516 : vector<16xi1>, vector<16xi32>
        %swap3A_549 = arith.index_cast %mul3A_544 : i32 to index
        %swap3A_550 = tpu.vector_load %arg13[%swap3A_549] {strides = array<i32>} : memref<528xi32, #tpu.memory_space<vmem>>, vector<16xi32>,
        tpu.vector_store %arg13[%swap3A_549], %select_n3A_548 {strides = array<i32>} : memref<528xi32, #tpu.memory_space<vmem>>, vector<16xi32>,
      }
      %scan3A_194 = arith.constant 16 : i32
      %scan3A_195 = arith.constant 0 : i32
      %scan3A_196 = arith.constant 0 : i32
      %scan3A_197 = arith.constant 16 : i32
      %scan3A_198 = arith.addi %scan3A_196, %scan3A_197 : i32
      %scan3A_199 = arith.constant 1 : i32
      scf.for %scan3A_460 = %scan3A_196 to %scan3A_198 step %scan3A_199  : i32 {
        %jit3A_461 = arith.constant 8 : i32
        %div3A_462 = arith.divsi %scan3A_460, %jit3A_461 : i32
        %sign3A_463 = arith.constant 0 : i32
        %sign3A_464 = arith.cmpi sgt, %scan3A_460, %sign3A_463 : i32
        %sign3A_465 = arith.extui %sign3A_464 : i1 to i32
        %sign3A_466 = arith.constant 0 : i32
        %sign3A_467 = arith.cmpi slt, %scan3A_460, %sign3A_466 : i32
        %sign3A_468 = arith.extui %sign3A_467 : i1 to i32
        %sign3A_469 = arith.subi %sign3A_465, %sign3A_468 : i32
        %sign3A_470 = arith.constant 0 : i32
        %sign3A_471 = arith.cmpi sgt, %jit3A_461, %sign3A_470 : i32
        %sign3A_472 = arith.extui %sign3A_471 : i1 to i32
        %sign3A_473 = arith.constant 0 : i32
        %sign3A_474 = arith.cmpi slt, %jit3A_461, %sign3A_473 : i32
        %sign3A_475 = arith.extui %sign3A_474 : i1 to i32
        %sign3A_476 = arith.subi %sign3A_472, %sign3A_475 : i32
        %ne3A_477 = arith.cmpi ne, %sign3A_469, %sign3A_476 : i32
        %rem3A_478 = arith.remsi %scan3A_460, %jit3A_461 : i32
        %ne3A_479 = arith.constant 0 : i32
        %ne3A_480 = arith.cmpi ne, %rem3A_478, %ne3A_479 : i32
        %and3A_481 = arith.andi %ne3A_477, %ne3A_480 : i1
        %sub3A_482 = arith.constant 1 : i32
        %sub3A_483 = arith.subi %div3A_462, %sub3A_482 : i32
        %select_n3A_484 = arith.select %and3A_481, %sub3A_483, %div3A_462 : i32
        %jit3A_485 = arith.constant 8 : i32
        %eq3A = arith.constant 0 : i32
        %eq3A_486 = arith.cmpi eq, %jit3A_485, %eq3A : i32
        %jit3A_487 = arith.constant 1 : i32
        %select_n3A_488 = arith.select %eq3A_486, %jit3A_487, %jit3A_485 : i32
        %rem3A_489 = arith.remsi %scan3A_460, %select_n3A_488 : i32
        %ne3A_490 = arith.constant 0 : i32
        %ne3A_491 = arith.cmpi ne, %rem3A_489, %ne3A_490 : i32
        %lt3A_492 = arith.constant 0 : i32
        %lt3A_493 = arith.cmpi slt, %rem3A_489, %lt3A_492 : i32
        %lt3A_494 = arith.constant 0 : i32
        %lt3A_495 = arith.cmpi slt, %select_n3A_488, %lt3A_494 : i32
        %ne3A_496 = arith.xori %lt3A_493, %lt3A_495 : i1
        %and3A_497 = arith.andi %ne3A_496, %ne3A_491 : i1
        %add3A_498 = arith.addi %rem3A_489, %select_n3A_488 : i32
        %select_n3A_499 = arith.select %and3A_497, %add3A_498, %rem3A_489 : i32
        %mul3A_500 = arith.constant 2 : i32
        %mul3A_501 = arith.muli %select_n3A_484, %mul3A_500 : i32
        %mul3A_502 = arith.constant 8 : i32
        %mul3A_503 = arith.muli %mul3A_501, %mul3A_502 : i32
        %add3A_504 = arith.addi %mul3A_503, %select_n3A_499 : i32
        %mul3A_505 = arith.constant 16 : i32
        %mul3A_506 = arith.muli %add3A_504, %mul3A_505 : i32
        %get3A = arith.index_cast %mul3A_506 : i32 to index
        %get3A_507 = tpu.vector_load %arg12[%get3A] {strides = array<i32>} : memref<528xi32, #tpu.memory_space<vmem>>, vector<16xi32>,
        %get3A_508 = arith.index_cast %mul3A_506 : i32 to index
        %get3A_509 = tpu.vector_load %arg13[%get3A_508] {strides = array<i32>} : memref<528xi32, #tpu.memory_space<vmem>>, vector<16xi32>,
        %add3A_510 = arith.constant 128 : i32
        %add3A_511 = arith.addi %mul3A_506, %add3A_510 : i32
        %get3A_512 = arith.index_cast %add3A_511 : i32 to index
        %get3A_513 = tpu.vector_load %arg12[%get3A_512] {strides = array<i32>} : memref<528xi32, #tpu.memory_space<vmem>>, vector<16xi32>,
        %add3A_514 = arith.constant 128 : i32
        %add3A_515 = arith.addi %mul3A_506, %add3A_514 : i32
        %get3A_516 = arith.index_cast %add3A_515 : i32 to index
        %get3A_517 = tpu.vector_load %arg13[%get3A_516] {strides = array<i32>} : memref<528xi32, #tpu.memory_space<vmem>>, vector<16xi32>,
        %gt3A_518 = arith.cmpi sgt, %get3A_507, %get3A_513 : vector<16xi32>
        %eq3A_519 = arith.cmpi eq, %get3A_507, %get3A_513 : vector<16xi32>
        %lt3A_520 = arith.cmpi slt, %get3A_509, %get3A_517 : vector<16xi32>
        %and3A_521 = arith.andi %eq3A_519, %lt3A_520 : vector<16xi1>
        %or3A_522 = arith.ori %gt3A_518, %and3A_521 : vector<16xi1>
        %select_n3A_523 = arith.select %or3A_522, %get3A_507, %get3A_513 : vector<16xi1>, vector<16xi32>
        %swap3A = arith.index_cast %mul3A_506 : i32 to index
        %swap3A_524 = tpu.vector_load %arg12[%swap3A] {strides = array<i32>} : memref<528xi32, #tpu.memory_space<vmem>>, vector<16xi32>,
        tpu.vector_store %arg12[%swap3A], %select_n3A_523 {strides = array<i32>} : memref<528xi32, #tpu.memory_space<vmem>>, vector<16xi32>,
        %select_n3A_525 = arith.select %or3A_522, %get3A_509, %get3A_517 : vector<16xi1>, vector<16xi32>
        %swap3A_526 = arith.index_cast %mul3A_506 : i32 to index
        %swap3A_527 = tpu.vector_load %arg13[%swap3A_526] {strides = array<i32>} : memref<528xi32, #tpu.memory_space<vmem>>, vector<16xi32>,
        tpu.vector_store %arg13[%swap3A_526], %select_n3A_525 {strides = array<i32>} : memref<528xi32, #tpu.memory_space<vmem>>, vector<16xi32>,
        %select_n3A_528 = arith.select %or3A_522, %get3A_513, %get3A_507 : vector<16xi1>, vector<16xi32>
        %add3A_529 = arith.constant 128 : i32
        %add3A_530 = arith.addi %mul3A_506, %add3A_529 : i32
        %swap3A_531 = arith.index_cast %add3A_530 : i32 to index
        %swap3A_532 = tpu.vector_load %arg12[%swap3A_531] {strides = array<i32>} : memref<528xi32, #tpu.memory_space<vmem>>, vector<16xi32>,
        tpu.vector_store %arg12[%swap3A_531], %select_n3A_528 {strides = array<i32>} : memref<528xi32, #tpu.memory_space<vmem>>, vector<16xi32>,
        %select_n3A_533 = arith.select %or3A_522, %get3A_517, %get3A_509 : vector<16xi1>, vector<16xi32>
        %add3A_534 = arith.constant 128 : i32
        %add3A_535 = arith.addi %mul3A_506, %add3A_534 : i32
        %swap3A_536 = arith.index_cast %add3A_535 : i32 to index
        %swap3A_537 = tpu.vector_load %arg13[%swap3A_536] {strides = array<i32>} : memref<528xi32, #tpu.memory_space<vmem>>, vector<16xi32>,
        tpu.vector_store %arg13[%swap3A_536], %select_n3A_533 {strides = array<i32>} : memref<528xi32, #tpu.memory_space<vmem>>, vector<16xi32>,
      }
      %scan3A_200 = arith.constant 16 : i32
      %scan3A_201 = arith.constant 0 : i32
      %scan3A_202 = arith.constant 0 : i32
      %scan3A_203 = arith.constant 16 : i32
      %scan3A_204 = arith.addi %scan3A_202, %scan3A_203 : i32
      %scan3A_205 = arith.constant 1 : i32
      scf.for %scan3A_460 = %scan3A_202 to %scan3A_204 step %scan3A_205  : i32 {
        %jit3A_461 = arith.constant 4 : i32
        %div3A_462 = arith.divsi %scan3A_460, %jit3A_461 : i32
        %sign3A_463 = arith.constant 0 : i32
        %sign3A_464 = arith.cmpi sgt, %scan3A_460, %sign3A_463 : i32
        %sign3A_465 = arith.extui %sign3A_464 : i1 to i32
        %sign3A_466 = arith.constant 0 : i32
        %sign3A_467 = arith.cmpi slt, %scan3A_460, %sign3A_466 : i32
        %sign3A_468 = arith.extui %sign3A_467 : i1 to i32
        %sign3A_469 = arith.subi %sign3A_465, %sign3A_468 : i32
        %sign3A_470 = arith.constant 0 : i32
        %sign3A_471 = arith.cmpi sgt, %jit3A_461, %sign3A_470 : i32
        %sign3A_472 = arith.extui %sign3A_471 : i1 to i32
        %sign3A_473 = arith.constant 0 : i32
        %sign3A_474 = arith.cmpi slt, %jit3A_461, %sign3A_473 : i32
        %sign3A_475 = arith.extui %sign3A_474 : i1 to i32
        %sign3A_476 = arith.subi %sign3A_472, %sign3A_475 : i32
        %ne3A_477 = arith.cmpi ne, %sign3A_469, %sign3A_476 : i32
        %rem3A_478 = arith.remsi %scan3A_460, %jit3A_461 : i32
        %ne3A_479 = arith.constant 0 : i32
        %ne3A_480 = arith.cmpi ne, %rem3A_478, %ne3A_479 : i32
        %and3A_481 = arith.andi %ne3A_477, %ne3A_480 : i1
        %sub3A_482 = arith.constant 1 : i32
        %sub3A_483 = arith.subi %div3A_462, %sub3A_482 : i32
        %select_n3A_484 = arith.select %and3A_481, %sub3A_483, %div3A_462 : i32
        %jit3A_485 = arith.constant 4 : i32
        %eq3A = arith.constant 0 : i32
        %eq3A_486 = arith.cmpi eq, %jit3A_485, %eq3A : i32
        %jit3A_487 = arith.constant 1 : i32
        %select_n3A_488 = arith.select %eq3A_486, %jit3A_487, %jit3A_485 : i32
        %rem3A_489 = arith.remsi %scan3A_460, %select_n3A_488 : i32
        %ne3A_490 = arith.constant 0 : i32
        %ne3A_491 = arith.cmpi ne, %rem3A_489, %ne3A_490 : i32
        %lt3A_492 = arith.constant 0 : i32
        %lt3A_493 = arith.cmpi slt, %rem3A_489, %lt3A_492 : i32
        %lt3A_494 = arith.constant 0 : i32
        %lt3A_495 = arith.cmpi slt, %select_n3A_488, %lt3A_494 : i32
        %ne3A_496 = arith.xori %lt3A_493, %lt3A_495 : i1
        %and3A_497 = arith.andi %ne3A_496, %ne3A_491 : i1
        %add3A_498 = arith.addi %rem3A_489, %select_n3A_488 : i32
        %select_n3A_499 = arith.select %and3A_497, %add3A_498, %rem3A_489 : i32
        %mul3A_500 = arith.constant 2 : i32
        %mul3A_501 = arith.muli %select_n3A_484, %mul3A_500 : i32
        %mul3A_502 = arith.constant 4 : i32
        %mul3A_503 = arith.muli %mul3A_501, %mul3A_502 : i32
        %add3A_504 = arith.addi %mul3A_503, %select_n3A_499 : i32
        %mul3A_505 = arith.constant 16 : i32
        %mul3A_506 = arith.muli %add3A_504, %mul3A_505 : i32
        %get3A = arith.index_cast %mul3A_506 : i32 to index
        %get3A_507 = tpu.vector_load %arg12[%get3A] {strides = array<i32>} : memref<528xi32, #tpu.memory_space<vmem>>, vector<16xi32>,
        %get3A_508 = arith.index_cast %mul3A_506 : i32 to index
        %get3A_509 = tpu.vector_load %arg13[%get3A_508] {strides = array<i32>} : memref<528xi32, #tpu.memory_space<vmem>>, vector<16xi32>,
        %add3A_510 = arith.constant 64 : i32
        %add3A_511 = arith.addi %mul3A_506, %add3A_510 : i32
        %get3A_512 = arith.index_cast %add3A_511 : i32 to index
        %get3A_513 = tpu.vector_load %arg12[%get3A_512] {strides = array<i32>} : memref<528xi32, #tpu.memory_space<vmem>>, vector<16xi32>,
        %add3A_514 = arith.constant 64 : i32
        %add3A_515 = arith.addi %mul3A_506, %add3A_514 : i32
        %get3A_516 = arith.index_cast %add3A_515 : i32 to index
        %get3A_517 = tpu.vector_load %arg13[%get3A_516] {strides = array<i32>} : memref<528xi32, #tpu.memory_space<vmem>>, vector<16xi32>,
        %gt3A_518 = arith.cmpi sgt, %get3A_507, %get3A_513 : vector<16xi32>
        %eq3A_519 = arith.cmpi eq, %get3A_507, %get3A_513 : vector<16xi32>
        %lt3A_520 = arith.cmpi slt, %get3A_509, %get3A_517 : vector<16xi32>
        %and3A_521 = arith.andi %eq3A_519, %lt3A_520 : vector<16xi1>
        %or3A_522 = arith.ori %gt3A_518, %and3A_521 : vector<16xi1>
        %select_n3A_523 = arith.select %or3A_522, %get3A_507, %get3A_513 : vector<16xi1>, vector<16xi32>
        %swap3A = arith.index_cast %mul3A_506 : i32 to index
        %swap3A_524 = tpu.vector_load %arg12[%swap3A] {strides = array<i32>} : memref<528xi32, #tpu.memory_space<vmem>>, vector<16xi32>,
        tpu.vector_store %arg12[%swap3A], %select_n3A_523 {strides = array<i32>} : memref<528xi32, #tpu.memory_space<vmem>>, vector<16xi32>,
        %select_n3A_525 = arith.select %or3A_522, %get3A_509, %get3A_517 : vector<16xi1>, vector<16xi32>
        %swap3A_526 = arith.index_cast %mul3A_506 : i32 to index
        %swap3A_527 = tpu.vector_load %arg13[%swap3A_526] {strides = array<i32>} : memref<528xi32, #tpu.memory_space<vmem>>, vector<16xi32>,
        tpu.vector_store %arg13[%swap3A_526], %select_n3A_525 {strides = array<i32>} : memref<528xi32, #tpu.memory_space<vmem>>, vector<16xi32>,
        %select_n3A_528 = arith.select %or3A_522, %get3A_513, %get3A_507 : vector<16xi1>, vector<16xi32>
        %add3A_529 = arith.constant 64 : i32
        %add3A_530 = arith.addi %mul3A_506, %add3A_529 : i32
        %swap3A_531 = arith.index_cast %add3A_530 : i32 to index
        %swap3A_532 = tpu.vector_load %arg12[%swap3A_531] {strides = array<i32>} : memref<528xi32, #tpu.memory_space<vmem>>, vector<16xi32>,
        tpu.vector_store %arg12[%swap3A_531], %select_n3A_528 {strides = array<i32>} : memref<528xi32, #tpu.memory_space<vmem>>, vector<16xi32>,
        %select_n3A_533 = arith.select %or3A_522, %get3A_517, %get3A_509 : vector<16xi1>, vector<16xi32>
        %add3A_534 = arith.constant 64 : i32
        %add3A_535 = arith.addi %mul3A_506, %add3A_534 : i32
        %swap3A_536 = arith.index_cast %add3A_535 : i32 to index
        %swap3A_537 = tpu.vector_load %arg13[%swap3A_536] {strides = array<i32>} : memref<528xi32, #tpu.memory_space<vmem>>, vector<16xi32>,
        tpu.vector_store %arg13[%swap3A_536], %select_n3A_533 {strides = array<i32>} : memref<528xi32, #tpu.memory_space<vmem>>, vector<16xi32>,
      }
      %scan3A_206 = arith.constant 16 : i32
      %scan3A_207 = arith.constant 0 : i32
      %scan3A_208 = arith.constant 0 : i32
      %scan3A_209 = arith.constant 16 : i32
      %scan3A_210 = arith.addi %scan3A_208, %scan3A_209 : i32
      %scan3A_211 = arith.constant 1 : i32
      scf.for %scan3A_460 = %scan3A_208 to %scan3A_210 step %scan3A_211  : i32 {
        %jit3A_461 = arith.constant 2 : i32
        %div3A_462 = arith.divsi %scan3A_460, %jit3A_461 : i32
        %sign3A_463 = arith.constant 0 : i32
        %sign3A_464 = arith.cmpi sgt, %scan3A_460, %sign3A_463 : i32
        %sign3A_465 = arith.extui %sign3A_464 : i1 to i32
        %sign3A_466 = arith.constant 0 : i32
        %sign3A_467 = arith.cmpi slt, %scan3A_460, %sign3A_466 : i32
        %sign3A_468 = arith.extui %sign3A_467 : i1 to i32
        %sign3A_469 = arith.subi %sign3A_465, %sign3A_468 : i32
        %sign3A_470 = arith.constant 0 : i32
        %sign3A_471 = arith.cmpi sgt, %jit3A_461, %sign3A_470 : i32
        %sign3A_472 = arith.extui %sign3A_471 : i1 to i32
        %sign3A_473 = arith.constant 0 : i32
        %sign3A_474 = arith.cmpi slt, %jit3A_461, %sign3A_473 : i32
        %sign3A_475 = arith.extui %sign3A_474 : i1 to i32
        %sign3A_476 = arith.subi %sign3A_472, %sign3A_475 : i32
        %ne3A_477 = arith.cmpi ne, %sign3A_469, %sign3A_476 : i32
        %rem3A_478 = arith.remsi %scan3A_460, %jit3A_461 : i32
        %ne3A_479 = arith.constant 0 : i32
        %ne3A_480 = arith.cmpi ne, %rem3A_478, %ne3A_479 : i32
        %and3A_481 = arith.andi %ne3A_477, %ne3A_480 : i1
        %sub3A_482 = arith.constant 1 : i32
        %sub3A_483 = arith.subi %div3A_462, %sub3A_482 : i32
        %select_n3A_484 = arith.select %and3A_481, %sub3A_483, %div3A_462 : i32
        %jit3A_485 = arith.constant 2 : i32
        %eq3A = arith.constant 0 : i32
        %eq3A_486 = arith.cmpi eq, %jit3A_485, %eq3A : i32
        %jit3A_487 = arith.constant 1 : i32
        %select_n3A_488 = arith.select %eq3A_486, %jit3A_487, %jit3A_485 : i32
        %rem3A_489 = arith.remsi %scan3A_460, %select_n3A_488 : i32
        %ne3A_490 = arith.constant 0 : i32
        %ne3A_491 = arith.cmpi ne, %rem3A_489, %ne3A_490 : i32
        %lt3A_492 = arith.constant 0 : i32
        %lt3A_493 = arith.cmpi slt, %rem3A_489, %lt3A_492 : i32
        %lt3A_494 = arith.constant 0 : i32
        %lt3A_495 = arith.cmpi slt, %select_n3A_488, %lt3A_494 : i32
        %ne3A_496 = arith.xori %lt3A_493, %lt3A_495 : i1
        %and3A_497 = arith.andi %ne3A_496, %ne3A_491 : i1
        %add3A_498 = arith.addi %rem3A_489, %select_n3A_488 : i32
        %select_n3A_499 = arith.select %and3A_497, %add3A_498, %rem3A_489 : i32
        %mul3A_500 = arith.constant 2 : i32
        %mul3A_501 = arith.muli %select_n3A_484, %mul3A_500 : i32
        %mul3A_502 = arith.constant 2 : i32
        %mul3A_503 = arith.muli %mul3A_501, %mul3A_502 : i32
        %add3A_504 = arith.addi %mul3A_503, %select_n3A_499 : i32
        %mul3A_505 = arith.constant 16 : i32
        %mul3A_506 = arith.muli %add3A_504, %mul3A_505 : i32
        %get3A = arith.index_cast %mul3A_506 : i32 to index
        %get3A_507 = tpu.vector_load %arg12[%get3A] {strides = array<i32>} : memref<528xi32, #tpu.memory_space<vmem>>, vector<16xi32>,
        %get3A_508 = arith.index_cast %mul3A_506 : i32 to index
        %get3A_509 = tpu.vector_load %arg13[%get3A_508] {strides = array<i32>} : memref<528xi32, #tpu.memory_space<vmem>>, vector<16xi32>,
        %add3A_510 = arith.constant 32 : i32
        %add3A_511 = arith.addi %mul3A_506, %add3A_510 : i32
        %get3A_512 = arith.index_cast %add3A_511 : i32 to index
        %get3A_513 = tpu.vector_load %arg12[%get3A_512] {strides = array<i32>} : memref<528xi32, #tpu.memory_space<vmem>>, vector<16xi32>,
        %add3A_514 = arith.constant 32 : i32
        %add3A_515 = arith.addi %mul3A_506, %add3A_514 : i32
        %get3A_516 = arith.index_cast %add3A_515 : i32 to index
        %get3A_517 = tpu.vector_load %arg13[%get3A_516] {strides = array<i32>} : memref<528xi32, #tpu.memory_space<vmem>>, vector<16xi32>,
        %gt3A_518 = arith.cmpi sgt, %get3A_507, %get3A_513 : vector<16xi32>
        %eq3A_519 = arith.cmpi eq, %get3A_507, %get3A_513 : vector<16xi32>
        %lt3A_520 = arith.cmpi slt, %get3A_509, %get3A_517 : vector<16xi32>
        %and3A_521 = arith.andi %eq3A_519, %lt3A_520 : vector<16xi1>
        %or3A_522 = arith.ori %gt3A_518, %and3A_521 : vector<16xi1>
        %select_n3A_523 = arith.select %or3A_522, %get3A_507, %get3A_513 : vector<16xi1>, vector<16xi32>
        %swap3A = arith.index_cast %mul3A_506 : i32 to index
        %swap3A_524 = tpu.vector_load %arg12[%swap3A] {strides = array<i32>} : memref<528xi32, #tpu.memory_space<vmem>>, vector<16xi32>,
        tpu.vector_store %arg12[%swap3A], %select_n3A_523 {strides = array<i32>} : memref<528xi32, #tpu.memory_space<vmem>>, vector<16xi32>,
        %select_n3A_525 = arith.select %or3A_522, %get3A_509, %get3A_517 : vector<16xi1>, vector<16xi32>
        %swap3A_526 = arith.index_cast %mul3A_506 : i32 to index
        %swap3A_527 = tpu.vector_load %arg13[%swap3A_526] {strides = array<i32>} : memref<528xi32, #tpu.memory_space<vmem>>, vector<16xi32>,
        tpu.vector_store %arg13[%swap3A_526], %select_n3A_525 {strides = array<i32>} : memref<528xi32, #tpu.memory_space<vmem>>, vector<16xi32>,
        %select_n3A_528 = arith.select %or3A_522, %get3A_513, %get3A_507 : vector<16xi1>, vector<16xi32>
        %add3A_529 = arith.constant 32 : i32
        %add3A_530 = arith.addi %mul3A_506, %add3A_529 : i32
        %swap3A_531 = arith.index_cast %add3A_530 : i32 to index
        %swap3A_532 = tpu.vector_load %arg12[%swap3A_531] {strides = array<i32>} : memref<528xi32, #tpu.memory_space<vmem>>, vector<16xi32>,
        tpu.vector_store %arg12[%swap3A_531], %select_n3A_528 {strides = array<i32>} : memref<528xi32, #tpu.memory_space<vmem>>, vector<16xi32>,
        %select_n3A_533 = arith.select %or3A_522, %get3A_517, %get3A_509 : vector<16xi1>, vector<16xi32>
        %add3A_534 = arith.constant 32 : i32
        %add3A_535 = arith.addi %mul3A_506, %add3A_534 : i32
        %swap3A_536 = arith.index_cast %add3A_535 : i32 to index
        %swap3A_537 = tpu.vector_load %arg13[%swap3A_536] {strides = array<i32>} : memref<528xi32, #tpu.memory_space<vmem>>, vector<16xi32>,
        tpu.vector_store %arg13[%swap3A_536], %select_n3A_533 {strides = array<i32>} : memref<528xi32, #tpu.memory_space<vmem>>, vector<16xi32>,
      }
      %scan3A_212 = arith.constant 16 : i32
      %scan3A_213 = arith.constant 0 : i32
      %scan3A_214 = arith.constant 0 : i32
      %scan3A_215 = arith.constant 16 : i32
      %scan3A_216 = arith.addi %scan3A_214, %scan3A_215 : i32
      %scan3A_217 = arith.constant 1 : i32
      scf.for %scan3A_460 = %scan3A_214 to %scan3A_216 step %scan3A_217  : i32 {
        %jit3A_461 = arith.constant 1 : i32
        %div3A_462 = arith.divsi %scan3A_460, %jit3A_461 : i32
        %sign3A_463 = arith.constant 0 : i32
        %sign3A_464 = arith.cmpi sgt, %scan3A_460, %sign3A_463 : i32
        %sign3A_465 = arith.extui %sign3A_464 : i1 to i32
        %sign3A_466 = arith.constant 0 : i32
        %sign3A_467 = arith.cmpi slt, %scan3A_460, %sign3A_466 : i32
        %sign3A_468 = arith.extui %sign3A_467 : i1 to i32
        %sign3A_469 = arith.subi %sign3A_465, %sign3A_468 : i32
        %sign3A_470 = arith.constant 0 : i32
        %sign3A_471 = arith.cmpi sgt, %jit3A_461, %sign3A_470 : i32
        %sign3A_472 = arith.extui %sign3A_471 : i1 to i32
        %sign3A_473 = arith.constant 0 : i32
        %sign3A_474 = arith.cmpi slt, %jit3A_461, %sign3A_473 : i32
        %sign3A_475 = arith.extui %sign3A_474 : i1 to i32
        %sign3A_476 = arith.subi %sign3A_472, %sign3A_475 : i32
        %ne3A_477 = arith.cmpi ne, %sign3A_469, %sign3A_476 : i32
        %rem3A_478 = arith.remsi %scan3A_460, %jit3A_461 : i32
        %ne3A_479 = arith.constant 0 : i32
        %ne3A_480 = arith.cmpi ne, %rem3A_478, %ne3A_479 : i32
        %and3A_481 = arith.andi %ne3A_477, %ne3A_480 : i1
        %sub3A_482 = arith.constant 1 : i32
        %sub3A_483 = arith.subi %div3A_462, %sub3A_482 : i32
        %select_n3A_484 = arith.select %and3A_481, %sub3A_483, %div3A_462 : i32
        %jit3A_485 = arith.constant 1 : i32
        %eq3A = arith.constant 0 : i32
        %eq3A_486 = arith.cmpi eq, %jit3A_485, %eq3A : i32
        %jit3A_487 = arith.constant 1 : i32
        %select_n3A_488 = arith.select %eq3A_486, %jit3A_487, %jit3A_485 : i32
        %rem3A_489 = arith.remsi %scan3A_460, %select_n3A_488 : i32
        %ne3A_490 = arith.constant 0 : i32
        %ne3A_491 = arith.cmpi ne, %rem3A_489, %ne3A_490 : i32
        %lt3A_492 = arith.constant 0 : i32
        %lt3A_493 = arith.cmpi slt, %rem3A_489, %lt3A_492 : i32
        %lt3A_494 = arith.constant 0 : i32
        %lt3A_495 = arith.cmpi slt, %select_n3A_488, %lt3A_494 : i32
        %ne3A_496 = arith.xori %lt3A_493, %lt3A_495 : i1
        %and3A_497 = arith.andi %ne3A_496, %ne3A_491 : i1
        %add3A_498 = arith.addi %rem3A_489, %select_n3A_488 : i32
        %select_n3A_499 = arith.select %and3A_497, %add3A_498, %rem3A_489 : i32
        %mul3A_500 = arith.constant 2 : i32
        %mul3A_501 = arith.muli %select_n3A_484, %mul3A_500 : i32
        %mul3A_502 = arith.constant 1 : i32
        %mul3A_503 = arith.muli %mul3A_501, %mul3A_502 : i32
        %add3A_504 = arith.addi %mul3A_503, %select_n3A_499 : i32
        %mul3A_505 = arith.constant 16 : i32
        %mul3A_506 = arith.muli %add3A_504, %mul3A_505 : i32
        %get3A = arith.index_cast %mul3A_506 : i32 to index
        %get3A_507 = tpu.vector_load %arg12[%get3A] {strides = array<i32>} : memref<528xi32, #tpu.memory_space<vmem>>, vector<16xi32>,
        %get3A_508 = arith.index_cast %mul3A_506 : i32 to index
        %get3A_509 = tpu.vector_load %arg13[%get3A_508] {strides = array<i32>} : memref<528xi32, #tpu.memory_space<vmem>>, vector<16xi32>,
        %add3A_510 = arith.constant 16 : i32
        %add3A_511 = arith.addi %mul3A_506, %add3A_510 : i32
        %get3A_512 = arith.index_cast %add3A_511 : i32 to index
        %get3A_513 = tpu.vector_load %arg12[%get3A_512] {strides = array<i32>} : memref<528xi32, #tpu.memory_space<vmem>>, vector<16xi32>,
        %add3A_514 = arith.constant 16 : i32
        %add3A_515 = arith.addi %mul3A_506, %add3A_514 : i32
        %get3A_516 = arith.index_cast %add3A_515 : i32 to index
        %get3A_517 = tpu.vector_load %arg13[%get3A_516] {strides = array<i32>} : memref<528xi32, #tpu.memory_space<vmem>>, vector<16xi32>,
        %gt3A_518 = arith.cmpi sgt, %get3A_507, %get3A_513 : vector<16xi32>
        %eq3A_519 = arith.cmpi eq, %get3A_507, %get3A_513 : vector<16xi32>
        %lt3A_520 = arith.cmpi slt, %get3A_509, %get3A_517 : vector<16xi32>
        %and3A_521 = arith.andi %eq3A_519, %lt3A_520 : vector<16xi1>
        %or3A_522 = arith.ori %gt3A_518, %and3A_521 : vector<16xi1>
        %select_n3A_523 = arith.select %or3A_522, %get3A_507, %get3A_513 : vector<16xi1>, vector<16xi32>
        %swap3A = arith.index_cast %mul3A_506 : i32 to index
        %swap3A_524 = tpu.vector_load %arg12[%swap3A] {strides = array<i32>} : memref<528xi32, #tpu.memory_space<vmem>>, vector<16xi32>,
        tpu.vector_store %arg12[%swap3A], %select_n3A_523 {strides = array<i32>} : memref<528xi32, #tpu.memory_space<vmem>>, vector<16xi32>,
        %select_n3A_525 = arith.select %or3A_522, %get3A_509, %get3A_517 : vector<16xi1>, vector<16xi32>
        %swap3A_526 = arith.index_cast %mul3A_506 : i32 to index
        %swap3A_527 = tpu.vector_load %arg13[%swap3A_526] {strides = array<i32>} : memref<528xi32, #tpu.memory_space<vmem>>, vector<16xi32>,
        tpu.vector_store %arg13[%swap3A_526], %select_n3A_525 {strides = array<i32>} : memref<528xi32, #tpu.memory_space<vmem>>, vector<16xi32>,
        %select_n3A_528 = arith.select %or3A_522, %get3A_513, %get3A_507 : vector<16xi1>, vector<16xi32>
        %add3A_529 = arith.constant 16 : i32
        %add3A_530 = arith.addi %mul3A_506, %add3A_529 : i32
        %swap3A_531 = arith.index_cast %add3A_530 : i32 to index
        %swap3A_532 = tpu.vector_load %arg12[%swap3A_531] {strides = array<i32>} : memref<528xi32, #tpu.memory_space<vmem>>, vector<16xi32>,
        tpu.vector_store %arg12[%swap3A_531], %select_n3A_528 {strides = array<i32>} : memref<528xi32, #tpu.memory_space<vmem>>, vector<16xi32>,
        %select_n3A_533 = arith.select %or3A_522, %get3A_517, %get3A_509 : vector<16xi1>, vector<16xi32>
        %add3A_534 = arith.constant 16 : i32
        %add3A_535 = arith.addi %mul3A_506, %add3A_534 : i32
        %swap3A_536 = arith.index_cast %add3A_535 : i32 to index
        %swap3A_537 = tpu.vector_load %arg13[%swap3A_536] {strides = array<i32>} : memref<528xi32, #tpu.memory_space<vmem>>, vector<16xi32>,
        tpu.vector_store %arg13[%swap3A_536], %select_n3A_533 {strides = array<i32>} : memref<528xi32, #tpu.memory_space<vmem>>, vector<16xi32>,
      }
      %scan3A_218 = arith.constant 16 : i32
      %scan3A_219 = arith.constant 0 : i32
      %scan3A_220 = arith.constant 0 : i32
      %scan3A_221 = arith.constant 32 : i32
      %scan3A_222 = arith.addi %scan3A_220, %scan3A_221 : i32
      %scan3A_223 = arith.constant 1 : i32
      scf.for %scan3A_460 = %scan3A_220 to %scan3A_222 step %scan3A_223  : i32 {
        %mul3A_461 = arith.constant 16 : i32
        %mul3A_462 = arith.muli %scan3A_460, %mul3A_461 : i32
        %get3A = arith.index_cast %mul3A_462 : i32 to index
        %get3A_463 = tpu.vector_load %arg12[%get3A] {strides = array<i32>} : memref<528xi32, #tpu.memory_space<vmem>>, vector<16xi32>,
        %get3A_464 = arith.index_cast %mul3A_462 : i32 to index
        %get3A_465 = tpu.vector_load %arg13[%get3A_464] {strides = array<i32>} : memref<528xi32, #tpu.memory_space<vmem>>, vector<16xi32>,
        %masked_sort3A = arith.constant dense<true> : vector<16xi1>
        %masked_sort3A_466 = arith.constant -2147483648 : i32
        %masked_sort3A_467 = vector.broadcast %masked_sort3A_466 : i32 to vector<16xi32>
        %masked_sort3A_468 = arith.xori %get3A_463, %masked_sort3A_467 : vector<16xi32>
        %masked_sort3A_469, %masked_sort3A_470, %masked_sort3A_471 = tpu.sort %masked_sort3A_468, %get3A_465 masked %masked_sort3A {descending = true} : (vector<16xi32>, vector<16xi32>, vector<16xi1>) -> (vector<16xi1>, vector<16xi32>, vector<16xi32>)
        %masked_sort3A_472 = arith.xori %masked_sort3A_470, %masked_sort3A_467 : vector<16xi32>
        %swap3A = arith.index_cast %mul3A_462 : i32 to index
        %swap3A_473 = tpu.vector_load %arg12[%swap3A] {strides = array<i32>} : memref<528xi32, #tpu.memory_space<vmem>>, vector<16xi32>,
        tpu.vector_store %arg12[%swap3A], %masked_sort3A_472 {strides = array<i32>} : memref<528xi32, #tpu.memory_space<vmem>>, vector<16xi32>,
        %swap3A_474 = arith.index_cast %mul3A_462 : i32 to index
        %swap3A_475 = tpu.vector_load %arg13[%swap3A_474] {strides = array<i32>} : memref<528xi32, #tpu.memory_space<vmem>>, vector<16xi32>,
        tpu.vector_store %arg13[%swap3A_474], %masked_sort3A_471 {strides = array<i32>} : memref<528xi32, #tpu.memory_space<vmem>>, vector<16xi32>,
      }
      %scan3A_224 = arith.constant 32 : i32
      %scan3A_225 = arith.constant 0 : i32
      %scan3A_226 = arith.constant 0 : i32
      %scan3A_227 = arith.constant 32 : i32
      %scan3A_228 = arith.addi %scan3A_226, %scan3A_227 : i32
      %scan3A_229 = arith.constant 1 : i32
      scf.for %scan3A_460 = %scan3A_226 to %scan3A_228 step %scan3A_229  : i32 {
        %mul3A_461 = arith.constant 16 : i32
        %mul3A_462 = arith.muli %scan3A_460, %mul3A_461 : i32
        %mul3A_463 = arith.constant 0 : i32
        %mul3A_464 = vector.broadcast %mul3A_463 : i32 to vector<16xi32>
        %mul3A_465 = arith.muli %iota3A, %mul3A_464 : vector<16xi32>
        %get3A = arith.index_cast %mul3A_462 : i32 to index
        %get3A_466 = tpu.vector_load %arg13[%get3A] {strides = array<i32>} : memref<528xi32, #tpu.memory_space<vmem>>, vector<16xi32>,
        %gather3A = tpu.vector_load_idx %arg4[%get3A_466] : memref<8192xf32, #tpu.memory_space<vmem>>[vector<16xi32>], vector<16xf32>,
        %add3A_467 = vector.broadcast %mul3A_462 : i32 to vector<16xi32>
        %add3A_468 = arith.addi %iota3A, %add3A_467 : vector<16xi32>
        %convert_element_type3A_469 = arith.sitofp %add3A_468 : vector<16xi32> to vector<16xf32>
        %div3A_470 = arith.constant 5.110000e+02 : f32
        %div3A_471 = vector.broadcast %div3A_470 : f32 to vector<16xf32>
        %div3A_472 = arith.divf %convert_element_type3A_469, %div3A_471 : vector<16xf32>
        %eq3A = arith.constant 0.000000e+00 : f32
        %eq3A_473 = vector.broadcast %eq3A : f32 to vector<16xf32>
        %eq3A_474 = arith.cmpf oeq, %gather3A, %eq3A_473 : vector<16xf32>
        %convert_element_type3A_475 = arith.extui %eq3A_474 : vector<16xi1> to vector<16xi32>
        %convert_element_type3A_476 = arith.sitofp %convert_element_type3A_475 : vector<16xi32> to vector<16xf32>
        tpu.vector_store_idx %arg14[%add3A_468, %mul3A_465], %gather3A : memref<512x3xf32, #tpu.memory_space<vmem>>[vector<16xi32>, vector<16xi32>], vector<16xf32>,
        %add3A_477 = arith.constant 1 : i32
        %add3A_478 = vector.broadcast %add3A_477 : i32 to vector<16xi32>
        %add3A_479 = arith.addi %mul3A_465, %add3A_478 : vector<16xi32>
        tpu.vector_store_idx %arg14[%add3A_468, %add3A_479], %div3A_472 : memref<512x3xf32, #tpu.memory_space<vmem>>[vector<16xi32>, vector<16xi32>], vector<16xf32>,
        %add3A_480 = arith.constant 2 : i32
        %add3A_481 = vector.broadcast %add3A_480 : i32 to vector<16xi32>
        %add3A_482 = arith.addi %mul3A_465, %add3A_481 : vector<16xi32>
        tpu.vector_store_idx %arg14[%add3A_468, %add3A_482], %convert_element_type3A_476 : memref<512x3xf32, #tpu.memory_space<vmem>>[vector<16xi32>, vector<16xi32>], vector<16xf32>,
      }
      %scan3A_230 = arith.constant 32 : i32
      "tpu.region"() ({
        %run_scoped3A = tpu.sem_alloc : memref<!tpu.dma_semaphore, #tpu.memory_space<semaphore_mem>>
        %dma_start3A_460 = arith.constant 0 : i32
        %dma_start3A_461 = arith.constant 0 : i32
        %dma_start3A_462 = tpu.memref_slice %arg3[%add3A_39, %dma_start3A_460, %dma_start3A_461] : memref<4096x512x3xf32, #tpu.memory_space<hbm>> -> memref<1x512x3xf32, #tpu.memory_space<hbm>>
        %dma_start3A_463 = tpu.memref_squeeze %dma_start3A_462 : memref<1x512x3xf32, #tpu.memory_space<hbm>> -> memref<512x3xf32, #tpu.memory_space<hbm>>
        %dma_start3A_464 = arith.constant 0 : i32
        %dma_start3A_465 = arith.constant 0 : i32
        %dma_start3A_466 = tpu.memref_slice %arg3[%add3A_39, %dma_start3A_464, %dma_start3A_465] : memref<4096x512x3xf32, #tpu.memory_space<hbm>> -> memref<1x512x3xf32, #tpu.memory_space<hbm>>
        %dma_start3A_467 = tpu.memref_squeeze %dma_start3A_466 : memref<1x512x3xf32, #tpu.memory_space<hbm>> -> memref<512x3xf32, #tpu.memory_space<hbm>>
        tpu.enqueue_dma source(%arg14 : memref<512x3xf32, #tpu.memory_space<vmem>>) target(%dma_start3A_467 : memref<512x3xf32, #tpu.memory_space<hbm>>) target_semaphore(%run_scoped3A : memref<!tpu.dma_semaphore, #tpu.memory_space<semaphore_mem>>)
        %dma_wait3A_468 = arith.constant 0 : i32
        %dma_wait3A_469 = arith.constant 0 : i32
        %dma_wait3A_470 = tpu.memref_slice %arg3[%add3A_39, %dma_wait3A_468, %dma_wait3A_469] : memref<4096x512x3xf32, #tpu.memory_space<hbm>> -> memref<1x512x3xf32, #tpu.memory_space<hbm>>
        %dma_wait3A_471 = tpu.memref_squeeze %dma_wait3A_470 : memref<1x512x3xf32, #tpu.memory_space<hbm>> -> memref<512x3xf32, #tpu.memory_space<hbm>>
        %dma_wait3A_472 = arith.constant 0 : i32
        %dma_wait3A_473 = arith.constant 0 : i32
        %dma_wait3A_474 = tpu.memref_slice %arg3[%add3A_39, %dma_wait3A_472, %dma_wait3A_473] : memref<4096x512x3xf32, #tpu.memory_space<hbm>> -> memref<1x512x3xf32, #tpu.memory_space<hbm>>
        %dma_wait3A_475 = tpu.memref_squeeze %dma_wait3A_474 : memref<1x512x3xf32, #tpu.memory_space<hbm>> -> memref<512x3xf32, #tpu.memory_space<hbm>>
        tpu.wait_dma2 semaphore(%run_scoped3A : memref<!tpu.dma_semaphore, #tpu.memory_space<semaphore_mem>>) src(%arg14 : memref<512x3xf32, #tpu.memory_space<vmem>>) dst(%dma_wait3A_475 : memref<512x3xf32, #tpu.memory_space<hbm>>)
        tpu.yield
      }) : () -> ()
      %add3A_231 = arith.constant 2 : i32
      %add3A_232 = arith.addi %add3A_39, %add3A_231 : i32
      %min3A = arith.constant 4095 : i32
      %min3A_233 = arith.minsi %add3A_232, %min3A : i32
      %dma_start3A_234 = arith.constant 0 : i32
      %dma_start3A_235 = tpu.memref_slice %arg2[%min3A_233, %dma_start3A_234] : memref<4096x8192xf32, #tpu.memory_space<hbm>> -> memref<1x8192xf32, #tpu.memory_space<hbm>>
      %dma_start3A_236 = tpu.memref_squeeze %dma_start3A_235 : memref<1x8192xf32, #tpu.memory_space<hbm>> -> memref<8192xf32, #tpu.memory_space<hbm>>
      %dma_start3A_237 = arith.constant 0 : i32
      %dma_start3A_238 = tpu.memref_slice %arg2[%min3A_233, %dma_start3A_237] : memref<4096x8192xf32, #tpu.memory_space<hbm>> -> memref<1x8192xf32, #tpu.memory_space<hbm>>
      %dma_start3A_239 = tpu.memref_squeeze %dma_start3A_238 : memref<1x8192xf32, #tpu.memory_space<hbm>> -> memref<8192xf32, #tpu.memory_space<hbm>>
      tpu.enqueue_dma source(%dma_start3A_239 : memref<8192xf32, #tpu.memory_space<hbm>>) target(%arg4 : memref<8192xf32, #tpu.memory_space<vmem>>) target_semaphore(%arg15 : memref<!tpu.dma_semaphore, #tpu.memory_space<semaphore_mem>>)
      %dma_wait3A_240 = arith.constant 0 : i32
      %dma_wait3A_241 = arith.constant 0 : i32
      %dma_wait3A_242 = tpu.memref_slice %arg2[%dma_wait3A_240, %dma_wait3A_241] : memref<4096x8192xf32, #tpu.memory_space<hbm>> -> memref<1x8192xf32, #tpu.memory_space<hbm>>
      %dma_wait3A_243 = tpu.memref_squeeze %dma_wait3A_242 : memref<1x8192xf32, #tpu.memory_space<hbm>> -> memref<8192xf32, #tpu.memory_space<hbm>>
      %dma_wait3A_244 = arith.constant 0 : i32
      %dma_wait3A_245 = tpu.memref_slice %arg2[%dma_wait3A_240, %dma_wait3A_244] : memref<4096x8192xf32, #tpu.memory_space<hbm>> -> memref<1x8192xf32, #tpu.memory_space<hbm>>
      %dma_wait3A_246 = tpu.memref_squeeze %dma_wait3A_245 : memref<1x8192xf32, #tpu.memory_space<hbm>> -> memref<8192xf32, #tpu.memory_space<hbm>>
      tpu.wait_dma2 semaphore(%arg16 : memref<!tpu.dma_semaphore, #tpu.memory_space<semaphore_mem>>) src(%dma_wait3A_246 : memref<8192xf32, #tpu.memory_space<hbm>>) dst(%arg5 : memref<8192xf32, #tpu.memory_space<vmem>>)
      %add3A_247 = arith.constant 1 : i32
      %add3A_248 = arith.addi %add3A_39, %add3A_247 : i32
      %iota3A_249 = tpu.iota {dimensions = array<i32: 0>} : vector<16xi32>
      %add3A_250 = arith.constant 786432 : i32
      %add3A_251 = arith.addi %add3A_98, %add3A_250 : i32
      %sub3A_252 = arith.constant 786432 : i32
      %sub3A_253 = arith.subi %add3A_98, %sub3A_252 : i32
      %max3A_254 = arith.constant -1 : i32
      %max3A_255 = arith.maxsi %sub3A_253, %max3A_254 : i32
      %scan3A_256 = arith.constant 0 : i32
      %scan3A_257 = arith.constant 0 : i32
      %scan3A_258 = arith.constant 0 : i32
      %scan3A_259 = arith.constant 512 : i32
      %scan3A_260 = arith.addi %scan3A_258, %scan3A_259 : i32
      %scan3A_261 = arith.constant 1 : i32
      %scan3A_262:2 = scf.for %scan3A_460 = %scan3A_258 to %scan3A_260 step %scan3A_261 iter_args(%scan3A_461 = %scan3A_256, %scan3A_462 = %scan3A_257) -> (i32, i32)  : i32 {
        %mul3A_463 = arith.constant 16 : i32
        %mul3A_464 = arith.muli %scan3A_460, %mul3A_463 : i32
        %get3A = arith.index_cast %mul3A_464 : i32 to index
        %get3A_465 = tpu.vector_load %arg5[%get3A] {strides = array<i32>} : memref<8192xf32, #tpu.memory_space<vmem>>, vector<16xf32>,
        %abs3A = math.absf %get3A_465 : vector<16xf32>
        %bitcast_convert_type3A = tpu.bitcast %abs3A : vector<16xf32> -> vector<16xi32>
        %mul3A_466 = arith.constant 16 : i32
        %mul3A_467 = arith.muli %scan3A_460, %mul3A_466 : i32
        %add3A_468 = vector.broadcast %mul3A_467 : i32 to vector<16xi32>
        %add3A_469 = arith.addi %iota3A_249, %add3A_468 : vector<16xi32>
        %gt3A_470 = vector.broadcast %add3A_251 : i32 to vector<16xi32>
        %gt3A_471 = arith.cmpi sgt, %bitcast_convert_type3A, %gt3A_470 : vector<16xi32>
        %gt3A_472 = vector.broadcast %max3A_255 : i32 to vector<16xi32>
        %gt3A_473 = arith.cmpi sgt, %bitcast_convert_type3A, %gt3A_472 : vector<16xi32>
        %not3A = arith.constant dense<true> : vector<16xi1>
        %not3A_474 = arith.xori %gt3A_471, %not3A : vector<16xi1>
        %and3A_475 = arith.andi %gt3A_473, %not3A_474 : vector<16xi1>
        %min3A_476 = arith.constant 512 : i32
        %min3A_477 = arith.minsi %scan3A_461, %min3A_476 : i32
        %swap3A = arith.index_cast %min3A_477 : i32 to index
        %swap3A_478 = tpu.vector_load %arg10[%swap3A] masked %gt3A_471 {strides = array<i32>} : memref<528xi32, #tpu.memory_space<vmem>>, vector<16xi32>, vector<16xi1>
        tpu.vector_store %arg10[%swap3A], %bitcast_convert_type3A masked %gt3A_471 {strides = array<i32>} : memref<528xi32, #tpu.memory_space<vmem>>, vector<16xi32>, vector<16xi1>
        %swap3A_479 = arith.index_cast %min3A_477 : i32 to index
        %swap3A_480 = tpu.vector_load %arg11[%swap3A_479] masked %gt3A_471 {strides = array<i32>} : memref<528xi32, #tpu.memory_space<vmem>>, vector<16xi32>, vector<16xi1>
        tpu.vector_store %arg11[%swap3A_479], %add3A_469 masked %gt3A_471 {strides = array<i32>} : memref<528xi32, #tpu.memory_space<vmem>>, vector<16xi32>, vector<16xi1>
        %swap3A_481 = arith.index_cast %scan3A_462 : i32 to index
        %swap3A_482 = tpu.vector_load %arg6[%swap3A_481] masked %and3A_475 {strides = array<i32>} : memref<8208xi32, #tpu.memory_space<vmem>>, vector<16xi32>, vector<16xi1>
        tpu.vector_store %arg6[%swap3A_481], %bitcast_convert_type3A masked %and3A_475 {strides = array<i32>} : memref<8208xi32, #tpu.memory_space<vmem>>, vector<16xi32>, vector<16xi1>
        %swap3A_483 = arith.index_cast %scan3A_462 : i32 to index
        %swap3A_484 = tpu.vector_load %arg7[%swap3A_483] masked %and3A_475 {strides = array<i32>} : memref<8208xi32, #tpu.memory_space<vmem>>, vector<16xi32>, vector<16xi1>
        tpu.vector_store %arg7[%swap3A_483], %add3A_469 masked %and3A_475 {strides = array<i32>} : memref<8208xi32, #tpu.memory_space<vmem>>, vector<16xi32>, vector<16xi1>
        %convert_element_type3A_485 = arith.extui %gt3A_471 : vector<16xi1> to vector<16xi32>
        %reduce_sum3A = arith.constant true
        %reduce_sum3A_486 = vector.broadcast %reduce_sum3A : i1 to vector<16xi1>
        %reduce_sum3A_487 = tpu.scan <sum>, %convert_element_type3A_485 masked %reduce_sum3A_486 : vector<16xi32>, vector<16xi1> -> vector<16xi32>
        %reduce_sum3A_488 = vector.extract %reduce_sum3A_487[15] : i32 from vector<16xi32>
        %add3A_489 = arith.addi %scan3A_461, %reduce_sum3A_488 : i32
        %convert_element_type3A_490 = arith.extui %and3A_475 : vector<16xi1> to vector<16xi32>
        %reduce_sum3A_491 = arith.constant true
        %reduce_sum3A_492 = vector.broadcast %reduce_sum3A_491 : i1 to vector<16xi1>
        %reduce_sum3A_493 = tpu.scan <sum>, %convert_element_type3A_490 masked %reduce_sum3A_492 : vector<16xi32>, vector<16xi1> -> vector<16xi32>
        %reduce_sum3A_494 = vector.extract %reduce_sum3A_493[15] : i32 from vector<16xi32>
        %add3A_495 = arith.addi %scan3A_462, %reduce_sum3A_494 : i32
        scf.yield %add3A_489, %add3A_495 : i32, i32
      }
      %scan3A_263 = arith.constant 512 : i32
      %gt3A_264 = arith.constant 512 : i32
      %gt3A_265 = arith.cmpi sgt, %scan3A_262#0, %gt3A_264 : i32
      %add3A_266 = arith.addi %scan3A_262#0, %scan3A_262#1 : i32
      %lt3A_267 = arith.constant 512 : i32
      %lt3A_268 = arith.cmpi slt, %add3A_266, %lt3A_267 : i32
      %or3A_269 = arith.ori %gt3A_265, %lt3A_268 : i1
      %convert_element_type3A_270 = arith.extui %or3A_269 : i1 to i32
      %cond3A_271 = arith.constant 0 : i32
      %cond3A_272 = arith.constant 0 : i32
      %cond3A_273 = arith.cmpi ne, %convert_element_type3A_270, %cond3A_272 : i32
      %cond3A_274:4 = scf.if %cond3A_273 -> (i32, i32, i32, i32) {
        %scan3A_460 = arith.constant 0 : i32
        %scan3A_461 = arith.constant 0 : i32
        %scan3A_462 = arith.constant 512 : i32
        %scan3A_463 = arith.addi %scan3A_461, %scan3A_462 : i32
        %scan3A_464 = arith.constant 1 : i32
        scf.for %scan3A_470 = %scan3A_461 to %scan3A_463 step %scan3A_464  : i32 {
          %mul3A_471 = arith.constant 16 : i32
          %mul3A_472 = arith.muli %scan3A_470, %mul3A_471 : i32
          %get3A = arith.index_cast %mul3A_472 : i32 to index
          %get3A_473 = tpu.vector_load %arg5[%get3A] {strides = array<i32>} : memref<8192xf32, #tpu.memory_space<vmem>>, vector<16xf32>,
          %abs3A = math.absf %get3A_473 : vector<16xf32>
          %bitcast_convert_type3A = tpu.bitcast %abs3A : vector<16xf32> -> vector<16xi32>
          %mul3A_474 = arith.constant 16 : i32
          %mul3A_475 = arith.muli %scan3A_470, %mul3A_474 : i32
          %swap3A = arith.index_cast %mul3A_475 : i32 to index
          %swap3A_476 = tpu.vector_load %arg6[%swap3A] {strides = array<i32>} : memref<8208xi32, #tpu.memory_space<vmem>>, vector<16xi32>,
          tpu.vector_store %arg6[%swap3A], %bitcast_convert_type3A {strides = array<i32>} : memref<8208xi32, #tpu.memory_space<vmem>>, vector<16xi32>,
          %mul3A_477 = arith.constant 16 : i32
          %mul3A_478 = arith.muli %scan3A_470, %mul3A_477 : i32
          %add3A_479 = vector.broadcast %mul3A_478 : i32 to vector<16xi32>
          %add3A_480 = arith.addi %iota3A_249, %add3A_479 : vector<16xi32>
          %mul3A_481 = arith.constant 16 : i32
          %mul3A_482 = arith.muli %scan3A_470, %mul3A_481 : i32
          %swap3A_483 = arith.index_cast %mul3A_482 : i32 to index
          %swap3A_484 = tpu.vector_load %arg7[%swap3A_483] {strides = array<i32>} : memref<8208xi32, #tpu.memory_space<vmem>>, vector<16xi32>,
          tpu.vector_store %arg7[%swap3A_483], %add3A_480 {strides = array<i32>} : memref<8208xi32, #tpu.memory_space<vmem>>, vector<16xi32>,
        }
        %scan3A_465 = arith.constant 512 : i32
        %cond3A_466 = arith.constant 0 : i32
        %cond3A_467 = arith.constant 8192 : i32
        %cond3A_468 = arith.constant -1 : i32
        %cond3A_469 = arith.constant 2139095041 : i32
        scf.yield %cond3A_466, %cond3A_467, %cond3A_468, %cond3A_469 : i32, i32, i32, i32
      } else {
        scf.yield %scan3A_262#0, %scan3A_262#1, %max3A_255, %add3A_251 : i32, i32, i32, i32
      }
      %sub3A_275 = arith.constant 512 : i32
      %sub3A_276 = arith.subi %sub3A_275, %cond3A_274#0 : i32
      %while3A_277:5 = scf.while (%while3A_460 = %sub3A_276, %while3A_461 = %cond3A_274#1, %while3A_462 = %cond3A_274#2, %while3A_463 = %cond3A_274#3, %while3A_464 = %cond3A_274#0) : (i32, i32, i32, i32, i32) -> (i32, i32, i32, i32, i32) {
        %gt3A_465 = arith.constant 0 : i32
        %gt3A_466 = arith.cmpi sgt, %while3A_460, %gt3A_465 : i32
        %gt3A_467 = arith.cmpi sgt, %while3A_461, %while3A_460 : i32
        %and3A_468 = arith.andi %gt3A_466, %gt3A_467 : i1
        %add3A_469 = arith.constant 1 : i32
        %add3A_470 = arith.addi %while3A_462, %add3A_469 : i32
        %gt3A_471 = arith.cmpi sgt, %while3A_463, %add3A_470 : i32
        %and3A_472 = arith.andi %and3A_468, %gt3A_471 : i1
        scf.condition(%and3A_472) %while3A_460, %while3A_461, %while3A_462, %while3A_463, %while3A_464 : i32, i32, i32, i32, i32
      } do {
      ^bb0(%while3A_460: i32, %while3A_461: i32, %while3A_462: i32, %while3A_463: i32, %while3A_464: i32):
        %sub3A_465 = arith.subi %while3A_463, %while3A_462 : i32
        %shift_right_arithmetic3A_466 = arith.constant 1 : i32
        %shift_right_arithmetic3A_467 = arith.shrsi %sub3A_465, %shift_right_arithmetic3A_466 : i32
        %add3A_468 = arith.addi %while3A_462, %shift_right_arithmetic3A_467 : i32
        %add3A_469 = arith.constant 15 : i32
        %add3A_470 = arith.addi %while3A_461, %add3A_469 : i32
        %jit3A_471 = arith.constant 16 : i32
        %div3A_472 = arith.divsi %add3A_470, %jit3A_471 : i32
        %sign3A_473 = arith.constant 0 : i32
        %sign3A_474 = arith.cmpi sgt, %add3A_470, %sign3A_473 : i32
        %sign3A_475 = arith.extui %sign3A_474 : i1 to i32
        %sign3A_476 = arith.constant 0 : i32
        %sign3A_477 = arith.cmpi slt, %add3A_470, %sign3A_476 : i32
        %sign3A_478 = arith.extui %sign3A_477 : i1 to i32
        %sign3A_479 = arith.subi %sign3A_475, %sign3A_478 : i32
        %sign3A_480 = arith.constant 0 : i32
        %sign3A_481 = arith.cmpi sgt, %jit3A_471, %sign3A_480 : i32
        %sign3A_482 = arith.extui %sign3A_481 : i1 to i32
        %sign3A_483 = arith.constant 0 : i32
        %sign3A_484 = arith.cmpi slt, %jit3A_471, %sign3A_483 : i32
        %sign3A_485 = arith.extui %sign3A_484 : i1 to i32
        %sign3A_486 = arith.subi %sign3A_482, %sign3A_485 : i32
        %ne3A_487 = arith.cmpi ne, %sign3A_479, %sign3A_486 : i32
        %rem3A_488 = arith.remsi %add3A_470, %jit3A_471 : i32
        %ne3A_489 = arith.constant 0 : i32
        %ne3A_490 = arith.cmpi ne, %rem3A_488, %ne3A_489 : i32
        %and3A_491 = arith.andi %ne3A_487, %ne3A_490 : i1
        %sub3A_492 = arith.constant 1 : i32
        %sub3A_493 = arith.subi %div3A_472, %sub3A_492 : i32
        %select_n3A_494 = arith.select %and3A_491, %sub3A_493, %div3A_472 : i32
        %while3A_495 = arith.constant 0 : i32
        %while3A_496 = arith.constant 0 : i32
        %while3A_497 = arith.subi %select_n3A_494, %while3A_495 : i32
        %while3A_498 = arith.addi %while3A_495, %while3A_497 : i32
        %while3A_499 = arith.constant 1 : i32
        %while3A_500 = arith.divsi %while3A_497, %while3A_499 : i32
        %while3A_501 = arith.muli %while3A_500, %while3A_499 : i32
        %while3A_502 = arith.addi %while3A_495, %while3A_501 : i32
        %while3A_503 = arith.constant 1 : i32
        %while3A_504 = scf.for %while3A_561 = %while3A_495 to %while3A_502 step %while3A_503 iter_args(%while3A_562 = %while3A_496) -> (i32)  : i32 {
          %mul3A_563 = arith.constant 16 : i32
          %mul3A_564 = arith.muli %while3A_561, %mul3A_563 : i32
          %get3A = arith.index_cast %mul3A_564 : i32 to index
          %get3A_565 = tpu.vector_load %arg6[%get3A] {strides = array<i32>} : memref<8208xi32, #tpu.memory_space<vmem>>, vector<16xi32>,
          %mul3A_566 = arith.constant 16 : i32
          %mul3A_567 = arith.muli %while3A_561, %mul3A_566 : i32
          %add3A_568 = vector.broadcast %mul3A_567 : i32 to vector<16xi32>
          %add3A_569 = arith.addi %iota3A_249, %add3A_568 : vector<16xi32>
          %lt3A_570 = vector.broadcast %while3A_461 : i32 to vector<16xi32>
          %lt3A_571 = arith.cmpi slt, %add3A_569, %lt3A_570 : vector<16xi32>
          %gt3A_572 = vector.broadcast %add3A_468 : i32 to vector<16xi32>
          %gt3A_573 = arith.cmpi sgt, %get3A_565, %gt3A_572 : vector<16xi32>
          %and3A_574 = arith.andi %lt3A_571, %gt3A_573 : vector<16xi1>
          %convert_element_type3A_575 = arith.extui %and3A_574 : vector<16xi1> to vector<16xi32>
          %reduce_sum3A = arith.constant true
          %reduce_sum3A_576 = vector.broadcast %reduce_sum3A : i1 to vector<16xi1>
          %reduce_sum3A_577 = tpu.scan <sum>, %convert_element_type3A_575 masked %reduce_sum3A_576 : vector<16xi32>, vector<16xi1> -> vector<16xi32>
          %reduce_sum3A_578 = vector.extract %reduce_sum3A_577[15] : i32 from vector<16xi32>
          %add3A_579 = arith.addi %while3A_562, %reduce_sum3A_578 : i32
          scf.yield %add3A_579 : i32
        }
        %while3A_505 = arith.constant 1 : i32
        %while3A_506 = scf.for %while3A_561 = %while3A_502 to %while3A_498 step %while3A_505 iter_args(%while3A_562 = %while3A_504) -> (i32)  : i32 {
          %mul3A_563 = arith.constant 16 : i32
          %mul3A_564 = arith.muli %while3A_561, %mul3A_563 : i32
          %get3A = arith.index_cast %mul3A_564 : i32 to index
          %get3A_565 = tpu.vector_load %arg6[%get3A] {strides = array<i32>} : memref<8208xi32, #tpu.memory_space<vmem>>, vector<16xi32>,
          %mul3A_566 = arith.constant 16 : i32
          %mul3A_567 = arith.muli %while3A_561, %mul3A_566 : i32
          %add3A_568 = vector.broadcast %mul3A_567 : i32 to vector<16xi32>
          %add3A_569 = arith.addi %iota3A_249, %add3A_568 : vector<16xi32>
          %lt3A_570 = vector.broadcast %while3A_461 : i32 to vector<16xi32>
          %lt3A_571 = arith.cmpi slt, %add3A_569, %lt3A_570 : vector<16xi32>
          %gt3A_572 = vector.broadcast %add3A_468 : i32 to vector<16xi32>
          %gt3A_573 = arith.cmpi sgt, %get3A_565, %gt3A_572 : vector<16xi32>
          %and3A_574 = arith.andi %lt3A_571, %gt3A_573 : vector<16xi1>
          %convert_element_type3A_575 = arith.extui %and3A_574 : vector<16xi1> to vector<16xi32>
          %reduce_sum3A = arith.constant true
          %reduce_sum3A_576 = vector.broadcast %reduce_sum3A : i1 to vector<16xi1>
          %reduce_sum3A_577 = tpu.scan <sum>, %convert_element_type3A_575 masked %reduce_sum3A_576 : vector<16xi32>, vector<16xi1> -> vector<16xi32>
          %reduce_sum3A_578 = vector.extract %reduce_sum3A_577[15] : i32 from vector<16xi32>
          %add3A_579 = arith.addi %while3A_562, %reduce_sum3A_578 : i32
          scf.yield %add3A_579 : i32
        }
        %ge3A = arith.cmpi sge, %while3A_506, %while3A_460 : i32
        %while3A_507 = arith.constant 0 : i32
        %while3A_508 = arith.constant 0 : i32
        %while3A_509 = arith.subi %select_n3A_494, %while3A_507 : i32
        %while3A_510 = arith.addi %while3A_507, %while3A_509 : i32
        %while3A_511 = arith.constant 1 : i32
        %while3A_512 = arith.divsi %while3A_509, %while3A_511 : i32
        %while3A_513 = arith.muli %while3A_512, %while3A_511 : i32
        %while3A_514 = arith.addi %while3A_507, %while3A_513 : i32
        %while3A_515 = arith.constant 1 : i32
        %while3A_516:2 = scf.for %while3A_561 = %while3A_507 to %while3A_514 step %while3A_515 iter_args(%while3A_562 = %while3A_508, %while3A_563 = %while3A_464) -> (i32, i32)  : i32 {
          %mul3A_564 = arith.constant 16 : i32
          %mul3A_565 = arith.muli %while3A_561, %mul3A_564 : i32
          %get3A = arith.index_cast %mul3A_565 : i32 to index
          %get3A_566 = tpu.vector_load %arg6[%get3A] {strides = array<i32>} : memref<8208xi32, #tpu.memory_space<vmem>>, vector<16xi32>,
          %mul3A_567 = arith.constant 16 : i32
          %mul3A_568 = arith.muli %while3A_561, %mul3A_567 : i32
          %get3A_569 = arith.index_cast %mul3A_568 : i32 to index
          %get3A_570 = tpu.vector_load %arg7[%get3A_569] {strides = array<i32>} : memref<8208xi32, #tpu.memory_space<vmem>>, vector<16xi32>,
          %mul3A_571 = arith.constant 16 : i32
          %mul3A_572 = arith.muli %while3A_561, %mul3A_571 : i32
          %add3A_573 = vector.broadcast %mul3A_572 : i32 to vector<16xi32>
          %add3A_574 = arith.addi %iota3A_249, %add3A_573 : vector<16xi32>
          %lt3A_575 = vector.broadcast %while3A_461 : i32 to vector<16xi32>
          %lt3A_576 = arith.cmpi slt, %add3A_574, %lt3A_575 : vector<16xi32>
          %gt3A_577 = vector.broadcast %add3A_468 : i32 to vector<16xi32>
          %gt3A_578 = arith.cmpi sgt, %get3A_566, %gt3A_577 : vector<16xi32>
          %and3A_579 = arith.andi %lt3A_576, %gt3A_578 : vector<16xi1>
          %not3A = arith.constant dense<true> : vector<16xi1>
          %not3A_580 = arith.xori %and3A_579, %not3A : vector<16xi1>
          %and3A_581 = arith.andi %lt3A_576, %not3A_580 : vector<16xi1>
          %select_n3A_582 = arith.select %ge3A, %and3A_579, %and3A_581 : vector<16xi1>
          %not3A_583 = arith.constant true
          %not3A_584 = arith.xori %ge3A, %not3A_583 : i1
          %and3A_585 = vector.broadcast %not3A_584 : i1 to vector<16xi1>
          %and3A_586 = arith.andi %and3A_579, %and3A_585 : vector<16xi1>
          %swap3A = arith.index_cast %while3A_562 : i32 to index
          %swap3A_587 = tpu.vector_load %arg8[%swap3A] masked %select_n3A_582 {strides = array<i32>} : memref<8208xi32, #tpu.memory_space<vmem>>, vector<16xi32>, vector<16xi1>
          tpu.vector_store %arg8[%swap3A], %get3A_566 masked %select_n3A_582 {strides = array<i32>} : memref<8208xi32, #tpu.memory_space<vmem>>, vector<16xi32>, vector<16xi1>
          %swap3A_588 = arith.index_cast %while3A_562 : i32 to index
          %swap3A_589 = tpu.vector_load %arg9[%swap3A_588] masked %select_n3A_582 {strides = array<i32>} : memref<8208xi32, #tpu.memory_space<vmem>>, vector<16xi32>, vector<16xi1>
          tpu.vector_store %arg9[%swap3A_588], %get3A_570 masked %select_n3A_582 {strides = array<i32>} : memref<8208xi32, #tpu.memory_space<vmem>>, vector<16xi32>, vector<16xi1>
          %swap3A_590 = arith.index_cast %while3A_563 : i32 to index
          %swap3A_591 = tpu.vector_load %arg10[%swap3A_590] masked %and3A_586 {strides = array<i32>} : memref<528xi32, #tpu.memory_space<vmem>>, vector<16xi32>, vector<16xi1>
          tpu.vector_store %arg10[%swap3A_590], %get3A_566 masked %and3A_586 {strides = array<i32>} : memref<528xi32, #tpu.memory_space<vmem>>, vector<16xi32>, vector<16xi1>
          %swap3A_592 = arith.index_cast %while3A_563 : i32 to index
          %swap3A_593 = tpu.vector_load %arg11[%swap3A_592] masked %and3A_586 {strides = array<i32>} : memref<528xi32, #tpu.memory_space<vmem>>, vector<16xi32>, vector<16xi1>
          tpu.vector_store %arg11[%swap3A_592], %get3A_570 masked %and3A_586 {strides = array<i32>} : memref<528xi32, #tpu.memory_space<vmem>>, vector<16xi32>, vector<16xi1>
          %convert_element_type3A_594 = arith.extui %select_n3A_582 : vector<16xi1> to vector<16xi32>
          %reduce_sum3A = arith.constant true
          %reduce_sum3A_595 = vector.broadcast %reduce_sum3A : i1 to vector<16xi1>
          %reduce_sum3A_596 = tpu.scan <sum>, %convert_element_type3A_594 masked %reduce_sum3A_595 : vector<16xi32>, vector<16xi1> -> vector<16xi32>
          %reduce_sum3A_597 = vector.extract %reduce_sum3A_596[15] : i32 from vector<16xi32>
          %add3A_598 = arith.addi %while3A_562, %reduce_sum3A_597 : i32
          %convert_element_type3A_599 = arith.extui %and3A_586 : vector<16xi1> to vector<16xi32>
          %reduce_sum3A_600 = arith.constant true
          %reduce_sum3A_601 = vector.broadcast %reduce_sum3A_600 : i1 to vector<16xi1>
          %reduce_sum3A_602 = tpu.scan <sum>, %convert_element_type3A_599 masked %reduce_sum3A_601 : vector<16xi32>, vector<16xi1> -> vector<16xi32>
          %reduce_sum3A_603 = vector.extract %reduce_sum3A_602[15] : i32 from vector<16xi32>
          %add3A_604 = arith.addi %while3A_563, %reduce_sum3A_603 : i32
          scf.yield %add3A_598, %add3A_604 : i32, i32
        }
        %while3A_517 = arith.constant 1 : i32
        %while3A_518:2 = scf.for %while3A_561 = %while3A_514 to %while3A_510 step %while3A_517 iter_args(%while3A_562 = %while3A_516#0, %while3A_563 = %while3A_516#1) -> (i32, i32)  : i32 {
          %mul3A_564 = arith.constant 16 : i32
          %mul3A_565 = arith.muli %while3A_561, %mul3A_564 : i32
          %get3A = arith.index_cast %mul3A_565 : i32 to index
          %get3A_566 = tpu.vector_load %arg6[%get3A] {strides = array<i32>} : memref<8208xi32, #tpu.memory_space<vmem>>, vector<16xi32>,
          %mul3A_567 = arith.constant 16 : i32
          %mul3A_568 = arith.muli %while3A_561, %mul3A_567 : i32
          %get3A_569 = arith.index_cast %mul3A_568 : i32 to index
          %get3A_570 = tpu.vector_load %arg7[%get3A_569] {strides = array<i32>} : memref<8208xi32, #tpu.memory_space<vmem>>, vector<16xi32>,
          %mul3A_571 = arith.constant 16 : i32
          %mul3A_572 = arith.muli %while3A_561, %mul3A_571 : i32
          %add3A_573 = vector.broadcast %mul3A_572 : i32 to vector<16xi32>
          %add3A_574 = arith.addi %iota3A_249, %add3A_573 : vector<16xi32>
          %lt3A_575 = vector.broadcast %while3A_461 : i32 to vector<16xi32>
          %lt3A_576 = arith.cmpi slt, %add3A_574, %lt3A_575 : vector<16xi32>
          %gt3A_577 = vector.broadcast %add3A_468 : i32 to vector<16xi32>
          %gt3A_578 = arith.cmpi sgt, %get3A_566, %gt3A_577 : vector<16xi32>
          %and3A_579 = arith.andi %lt3A_576, %gt3A_578 : vector<16xi1>
          %not3A = arith.constant dense<true> : vector<16xi1>
          %not3A_580 = arith.xori %and3A_579, %not3A : vector<16xi1>
          %and3A_581 = arith.andi %lt3A_576, %not3A_580 : vector<16xi1>
          %select_n3A_582 = arith.select %ge3A, %and3A_579, %and3A_581 : vector<16xi1>
          %not3A_583 = arith.constant true
          %not3A_584 = arith.xori %ge3A, %not3A_583 : i1
          %and3A_585 = vector.broadcast %not3A_584 : i1 to vector<16xi1>
          %and3A_586 = arith.andi %and3A_579, %and3A_585 : vector<16xi1>
          %swap3A = arith.index_cast %while3A_562 : i32 to index
          %swap3A_587 = tpu.vector_load %arg8[%swap3A] masked %select_n3A_582 {strides = array<i32>} : memref<8208xi32, #tpu.memory_space<vmem>>, vector<16xi32>, vector<16xi1>
          tpu.vector_store %arg8[%swap3A], %get3A_566 masked %select_n3A_582 {strides = array<i32>} : memref<8208xi32, #tpu.memory_space<vmem>>, vector<16xi32>, vector<16xi1>
          %swap3A_588 = arith.index_cast %while3A_562 : i32 to index
          %swap3A_589 = tpu.vector_load %arg9[%swap3A_588] masked %select_n3A_582 {strides = array<i32>} : memref<8208xi32, #tpu.memory_space<vmem>>, vector<16xi32>, vector<16xi1>
          tpu.vector_store %arg9[%swap3A_588], %get3A_570 masked %select_n3A_582 {strides = array<i32>} : memref<8208xi32, #tpu.memory_space<vmem>>, vector<16xi32>, vector<16xi1>
          %swap3A_590 = arith.index_cast %while3A_563 : i32 to index
          %swap3A_591 = tpu.vector_load %arg10[%swap3A_590] masked %and3A_586 {strides = array<i32>} : memref<528xi32, #tpu.memory_space<vmem>>, vector<16xi32>, vector<16xi1>
          tpu.vector_store %arg10[%swap3A_590], %get3A_566 masked %and3A_586 {strides = array<i32>} : memref<528xi32, #tpu.memory_space<vmem>>, vector<16xi32>, vector<16xi1>
          %swap3A_592 = arith.index_cast %while3A_563 : i32 to index
          %swap3A_593 = tpu.vector_load %arg11[%swap3A_592] masked %and3A_586 {strides = array<i32>} : memref<528xi32, #tpu.memory_space<vmem>>, vector<16xi32>, vector<16xi1>
          tpu.vector_store %arg11[%swap3A_592], %get3A_570 masked %and3A_586 {strides = array<i32>} : memref<528xi32, #tpu.memory_space<vmem>>, vector<16xi32>, vector<16xi1>
          %convert_element_type3A_594 = arith.extui %select_n3A_582 : vector<16xi1> to vector<16xi32>
          %reduce_sum3A = arith.constant true
          %reduce_sum3A_595 = vector.broadcast %reduce_sum3A : i1 to vector<16xi1>
          %reduce_sum3A_596 = tpu.scan <sum>, %convert_element_type3A_594 masked %reduce_sum3A_595 : vector<16xi32>, vector<16xi1> -> vector<16xi32>
          %reduce_sum3A_597 = vector.extract %reduce_sum3A_596[15] : i32 from vector<16xi32>
          %add3A_598 = arith.addi %while3A_562, %reduce_sum3A_597 : i32
          %convert_element_type3A_599 = arith.extui %and3A_586 : vector<16xi1> to vector<16xi32>
          %reduce_sum3A_600 = arith.constant true
          %reduce_sum3A_601 = vector.broadcast %reduce_sum3A_600 : i1 to vector<16xi1>
          %reduce_sum3A_602 = tpu.scan <sum>, %convert_element_type3A_599 masked %reduce_sum3A_601 : vector<16xi32>, vector<16xi1> -> vector<16xi32>
          %reduce_sum3A_603 = vector.extract %reduce_sum3A_602[15] : i32 from vector<16xi32>
          %add3A_604 = arith.addi %while3A_563, %reduce_sum3A_603 : i32
          scf.yield %add3A_598, %add3A_604 : i32, i32
        }
        %add3A_519 = arith.constant 15 : i32
        %add3A_520 = arith.addi %while3A_518#0, %add3A_519 : i32
        %jit3A_521 = arith.constant 16 : i32
        %div3A_522 = arith.divsi %add3A_520, %jit3A_521 : i32
        %sign3A_523 = arith.constant 0 : i32
        %sign3A_524 = arith.cmpi sgt, %add3A_520, %sign3A_523 : i32
        %sign3A_525 = arith.extui %sign3A_524 : i1 to i32
        %sign3A_526 = arith.constant 0 : i32
        %sign3A_527 = arith.cmpi slt, %add3A_520, %sign3A_526 : i32
        %sign3A_528 = arith.extui %sign3A_527 : i1 to i32
        %sign3A_529 = arith.subi %sign3A_525, %sign3A_528 : i32
        %sign3A_530 = arith.constant 0 : i32
        %sign3A_531 = arith.cmpi sgt, %jit3A_521, %sign3A_530 : i32
        %sign3A_532 = arith.extui %sign3A_531 : i1 to i32
        %sign3A_533 = arith.constant 0 : i32
        %sign3A_534 = arith.cmpi slt, %jit3A_521, %sign3A_533 : i32
        %sign3A_535 = arith.extui %sign3A_534 : i1 to i32
        %sign3A_536 = arith.subi %sign3A_532, %sign3A_535 : i32
        %ne3A_537 = arith.cmpi ne, %sign3A_529, %sign3A_536 : i32
        %rem3A_538 = arith.remsi %add3A_520, %jit3A_521 : i32
        %ne3A_539 = arith.constant 0 : i32
        %ne3A_540 = arith.cmpi ne, %rem3A_538, %ne3A_539 : i32
        %and3A_541 = arith.andi %ne3A_537, %ne3A_540 : i1
        %sub3A_542 = arith.constant 1 : i32
        %sub3A_543 = arith.subi %div3A_522, %sub3A_542 : i32
        %select_n3A_544 = arith.select %and3A_541, %sub3A_543, %div3A_522 : i32
        %while3A_545 = arith.constant 0 : i32
        %while3A_546 = arith.constant 0 : i32
        %while3A_547 = arith.subi %select_n3A_544, %while3A_546 : i32
        %while3A_548 = arith.addi %while3A_546, %while3A_547 : i32
        %while3A_549 = arith.constant 1 : i32
        %while3A_550 = arith.divsi %while3A_547, %while3A_549 : i32
        %while3A_551 = arith.muli %while3A_550, %while3A_549 : i32
        %while3A_552 = arith.addi %while3A_546, %while3A_551 : i32
        %while3A_553 = arith.constant 1 : i32
        scf.for %while3A_561 = %while3A_546 to %while3A_552 step %while3A_553  : i32 {
          %mul3A_562 = arith.constant 16 : i32
          %mul3A_563 = arith.muli %while3A_561, %mul3A_562 : i32
          %get3A = arith.index_cast %mul3A_563 : i32 to index
          %get3A_564 = tpu.vector_load %arg8[%get3A] {strides = array<i32>} : memref<8208xi32, #tpu.memory_space<vmem>>, vector<16xi32>,
          %mul3A_565 = arith.constant 16 : i32
          %mul3A_566 = arith.muli %while3A_561, %mul3A_565 : i32
          %swap3A = arith.index_cast %mul3A_566 : i32 to index
          %swap3A_567 = tpu.vector_load %arg6[%swap3A] {strides = array<i32>} : memref<8208xi32, #tpu.memory_space<vmem>>, vector<16xi32>,
          tpu.vector_store %arg6[%swap3A], %get3A_564 {strides = array<i32>} : memref<8208xi32, #tpu.memory_space<vmem>>, vector<16xi32>,
          %mul3A_568 = arith.constant 16 : i32
          %mul3A_569 = arith.muli %while3A_561, %mul3A_568 : i32
          %get3A_570 = arith.index_cast %mul3A_569 : i32 to index
          %get3A_571 = tpu.vector_load %arg9[%get3A_570] {strides = array<i32>} : memref<8208xi32, #tpu.memory_space<vmem>>, vector<16xi32>,
          %mul3A_572 = arith.constant 16 : i32
          %mul3A_573 = arith.muli %while3A_561, %mul3A_572 : i32
          %swap3A_574 = arith.index_cast %mul3A_573 : i32 to index
          %swap3A_575 = tpu.vector_load %arg7[%swap3A_574] {strides = array<i32>} : memref<8208xi32, #tpu.memory_space<vmem>>, vector<16xi32>,
          tpu.vector_store %arg7[%swap3A_574], %get3A_571 {strides = array<i32>} : memref<8208xi32, #tpu.memory_space<vmem>>, vector<16xi32>,
        }
        %while3A_554 = arith.constant 1 : i32
        scf.for %while3A_561 = %while3A_552 to %while3A_548 step %while3A_554  : i32 {
          %mul3A_562 = arith.constant 16 : i32
          %mul3A_563 = arith.muli %while3A_561, %mul3A_562 : i32
          %get3A = arith.index_cast %mul3A_563 : i32 to index
          %get3A_564 = tpu.vector_load %arg8[%get3A] {strides = array<i32>} : memref<8208xi32, #tpu.memory_space<vmem>>, vector<16xi32>,
          %mul3A_565 = arith.constant 16 : i32
          %mul3A_566 = arith.muli %while3A_561, %mul3A_565 : i32
          %swap3A = arith.index_cast %mul3A_566 : i32 to index
          %swap3A_567 = tpu.vector_load %arg6[%swap3A] {strides = array<i32>} : memref<8208xi32, #tpu.memory_space<vmem>>, vector<16xi32>,
          tpu.vector_store %arg6[%swap3A], %get3A_564 {strides = array<i32>} : memref<8208xi32, #tpu.memory_space<vmem>>, vector<16xi32>,
          %mul3A_568 = arith.constant 16 : i32
          %mul3A_569 = arith.muli %while3A_561, %mul3A_568 : i32
          %get3A_570 = arith.index_cast %mul3A_569 : i32 to index
          %get3A_571 = tpu.vector_load %arg9[%get3A_570] {strides = array<i32>} : memref<8208xi32, #tpu.memory_space<vmem>>, vector<16xi32>,
          %mul3A_572 = arith.constant 16 : i32
          %mul3A_573 = arith.muli %while3A_561, %mul3A_572 : i32
          %swap3A_574 = arith.index_cast %mul3A_573 : i32 to index
          %swap3A_575 = tpu.vector_load %arg7[%swap3A_574] {strides = array<i32>} : memref<8208xi32, #tpu.memory_space<vmem>>, vector<16xi32>,
          tpu.vector_store %arg7[%swap3A_574], %get3A_571 {strides = array<i32>} : memref<8208xi32, #tpu.memory_space<vmem>>, vector<16xi32>,
        }
        %select_n3A_555 = arith.select %ge3A, %add3A_468, %while3A_462 : i32
        %select_n3A_556 = arith.select %ge3A, %while3A_463, %add3A_468 : i32
        %sub3A_557 = arith.subi %while3A_460, %while3A_506 : i32
        %select_n3A_558 = arith.select %ge3A, %while3A_460, %sub3A_557 : i32
        %sub3A_559 = arith.subi %while3A_461, %while3A_506 : i32
        %select_n3A_560 = arith.select %ge3A, %while3A_506, %sub3A_559 : i32
        scf.yield %select_n3A_558, %select_n3A_560, %select_n3A_555, %select_n3A_556, %while3A_518#1 : i32, i32, i32, i32, i32
      }
      %add3A_278 = arith.constant 15 : i32
      %add3A_279 = arith.addi %while3A_277#0, %add3A_278 : i32
      %jit3A_280 = arith.constant 16 : i32
      %div3A_281 = arith.divsi %add3A_279, %jit3A_280 : i32
      %sign3A_282 = arith.constant 0 : i32
      %sign3A_283 = arith.cmpi sgt, %add3A_279, %sign3A_282 : i32
      %sign3A_284 = arith.extui %sign3A_283 : i1 to i32
      %sign3A_285 = arith.constant 0 : i32
      %sign3A_286 = arith.cmpi slt, %add3A_279, %sign3A_285 : i32
      %sign3A_287 = arith.extui %sign3A_286 : i1 to i32
      %sign3A_288 = arith.subi %sign3A_284, %sign3A_287 : i32
      %sign3A_289 = arith.constant 0 : i32
      %sign3A_290 = arith.cmpi sgt, %jit3A_280, %sign3A_289 : i32
      %sign3A_291 = arith.extui %sign3A_290 : i1 to i32
      %sign3A_292 = arith.constant 0 : i32
      %sign3A_293 = arith.cmpi slt, %jit3A_280, %sign3A_292 : i32
      %sign3A_294 = arith.extui %sign3A_293 : i1 to i32
      %sign3A_295 = arith.subi %sign3A_291, %sign3A_294 : i32
      %ne3A_296 = arith.cmpi ne, %sign3A_288, %sign3A_295 : i32
      %rem3A_297 = arith.remsi %add3A_279, %jit3A_280 : i32
      %ne3A_298 = arith.constant 0 : i32
      %ne3A_299 = arith.cmpi ne, %rem3A_297, %ne3A_298 : i32
      %and3A_300 = arith.andi %ne3A_296, %ne3A_299 : i1
      %sub3A_301 = arith.constant 1 : i32
      %sub3A_302 = arith.subi %div3A_281, %sub3A_301 : i32
      %select_n3A_303 = arith.select %and3A_300, %sub3A_302, %div3A_281 : i32
      %while3A_304 = arith.constant 0 : i32
      %while3A_305 = arith.constant 0 : i32
      %while3A_306 = arith.subi %select_n3A_303, %while3A_305 : i32
      %while3A_307 = arith.addi %while3A_305, %while3A_306 : i32
      %while3A_308 = arith.constant 1 : i32
      %while3A_309 = arith.divsi %while3A_306, %while3A_308 : i32
      %while3A_310 = arith.muli %while3A_309, %while3A_308 : i32
      %while3A_311 = arith.addi %while3A_305, %while3A_310 : i32
      %while3A_312 = arith.constant 1 : i32
      scf.for %while3A_460 = %while3A_305 to %while3A_311 step %while3A_312  : i32 {
        %mul3A_461 = arith.constant 16 : i32
        %mul3A_462 = arith.muli %while3A_460, %mul3A_461 : i32
        %get3A = arith.index_cast %mul3A_462 : i32 to index
        %get3A_463 = tpu.vector_load %arg6[%get3A] {strides = array<i32>} : memref<8208xi32, #tpu.memory_space<vmem>>, vector<16xi32>,
        %mul3A_464 = arith.constant 16 : i32
        %mul3A_465 = arith.muli %while3A_460, %mul3A_464 : i32
        %get3A_466 = arith.index_cast %mul3A_465 : i32 to index
        %get3A_467 = tpu.vector_load %arg7[%get3A_466] {strides = array<i32>} : memref<8208xi32, #tpu.memory_space<vmem>>, vector<16xi32>,
        %mul3A_468 = arith.constant 16 : i32
        %mul3A_469 = arith.muli %while3A_460, %mul3A_468 : i32
        %add3A_470 = vector.broadcast %mul3A_469 : i32 to vector<16xi32>
        %add3A_471 = arith.addi %iota3A_249, %add3A_470 : vector<16xi32>
        %lt3A_472 = vector.broadcast %while3A_277#0 : i32 to vector<16xi32>
        %lt3A_473 = arith.cmpi slt, %add3A_471, %lt3A_472 : vector<16xi32>
        %mul3A_474 = arith.constant 16 : i32
        %mul3A_475 = arith.muli %while3A_460, %mul3A_474 : i32
        %add3A_476 = arith.addi %while3A_277#4, %mul3A_475 : i32
        %swap3A = arith.index_cast %add3A_476 : i32 to index
        %swap3A_477 = tpu.vector_load %arg10[%swap3A] masked %lt3A_473 {strides = array<i32>} : memref<528xi32, #tpu.memory_space<vmem>>, vector<16xi32>, vector<16xi1>
        tpu.vector_store %arg10[%swap3A], %get3A_463 masked %lt3A_473 {strides = array<i32>} : memref<528xi32, #tpu.memory_space<vmem>>, vector<16xi32>, vector<16xi1>
        %swap3A_478 = arith.index_cast %add3A_476 : i32 to index
        %swap3A_479 = tpu.vector_load %arg11[%swap3A_478] masked %lt3A_473 {strides = array<i32>} : memref<528xi32, #tpu.memory_space<vmem>>, vector<16xi32>, vector<16xi1>
        tpu.vector_store %arg11[%swap3A_478], %get3A_467 masked %lt3A_473 {strides = array<i32>} : memref<528xi32, #tpu.memory_space<vmem>>, vector<16xi32>, vector<16xi1>
      }
      %while3A_313 = arith.constant 1 : i32
      scf.for %while3A_460 = %while3A_311 to %while3A_307 step %while3A_313  : i32 {
        %mul3A_461 = arith.constant 16 : i32
        %mul3A_462 = arith.muli %while3A_460, %mul3A_461 : i32
        %get3A = arith.index_cast %mul3A_462 : i32 to index
        %get3A_463 = tpu.vector_load %arg6[%get3A] {strides = array<i32>} : memref<8208xi32, #tpu.memory_space<vmem>>, vector<16xi32>,
        %mul3A_464 = arith.constant 16 : i32
        %mul3A_465 = arith.muli %while3A_460, %mul3A_464 : i32
        %get3A_466 = arith.index_cast %mul3A_465 : i32 to index
        %get3A_467 = tpu.vector_load %arg7[%get3A_466] {strides = array<i32>} : memref<8208xi32, #tpu.memory_space<vmem>>, vector<16xi32>,
        %mul3A_468 = arith.constant 16 : i32
        %mul3A_469 = arith.muli %while3A_460, %mul3A_468 : i32
        %add3A_470 = vector.broadcast %mul3A_469 : i32 to vector<16xi32>
        %add3A_471 = arith.addi %iota3A_249, %add3A_470 : vector<16xi32>
        %lt3A_472 = vector.broadcast %while3A_277#0 : i32 to vector<16xi32>
        %lt3A_473 = arith.cmpi slt, %add3A_471, %lt3A_472 : vector<16xi32>
        %mul3A_474 = arith.constant 16 : i32
        %mul3A_475 = arith.muli %while3A_460, %mul3A_474 : i32
        %add3A_476 = arith.addi %while3A_277#4, %mul3A_475 : i32
        %swap3A = arith.index_cast %add3A_476 : i32 to index
        %swap3A_477 = tpu.vector_load %arg10[%swap3A] masked %lt3A_473 {strides = array<i32>} : memref<528xi32, #tpu.memory_space<vmem>>, vector<16xi32>, vector<16xi1>
        tpu.vector_store %arg10[%swap3A], %get3A_463 masked %lt3A_473 {strides = array<i32>} : memref<528xi32, #tpu.memory_space<vmem>>, vector<16xi32>, vector<16xi1>
        %swap3A_478 = arith.index_cast %add3A_476 : i32 to index
        %swap3A_479 = tpu.vector_load %arg11[%swap3A_478] masked %lt3A_473 {strides = array<i32>} : memref<528xi32, #tpu.memory_space<vmem>>, vector<16xi32>, vector<16xi1>
        tpu.vector_store %arg11[%swap3A_478], %get3A_467 masked %lt3A_473 {strides = array<i32>} : memref<528xi32, #tpu.memory_space<vmem>>, vector<16xi32>, vector<16xi1>
      }
      %sub3A_314 = arith.subi %while3A_277#3, %while3A_277#2 : i32
      %shift_right_arithmetic3A_315 = arith.constant 1 : i32
      %shift_right_arithmetic3A_316 = arith.shrsi %sub3A_314, %shift_right_arithmetic3A_315 : i32
      %add3A_317 = arith.addi %while3A_277#2, %shift_right_arithmetic3A_316 : i32
      %scan3A_318 = arith.constant 0 : i32
      %scan3A_319 = arith.constant 0 : i32
      %scan3A_320 = arith.constant 32 : i32
      %scan3A_321 = arith.addi %scan3A_319, %scan3A_320 : i32
      %scan3A_322 = arith.constant 1 : i32
      scf.for %scan3A_460 = %scan3A_319 to %scan3A_321 step %scan3A_322  : i32 {
        %mul3A_461 = arith.constant 16 : i32
        %mul3A_462 = arith.muli %scan3A_460, %mul3A_461 : i32
        %get3A = arith.index_cast %mul3A_462 : i32 to index
        %get3A_463 = tpu.vector_load %arg10[%get3A] {strides = array<i32>} : memref<528xi32, #tpu.memory_space<vmem>>, vector<16xi32>,
        %get3A_464 = arith.index_cast %mul3A_462 : i32 to index
        %get3A_465 = tpu.vector_load %arg11[%get3A_464] {strides = array<i32>} : memref<528xi32, #tpu.memory_space<vmem>>, vector<16xi32>,
        %masked_sort3A = arith.constant dense<true> : vector<16xi1>
        %masked_sort3A_466 = arith.constant -2147483648 : i32
        %masked_sort3A_467 = vector.broadcast %masked_sort3A_466 : i32 to vector<16xi32>
        %masked_sort3A_468 = arith.xori %get3A_463, %masked_sort3A_467 : vector<16xi32>
        %masked_sort3A_469, %masked_sort3A_470, %masked_sort3A_471 = tpu.sort %masked_sort3A_468, %get3A_465 masked %masked_sort3A {descending = true} : (vector<16xi32>, vector<16xi32>, vector<16xi1>) -> (vector<16xi1>, vector<16xi32>, vector<16xi32>)
        %masked_sort3A_472 = arith.xori %masked_sort3A_470, %masked_sort3A_467 : vector<16xi32>
        %swap3A = arith.index_cast %mul3A_462 : i32 to index
        %swap3A_473 = tpu.vector_load %arg10[%swap3A] {strides = array<i32>} : memref<528xi32, #tpu.memory_space<vmem>>, vector<16xi32>,
        tpu.vector_store %arg10[%swap3A], %masked_sort3A_472 {strides = array<i32>} : memref<528xi32, #tpu.memory_space<vmem>>, vector<16xi32>,
        %swap3A_474 = arith.index_cast %mul3A_462 : i32 to index
        %swap3A_475 = tpu.vector_load %arg11[%swap3A_474] {strides = array<i32>} : memref<528xi32, #tpu.memory_space<vmem>>, vector<16xi32>,
        tpu.vector_store %arg11[%swap3A_474], %masked_sort3A_471 {strides = array<i32>} : memref<528xi32, #tpu.memory_space<vmem>>, vector<16xi32>,
      }
      %scan3A_323 = arith.constant 32 : i32
      %scan3A_324 = arith.constant 0 : i32
      %scan3A_325 = arith.constant 0 : i32
      %scan3A_326 = arith.constant 16 : i32
      %scan3A_327 = arith.addi %scan3A_325, %scan3A_326 : i32
      %scan3A_328 = arith.constant 1 : i32
      scf.for %scan3A_460 = %scan3A_325 to %scan3A_327 step %scan3A_328  : i32 {
        %jit3A_461 = arith.constant 1 : i32
        %div3A_462 = arith.divsi %scan3A_460, %jit3A_461 : i32
        %sign3A_463 = arith.constant 0 : i32
        %sign3A_464 = arith.cmpi sgt, %scan3A_460, %sign3A_463 : i32
        %sign3A_465 = arith.extui %sign3A_464 : i1 to i32
        %sign3A_466 = arith.constant 0 : i32
        %sign3A_467 = arith.cmpi slt, %scan3A_460, %sign3A_466 : i32
        %sign3A_468 = arith.extui %sign3A_467 : i1 to i32
        %sign3A_469 = arith.subi %sign3A_465, %sign3A_468 : i32
        %sign3A_470 = arith.constant 0 : i32
        %sign3A_471 = arith.cmpi sgt, %jit3A_461, %sign3A_470 : i32
        %sign3A_472 = arith.extui %sign3A_471 : i1 to i32
        %sign3A_473 = arith.constant 0 : i32
        %sign3A_474 = arith.cmpi slt, %jit3A_461, %sign3A_473 : i32
        %sign3A_475 = arith.extui %sign3A_474 : i1 to i32
        %sign3A_476 = arith.subi %sign3A_472, %sign3A_475 : i32
        %ne3A_477 = arith.cmpi ne, %sign3A_469, %sign3A_476 : i32
        %rem3A_478 = arith.remsi %scan3A_460, %jit3A_461 : i32
        %ne3A_479 = arith.constant 0 : i32
        %ne3A_480 = arith.cmpi ne, %rem3A_478, %ne3A_479 : i32
        %and3A_481 = arith.andi %ne3A_477, %ne3A_480 : i1
        %sub3A_482 = arith.constant 1 : i32
        %sub3A_483 = arith.subi %div3A_462, %sub3A_482 : i32
        %select_n3A_484 = arith.select %and3A_481, %sub3A_483, %div3A_462 : i32
        %jit3A_485 = arith.constant 1 : i32
        %eq3A = arith.constant 0 : i32
        %eq3A_486 = arith.cmpi eq, %jit3A_485, %eq3A : i32
        %jit3A_487 = arith.constant 1 : i32
        %select_n3A_488 = arith.select %eq3A_486, %jit3A_487, %jit3A_485 : i32
        %rem3A_489 = arith.remsi %scan3A_460, %select_n3A_488 : i32
        %ne3A_490 = arith.constant 0 : i32
        %ne3A_491 = arith.cmpi ne, %rem3A_489, %ne3A_490 : i32
        %lt3A_492 = arith.constant 0 : i32
        %lt3A_493 = arith.cmpi slt, %rem3A_489, %lt3A_492 : i32
        %lt3A_494 = arith.constant 0 : i32
        %lt3A_495 = arith.cmpi slt, %select_n3A_488, %lt3A_494 : i32
        %ne3A_496 = arith.xori %lt3A_493, %lt3A_495 : i1
        %and3A_497 = arith.andi %ne3A_496, %ne3A_491 : i1
        %add3A_498 = arith.addi %rem3A_489, %select_n3A_488 : i32
        %select_n3A_499 = arith.select %and3A_497, %add3A_498, %rem3A_489 : i32
        %mul3A_500 = arith.constant 2 : i32
        %mul3A_501 = arith.muli %mul3A_500, %select_n3A_484 : i32
        %mul3A_502 = arith.constant 1 : i32
        %mul3A_503 = arith.muli %mul3A_501, %mul3A_502 : i32
        %add3A_504 = arith.addi %mul3A_503, %select_n3A_499 : i32
        %mul3A_505 = arith.constant 16 : i32
        %mul3A_506 = arith.muli %add3A_504, %mul3A_505 : i32
        %add3A_507 = arith.constant 1 : i32
        %add3A_508 = arith.addi %mul3A_503, %add3A_507 : i32
        %sub3A_509 = arith.constant 0 : i32
        %sub3A_510 = arith.subi %sub3A_509, %select_n3A_499 : i32
        %add3A_511 = arith.addi %add3A_508, %sub3A_510 : i32
        %mul3A_512 = arith.constant 16 : i32
        %mul3A_513 = arith.muli %add3A_511, %mul3A_512 : i32
        %get3A = arith.index_cast %mul3A_506 : i32 to index
        %get3A_514 = tpu.vector_load %arg10[%get3A] {strides = array<i32>} : memref<528xi32, #tpu.memory_space<vmem>>, vector<16xi32>,
        %get3A_515 = arith.index_cast %mul3A_506 : i32 to index
        %get3A_516 = tpu.vector_load %arg11[%get3A_515] {strides = array<i32>} : memref<528xi32, #tpu.memory_space<vmem>>, vector<16xi32>,
        %get3A_517 = arith.index_cast %mul3A_513 : i32 to index
        %get3A_518 = tpu.vector_load %arg10[%get3A_517] {strides = array<i32>} : memref<528xi32, #tpu.memory_space<vmem>>, vector<16xi32>,
        %rev3A = arith.constant 15 : i32
        %rev3A_519 = vector.broadcast %rev3A : i32 to vector<16xi32>
        %rev3A_520 = tpu.iota {dimensions = array<i32: 0>} : vector<16xi32>
        %rev3A_521 = arith.subi %rev3A_519, %rev3A_520 : vector<16xi32>
        %rev3A_522 = tpu.dynamic_gather %get3A_518[%rev3A_521] in [0] : vector<16xi32>, vector<16xi32> -> vector<16xi32>
        %get3A_523 = arith.index_cast %mul3A_513 : i32 to index
        %get3A_524 = tpu.vector_load %arg11[%get3A_523] {strides = array<i32>} : memref<528xi32, #tpu.memory_space<vmem>>, vector<16xi32>,
        %rev3A_525 = arith.constant 15 : i32
        %rev3A_526 = vector.broadcast %rev3A_525 : i32 to vector<16xi32>
        %rev3A_527 = tpu.iota {dimensions = array<i32: 0>} : vector<16xi32>
        %rev3A_528 = arith.subi %rev3A_526, %rev3A_527 : vector<16xi32>
        %rev3A_529 = tpu.dynamic_gather %get3A_524[%rev3A_528] in [0] : vector<16xi32>, vector<16xi32> -> vector<16xi32>
        %gt3A_530 = arith.cmpi sgt, %get3A_514, %rev3A_522 : vector<16xi32>
        %eq3A_531 = arith.cmpi eq, %get3A_514, %rev3A_522 : vector<16xi32>
        %lt3A_532 = arith.cmpi slt, %get3A_516, %rev3A_529 : vector<16xi32>
        %and3A_533 = arith.andi %eq3A_531, %lt3A_532 : vector<16xi1>
        %or3A_534 = arith.ori %gt3A_530, %and3A_533 : vector<16xi1>
        %select_n3A_535 = arith.select %or3A_534, %get3A_514, %rev3A_522 : vector<16xi1>, vector<16xi32>
        %swap3A = arith.index_cast %mul3A_506 : i32 to index
        %swap3A_536 = tpu.vector_load %arg12[%swap3A] {strides = array<i32>} : memref<528xi32, #tpu.memory_space<vmem>>, vector<16xi32>,
        tpu.vector_store %arg12[%swap3A], %select_n3A_535 {strides = array<i32>} : memref<528xi32, #tpu.memory_space<vmem>>, vector<16xi32>,
        %select_n3A_537 = arith.select %or3A_534, %get3A_516, %rev3A_529 : vector<16xi1>, vector<16xi32>
        %swap3A_538 = arith.index_cast %mul3A_506 : i32 to index
        %swap3A_539 = tpu.vector_load %arg13[%swap3A_538] {strides = array<i32>} : memref<528xi32, #tpu.memory_space<vmem>>, vector<16xi32>,
        tpu.vector_store %arg13[%swap3A_538], %select_n3A_537 {strides = array<i32>} : memref<528xi32, #tpu.memory_space<vmem>>, vector<16xi32>,
        %add3A_540 = arith.constant 1 : i32
        %add3A_541 = arith.addi %mul3A_503, %add3A_540 : i32
        %add3A_542 = arith.addi %add3A_541, %select_n3A_499 : i32
        %mul3A_543 = arith.constant 16 : i32
        %mul3A_544 = arith.muli %add3A_542, %mul3A_543 : i32
        %select_n3A_545 = arith.select %or3A_534, %rev3A_522, %get3A_514 : vector<16xi1>, vector<16xi32>
        %swap3A_546 = arith.index_cast %mul3A_544 : i32 to index
        %swap3A_547 = tpu.vector_load %arg12[%swap3A_546] {strides = array<i32>} : memref<528xi32, #tpu.memory_space<vmem>>, vector<16xi32>,
        tpu.vector_store %arg12[%swap3A_546], %select_n3A_545 {strides = array<i32>} : memref<528xi32, #tpu.memory_space<vmem>>, vector<16xi32>,
        %select_n3A_548 = arith.select %or3A_534, %rev3A_529, %get3A_516 : vector<16xi1>, vector<16xi32>
        %swap3A_549 = arith.index_cast %mul3A_544 : i32 to index
        %swap3A_550 = tpu.vector_load %arg13[%swap3A_549] {strides = array<i32>} : memref<528xi32, #tpu.memory_space<vmem>>, vector<16xi32>,
        tpu.vector_store %arg13[%swap3A_549], %select_n3A_548 {strides = array<i32>} : memref<528xi32, #tpu.memory_space<vmem>>, vector<16xi32>,
      }
      %scan3A_329 = arith.constant 16 : i32
      %scan3A_330 = arith.constant 0 : i32
      %scan3A_331 = arith.constant 0 : i32
      %scan3A_332 = arith.constant 32 : i32
      %scan3A_333 = arith.addi %scan3A_331, %scan3A_332 : i32
      %scan3A_334 = arith.constant 1 : i32
      scf.for %scan3A_460 = %scan3A_331 to %scan3A_333 step %scan3A_334  : i32 {
        %mul3A_461 = arith.constant 16 : i32
        %mul3A_462 = arith.muli %scan3A_460, %mul3A_461 : i32
        %get3A = arith.index_cast %mul3A_462 : i32 to index
        %get3A_463 = tpu.vector_load %arg12[%get3A] {strides = array<i32>} : memref<528xi32, #tpu.memory_space<vmem>>, vector<16xi32>,
        %get3A_464 = arith.index_cast %mul3A_462 : i32 to index
        %get3A_465 = tpu.vector_load %arg13[%get3A_464] {strides = array<i32>} : memref<528xi32, #tpu.memory_space<vmem>>, vector<16xi32>,
        %masked_sort3A = arith.constant dense<true> : vector<16xi1>
        %masked_sort3A_466 = arith.constant -2147483648 : i32
        %masked_sort3A_467 = vector.broadcast %masked_sort3A_466 : i32 to vector<16xi32>
        %masked_sort3A_468 = arith.xori %get3A_463, %masked_sort3A_467 : vector<16xi32>
        %masked_sort3A_469, %masked_sort3A_470, %masked_sort3A_471 = tpu.sort %masked_sort3A_468, %get3A_465 masked %masked_sort3A {descending = true} : (vector<16xi32>, vector<16xi32>, vector<16xi1>) -> (vector<16xi1>, vector<16xi32>, vector<16xi32>)
        %masked_sort3A_472 = arith.xori %masked_sort3A_470, %masked_sort3A_467 : vector<16xi32>
        %swap3A = arith.index_cast %mul3A_462 : i32 to index
        %swap3A_473 = tpu.vector_load %arg12[%swap3A] {strides = array<i32>} : memref<528xi32, #tpu.memory_space<vmem>>, vector<16xi32>,
        tpu.vector_store %arg12[%swap3A], %masked_sort3A_472 {strides = array<i32>} : memref<528xi32, #tpu.memory_space<vmem>>, vector<16xi32>,
        %swap3A_474 = arith.index_cast %mul3A_462 : i32 to index
        %swap3A_475 = tpu.vector_load %arg13[%swap3A_474] {strides = array<i32>} : memref<528xi32, #tpu.memory_space<vmem>>, vector<16xi32>,
        tpu.vector_store %arg13[%swap3A_474], %masked_sort3A_471 {strides = array<i32>} : memref<528xi32, #tpu.memory_space<vmem>>, vector<16xi32>,
      }
      %scan3A_335 = arith.constant 32 : i32
      %scan3A_336 = arith.constant 0 : i32
      %scan3A_337 = arith.constant 0 : i32
      %scan3A_338 = arith.constant 16 : i32
      %scan3A_339 = arith.addi %scan3A_337, %scan3A_338 : i32
      %scan3A_340 = arith.constant 1 : i32
      scf.for %scan3A_460 = %scan3A_337 to %scan3A_339 step %scan3A_340  : i32 {
        %jit3A_461 = arith.constant 2 : i32
        %div3A_462 = arith.divsi %scan3A_460, %jit3A_461 : i32
        %sign3A_463 = arith.constant 0 : i32
        %sign3A_464 = arith.cmpi sgt, %scan3A_460, %sign3A_463 : i32
        %sign3A_465 = arith.extui %sign3A_464 : i1 to i32
        %sign3A_466 = arith.constant 0 : i32
        %sign3A_467 = arith.cmpi slt, %scan3A_460, %sign3A_466 : i32
        %sign3A_468 = arith.extui %sign3A_467 : i1 to i32
        %sign3A_469 = arith.subi %sign3A_465, %sign3A_468 : i32
        %sign3A_470 = arith.constant 0 : i32
        %sign3A_471 = arith.cmpi sgt, %jit3A_461, %sign3A_470 : i32
        %sign3A_472 = arith.extui %sign3A_471 : i1 to i32
        %sign3A_473 = arith.constant 0 : i32
        %sign3A_474 = arith.cmpi slt, %jit3A_461, %sign3A_473 : i32
        %sign3A_475 = arith.extui %sign3A_474 : i1 to i32
        %sign3A_476 = arith.subi %sign3A_472, %sign3A_475 : i32
        %ne3A_477 = arith.cmpi ne, %sign3A_469, %sign3A_476 : i32
        %rem3A_478 = arith.remsi %scan3A_460, %jit3A_461 : i32
        %ne3A_479 = arith.constant 0 : i32
        %ne3A_480 = arith.cmpi ne, %rem3A_478, %ne3A_479 : i32
        %and3A_481 = arith.andi %ne3A_477, %ne3A_480 : i1
        %sub3A_482 = arith.constant 1 : i32
        %sub3A_483 = arith.subi %div3A_462, %sub3A_482 : i32
        %select_n3A_484 = arith.select %and3A_481, %sub3A_483, %div3A_462 : i32
        %jit3A_485 = arith.constant 2 : i32
        %eq3A = arith.constant 0 : i32
        %eq3A_486 = arith.cmpi eq, %jit3A_485, %eq3A : i32
        %jit3A_487 = arith.constant 1 : i32
        %select_n3A_488 = arith.select %eq3A_486, %jit3A_487, %jit3A_485 : i32
        %rem3A_489 = arith.remsi %scan3A_460, %select_n3A_488 : i32
        %ne3A_490 = arith.constant 0 : i32
        %ne3A_491 = arith.cmpi ne, %rem3A_489, %ne3A_490 : i32
        %lt3A_492 = arith.constant 0 : i32
        %lt3A_493 = arith.cmpi slt, %rem3A_489, %lt3A_492 : i32
        %lt3A_494 = arith.constant 0 : i32
        %lt3A_495 = arith.cmpi slt, %select_n3A_488, %lt3A_494 : i32
        %ne3A_496 = arith.xori %lt3A_493, %lt3A_495 : i1
        %and3A_497 = arith.andi %ne3A_496, %ne3A_491 : i1
        %add3A_498 = arith.addi %rem3A_489, %select_n3A_488 : i32
        %select_n3A_499 = arith.select %and3A_497, %add3A_498, %rem3A_489 : i32
        %mul3A_500 = arith.constant 2 : i32
        %mul3A_501 = arith.muli %mul3A_500, %select_n3A_484 : i32
        %mul3A_502 = arith.constant 2 : i32
        %mul3A_503 = arith.muli %mul3A_501, %mul3A_502 : i32
        %add3A_504 = arith.addi %mul3A_503, %select_n3A_499 : i32
        %mul3A_505 = arith.constant 16 : i32
        %mul3A_506 = arith.muli %add3A_504, %mul3A_505 : i32
        %add3A_507 = arith.constant 2 : i32
        %add3A_508 = arith.addi %mul3A_503, %add3A_507 : i32
        %sub3A_509 = arith.constant 1 : i32
        %sub3A_510 = arith.subi %sub3A_509, %select_n3A_499 : i32
        %add3A_511 = arith.addi %add3A_508, %sub3A_510 : i32
        %mul3A_512 = arith.constant 16 : i32
        %mul3A_513 = arith.muli %add3A_511, %mul3A_512 : i32
        %get3A = arith.index_cast %mul3A_506 : i32 to index
        %get3A_514 = tpu.vector_load %arg12[%get3A] {strides = array<i32>} : memref<528xi32, #tpu.memory_space<vmem>>, vector<16xi32>,
        %get3A_515 = arith.index_cast %mul3A_506 : i32 to index
        %get3A_516 = tpu.vector_load %arg13[%get3A_515] {strides = array<i32>} : memref<528xi32, #tpu.memory_space<vmem>>, vector<16xi32>,
        %get3A_517 = arith.index_cast %mul3A_513 : i32 to index
        %get3A_518 = tpu.vector_load %arg12[%get3A_517] {strides = array<i32>} : memref<528xi32, #tpu.memory_space<vmem>>, vector<16xi32>,
        %rev3A = arith.constant 15 : i32
        %rev3A_519 = vector.broadcast %rev3A : i32 to vector<16xi32>
        %rev3A_520 = tpu.iota {dimensions = array<i32: 0>} : vector<16xi32>
        %rev3A_521 = arith.subi %rev3A_519, %rev3A_520 : vector<16xi32>
        %rev3A_522 = tpu.dynamic_gather %get3A_518[%rev3A_521] in [0] : vector<16xi32>, vector<16xi32> -> vector<16xi32>
        %get3A_523 = arith.index_cast %mul3A_513 : i32 to index
        %get3A_524 = tpu.vector_load %arg13[%get3A_523] {strides = array<i32>} : memref<528xi32, #tpu.memory_space<vmem>>, vector<16xi32>,
        %rev3A_525 = arith.constant 15 : i32
        %rev3A_526 = vector.broadcast %rev3A_525 : i32 to vector<16xi32>
        %rev3A_527 = tpu.iota {dimensions = array<i32: 0>} : vector<16xi32>
        %rev3A_528 = arith.subi %rev3A_526, %rev3A_527 : vector<16xi32>
        %rev3A_529 = tpu.dynamic_gather %get3A_524[%rev3A_528] in [0] : vector<16xi32>, vector<16xi32> -> vector<16xi32>
        %gt3A_530 = arith.cmpi sgt, %get3A_514, %rev3A_522 : vector<16xi32>
        %eq3A_531 = arith.cmpi eq, %get3A_514, %rev3A_522 : vector<16xi32>
        %lt3A_532 = arith.cmpi slt, %get3A_516, %rev3A_529 : vector<16xi32>
        %and3A_533 = arith.andi %eq3A_531, %lt3A_532 : vector<16xi1>
        %or3A_534 = arith.ori %gt3A_530, %and3A_533 : vector<16xi1>
        %select_n3A_535 = arith.select %or3A_534, %get3A_514, %rev3A_522 : vector<16xi1>, vector<16xi32>
        %swap3A = arith.index_cast %mul3A_506 : i32 to index
        %swap3A_536 = tpu.vector_load %arg10[%swap3A] {strides = array<i32>} : memref<528xi32, #tpu.memory_space<vmem>>, vector<16xi32>,
        tpu.vector_store %arg10[%swap3A], %select_n3A_535 {strides = array<i32>} : memref<528xi32, #tpu.memory_space<vmem>>, vector<16xi32>,
        %select_n3A_537 = arith.select %or3A_534, %get3A_516, %rev3A_529 : vector<16xi1>, vector<16xi32>
        %swap3A_538 = arith.index_cast %mul3A_506 : i32 to index
        %swap3A_539 = tpu.vector_load %arg11[%swap3A_538] {strides = array<i32>} : memref<528xi32, #tpu.memory_space<vmem>>, vector<16xi32>,
        tpu.vector_store %arg11[%swap3A_538], %select_n3A_537 {strides = array<i32>} : memref<528xi32, #tpu.memory_space<vmem>>, vector<16xi32>,
        %add3A_540 = arith.constant 2 : i32
        %add3A_541 = arith.addi %mul3A_503, %add3A_540 : i32
        %add3A_542 = arith.addi %add3A_541, %select_n3A_499 : i32
        %mul3A_543 = arith.constant 16 : i32
        %mul3A_544 = arith.muli %add3A_542, %mul3A_543 : i32
        %select_n3A_545 = arith.select %or3A_534, %rev3A_522, %get3A_514 : vector<16xi1>, vector<16xi32>
        %swap3A_546 = arith.index_cast %mul3A_544 : i32 to index
        %swap3A_547 = tpu.vector_load %arg10[%swap3A_546] {strides = array<i32>} : memref<528xi32, #tpu.memory_space<vmem>>, vector<16xi32>,
        tpu.vector_store %arg10[%swap3A_546], %select_n3A_545 {strides = array<i32>} : memref<528xi32, #tpu.memory_space<vmem>>, vector<16xi32>,
        %select_n3A_548 = arith.select %or3A_534, %rev3A_529, %get3A_516 : vector<16xi1>, vector<16xi32>
        %swap3A_549 = arith.index_cast %mul3A_544 : i32 to index
        %swap3A_550 = tpu.vector_load %arg11[%swap3A_549] {strides = array<i32>} : memref<528xi32, #tpu.memory_space<vmem>>, vector<16xi32>,
        tpu.vector_store %arg11[%swap3A_549], %select_n3A_548 {strides = array<i32>} : memref<528xi32, #tpu.memory_space<vmem>>, vector<16xi32>,
      }
      %scan3A_341 = arith.constant 16 : i32
      %scan3A_342 = arith.constant 0 : i32
      %scan3A_343 = arith.constant 0 : i32
      %scan3A_344 = arith.constant 16 : i32
      %scan3A_345 = arith.addi %scan3A_343, %scan3A_344 : i32
      %scan3A_346 = arith.constant 1 : i32
      scf.for %scan3A_460 = %scan3A_343 to %scan3A_345 step %scan3A_346  : i32 {
        %jit3A_461 = arith.constant 1 : i32
        %div3A_462 = arith.divsi %scan3A_460, %jit3A_461 : i32
        %sign3A_463 = arith.constant 0 : i32
        %sign3A_464 = arith.cmpi sgt, %scan3A_460, %sign3A_463 : i32
        %sign3A_465 = arith.extui %sign3A_464 : i1 to i32
        %sign3A_466 = arith.constant 0 : i32
        %sign3A_467 = arith.cmpi slt, %scan3A_460, %sign3A_466 : i32
        %sign3A_468 = arith.extui %sign3A_467 : i1 to i32
        %sign3A_469 = arith.subi %sign3A_465, %sign3A_468 : i32
        %sign3A_470 = arith.constant 0 : i32
        %sign3A_471 = arith.cmpi sgt, %jit3A_461, %sign3A_470 : i32
        %sign3A_472 = arith.extui %sign3A_471 : i1 to i32
        %sign3A_473 = arith.constant 0 : i32
        %sign3A_474 = arith.cmpi slt, %jit3A_461, %sign3A_473 : i32
        %sign3A_475 = arith.extui %sign3A_474 : i1 to i32
        %sign3A_476 = arith.subi %sign3A_472, %sign3A_475 : i32
        %ne3A_477 = arith.cmpi ne, %sign3A_469, %sign3A_476 : i32
        %rem3A_478 = arith.remsi %scan3A_460, %jit3A_461 : i32
        %ne3A_479 = arith.constant 0 : i32
        %ne3A_480 = arith.cmpi ne, %rem3A_478, %ne3A_479 : i32
        %and3A_481 = arith.andi %ne3A_477, %ne3A_480 : i1
        %sub3A_482 = arith.constant 1 : i32
        %sub3A_483 = arith.subi %div3A_462, %sub3A_482 : i32
        %select_n3A_484 = arith.select %and3A_481, %sub3A_483, %div3A_462 : i32
        %jit3A_485 = arith.constant 1 : i32
        %eq3A = arith.constant 0 : i32
        %eq3A_486 = arith.cmpi eq, %jit3A_485, %eq3A : i32
        %jit3A_487 = arith.constant 1 : i32
        %select_n3A_488 = arith.select %eq3A_486, %jit3A_487, %jit3A_485 : i32
        %rem3A_489 = arith.remsi %scan3A_460, %select_n3A_488 : i32
        %ne3A_490 = arith.constant 0 : i32
        %ne3A_491 = arith.cmpi ne, %rem3A_489, %ne3A_490 : i32
        %lt3A_492 = arith.constant 0 : i32
        %lt3A_493 = arith.cmpi slt, %rem3A_489, %lt3A_492 : i32
        %lt3A_494 = arith.constant 0 : i32
        %lt3A_495 = arith.cmpi slt, %select_n3A_488, %lt3A_494 : i32
        %ne3A_496 = arith.xori %lt3A_493, %lt3A_495 : i1
        %and3A_497 = arith.andi %ne3A_496, %ne3A_491 : i1
        %add3A_498 = arith.addi %rem3A_489, %select_n3A_488 : i32
        %select_n3A_499 = arith.select %and3A_497, %add3A_498, %rem3A_489 : i32
        %mul3A_500 = arith.constant 2 : i32
        %mul3A_501 = arith.muli %select_n3A_484, %mul3A_500 : i32
        %mul3A_502 = arith.constant 1 : i32
        %mul3A_503 = arith.muli %mul3A_501, %mul3A_502 : i32
        %add3A_504 = arith.addi %mul3A_503, %select_n3A_499 : i32
        %mul3A_505 = arith.constant 16 : i32
        %mul3A_506 = arith.muli %add3A_504, %mul3A_505 : i32
        %get3A = arith.index_cast %mul3A_506 : i32 to index
        %get3A_507 = tpu.vector_load %arg10[%get3A] {strides = array<i32>} : memref<528xi32, #tpu.memory_space<vmem>>, vector<16xi32>,
        %get3A_508 = arith.index_cast %mul3A_506 : i32 to index
        %get3A_509 = tpu.vector_load %arg11[%get3A_508] {strides = array<i32>} : memref<528xi32, #tpu.memory_space<vmem>>, vector<16xi32>,
        %add3A_510 = arith.constant 16 : i32
        %add3A_511 = arith.addi %mul3A_506, %add3A_510 : i32
        %get3A_512 = arith.index_cast %add3A_511 : i32 to index
        %get3A_513 = tpu.vector_load %arg10[%get3A_512] {strides = array<i32>} : memref<528xi32, #tpu.memory_space<vmem>>, vector<16xi32>,
        %add3A_514 = arith.constant 16 : i32
        %add3A_515 = arith.addi %mul3A_506, %add3A_514 : i32
        %get3A_516 = arith.index_cast %add3A_515 : i32 to index
        %get3A_517 = tpu.vector_load %arg11[%get3A_516] {strides = array<i32>} : memref<528xi32, #tpu.memory_space<vmem>>, vector<16xi32>,
        %gt3A_518 = arith.cmpi sgt, %get3A_507, %get3A_513 : vector<16xi32>
        %eq3A_519 = arith.cmpi eq, %get3A_507, %get3A_513 : vector<16xi32>
        %lt3A_520 = arith.cmpi slt, %get3A_509, %get3A_517 : vector<16xi32>
        %and3A_521 = arith.andi %eq3A_519, %lt3A_520 : vector<16xi1>
        %or3A_522 = arith.ori %gt3A_518, %and3A_521 : vector<16xi1>
        %select_n3A_523 = arith.select %or3A_522, %get3A_507, %get3A_513 : vector<16xi1>, vector<16xi32>
        %swap3A = arith.index_cast %mul3A_506 : i32 to index
        %swap3A_524 = tpu.vector_load %arg10[%swap3A] {strides = array<i32>} : memref<528xi32, #tpu.memory_space<vmem>>, vector<16xi32>,
        tpu.vector_store %arg10[%swap3A], %select_n3A_523 {strides = array<i32>} : memref<528xi32, #tpu.memory_space<vmem>>, vector<16xi32>,
        %select_n3A_525 = arith.select %or3A_522, %get3A_509, %get3A_517 : vector<16xi1>, vector<16xi32>
        %swap3A_526 = arith.index_cast %mul3A_506 : i32 to index
        %swap3A_527 = tpu.vector_load %arg11[%swap3A_526] {strides = array<i32>} : memref<528xi32, #tpu.memory_space<vmem>>, vector<16xi32>,
        tpu.vector_store %arg11[%swap3A_526], %select_n3A_525 {strides = array<i32>} : memref<528xi32, #tpu.memory_space<vmem>>, vector<16xi32>,
        %select_n3A_528 = arith.select %or3A_522, %get3A_513, %get3A_507 : vector<16xi1>, vector<16xi32>
        %add3A_529 = arith.constant 16 : i32
        %add3A_530 = arith.addi %mul3A_506, %add3A_529 : i32
        %swap3A_531 = arith.index_cast %add3A_530 : i32 to index
        %swap3A_532 = tpu.vector_load %arg10[%swap3A_531] {strides = array<i32>} : memref<528xi32, #tpu.memory_space<vmem>>, vector<16xi32>,
        tpu.vector_store %arg10[%swap3A_531], %select_n3A_528 {strides = array<i32>} : memref<528xi32, #tpu.memory_space<vmem>>, vector<16xi32>,
        %select_n3A_533 = arith.select %or3A_522, %get3A_517, %get3A_509 : vector<16xi1>, vector<16xi32>
        %add3A_534 = arith.constant 16 : i32
        %add3A_535 = arith.addi %mul3A_506, %add3A_534 : i32
        %swap3A_536 = arith.index_cast %add3A_535 : i32 to index
        %swap3A_537 = tpu.vector_load %arg11[%swap3A_536] {strides = array<i32>} : memref<528xi32, #tpu.memory_space<vmem>>, vector<16xi32>,
        tpu.vector_store %arg11[%swap3A_536], %select_n3A_533 {strides = array<i32>} : memref<528xi32, #tpu.memory_space<vmem>>, vector<16xi32>,
      }
      %scan3A_347 = arith.constant 16 : i32
      %scan3A_348 = arith.constant 0 : i32
      %scan3A_349 = arith.constant 0 : i32
      %scan3A_350 = arith.constant 32 : i32
      %scan3A_351 = arith.addi %scan3A_349, %scan3A_350 : i32
      %scan3A_352 = arith.constant 1 : i32
      scf.for %scan3A_460 = %scan3A_349 to %scan3A_351 step %scan3A_352  : i32 {
        %mul3A_461 = arith.constant 16 : i32
        %mul3A_462 = arith.muli %scan3A_460, %mul3A_461 : i32
        %get3A = arith.index_cast %mul3A_462 : i32 to index
        %get3A_463 = tpu.vector_load %arg10[%get3A] {strides = array<i32>} : memref<528xi32, #tpu.memory_space<vmem>>, vector<16xi32>,
        %get3A_464 = arith.index_cast %mul3A_462 : i32 to index
        %get3A_465 = tpu.vector_load %arg11[%get3A_464] {strides = array<i32>} : memref<528xi32, #tpu.memory_space<vmem>>, vector<16xi32>,
        %masked_sort3A = arith.constant dense<true> : vector<16xi1>
        %masked_sort3A_466 = arith.constant -2147483648 : i32
        %masked_sort3A_467 = vector.broadcast %masked_sort3A_466 : i32 to vector<16xi32>
        %masked_sort3A_468 = arith.xori %get3A_463, %masked_sort3A_467 : vector<16xi32>
        %masked_sort3A_469, %masked_sort3A_470, %masked_sort3A_471 = tpu.sort %masked_sort3A_468, %get3A_465 masked %masked_sort3A {descending = true} : (vector<16xi32>, vector<16xi32>, vector<16xi1>) -> (vector<16xi1>, vector<16xi32>, vector<16xi32>)
        %masked_sort3A_472 = arith.xori %masked_sort3A_470, %masked_sort3A_467 : vector<16xi32>
        %swap3A = arith.index_cast %mul3A_462 : i32 to index
        %swap3A_473 = tpu.vector_load %arg10[%swap3A] {strides = array<i32>} : memref<528xi32, #tpu.memory_space<vmem>>, vector<16xi32>,
        tpu.vector_store %arg10[%swap3A], %masked_sort3A_472 {strides = array<i32>} : memref<528xi32, #tpu.memory_space<vmem>>, vector<16xi32>,
        %swap3A_474 = arith.index_cast %mul3A_462 : i32 to index
        %swap3A_475 = tpu.vector_load %arg11[%swap3A_474] {strides = array<i32>} : memref<528xi32, #tpu.memory_space<vmem>>, vector<16xi32>,
        tpu.vector_store %arg11[%swap3A_474], %masked_sort3A_471 {strides = array<i32>} : memref<528xi32, #tpu.memory_space<vmem>>, vector<16xi32>,
      }
      %scan3A_353 = arith.constant 32 : i32
      %scan3A_354 = arith.constant 0 : i32
      %scan3A_355 = arith.constant 0 : i32
      %scan3A_356 = arith.constant 16 : i32
      %scan3A_357 = arith.addi %scan3A_355, %scan3A_356 : i32
      %scan3A_358 = arith.constant 1 : i32
      scf.for %scan3A_460 = %scan3A_355 to %scan3A_357 step %scan3A_358  : i32 {
        %jit3A_461 = arith.constant 4 : i32
        %div3A_462 = arith.divsi %scan3A_460, %jit3A_461 : i32
        %sign3A_463 = arith.constant 0 : i32
        %sign3A_464 = arith.cmpi sgt, %scan3A_460, %sign3A_463 : i32
        %sign3A_465 = arith.extui %sign3A_464 : i1 to i32
        %sign3A_466 = arith.constant 0 : i32
        %sign3A_467 = arith.cmpi slt, %scan3A_460, %sign3A_466 : i32
        %sign3A_468 = arith.extui %sign3A_467 : i1 to i32
        %sign3A_469 = arith.subi %sign3A_465, %sign3A_468 : i32
        %sign3A_470 = arith.constant 0 : i32
        %sign3A_471 = arith.cmpi sgt, %jit3A_461, %sign3A_470 : i32
        %sign3A_472 = arith.extui %sign3A_471 : i1 to i32
        %sign3A_473 = arith.constant 0 : i32
        %sign3A_474 = arith.cmpi slt, %jit3A_461, %sign3A_473 : i32
        %sign3A_475 = arith.extui %sign3A_474 : i1 to i32
        %sign3A_476 = arith.subi %sign3A_472, %sign3A_475 : i32
        %ne3A_477 = arith.cmpi ne, %sign3A_469, %sign3A_476 : i32
        %rem3A_478 = arith.remsi %scan3A_460, %jit3A_461 : i32
        %ne3A_479 = arith.constant 0 : i32
        %ne3A_480 = arith.cmpi ne, %rem3A_478, %ne3A_479 : i32
        %and3A_481 = arith.andi %ne3A_477, %ne3A_480 : i1
        %sub3A_482 = arith.constant 1 : i32
        %sub3A_483 = arith.subi %div3A_462, %sub3A_482 : i32
        %select_n3A_484 = arith.select %and3A_481, %sub3A_483, %div3A_462 : i32
        %jit3A_485 = arith.constant 4 : i32
        %eq3A = arith.constant 0 : i32
        %eq3A_486 = arith.cmpi eq, %jit3A_485, %eq3A : i32
        %jit3A_487 = arith.constant 1 : i32
        %select_n3A_488 = arith.select %eq3A_486, %jit3A_487, %jit3A_485 : i32
        %rem3A_489 = arith.remsi %scan3A_460, %select_n3A_488 : i32
        %ne3A_490 = arith.constant 0 : i32
        %ne3A_491 = arith.cmpi ne, %rem3A_489, %ne3A_490 : i32
        %lt3A_492 = arith.constant 0 : i32
        %lt3A_493 = arith.cmpi slt, %rem3A_489, %lt3A_492 : i32
        %lt3A_494 = arith.constant 0 : i32
        %lt3A_495 = arith.cmpi slt, %select_n3A_488, %lt3A_494 : i32
        %ne3A_496 = arith.xori %lt3A_493, %lt3A_495 : i1
        %and3A_497 = arith.andi %ne3A_496, %ne3A_491 : i1
        %add3A_498 = arith.addi %rem3A_489, %select_n3A_488 : i32
        %select_n3A_499 = arith.select %and3A_497, %add3A_498, %rem3A_489 : i32
        %mul3A_500 = arith.constant 2 : i32
        %mul3A_501 = arith.muli %mul3A_500, %select_n3A_484 : i32
        %mul3A_502 = arith.constant 4 : i32
        %mul3A_503 = arith.muli %mul3A_501, %mul3A_502 : i32
        %add3A_504 = arith.addi %mul3A_503, %select_n3A_499 : i32
        %mul3A_505 = arith.constant 16 : i32
        %mul3A_506 = arith.muli %add3A_504, %mul3A_505 : i32
        %add3A_507 = arith.constant 4 : i32
        %add3A_508 = arith.addi %mul3A_503, %add3A_507 : i32
        %sub3A_509 = arith.constant 3 : i32
        %sub3A_510 = arith.subi %sub3A_509, %select_n3A_499 : i32
        %add3A_511 = arith.addi %add3A_508, %sub3A_510 : i32
        %mul3A_512 = arith.constant 16 : i32
        %mul3A_513 = arith.muli %add3A_511, %mul3A_512 : i32
        %get3A = arith.index_cast %mul3A_506 : i32 to index
        %get3A_514 = tpu.vector_load %arg10[%get3A] {strides = array<i32>} : memref<528xi32, #tpu.memory_space<vmem>>, vector<16xi32>,
        %get3A_515 = arith.index_cast %mul3A_506 : i32 to index
        %get3A_516 = tpu.vector_load %arg11[%get3A_515] {strides = array<i32>} : memref<528xi32, #tpu.memory_space<vmem>>, vector<16xi32>,
        %get3A_517 = arith.index_cast %mul3A_513 : i32 to index
        %get3A_518 = tpu.vector_load %arg10[%get3A_517] {strides = array<i32>} : memref<528xi32, #tpu.memory_space<vmem>>, vector<16xi32>,
        %rev3A = arith.constant 15 : i32
        %rev3A_519 = vector.broadcast %rev3A : i32 to vector<16xi32>
        %rev3A_520 = tpu.iota {dimensions = array<i32: 0>} : vector<16xi32>
        %rev3A_521 = arith.subi %rev3A_519, %rev3A_520 : vector<16xi32>
        %rev3A_522 = tpu.dynamic_gather %get3A_518[%rev3A_521] in [0] : vector<16xi32>, vector<16xi32> -> vector<16xi32>
        %get3A_523 = arith.index_cast %mul3A_513 : i32 to index
        %get3A_524 = tpu.vector_load %arg11[%get3A_523] {strides = array<i32>} : memref<528xi32, #tpu.memory_space<vmem>>, vector<16xi32>,
        %rev3A_525 = arith.constant 15 : i32
        %rev3A_526 = vector.broadcast %rev3A_525 : i32 to vector<16xi32>
        %rev3A_527 = tpu.iota {dimensions = array<i32: 0>} : vector<16xi32>
        %rev3A_528 = arith.subi %rev3A_526, %rev3A_527 : vector<16xi32>
        %rev3A_529 = tpu.dynamic_gather %get3A_524[%rev3A_528] in [0] : vector<16xi32>, vector<16xi32> -> vector<16xi32>
        %gt3A_530 = arith.cmpi sgt, %get3A_514, %rev3A_522 : vector<16xi32>
        %eq3A_531 = arith.cmpi eq, %get3A_514, %rev3A_522 : vector<16xi32>
        %lt3A_532 = arith.cmpi slt, %get3A_516, %rev3A_529 : vector<16xi32>
        %and3A_533 = arith.andi %eq3A_531, %lt3A_532 : vector<16xi1>
        %or3A_534 = arith.ori %gt3A_530, %and3A_533 : vector<16xi1>
        %select_n3A_535 = arith.select %or3A_534, %get3A_514, %rev3A_522 : vector<16xi1>, vector<16xi32>
        %swap3A = arith.index_cast %mul3A_506 : i32 to index
        %swap3A_536 = tpu.vector_load %arg12[%swap3A] {strides = array<i32>} : memref<528xi32, #tpu.memory_space<vmem>>, vector<16xi32>,
        tpu.vector_store %arg12[%swap3A], %select_n3A_535 {strides = array<i32>} : memref<528xi32, #tpu.memory_space<vmem>>, vector<16xi32>,
        %select_n3A_537 = arith.select %or3A_534, %get3A_516, %rev3A_529 : vector<16xi1>, vector<16xi32>
        %swap3A_538 = arith.index_cast %mul3A_506 : i32 to index
        %swap3A_539 = tpu.vector_load %arg13[%swap3A_538] {strides = array<i32>} : memref<528xi32, #tpu.memory_space<vmem>>, vector<16xi32>,
        tpu.vector_store %arg13[%swap3A_538], %select_n3A_537 {strides = array<i32>} : memref<528xi32, #tpu.memory_space<vmem>>, vector<16xi32>,
        %add3A_540 = arith.constant 4 : i32
        %add3A_541 = arith.addi %mul3A_503, %add3A_540 : i32
        %add3A_542 = arith.addi %add3A_541, %select_n3A_499 : i32
        %mul3A_543 = arith.constant 16 : i32
        %mul3A_544 = arith.muli %add3A_542, %mul3A_543 : i32
        %select_n3A_545 = arith.select %or3A_534, %rev3A_522, %get3A_514 : vector<16xi1>, vector<16xi32>
        %swap3A_546 = arith.index_cast %mul3A_544 : i32 to index
        %swap3A_547 = tpu.vector_load %arg12[%swap3A_546] {strides = array<i32>} : memref<528xi32, #tpu.memory_space<vmem>>, vector<16xi32>,
        tpu.vector_store %arg12[%swap3A_546], %select_n3A_545 {strides = array<i32>} : memref<528xi32, #tpu.memory_space<vmem>>, vector<16xi32>,
        %select_n3A_548 = arith.select %or3A_534, %rev3A_529, %get3A_516 : vector<16xi1>, vector<16xi32>
        %swap3A_549 = arith.index_cast %mul3A_544 : i32 to index
        %swap3A_550 = tpu.vector_load %arg13[%swap3A_549] {strides = array<i32>} : memref<528xi32, #tpu.memory_space<vmem>>, vector<16xi32>,
        tpu.vector_store %arg13[%swap3A_549], %select_n3A_548 {strides = array<i32>} : memref<528xi32, #tpu.memory_space<vmem>>, vector<16xi32>,
      }
      %scan3A_359 = arith.constant 16 : i32
      %scan3A_360 = arith.constant 0 : i32
      %scan3A_361 = arith.constant 0 : i32
      %scan3A_362 = arith.constant 16 : i32
      %scan3A_363 = arith.addi %scan3A_361, %scan3A_362 : i32
      %scan3A_364 = arith.constant 1 : i32
      scf.for %scan3A_460 = %scan3A_361 to %scan3A_363 step %scan3A_364  : i32 {
        %jit3A_461 = arith.constant 2 : i32
        %div3A_462 = arith.divsi %scan3A_460, %jit3A_461 : i32
        %sign3A_463 = arith.constant 0 : i32
        %sign3A_464 = arith.cmpi sgt, %scan3A_460, %sign3A_463 : i32
        %sign3A_465 = arith.extui %sign3A_464 : i1 to i32
        %sign3A_466 = arith.constant 0 : i32
        %sign3A_467 = arith.cmpi slt, %scan3A_460, %sign3A_466 : i32
        %sign3A_468 = arith.extui %sign3A_467 : i1 to i32
        %sign3A_469 = arith.subi %sign3A_465, %sign3A_468 : i32
        %sign3A_470 = arith.constant 0 : i32
        %sign3A_471 = arith.cmpi sgt, %jit3A_461, %sign3A_470 : i32
        %sign3A_472 = arith.extui %sign3A_471 : i1 to i32
        %sign3A_473 = arith.constant 0 : i32
        %sign3A_474 = arith.cmpi slt, %jit3A_461, %sign3A_473 : i32
        %sign3A_475 = arith.extui %sign3A_474 : i1 to i32
        %sign3A_476 = arith.subi %sign3A_472, %sign3A_475 : i32
        %ne3A_477 = arith.cmpi ne, %sign3A_469, %sign3A_476 : i32
        %rem3A_478 = arith.remsi %scan3A_460, %jit3A_461 : i32
        %ne3A_479 = arith.constant 0 : i32
        %ne3A_480 = arith.cmpi ne, %rem3A_478, %ne3A_479 : i32
        %and3A_481 = arith.andi %ne3A_477, %ne3A_480 : i1
        %sub3A_482 = arith.constant 1 : i32
        %sub3A_483 = arith.subi %div3A_462, %sub3A_482 : i32
        %select_n3A_484 = arith.select %and3A_481, %sub3A_483, %div3A_462 : i32
        %jit3A_485 = arith.constant 2 : i32
        %eq3A = arith.constant 0 : i32
        %eq3A_486 = arith.cmpi eq, %jit3A_485, %eq3A : i32
        %jit3A_487 = arith.constant 1 : i32
        %select_n3A_488 = arith.select %eq3A_486, %jit3A_487, %jit3A_485 : i32
        %rem3A_489 = arith.remsi %scan3A_460, %select_n3A_488 : i32
        %ne3A_490 = arith.constant 0 : i32
        %ne3A_491 = arith.cmpi ne, %rem3A_489, %ne3A_490 : i32
        %lt3A_492 = arith.constant 0 : i32
        %lt3A_493 = arith.cmpi slt, %rem3A_489, %lt3A_492 : i32
        %lt3A_494 = arith.constant 0 : i32
        %lt3A_495 = arith.cmpi slt, %select_n3A_488, %lt3A_494 : i32
        %ne3A_496 = arith.xori %lt3A_493, %lt3A_495 : i1
        %and3A_497 = arith.andi %ne3A_496, %ne3A_491 : i1
        %add3A_498 = arith.addi %rem3A_489, %select_n3A_488 : i32
        %select_n3A_499 = arith.select %and3A_497, %add3A_498, %rem3A_489 : i32
        %mul3A_500 = arith.constant 2 : i32
        %mul3A_501 = arith.muli %select_n3A_484, %mul3A_500 : i32
        %mul3A_502 = arith.constant 2 : i32
        %mul3A_503 = arith.muli %mul3A_501, %mul3A_502 : i32
        %add3A_504 = arith.addi %mul3A_503, %select_n3A_499 : i32
        %mul3A_505 = arith.constant 16 : i32
        %mul3A_506 = arith.muli %add3A_504, %mul3A_505 : i32
        %get3A = arith.index_cast %mul3A_506 : i32 to index
        %get3A_507 = tpu.vector_load %arg12[%get3A] {strides = array<i32>} : memref<528xi32, #tpu.memory_space<vmem>>, vector<16xi32>,
        %get3A_508 = arith.index_cast %mul3A_506 : i32 to index
        %get3A_509 = tpu.vector_load %arg13[%get3A_508] {strides = array<i32>} : memref<528xi32, #tpu.memory_space<vmem>>, vector<16xi32>,
        %add3A_510 = arith.constant 32 : i32
        %add3A_511 = arith.addi %mul3A_506, %add3A_510 : i32
        %get3A_512 = arith.index_cast %add3A_511 : i32 to index
        %get3A_513 = tpu.vector_load %arg12[%get3A_512] {strides = array<i32>} : memref<528xi32, #tpu.memory_space<vmem>>, vector<16xi32>,
        %add3A_514 = arith.constant 32 : i32
        %add3A_515 = arith.addi %mul3A_506, %add3A_514 : i32
        %get3A_516 = arith.index_cast %add3A_515 : i32 to index
        %get3A_517 = tpu.vector_load %arg13[%get3A_516] {strides = array<i32>} : memref<528xi32, #tpu.memory_space<vmem>>, vector<16xi32>,
        %gt3A_518 = arith.cmpi sgt, %get3A_507, %get3A_513 : vector<16xi32>
        %eq3A_519 = arith.cmpi eq, %get3A_507, %get3A_513 : vector<16xi32>
        %lt3A_520 = arith.cmpi slt, %get3A_509, %get3A_517 : vector<16xi32>
        %and3A_521 = arith.andi %eq3A_519, %lt3A_520 : vector<16xi1>
        %or3A_522 = arith.ori %gt3A_518, %and3A_521 : vector<16xi1>
        %select_n3A_523 = arith.select %or3A_522, %get3A_507, %get3A_513 : vector<16xi1>, vector<16xi32>
        %swap3A = arith.index_cast %mul3A_506 : i32 to index
        %swap3A_524 = tpu.vector_load %arg12[%swap3A] {strides = array<i32>} : memref<528xi32, #tpu.memory_space<vmem>>, vector<16xi32>,
        tpu.vector_store %arg12[%swap3A], %select_n3A_523 {strides = array<i32>} : memref<528xi32, #tpu.memory_space<vmem>>, vector<16xi32>,
        %select_n3A_525 = arith.select %or3A_522, %get3A_509, %get3A_517 : vector<16xi1>, vector<16xi32>
        %swap3A_526 = arith.index_cast %mul3A_506 : i32 to index
        %swap3A_527 = tpu.vector_load %arg13[%swap3A_526] {strides = array<i32>} : memref<528xi32, #tpu.memory_space<vmem>>, vector<16xi32>,
        tpu.vector_store %arg13[%swap3A_526], %select_n3A_525 {strides = array<i32>} : memref<528xi32, #tpu.memory_space<vmem>>, vector<16xi32>,
        %select_n3A_528 = arith.select %or3A_522, %get3A_513, %get3A_507 : vector<16xi1>, vector<16xi32>
        %add3A_529 = arith.constant 32 : i32
        %add3A_530 = arith.addi %mul3A_506, %add3A_529 : i32
        %swap3A_531 = arith.index_cast %add3A_530 : i32 to index
        %swap3A_532 = tpu.vector_load %arg12[%swap3A_531] {strides = array<i32>} : memref<528xi32, #tpu.memory_space<vmem>>, vector<16xi32>,
        tpu.vector_store %arg12[%swap3A_531], %select_n3A_528 {strides = array<i32>} : memref<528xi32, #tpu.memory_space<vmem>>, vector<16xi32>,
        %select_n3A_533 = arith.select %or3A_522, %get3A_517, %get3A_509 : vector<16xi1>, vector<16xi32>
        %add3A_534 = arith.constant 32 : i32
        %add3A_535 = arith.addi %mul3A_506, %add3A_534 : i32
        %swap3A_536 = arith.index_cast %add3A_535 : i32 to index
        %swap3A_537 = tpu.vector_load %arg13[%swap3A_536] {strides = array<i32>} : memref<528xi32, #tpu.memory_space<vmem>>, vector<16xi32>,
        tpu.vector_store %arg13[%swap3A_536], %select_n3A_533 {strides = array<i32>} : memref<528xi32, #tpu.memory_space<vmem>>, vector<16xi32>,
      }
      %scan3A_365 = arith.constant 16 : i32
      %scan3A_366 = arith.constant 0 : i32
      %scan3A_367 = arith.constant 0 : i32
      %scan3A_368 = arith.constant 16 : i32
      %scan3A_369 = arith.addi %scan3A_367, %scan3A_368 : i32
      %scan3A_370 = arith.constant 1 : i32
      scf.for %scan3A_460 = %scan3A_367 to %scan3A_369 step %scan3A_370  : i32 {
        %jit3A_461 = arith.constant 1 : i32
        %div3A_462 = arith.divsi %scan3A_460, %jit3A_461 : i32
        %sign3A_463 = arith.constant 0 : i32
        %sign3A_464 = arith.cmpi sgt, %scan3A_460, %sign3A_463 : i32
        %sign3A_465 = arith.extui %sign3A_464 : i1 to i32
        %sign3A_466 = arith.constant 0 : i32
        %sign3A_467 = arith.cmpi slt, %scan3A_460, %sign3A_466 : i32
        %sign3A_468 = arith.extui %sign3A_467 : i1 to i32
        %sign3A_469 = arith.subi %sign3A_465, %sign3A_468 : i32
        %sign3A_470 = arith.constant 0 : i32
        %sign3A_471 = arith.cmpi sgt, %jit3A_461, %sign3A_470 : i32
        %sign3A_472 = arith.extui %sign3A_471 : i1 to i32
        %sign3A_473 = arith.constant 0 : i32
        %sign3A_474 = arith.cmpi slt, %jit3A_461, %sign3A_473 : i32
        %sign3A_475 = arith.extui %sign3A_474 : i1 to i32
        %sign3A_476 = arith.subi %sign3A_472, %sign3A_475 : i32
        %ne3A_477 = arith.cmpi ne, %sign3A_469, %sign3A_476 : i32
        %rem3A_478 = arith.remsi %scan3A_460, %jit3A_461 : i32
        %ne3A_479 = arith.constant 0 : i32
        %ne3A_480 = arith.cmpi ne, %rem3A_478, %ne3A_479 : i32
        %and3A_481 = arith.andi %ne3A_477, %ne3A_480 : i1
        %sub3A_482 = arith.constant 1 : i32
        %sub3A_483 = arith.subi %div3A_462, %sub3A_482 : i32
        %select_n3A_484 = arith.select %and3A_481, %sub3A_483, %div3A_462 : i32
        %jit3A_485 = arith.constant 1 : i32
        %eq3A = arith.constant 0 : i32
        %eq3A_486 = arith.cmpi eq, %jit3A_485, %eq3A : i32
        %jit3A_487 = arith.constant 1 : i32
        %select_n3A_488 = arith.select %eq3A_486, %jit3A_487, %jit3A_485 : i32
        %rem3A_489 = arith.remsi %scan3A_460, %select_n3A_488 : i32
        %ne3A_490 = arith.constant 0 : i32
        %ne3A_491 = arith.cmpi ne, %rem3A_489, %ne3A_490 : i32
        %lt3A_492 = arith.constant 0 : i32
        %lt3A_493 = arith.cmpi slt, %rem3A_489, %lt3A_492 : i32
        %lt3A_494 = arith.constant 0 : i32
        %lt3A_495 = arith.cmpi slt, %select_n3A_488, %lt3A_494 : i32
        %ne3A_496 = arith.xori %lt3A_493, %lt3A_495 : i1
        %and3A_497 = arith.andi %ne3A_496, %ne3A_491 : i1
        %add3A_498 = arith.addi %rem3A_489, %select_n3A_488 : i32
        %select_n3A_499 = arith.select %and3A_497, %add3A_498, %rem3A_489 : i32
        %mul3A_500 = arith.constant 2 : i32
        %mul3A_501 = arith.muli %select_n3A_484, %mul3A_500 : i32
        %mul3A_502 = arith.constant 1 : i32
        %mul3A_503 = arith.muli %mul3A_501, %mul3A_502 : i32
        %add3A_504 = arith.addi %mul3A_503, %select_n3A_499 : i32
        %mul3A_505 = arith.constant 16 : i32
        %mul3A_506 = arith.muli %add3A_504, %mul3A_505 : i32
        %get3A = arith.index_cast %mul3A_506 : i32 to index
        %get3A_507 = tpu.vector_load %arg12[%get3A] {strides = array<i32>} : memref<528xi32, #tpu.memory_space<vmem>>, vector<16xi32>,
        %get3A_508 = arith.index_cast %mul3A_506 : i32 to index
        %get3A_509 = tpu.vector_load %arg13[%get3A_508] {strides = array<i32>} : memref<528xi32, #tpu.memory_space<vmem>>, vector<16xi32>,
        %add3A_510 = arith.constant 16 : i32
        %add3A_511 = arith.addi %mul3A_506, %add3A_510 : i32
        %get3A_512 = arith.index_cast %add3A_511 : i32 to index
        %get3A_513 = tpu.vector_load %arg12[%get3A_512] {strides = array<i32>} : memref<528xi32, #tpu.memory_space<vmem>>, vector<16xi32>,
        %add3A_514 = arith.constant 16 : i32
        %add3A_515 = arith.addi %mul3A_506, %add3A_514 : i32
        %get3A_516 = arith.index_cast %add3A_515 : i32 to index
        %get3A_517 = tpu.vector_load %arg13[%get3A_516] {strides = array<i32>} : memref<528xi32, #tpu.memory_space<vmem>>, vector<16xi32>,
        %gt3A_518 = arith.cmpi sgt, %get3A_507, %get3A_513 : vector<16xi32>
        %eq3A_519 = arith.cmpi eq, %get3A_507, %get3A_513 : vector<16xi32>
        %lt3A_520 = arith.cmpi slt, %get3A_509, %get3A_517 : vector<16xi32>
        %and3A_521 = arith.andi %eq3A_519, %lt3A_520 : vector<16xi1>
        %or3A_522 = arith.ori %gt3A_518, %and3A_521 : vector<16xi1>
        %select_n3A_523 = arith.select %or3A_522, %get3A_507, %get3A_513 : vector<16xi1>, vector<16xi32>
        %swap3A = arith.index_cast %mul3A_506 : i32 to index
        %swap3A_524 = tpu.vector_load %arg12[%swap3A] {strides = array<i32>} : memref<528xi32, #tpu.memory_space<vmem>>, vector<16xi32>,
        tpu.vector_store %arg12[%swap3A], %select_n3A_523 {strides = array<i32>} : memref<528xi32, #tpu.memory_space<vmem>>, vector<16xi32>,
        %select_n3A_525 = arith.select %or3A_522, %get3A_509, %get3A_517 : vector<16xi1>, vector<16xi32>
        %swap3A_526 = arith.index_cast %mul3A_506 : i32 to index
        %swap3A_527 = tpu.vector_load %arg13[%swap3A_526] {strides = array<i32>} : memref<528xi32, #tpu.memory_space<vmem>>, vector<16xi32>,
        tpu.vector_store %arg13[%swap3A_526], %select_n3A_525 {strides = array<i32>} : memref<528xi32, #tpu.memory_space<vmem>>, vector<16xi32>,
        %select_n3A_528 = arith.select %or3A_522, %get3A_513, %get3A_507 : vector<16xi1>, vector<16xi32>
        %add3A_529 = arith.constant 16 : i32
        %add3A_530 = arith.addi %mul3A_506, %add3A_529 : i32
        %swap3A_531 = arith.index_cast %add3A_530 : i32 to index
        %swap3A_532 = tpu.vector_load %arg12[%swap3A_531] {strides = array<i32>} : memref<528xi32, #tpu.memory_space<vmem>>, vector<16xi32>,
        tpu.vector_store %arg12[%swap3A_531], %select_n3A_528 {strides = array<i32>} : memref<528xi32, #tpu.memory_space<vmem>>, vector<16xi32>,
        %select_n3A_533 = arith.select %or3A_522, %get3A_517, %get3A_509 : vector<16xi1>, vector<16xi32>
        %add3A_534 = arith.constant 16 : i32
        %add3A_535 = arith.addi %mul3A_506, %add3A_534 : i32
        %swap3A_536 = arith.index_cast %add3A_535 : i32 to index
        %swap3A_537 = tpu.vector_load %arg13[%swap3A_536] {strides = array<i32>} : memref<528xi32, #tpu.memory_space<vmem>>, vector<16xi32>,
        tpu.vector_store %arg13[%swap3A_536], %select_n3A_533 {strides = array<i32>} : memref<528xi32, #tpu.memory_space<vmem>>, vector<16xi32>,
      }
      %scan3A_371 = arith.constant 16 : i32
      %scan3A_372 = arith.constant 0 : i32
      %scan3A_373 = arith.constant 0 : i32
      %scan3A_374 = arith.constant 32 : i32
      %scan3A_375 = arith.addi %scan3A_373, %scan3A_374 : i32
      %scan3A_376 = arith.constant 1 : i32
      scf.for %scan3A_460 = %scan3A_373 to %scan3A_375 step %scan3A_376  : i32 {
        %mul3A_461 = arith.constant 16 : i32
        %mul3A_462 = arith.muli %scan3A_460, %mul3A_461 : i32
        %get3A = arith.index_cast %mul3A_462 : i32 to index
        %get3A_463 = tpu.vector_load %arg12[%get3A] {strides = array<i32>} : memref<528xi32, #tpu.memory_space<vmem>>, vector<16xi32>,
        %get3A_464 = arith.index_cast %mul3A_462 : i32 to index
        %get3A_465 = tpu.vector_load %arg13[%get3A_464] {strides = array<i32>} : memref<528xi32, #tpu.memory_space<vmem>>, vector<16xi32>,
        %masked_sort3A = arith.constant dense<true> : vector<16xi1>
        %masked_sort3A_466 = arith.constant -2147483648 : i32
        %masked_sort3A_467 = vector.broadcast %masked_sort3A_466 : i32 to vector<16xi32>
        %masked_sort3A_468 = arith.xori %get3A_463, %masked_sort3A_467 : vector<16xi32>
        %masked_sort3A_469, %masked_sort3A_470, %masked_sort3A_471 = tpu.sort %masked_sort3A_468, %get3A_465 masked %masked_sort3A {descending = true} : (vector<16xi32>, vector<16xi32>, vector<16xi1>) -> (vector<16xi1>, vector<16xi32>, vector<16xi32>)
        %masked_sort3A_472 = arith.xori %masked_sort3A_470, %masked_sort3A_467 : vector<16xi32>
        %swap3A = arith.index_cast %mul3A_462 : i32 to index
        %swap3A_473 = tpu.vector_load %arg12[%swap3A] {strides = array<i32>} : memref<528xi32, #tpu.memory_space<vmem>>, vector<16xi32>,
        tpu.vector_store %arg12[%swap3A], %masked_sort3A_472 {strides = array<i32>} : memref<528xi32, #tpu.memory_space<vmem>>, vector<16xi32>,
        %swap3A_474 = arith.index_cast %mul3A_462 : i32 to index
        %swap3A_475 = tpu.vector_load %arg13[%swap3A_474] {strides = array<i32>} : memref<528xi32, #tpu.memory_space<vmem>>, vector<16xi32>,
        tpu.vector_store %arg13[%swap3A_474], %masked_sort3A_471 {strides = array<i32>} : memref<528xi32, #tpu.memory_space<vmem>>, vector<16xi32>,
      }
      %scan3A_377 = arith.constant 32 : i32
      %scan3A_378 = arith.constant 0 : i32
      %scan3A_379 = arith.constant 0 : i32
      %scan3A_380 = arith.constant 16 : i32
      %scan3A_381 = arith.addi %scan3A_379, %scan3A_380 : i32
      %scan3A_382 = arith.constant 1 : i32
      scf.for %scan3A_460 = %scan3A_379 to %scan3A_381 step %scan3A_382  : i32 {
        %jit3A_461 = arith.constant 8 : i32
        %div3A_462 = arith.divsi %scan3A_460, %jit3A_461 : i32
        %sign3A_463 = arith.constant 0 : i32
        %sign3A_464 = arith.cmpi sgt, %scan3A_460, %sign3A_463 : i32
        %sign3A_465 = arith.extui %sign3A_464 : i1 to i32
        %sign3A_466 = arith.constant 0 : i32
        %sign3A_467 = arith.cmpi slt, %scan3A_460, %sign3A_466 : i32
        %sign3A_468 = arith.extui %sign3A_467 : i1 to i32
        %sign3A_469 = arith.subi %sign3A_465, %sign3A_468 : i32
        %sign3A_470 = arith.constant 0 : i32
        %sign3A_471 = arith.cmpi sgt, %jit3A_461, %sign3A_470 : i32
        %sign3A_472 = arith.extui %sign3A_471 : i1 to i32
        %sign3A_473 = arith.constant 0 : i32
        %sign3A_474 = arith.cmpi slt, %jit3A_461, %sign3A_473 : i32
        %sign3A_475 = arith.extui %sign3A_474 : i1 to i32
        %sign3A_476 = arith.subi %sign3A_472, %sign3A_475 : i32
        %ne3A_477 = arith.cmpi ne, %sign3A_469, %sign3A_476 : i32
        %rem3A_478 = arith.remsi %scan3A_460, %jit3A_461 : i32
        %ne3A_479 = arith.constant 0 : i32
        %ne3A_480 = arith.cmpi ne, %rem3A_478, %ne3A_479 : i32
        %and3A_481 = arith.andi %ne3A_477, %ne3A_480 : i1
        %sub3A_482 = arith.constant 1 : i32
        %sub3A_483 = arith.subi %div3A_462, %sub3A_482 : i32
        %select_n3A_484 = arith.select %and3A_481, %sub3A_483, %div3A_462 : i32
        %jit3A_485 = arith.constant 8 : i32
        %eq3A = arith.constant 0 : i32
        %eq3A_486 = arith.cmpi eq, %jit3A_485, %eq3A : i32
        %jit3A_487 = arith.constant 1 : i32
        %select_n3A_488 = arith.select %eq3A_486, %jit3A_487, %jit3A_485 : i32
        %rem3A_489 = arith.remsi %scan3A_460, %select_n3A_488 : i32
        %ne3A_490 = arith.constant 0 : i32
        %ne3A_491 = arith.cmpi ne, %rem3A_489, %ne3A_490 : i32
        %lt3A_492 = arith.constant 0 : i32
        %lt3A_493 = arith.cmpi slt, %rem3A_489, %lt3A_492 : i32
        %lt3A_494 = arith.constant 0 : i32
        %lt3A_495 = arith.cmpi slt, %select_n3A_488, %lt3A_494 : i32
        %ne3A_496 = arith.xori %lt3A_493, %lt3A_495 : i1
        %and3A_497 = arith.andi %ne3A_496, %ne3A_491 : i1
        %add3A_498 = arith.addi %rem3A_489, %select_n3A_488 : i32
        %select_n3A_499 = arith.select %and3A_497, %add3A_498, %rem3A_489 : i32
        %mul3A_500 = arith.constant 2 : i32
        %mul3A_501 = arith.muli %mul3A_500, %select_n3A_484 : i32
        %mul3A_502 = arith.constant 8 : i32
        %mul3A_503 = arith.muli %mul3A_501, %mul3A_502 : i32
        %add3A_504 = arith.addi %mul3A_503, %select_n3A_499 : i32
        %mul3A_505 = arith.constant 16 : i32
        %mul3A_506 = arith.muli %add3A_504, %mul3A_505 : i32
        %add3A_507 = arith.constant 8 : i32
        %add3A_508 = arith.addi %mul3A_503, %add3A_507 : i32
        %sub3A_509 = arith.constant 7 : i32
        %sub3A_510 = arith.subi %sub3A_509, %select_n3A_499 : i32
        %add3A_511 = arith.addi %add3A_508, %sub3A_510 : i32
        %mul3A_512 = arith.constant 16 : i32
        %mul3A_513 = arith.muli %add3A_511, %mul3A_512 : i32
        %get3A = arith.index_cast %mul3A_506 : i32 to index
        %get3A_514 = tpu.vector_load %arg12[%get3A] {strides = array<i32>} : memref<528xi32, #tpu.memory_space<vmem>>, vector<16xi32>,
        %get3A_515 = arith.index_cast %mul3A_506 : i32 to index
        %get3A_516 = tpu.vector_load %arg13[%get3A_515] {strides = array<i32>} : memref<528xi32, #tpu.memory_space<vmem>>, vector<16xi32>,
        %get3A_517 = arith.index_cast %mul3A_513 : i32 to index
        %get3A_518 = tpu.vector_load %arg12[%get3A_517] {strides = array<i32>} : memref<528xi32, #tpu.memory_space<vmem>>, vector<16xi32>,
        %rev3A = arith.constant 15 : i32
        %rev3A_519 = vector.broadcast %rev3A : i32 to vector<16xi32>
        %rev3A_520 = tpu.iota {dimensions = array<i32: 0>} : vector<16xi32>
        %rev3A_521 = arith.subi %rev3A_519, %rev3A_520 : vector<16xi32>
        %rev3A_522 = tpu.dynamic_gather %get3A_518[%rev3A_521] in [0] : vector<16xi32>, vector<16xi32> -> vector<16xi32>
        %get3A_523 = arith.index_cast %mul3A_513 : i32 to index
        %get3A_524 = tpu.vector_load %arg13[%get3A_523] {strides = array<i32>} : memref<528xi32, #tpu.memory_space<vmem>>, vector<16xi32>,
        %rev3A_525 = arith.constant 15 : i32
        %rev3A_526 = vector.broadcast %rev3A_525 : i32 to vector<16xi32>
        %rev3A_527 = tpu.iota {dimensions = array<i32: 0>} : vector<16xi32>
        %rev3A_528 = arith.subi %rev3A_526, %rev3A_527 : vector<16xi32>
        %rev3A_529 = tpu.dynamic_gather %get3A_524[%rev3A_528] in [0] : vector<16xi32>, vector<16xi32> -> vector<16xi32>
        %gt3A_530 = arith.cmpi sgt, %get3A_514, %rev3A_522 : vector<16xi32>
        %eq3A_531 = arith.cmpi eq, %get3A_514, %rev3A_522 : vector<16xi32>
        %lt3A_532 = arith.cmpi slt, %get3A_516, %rev3A_529 : vector<16xi32>
        %and3A_533 = arith.andi %eq3A_531, %lt3A_532 : vector<16xi1>
        %or3A_534 = arith.ori %gt3A_530, %and3A_533 : vector<16xi1>
        %select_n3A_535 = arith.select %or3A_534, %get3A_514, %rev3A_522 : vector<16xi1>, vector<16xi32>
        %swap3A = arith.index_cast %mul3A_506 : i32 to index
        %swap3A_536 = tpu.vector_load %arg10[%swap3A] {strides = array<i32>} : memref<528xi32, #tpu.memory_space<vmem>>, vector<16xi32>,
        tpu.vector_store %arg10[%swap3A], %select_n3A_535 {strides = array<i32>} : memref<528xi32, #tpu.memory_space<vmem>>, vector<16xi32>,
        %select_n3A_537 = arith.select %or3A_534, %get3A_516, %rev3A_529 : vector<16xi1>, vector<16xi32>
        %swap3A_538 = arith.index_cast %mul3A_506 : i32 to index
        %swap3A_539 = tpu.vector_load %arg11[%swap3A_538] {strides = array<i32>} : memref<528xi32, #tpu.memory_space<vmem>>, vector<16xi32>,
        tpu.vector_store %arg11[%swap3A_538], %select_n3A_537 {strides = array<i32>} : memref<528xi32, #tpu.memory_space<vmem>>, vector<16xi32>,
        %add3A_540 = arith.constant 8 : i32
        %add3A_541 = arith.addi %mul3A_503, %add3A_540 : i32
        %add3A_542 = arith.addi %add3A_541, %select_n3A_499 : i32
        %mul3A_543 = arith.constant 16 : i32
        %mul3A_544 = arith.muli %add3A_542, %mul3A_543 : i32
        %select_n3A_545 = arith.select %or3A_534, %rev3A_522, %get3A_514 : vector<16xi1>, vector<16xi32>
        %swap3A_546 = arith.index_cast %mul3A_544 : i32 to index
        %swap3A_547 = tpu.vector_load %arg10[%swap3A_546] {strides = array<i32>} : memref<528xi32, #tpu.memory_space<vmem>>, vector<16xi32>,
        tpu.vector_store %arg10[%swap3A_546], %select_n3A_545 {strides = array<i32>} : memref<528xi32, #tpu.memory_space<vmem>>, vector<16xi32>,
        %select_n3A_548 = arith.select %or3A_534, %rev3A_529, %get3A_516 : vector<16xi1>, vector<16xi32>
        %swap3A_549 = arith.index_cast %mul3A_544 : i32 to index
        %swap3A_550 = tpu.vector_load %arg11[%swap3A_549] {strides = array<i32>} : memref<528xi32, #tpu.memory_space<vmem>>, vector<16xi32>,
        tpu.vector_store %arg11[%swap3A_549], %select_n3A_548 {strides = array<i32>} : memref<528xi32, #tpu.memory_space<vmem>>, vector<16xi32>,
      }
      %scan3A_383 = arith.constant 16 : i32
      %scan3A_384 = arith.constant 0 : i32
      %scan3A_385 = arith.constant 0 : i32
      %scan3A_386 = arith.constant 16 : i32
      %scan3A_387 = arith.addi %scan3A_385, %scan3A_386 : i32
      %scan3A_388 = arith.constant 1 : i32
      scf.for %scan3A_460 = %scan3A_385 to %scan3A_387 step %scan3A_388  : i32 {
        %jit3A_461 = arith.constant 4 : i32
        %div3A_462 = arith.divsi %scan3A_460, %jit3A_461 : i32
        %sign3A_463 = arith.constant 0 : i32
        %sign3A_464 = arith.cmpi sgt, %scan3A_460, %sign3A_463 : i32
        %sign3A_465 = arith.extui %sign3A_464 : i1 to i32
        %sign3A_466 = arith.constant 0 : i32
        %sign3A_467 = arith.cmpi slt, %scan3A_460, %sign3A_466 : i32
        %sign3A_468 = arith.extui %sign3A_467 : i1 to i32
        %sign3A_469 = arith.subi %sign3A_465, %sign3A_468 : i32
        %sign3A_470 = arith.constant 0 : i32
        %sign3A_471 = arith.cmpi sgt, %jit3A_461, %sign3A_470 : i32
        %sign3A_472 = arith.extui %sign3A_471 : i1 to i32
        %sign3A_473 = arith.constant 0 : i32
        %sign3A_474 = arith.cmpi slt, %jit3A_461, %sign3A_473 : i32
        %sign3A_475 = arith.extui %sign3A_474 : i1 to i32
        %sign3A_476 = arith.subi %sign3A_472, %sign3A_475 : i32
        %ne3A_477 = arith.cmpi ne, %sign3A_469, %sign3A_476 : i32
        %rem3A_478 = arith.remsi %scan3A_460, %jit3A_461 : i32
        %ne3A_479 = arith.constant 0 : i32
        %ne3A_480 = arith.cmpi ne, %rem3A_478, %ne3A_479 : i32
        %and3A_481 = arith.andi %ne3A_477, %ne3A_480 : i1
        %sub3A_482 = arith.constant 1 : i32
        %sub3A_483 = arith.subi %div3A_462, %sub3A_482 : i32
        %select_n3A_484 = arith.select %and3A_481, %sub3A_483, %div3A_462 : i32
        %jit3A_485 = arith.constant 4 : i32
        %eq3A = arith.constant 0 : i32
        %eq3A_486 = arith.cmpi eq, %jit3A_485, %eq3A : i32
        %jit3A_487 = arith.constant 1 : i32
        %select_n3A_488 = arith.select %eq3A_486, %jit3A_487, %jit3A_485 : i32
        %rem3A_489 = arith.remsi %scan3A_460, %select_n3A_488 : i32
        %ne3A_490 = arith.constant 0 : i32
        %ne3A_491 = arith.cmpi ne, %rem3A_489, %ne3A_490 : i32
        %lt3A_492 = arith.constant 0 : i32
        %lt3A_493 = arith.cmpi slt, %rem3A_489, %lt3A_492 : i32
        %lt3A_494 = arith.constant 0 : i32
        %lt3A_495 = arith.cmpi slt, %select_n3A_488, %lt3A_494 : i32
        %ne3A_496 = arith.xori %lt3A_493, %lt3A_495 : i1
        %and3A_497 = arith.andi %ne3A_496, %ne3A_491 : i1
        %add3A_498 = arith.addi %rem3A_489, %select_n3A_488 : i32
        %select_n3A_499 = arith.select %and3A_497, %add3A_498, %rem3A_489 : i32
        %mul3A_500 = arith.constant 2 : i32
        %mul3A_501 = arith.muli %select_n3A_484, %mul3A_500 : i32
        %mul3A_502 = arith.constant 4 : i32
        %mul3A_503 = arith.muli %mul3A_501, %mul3A_502 : i32
        %add3A_504 = arith.addi %mul3A_503, %select_n3A_499 : i32
        %mul3A_505 = arith.constant 16 : i32
        %mul3A_506 = arith.muli %add3A_504, %mul3A_505 : i32
        %get3A = arith.index_cast %mul3A_506 : i32 to index
        %get3A_507 = tpu.vector_load %arg10[%get3A] {strides = array<i32>} : memref<528xi32, #tpu.memory_space<vmem>>, vector<16xi32>,
        %get3A_508 = arith.index_cast %mul3A_506 : i32 to index
        %get3A_509 = tpu.vector_load %arg11[%get3A_508] {strides = array<i32>} : memref<528xi32, #tpu.memory_space<vmem>>, vector<16xi32>,
        %add3A_510 = arith.constant 64 : i32
        %add3A_511 = arith.addi %mul3A_506, %add3A_510 : i32
        %get3A_512 = arith.index_cast %add3A_511 : i32 to index
        %get3A_513 = tpu.vector_load %arg10[%get3A_512] {strides = array<i32>} : memref<528xi32, #tpu.memory_space<vmem>>, vector<16xi32>,
        %add3A_514 = arith.constant 64 : i32
        %add3A_515 = arith.addi %mul3A_506, %add3A_514 : i32
        %get3A_516 = arith.index_cast %add3A_515 : i32 to index
        %get3A_517 = tpu.vector_load %arg11[%get3A_516] {strides = array<i32>} : memref<528xi32, #tpu.memory_space<vmem>>, vector<16xi32>,
        %gt3A_518 = arith.cmpi sgt, %get3A_507, %get3A_513 : vector<16xi32>
        %eq3A_519 = arith.cmpi eq, %get3A_507, %get3A_513 : vector<16xi32>
        %lt3A_520 = arith.cmpi slt, %get3A_509, %get3A_517 : vector<16xi32>
        %and3A_521 = arith.andi %eq3A_519, %lt3A_520 : vector<16xi1>
        %or3A_522 = arith.ori %gt3A_518, %and3A_521 : vector<16xi1>
        %select_n3A_523 = arith.select %or3A_522, %get3A_507, %get3A_513 : vector<16xi1>, vector<16xi32>
        %swap3A = arith.index_cast %mul3A_506 : i32 to index
        %swap3A_524 = tpu.vector_load %arg10[%swap3A] {strides = array<i32>} : memref<528xi32, #tpu.memory_space<vmem>>, vector<16xi32>,
        tpu.vector_store %arg10[%swap3A], %select_n3A_523 {strides = array<i32>} : memref<528xi32, #tpu.memory_space<vmem>>, vector<16xi32>,
        %select_n3A_525 = arith.select %or3A_522, %get3A_509, %get3A_517 : vector<16xi1>, vector<16xi32>
        %swap3A_526 = arith.index_cast %mul3A_506 : i32 to index
        %swap3A_527 = tpu.vector_load %arg11[%swap3A_526] {strides = array<i32>} : memref<528xi32, #tpu.memory_space<vmem>>, vector<16xi32>,
        tpu.vector_store %arg11[%swap3A_526], %select_n3A_525 {strides = array<i32>} : memref<528xi32, #tpu.memory_space<vmem>>, vector<16xi32>,
        %select_n3A_528 = arith.select %or3A_522, %get3A_513, %get3A_507 : vector<16xi1>, vector<16xi32>
        %add3A_529 = arith.constant 64 : i32
        %add3A_530 = arith.addi %mul3A_506, %add3A_529 : i32
        %swap3A_531 = arith.index_cast %add3A_530 : i32 to index
        %swap3A_532 = tpu.vector_load %arg10[%swap3A_531] {strides = array<i32>} : memref<528xi32, #tpu.memory_space<vmem>>, vector<16xi32>,
        tpu.vector_store %arg10[%swap3A_531], %select_n3A_528 {strides = array<i32>} : memref<528xi32, #tpu.memory_space<vmem>>, vector<16xi32>,
        %select_n3A_533 = arith.select %or3A_522, %get3A_517, %get3A_509 : vector<16xi1>, vector<16xi32>
        %add3A_534 = arith.constant 64 : i32
        %add3A_535 = arith.addi %mul3A_506, %add3A_534 : i32
        %swap3A_536 = arith.index_cast %add3A_535 : i32 to index
        %swap3A_537 = tpu.vector_load %arg11[%swap3A_536] {strides = array<i32>} : memref<528xi32, #tpu.memory_space<vmem>>, vector<16xi32>,
        tpu.vector_store %arg11[%swap3A_536], %select_n3A_533 {strides = array<i32>} : memref<528xi32, #tpu.memory_space<vmem>>, vector<16xi32>,
      }
      %scan3A_389 = arith.constant 16 : i32
      %scan3A_390 = arith.constant 0 : i32
      %scan3A_391 = arith.constant 0 : i32
      %scan3A_392 = arith.constant 16 : i32
      %scan3A_393 = arith.addi %scan3A_391, %scan3A_392 : i32
      %scan3A_394 = arith.constant 1 : i32
      scf.for %scan3A_460 = %scan3A_391 to %scan3A_393 step %scan3A_394  : i32 {
        %jit3A_461 = arith.constant 2 : i32
        %div3A_462 = arith.divsi %scan3A_460, %jit3A_461 : i32
        %sign3A_463 = arith.constant 0 : i32
        %sign3A_464 = arith.cmpi sgt, %scan3A_460, %sign3A_463 : i32
        %sign3A_465 = arith.extui %sign3A_464 : i1 to i32
        %sign3A_466 = arith.constant 0 : i32
        %sign3A_467 = arith.cmpi slt, %scan3A_460, %sign3A_466 : i32
        %sign3A_468 = arith.extui %sign3A_467 : i1 to i32
        %sign3A_469 = arith.subi %sign3A_465, %sign3A_468 : i32
        %sign3A_470 = arith.constant 0 : i32
        %sign3A_471 = arith.cmpi sgt, %jit3A_461, %sign3A_470 : i32
        %sign3A_472 = arith.extui %sign3A_471 : i1 to i32
        %sign3A_473 = arith.constant 0 : i32
        %sign3A_474 = arith.cmpi slt, %jit3A_461, %sign3A_473 : i32
        %sign3A_475 = arith.extui %sign3A_474 : i1 to i32
        %sign3A_476 = arith.subi %sign3A_472, %sign3A_475 : i32
        %ne3A_477 = arith.cmpi ne, %sign3A_469, %sign3A_476 : i32
        %rem3A_478 = arith.remsi %scan3A_460, %jit3A_461 : i32
        %ne3A_479 = arith.constant 0 : i32
        %ne3A_480 = arith.cmpi ne, %rem3A_478, %ne3A_479 : i32
        %and3A_481 = arith.andi %ne3A_477, %ne3A_480 : i1
        %sub3A_482 = arith.constant 1 : i32
        %sub3A_483 = arith.subi %div3A_462, %sub3A_482 : i32
        %select_n3A_484 = arith.select %and3A_481, %sub3A_483, %div3A_462 : i32
        %jit3A_485 = arith.constant 2 : i32
        %eq3A = arith.constant 0 : i32
        %eq3A_486 = arith.cmpi eq, %jit3A_485, %eq3A : i32
        %jit3A_487 = arith.constant 1 : i32
        %select_n3A_488 = arith.select %eq3A_486, %jit3A_487, %jit3A_485 : i32
        %rem3A_489 = arith.remsi %scan3A_460, %select_n3A_488 : i32
        %ne3A_490 = arith.constant 0 : i32
        %ne3A_491 = arith.cmpi ne, %rem3A_489, %ne3A_490 : i32
        %lt3A_492 = arith.constant 0 : i32
        %lt3A_493 = arith.cmpi slt, %rem3A_489, %lt3A_492 : i32
        %lt3A_494 = arith.constant 0 : i32
        %lt3A_495 = arith.cmpi slt, %select_n3A_488, %lt3A_494 : i32
        %ne3A_496 = arith.xori %lt3A_493, %lt3A_495 : i1
        %and3A_497 = arith.andi %ne3A_496, %ne3A_491 : i1
        %add3A_498 = arith.addi %rem3A_489, %select_n3A_488 : i32
        %select_n3A_499 = arith.select %and3A_497, %add3A_498, %rem3A_489 : i32
        %mul3A_500 = arith.constant 2 : i32
        %mul3A_501 = arith.muli %select_n3A_484, %mul3A_500 : i32
        %mul3A_502 = arith.constant 2 : i32
        %mul3A_503 = arith.muli %mul3A_501, %mul3A_502 : i32
        %add3A_504 = arith.addi %mul3A_503, %select_n3A_499 : i32
        %mul3A_505 = arith.constant 16 : i32
        %mul3A_506 = arith.muli %add3A_504, %mul3A_505 : i32
        %get3A = arith.index_cast %mul3A_506 : i32 to index
        %get3A_507 = tpu.vector_load %arg10[%get3A] {strides = array<i32>} : memref<528xi32, #tpu.memory_space<vmem>>, vector<16xi32>,
        %get3A_508 = arith.index_cast %mul3A_506 : i32 to index
        %get3A_509 = tpu.vector_load %arg11[%get3A_508] {strides = array<i32>} : memref<528xi32, #tpu.memory_space<vmem>>, vector<16xi32>,
        %add3A_510 = arith.constant 32 : i32
        %add3A_511 = arith.addi %mul3A_506, %add3A_510 : i32
        %get3A_512 = arith.index_cast %add3A_511 : i32 to index
        %get3A_513 = tpu.vector_load %arg10[%get3A_512] {strides = array<i32>} : memref<528xi32, #tpu.memory_space<vmem>>, vector<16xi32>,
        %add3A_514 = arith.constant 32 : i32
        %add3A_515 = arith.addi %mul3A_506, %add3A_514 : i32
        %get3A_516 = arith.index_cast %add3A_515 : i32 to index
        %get3A_517 = tpu.vector_load %arg11[%get3A_516] {strides = array<i32>} : memref<528xi32, #tpu.memory_space<vmem>>, vector<16xi32>,
        %gt3A_518 = arith.cmpi sgt, %get3A_507, %get3A_513 : vector<16xi32>
        %eq3A_519 = arith.cmpi eq, %get3A_507, %get3A_513 : vector<16xi32>
        %lt3A_520 = arith.cmpi slt, %get3A_509, %get3A_517 : vector<16xi32>
        %and3A_521 = arith.andi %eq3A_519, %lt3A_520 : vector<16xi1>
        %or3A_522 = arith.ori %gt3A_518, %and3A_521 : vector<16xi1>
        %select_n3A_523 = arith.select %or3A_522, %get3A_507, %get3A_513 : vector<16xi1>, vector<16xi32>
        %swap3A = arith.index_cast %mul3A_506 : i32 to index
        %swap3A_524 = tpu.vector_load %arg10[%swap3A] {strides = array<i32>} : memref<528xi32, #tpu.memory_space<vmem>>, vector<16xi32>,
        tpu.vector_store %arg10[%swap3A], %select_n3A_523 {strides = array<i32>} : memref<528xi32, #tpu.memory_space<vmem>>, vector<16xi32>,
        %select_n3A_525 = arith.select %or3A_522, %get3A_509, %get3A_517 : vector<16xi1>, vector<16xi32>
        %swap3A_526 = arith.index_cast %mul3A_506 : i32 to index
        %swap3A_527 = tpu.vector_load %arg11[%swap3A_526] {strides = array<i32>} : memref<528xi32, #tpu.memory_space<vmem>>, vector<16xi32>,
        tpu.vector_store %arg11[%swap3A_526], %select_n3A_525 {strides = array<i32>} : memref<528xi32, #tpu.memory_space<vmem>>, vector<16xi32>,
        %select_n3A_528 = arith.select %or3A_522, %get3A_513, %get3A_507 : vector<16xi1>, vector<16xi32>
        %add3A_529 = arith.constant 32 : i32
        %add3A_530 = arith.addi %mul3A_506, %add3A_529 : i32
        %swap3A_531 = arith.index_cast %add3A_530 : i32 to index
        %swap3A_532 = tpu.vector_load %arg10[%swap3A_531] {strides = array<i32>} : memref<528xi32, #tpu.memory_space<vmem>>, vector<16xi32>,
        tpu.vector_store %arg10[%swap3A_531], %select_n3A_528 {strides = array<i32>} : memref<528xi32, #tpu.memory_space<vmem>>, vector<16xi32>,
        %select_n3A_533 = arith.select %or3A_522, %get3A_517, %get3A_509 : vector<16xi1>, vector<16xi32>
        %add3A_534 = arith.constant 32 : i32
        %add3A_535 = arith.addi %mul3A_506, %add3A_534 : i32
        %swap3A_536 = arith.index_cast %add3A_535 : i32 to index
        %swap3A_537 = tpu.vector_load %arg11[%swap3A_536] {strides = array<i32>} : memref<528xi32, #tpu.memory_space<vmem>>, vector<16xi32>,
        tpu.vector_store %arg11[%swap3A_536], %select_n3A_533 {strides = array<i32>} : memref<528xi32, #tpu.memory_space<vmem>>, vector<16xi32>,
      }
      %scan3A_395 = arith.constant 16 : i32
      %scan3A_396 = arith.constant 0 : i32
      %scan3A_397 = arith.constant 0 : i32
      %scan3A_398 = arith.constant 16 : i32
      %scan3A_399 = arith.addi %scan3A_397, %scan3A_398 : i32
      %scan3A_400 = arith.constant 1 : i32
      scf.for %scan3A_460 = %scan3A_397 to %scan3A_399 step %scan3A_400  : i32 {
        %jit3A_461 = arith.constant 1 : i32
        %div3A_462 = arith.divsi %scan3A_460, %jit3A_461 : i32
        %sign3A_463 = arith.constant 0 : i32
        %sign3A_464 = arith.cmpi sgt, %scan3A_460, %sign3A_463 : i32
        %sign3A_465 = arith.extui %sign3A_464 : i1 to i32
        %sign3A_466 = arith.constant 0 : i32
        %sign3A_467 = arith.cmpi slt, %scan3A_460, %sign3A_466 : i32
        %sign3A_468 = arith.extui %sign3A_467 : i1 to i32
        %sign3A_469 = arith.subi %sign3A_465, %sign3A_468 : i32
        %sign3A_470 = arith.constant 0 : i32
        %sign3A_471 = arith.cmpi sgt, %jit3A_461, %sign3A_470 : i32
        %sign3A_472 = arith.extui %sign3A_471 : i1 to i32
        %sign3A_473 = arith.constant 0 : i32
        %sign3A_474 = arith.cmpi slt, %jit3A_461, %sign3A_473 : i32
        %sign3A_475 = arith.extui %sign3A_474 : i1 to i32
        %sign3A_476 = arith.subi %sign3A_472, %sign3A_475 : i32
        %ne3A_477 = arith.cmpi ne, %sign3A_469, %sign3A_476 : i32
        %rem3A_478 = arith.remsi %scan3A_460, %jit3A_461 : i32
        %ne3A_479 = arith.constant 0 : i32
        %ne3A_480 = arith.cmpi ne, %rem3A_478, %ne3A_479 : i32
        %and3A_481 = arith.andi %ne3A_477, %ne3A_480 : i1
        %sub3A_482 = arith.constant 1 : i32
        %sub3A_483 = arith.subi %div3A_462, %sub3A_482 : i32
        %select_n3A_484 = arith.select %and3A_481, %sub3A_483, %div3A_462 : i32
        %jit3A_485 = arith.constant 1 : i32
        %eq3A = arith.constant 0 : i32
        %eq3A_486 = arith.cmpi eq, %jit3A_485, %eq3A : i32
        %jit3A_487 = arith.constant 1 : i32
        %select_n3A_488 = arith.select %eq3A_486, %jit3A_487, %jit3A_485 : i32
        %rem3A_489 = arith.remsi %scan3A_460, %select_n3A_488 : i32
        %ne3A_490 = arith.constant 0 : i32
        %ne3A_491 = arith.cmpi ne, %rem3A_489, %ne3A_490 : i32
        %lt3A_492 = arith.constant 0 : i32
        %lt3A_493 = arith.cmpi slt, %rem3A_489, %lt3A_492 : i32
        %lt3A_494 = arith.constant 0 : i32
        %lt3A_495 = arith.cmpi slt, %select_n3A_488, %lt3A_494 : i32
        %ne3A_496 = arith.xori %lt3A_493, %lt3A_495 : i1
        %and3A_497 = arith.andi %ne3A_496, %ne3A_491 : i1
        %add3A_498 = arith.addi %rem3A_489, %select_n3A_488 : i32
        %select_n3A_499 = arith.select %and3A_497, %add3A_498, %rem3A_489 : i32
        %mul3A_500 = arith.constant 2 : i32
        %mul3A_501 = arith.muli %select_n3A_484, %mul3A_500 : i32
        %mul3A_502 = arith.constant 1 : i32
        %mul3A_503 = arith.muli %mul3A_501, %mul3A_502 : i32
        %add3A_504 = arith.addi %mul3A_503, %select_n3A_499 : i32
        %mul3A_505 = arith.constant 16 : i32
        %mul3A_506 = arith.muli %add3A_504, %mul3A_505 : i32
        %get3A = arith.index_cast %mul3A_506 : i32 to index
        %get3A_507 = tpu.vector_load %arg10[%get3A] {strides = array<i32>} : memref<528xi32, #tpu.memory_space<vmem>>, vector<16xi32>,
        %get3A_508 = arith.index_cast %mul3A_506 : i32 to index
        %get3A_509 = tpu.vector_load %arg11[%get3A_508] {strides = array<i32>} : memref<528xi32, #tpu.memory_space<vmem>>, vector<16xi32>,
        %add3A_510 = arith.constant 16 : i32
        %add3A_511 = arith.addi %mul3A_506, %add3A_510 : i32
        %get3A_512 = arith.index_cast %add3A_511 : i32 to index
        %get3A_513 = tpu.vector_load %arg10[%get3A_512] {strides = array<i32>} : memref<528xi32, #tpu.memory_space<vmem>>, vector<16xi32>,
        %add3A_514 = arith.constant 16 : i32
        %add3A_515 = arith.addi %mul3A_506, %add3A_514 : i32
        %get3A_516 = arith.index_cast %add3A_515 : i32 to index
        %get3A_517 = tpu.vector_load %arg11[%get3A_516] {strides = array<i32>} : memref<528xi32, #tpu.memory_space<vmem>>, vector<16xi32>,
        %gt3A_518 = arith.cmpi sgt, %get3A_507, %get3A_513 : vector<16xi32>
        %eq3A_519 = arith.cmpi eq, %get3A_507, %get3A_513 : vector<16xi32>
        %lt3A_520 = arith.cmpi slt, %get3A_509, %get3A_517 : vector<16xi32>
        %and3A_521 = arith.andi %eq3A_519, %lt3A_520 : vector<16xi1>
        %or3A_522 = arith.ori %gt3A_518, %and3A_521 : vector<16xi1>
        %select_n3A_523 = arith.select %or3A_522, %get3A_507, %get3A_513 : vector<16xi1>, vector<16xi32>
        %swap3A = arith.index_cast %mul3A_506 : i32 to index
        %swap3A_524 = tpu.vector_load %arg10[%swap3A] {strides = array<i32>} : memref<528xi32, #tpu.memory_space<vmem>>, vector<16xi32>,
        tpu.vector_store %arg10[%swap3A], %select_n3A_523 {strides = array<i32>} : memref<528xi32, #tpu.memory_space<vmem>>, vector<16xi32>,
        %select_n3A_525 = arith.select %or3A_522, %get3A_509, %get3A_517 : vector<16xi1>, vector<16xi32>
        %swap3A_526 = arith.index_cast %mul3A_506 : i32 to index
        %swap3A_527 = tpu.vector_load %arg11[%swap3A_526] {strides = array<i32>} : memref<528xi32, #tpu.memory_space<vmem>>, vector<16xi32>,
        tpu.vector_store %arg11[%swap3A_526], %select_n3A_525 {strides = array<i32>} : memref<528xi32, #tpu.memory_space<vmem>>, vector<16xi32>,
        %select_n3A_528 = arith.select %or3A_522, %get3A_513, %get3A_507 : vector<16xi1>, vector<16xi32>
        %add3A_529 = arith.constant 16 : i32
        %add3A_530 = arith.addi %mul3A_506, %add3A_529 : i32
        %swap3A_531 = arith.index_cast %add3A_530 : i32 to index
        %swap3A_532 = tpu.vector_load %arg10[%swap3A_531] {strides = array<i32>} : memref<528xi32, #tpu.memory_space<vmem>>, vector<16xi32>,
        tpu.vector_store %arg10[%swap3A_531], %select_n3A_528 {strides = array<i32>} : memref<528xi32, #tpu.memory_space<vmem>>, vector<16xi32>,
        %select_n3A_533 = arith.select %or3A_522, %get3A_517, %get3A_509 : vector<16xi1>, vector<16xi32>
        %add3A_534 = arith.constant 16 : i32
        %add3A_535 = arith.addi %mul3A_506, %add3A_534 : i32
        %swap3A_536 = arith.index_cast %add3A_535 : i32 to index
        %swap3A_537 = tpu.vector_load %arg11[%swap3A_536] {strides = array<i32>} : memref<528xi32, #tpu.memory_space<vmem>>, vector<16xi32>,
        tpu.vector_store %arg11[%swap3A_536], %select_n3A_533 {strides = array<i32>} : memref<528xi32, #tpu.memory_space<vmem>>, vector<16xi32>,
      }
      %scan3A_401 = arith.constant 16 : i32
      %scan3A_402 = arith.constant 0 : i32
      %scan3A_403 = arith.constant 0 : i32
      %scan3A_404 = arith.constant 32 : i32
      %scan3A_405 = arith.addi %scan3A_403, %scan3A_404 : i32
      %scan3A_406 = arith.constant 1 : i32
      scf.for %scan3A_460 = %scan3A_403 to %scan3A_405 step %scan3A_406  : i32 {
        %mul3A_461 = arith.constant 16 : i32
        %mul3A_462 = arith.muli %scan3A_460, %mul3A_461 : i32
        %get3A = arith.index_cast %mul3A_462 : i32 to index
        %get3A_463 = tpu.vector_load %arg10[%get3A] {strides = array<i32>} : memref<528xi32, #tpu.memory_space<vmem>>, vector<16xi32>,
        %get3A_464 = arith.index_cast %mul3A_462 : i32 to index
        %get3A_465 = tpu.vector_load %arg11[%get3A_464] {strides = array<i32>} : memref<528xi32, #tpu.memory_space<vmem>>, vector<16xi32>,
        %masked_sort3A = arith.constant dense<true> : vector<16xi1>
        %masked_sort3A_466 = arith.constant -2147483648 : i32
        %masked_sort3A_467 = vector.broadcast %masked_sort3A_466 : i32 to vector<16xi32>
        %masked_sort3A_468 = arith.xori %get3A_463, %masked_sort3A_467 : vector<16xi32>
        %masked_sort3A_469, %masked_sort3A_470, %masked_sort3A_471 = tpu.sort %masked_sort3A_468, %get3A_465 masked %masked_sort3A {descending = true} : (vector<16xi32>, vector<16xi32>, vector<16xi1>) -> (vector<16xi1>, vector<16xi32>, vector<16xi32>)
        %masked_sort3A_472 = arith.xori %masked_sort3A_470, %masked_sort3A_467 : vector<16xi32>
        %swap3A = arith.index_cast %mul3A_462 : i32 to index
        %swap3A_473 = tpu.vector_load %arg10[%swap3A] {strides = array<i32>} : memref<528xi32, #tpu.memory_space<vmem>>, vector<16xi32>,
        tpu.vector_store %arg10[%swap3A], %masked_sort3A_472 {strides = array<i32>} : memref<528xi32, #tpu.memory_space<vmem>>, vector<16xi32>,
        %swap3A_474 = arith.index_cast %mul3A_462 : i32 to index
        %swap3A_475 = tpu.vector_load %arg11[%swap3A_474] {strides = array<i32>} : memref<528xi32, #tpu.memory_space<vmem>>, vector<16xi32>,
        tpu.vector_store %arg11[%swap3A_474], %masked_sort3A_471 {strides = array<i32>} : memref<528xi32, #tpu.memory_space<vmem>>, vector<16xi32>,
      }
      %scan3A_407 = arith.constant 32 : i32
      %scan3A_408 = arith.constant 0 : i32
      %scan3A_409 = arith.constant 0 : i32
      %scan3A_410 = arith.constant 16 : i32
      %scan3A_411 = arith.addi %scan3A_409, %scan3A_410 : i32
      %scan3A_412 = arith.constant 1 : i32
      scf.for %scan3A_460 = %scan3A_409 to %scan3A_411 step %scan3A_412  : i32 {
        %jit3A_461 = arith.constant 16 : i32
        %div3A_462 = arith.divsi %scan3A_460, %jit3A_461 : i32
        %sign3A_463 = arith.constant 0 : i32
        %sign3A_464 = arith.cmpi sgt, %scan3A_460, %sign3A_463 : i32
        %sign3A_465 = arith.extui %sign3A_464 : i1 to i32
        %sign3A_466 = arith.constant 0 : i32
        %sign3A_467 = arith.cmpi slt, %scan3A_460, %sign3A_466 : i32
        %sign3A_468 = arith.extui %sign3A_467 : i1 to i32
        %sign3A_469 = arith.subi %sign3A_465, %sign3A_468 : i32
        %sign3A_470 = arith.constant 0 : i32
        %sign3A_471 = arith.cmpi sgt, %jit3A_461, %sign3A_470 : i32
        %sign3A_472 = arith.extui %sign3A_471 : i1 to i32
        %sign3A_473 = arith.constant 0 : i32
        %sign3A_474 = arith.cmpi slt, %jit3A_461, %sign3A_473 : i32
        %sign3A_475 = arith.extui %sign3A_474 : i1 to i32
        %sign3A_476 = arith.subi %sign3A_472, %sign3A_475 : i32
        %ne3A_477 = arith.cmpi ne, %sign3A_469, %sign3A_476 : i32
        %rem3A_478 = arith.remsi %scan3A_460, %jit3A_461 : i32
        %ne3A_479 = arith.constant 0 : i32
        %ne3A_480 = arith.cmpi ne, %rem3A_478, %ne3A_479 : i32
        %and3A_481 = arith.andi %ne3A_477, %ne3A_480 : i1
        %sub3A_482 = arith.constant 1 : i32
        %sub3A_483 = arith.subi %div3A_462, %sub3A_482 : i32
        %select_n3A_484 = arith.select %and3A_481, %sub3A_483, %div3A_462 : i32
        %jit3A_485 = arith.constant 16 : i32
        %eq3A = arith.constant 0 : i32
        %eq3A_486 = arith.cmpi eq, %jit3A_485, %eq3A : i32
        %jit3A_487 = arith.constant 1 : i32
        %select_n3A_488 = arith.select %eq3A_486, %jit3A_487, %jit3A_485 : i32
        %rem3A_489 = arith.remsi %scan3A_460, %select_n3A_488 : i32
        %ne3A_490 = arith.constant 0 : i32
        %ne3A_491 = arith.cmpi ne, %rem3A_489, %ne3A_490 : i32
        %lt3A_492 = arith.constant 0 : i32
        %lt3A_493 = arith.cmpi slt, %rem3A_489, %lt3A_492 : i32
        %lt3A_494 = arith.constant 0 : i32
        %lt3A_495 = arith.cmpi slt, %select_n3A_488, %lt3A_494 : i32
        %ne3A_496 = arith.xori %lt3A_493, %lt3A_495 : i1
        %and3A_497 = arith.andi %ne3A_496, %ne3A_491 : i1
        %add3A_498 = arith.addi %rem3A_489, %select_n3A_488 : i32
        %select_n3A_499 = arith.select %and3A_497, %add3A_498, %rem3A_489 : i32
        %mul3A_500 = arith.constant 2 : i32
        %mul3A_501 = arith.muli %mul3A_500, %select_n3A_484 : i32
        %mul3A_502 = arith.constant 16 : i32
        %mul3A_503 = arith.muli %mul3A_501, %mul3A_502 : i32
        %add3A_504 = arith.addi %mul3A_503, %select_n3A_499 : i32
        %mul3A_505 = arith.constant 16 : i32
        %mul3A_506 = arith.muli %add3A_504, %mul3A_505 : i32
        %add3A_507 = arith.constant 16 : i32
        %add3A_508 = arith.addi %mul3A_503, %add3A_507 : i32
        %sub3A_509 = arith.constant 15 : i32
        %sub3A_510 = arith.subi %sub3A_509, %select_n3A_499 : i32
        %add3A_511 = arith.addi %add3A_508, %sub3A_510 : i32
        %mul3A_512 = arith.constant 16 : i32
        %mul3A_513 = arith.muli %add3A_511, %mul3A_512 : i32
        %get3A = arith.index_cast %mul3A_506 : i32 to index
        %get3A_514 = tpu.vector_load %arg10[%get3A] {strides = array<i32>} : memref<528xi32, #tpu.memory_space<vmem>>, vector<16xi32>,
        %get3A_515 = arith.index_cast %mul3A_506 : i32 to index
        %get3A_516 = tpu.vector_load %arg11[%get3A_515] {strides = array<i32>} : memref<528xi32, #tpu.memory_space<vmem>>, vector<16xi32>,
        %get3A_517 = arith.index_cast %mul3A_513 : i32 to index
        %get3A_518 = tpu.vector_load %arg10[%get3A_517] {strides = array<i32>} : memref<528xi32, #tpu.memory_space<vmem>>, vector<16xi32>,
        %rev3A = arith.constant 15 : i32
        %rev3A_519 = vector.broadcast %rev3A : i32 to vector<16xi32>
        %rev3A_520 = tpu.iota {dimensions = array<i32: 0>} : vector<16xi32>
        %rev3A_521 = arith.subi %rev3A_519, %rev3A_520 : vector<16xi32>
        %rev3A_522 = tpu.dynamic_gather %get3A_518[%rev3A_521] in [0] : vector<16xi32>, vector<16xi32> -> vector<16xi32>
        %get3A_523 = arith.index_cast %mul3A_513 : i32 to index
        %get3A_524 = tpu.vector_load %arg11[%get3A_523] {strides = array<i32>} : memref<528xi32, #tpu.memory_space<vmem>>, vector<16xi32>,
        %rev3A_525 = arith.constant 15 : i32
        %rev3A_526 = vector.broadcast %rev3A_525 : i32 to vector<16xi32>
        %rev3A_527 = tpu.iota {dimensions = array<i32: 0>} : vector<16xi32>
        %rev3A_528 = arith.subi %rev3A_526, %rev3A_527 : vector<16xi32>
        %rev3A_529 = tpu.dynamic_gather %get3A_524[%rev3A_528] in [0] : vector<16xi32>, vector<16xi32> -> vector<16xi32>
        %gt3A_530 = arith.cmpi sgt, %get3A_514, %rev3A_522 : vector<16xi32>
        %eq3A_531 = arith.cmpi eq, %get3A_514, %rev3A_522 : vector<16xi32>
        %lt3A_532 = arith.cmpi slt, %get3A_516, %rev3A_529 : vector<16xi32>
        %and3A_533 = arith.andi %eq3A_531, %lt3A_532 : vector<16xi1>
        %or3A_534 = arith.ori %gt3A_530, %and3A_533 : vector<16xi1>
        %select_n3A_535 = arith.select %or3A_534, %get3A_514, %rev3A_522 : vector<16xi1>, vector<16xi32>
        %swap3A = arith.index_cast %mul3A_506 : i32 to index
        %swap3A_536 = tpu.vector_load %arg12[%swap3A] {strides = array<i32>} : memref<528xi32, #tpu.memory_space<vmem>>, vector<16xi32>,
        tpu.vector_store %arg12[%swap3A], %select_n3A_535 {strides = array<i32>} : memref<528xi32, #tpu.memory_space<vmem>>, vector<16xi32>,
        %select_n3A_537 = arith.select %or3A_534, %get3A_516, %rev3A_529 : vector<16xi1>, vector<16xi32>
        %swap3A_538 = arith.index_cast %mul3A_506 : i32 to index
        %swap3A_539 = tpu.vector_load %arg13[%swap3A_538] {strides = array<i32>} : memref<528xi32, #tpu.memory_space<vmem>>, vector<16xi32>,
        tpu.vector_store %arg13[%swap3A_538], %select_n3A_537 {strides = array<i32>} : memref<528xi32, #tpu.memory_space<vmem>>, vector<16xi32>,
        %add3A_540 = arith.constant 16 : i32
        %add3A_541 = arith.addi %mul3A_503, %add3A_540 : i32
        %add3A_542 = arith.addi %add3A_541, %select_n3A_499 : i32
        %mul3A_543 = arith.constant 16 : i32
        %mul3A_544 = arith.muli %add3A_542, %mul3A_543 : i32
        %select_n3A_545 = arith.select %or3A_534, %rev3A_522, %get3A_514 : vector<16xi1>, vector<16xi32>
        %swap3A_546 = arith.index_cast %mul3A_544 : i32 to index
        %swap3A_547 = tpu.vector_load %arg12[%swap3A_546] {strides = array<i32>} : memref<528xi32, #tpu.memory_space<vmem>>, vector<16xi32>,
        tpu.vector_store %arg12[%swap3A_546], %select_n3A_545 {strides = array<i32>} : memref<528xi32, #tpu.memory_space<vmem>>, vector<16xi32>,
        %select_n3A_548 = arith.select %or3A_534, %rev3A_529, %get3A_516 : vector<16xi1>, vector<16xi32>
        %swap3A_549 = arith.index_cast %mul3A_544 : i32 to index
        %swap3A_550 = tpu.vector_load %arg13[%swap3A_549] {strides = array<i32>} : memref<528xi32, #tpu.memory_space<vmem>>, vector<16xi32>,
        tpu.vector_store %arg13[%swap3A_549], %select_n3A_548 {strides = array<i32>} : memref<528xi32, #tpu.memory_space<vmem>>, vector<16xi32>,
      }
      %scan3A_413 = arith.constant 16 : i32
      %scan3A_414 = arith.constant 0 : i32
      %scan3A_415 = arith.constant 0 : i32
      %scan3A_416 = arith.constant 16 : i32
      %scan3A_417 = arith.addi %scan3A_415, %scan3A_416 : i32
      %scan3A_418 = arith.constant 1 : i32
      scf.for %scan3A_460 = %scan3A_415 to %scan3A_417 step %scan3A_418  : i32 {
        %jit3A_461 = arith.constant 8 : i32
        %div3A_462 = arith.divsi %scan3A_460, %jit3A_461 : i32
        %sign3A_463 = arith.constant 0 : i32
        %sign3A_464 = arith.cmpi sgt, %scan3A_460, %sign3A_463 : i32
        %sign3A_465 = arith.extui %sign3A_464 : i1 to i32
        %sign3A_466 = arith.constant 0 : i32
        %sign3A_467 = arith.cmpi slt, %scan3A_460, %sign3A_466 : i32
        %sign3A_468 = arith.extui %sign3A_467 : i1 to i32
        %sign3A_469 = arith.subi %sign3A_465, %sign3A_468 : i32
        %sign3A_470 = arith.constant 0 : i32
        %sign3A_471 = arith.cmpi sgt, %jit3A_461, %sign3A_470 : i32
        %sign3A_472 = arith.extui %sign3A_471 : i1 to i32
        %sign3A_473 = arith.constant 0 : i32
        %sign3A_474 = arith.cmpi slt, %jit3A_461, %sign3A_473 : i32
        %sign3A_475 = arith.extui %sign3A_474 : i1 to i32
        %sign3A_476 = arith.subi %sign3A_472, %sign3A_475 : i32
        %ne3A_477 = arith.cmpi ne, %sign3A_469, %sign3A_476 : i32
        %rem3A_478 = arith.remsi %scan3A_460, %jit3A_461 : i32
        %ne3A_479 = arith.constant 0 : i32
        %ne3A_480 = arith.cmpi ne, %rem3A_478, %ne3A_479 : i32
        %and3A_481 = arith.andi %ne3A_477, %ne3A_480 : i1
        %sub3A_482 = arith.constant 1 : i32
        %sub3A_483 = arith.subi %div3A_462, %sub3A_482 : i32
        %select_n3A_484 = arith.select %and3A_481, %sub3A_483, %div3A_462 : i32
        %jit3A_485 = arith.constant 8 : i32
        %eq3A = arith.constant 0 : i32
        %eq3A_486 = arith.cmpi eq, %jit3A_485, %eq3A : i32
        %jit3A_487 = arith.constant 1 : i32
        %select_n3A_488 = arith.select %eq3A_486, %jit3A_487, %jit3A_485 : i32
        %rem3A_489 = arith.remsi %scan3A_460, %select_n3A_488 : i32
        %ne3A_490 = arith.constant 0 : i32
        %ne3A_491 = arith.cmpi ne, %rem3A_489, %ne3A_490 : i32
        %lt3A_492 = arith.constant 0 : i32
        %lt3A_493 = arith.cmpi slt, %rem3A_489, %lt3A_492 : i32
        %lt3A_494 = arith.constant 0 : i32
        %lt3A_495 = arith.cmpi slt, %select_n3A_488, %lt3A_494 : i32
        %ne3A_496 = arith.xori %lt3A_493, %lt3A_495 : i1
        %and3A_497 = arith.andi %ne3A_496, %ne3A_491 : i1
        %add3A_498 = arith.addi %rem3A_489, %select_n3A_488 : i32
        %select_n3A_499 = arith.select %and3A_497, %add3A_498, %rem3A_489 : i32
        %mul3A_500 = arith.constant 2 : i32
        %mul3A_501 = arith.muli %select_n3A_484, %mul3A_500 : i32
        %mul3A_502 = arith.constant 8 : i32
        %mul3A_503 = arith.muli %mul3A_501, %mul3A_502 : i32
        %add3A_504 = arith.addi %mul3A_503, %select_n3A_499 : i32
        %mul3A_505 = arith.constant 16 : i32
        %mul3A_506 = arith.muli %add3A_504, %mul3A_505 : i32
        %get3A = arith.index_cast %mul3A_506 : i32 to index
        %get3A_507 = tpu.vector_load %arg12[%get3A] {strides = array<i32>} : memref<528xi32, #tpu.memory_space<vmem>>, vector<16xi32>,
        %get3A_508 = arith.index_cast %mul3A_506 : i32 to index
        %get3A_509 = tpu.vector_load %arg13[%get3A_508] {strides = array<i32>} : memref<528xi32, #tpu.memory_space<vmem>>, vector<16xi32>,
        %add3A_510 = arith.constant 128 : i32
        %add3A_511 = arith.addi %mul3A_506, %add3A_510 : i32
        %get3A_512 = arith.index_cast %add3A_511 : i32 to index
        %get3A_513 = tpu.vector_load %arg12[%get3A_512] {strides = array<i32>} : memref<528xi32, #tpu.memory_space<vmem>>, vector<16xi32>,
        %add3A_514 = arith.constant 128 : i32
        %add3A_515 = arith.addi %mul3A_506, %add3A_514 : i32
        %get3A_516 = arith.index_cast %add3A_515 : i32 to index
        %get3A_517 = tpu.vector_load %arg13[%get3A_516] {strides = array<i32>} : memref<528xi32, #tpu.memory_space<vmem>>, vector<16xi32>,
        %gt3A_518 = arith.cmpi sgt, %get3A_507, %get3A_513 : vector<16xi32>
        %eq3A_519 = arith.cmpi eq, %get3A_507, %get3A_513 : vector<16xi32>
        %lt3A_520 = arith.cmpi slt, %get3A_509, %get3A_517 : vector<16xi32>
        %and3A_521 = arith.andi %eq3A_519, %lt3A_520 : vector<16xi1>
        %or3A_522 = arith.ori %gt3A_518, %and3A_521 : vector<16xi1>
        %select_n3A_523 = arith.select %or3A_522, %get3A_507, %get3A_513 : vector<16xi1>, vector<16xi32>
        %swap3A = arith.index_cast %mul3A_506 : i32 to index
        %swap3A_524 = tpu.vector_load %arg12[%swap3A] {strides = array<i32>} : memref<528xi32, #tpu.memory_space<vmem>>, vector<16xi32>,
        tpu.vector_store %arg12[%swap3A], %select_n3A_523 {strides = array<i32>} : memref<528xi32, #tpu.memory_space<vmem>>, vector<16xi32>,
        %select_n3A_525 = arith.select %or3A_522, %get3A_509, %get3A_517 : vector<16xi1>, vector<16xi32>
        %swap3A_526 = arith.index_cast %mul3A_506 : i32 to index
        %swap3A_527 = tpu.vector_load %arg13[%swap3A_526] {strides = array<i32>} : memref<528xi32, #tpu.memory_space<vmem>>, vector<16xi32>,
        tpu.vector_store %arg13[%swap3A_526], %select_n3A_525 {strides = array<i32>} : memref<528xi32, #tpu.memory_space<vmem>>, vector<16xi32>,
        %select_n3A_528 = arith.select %or3A_522, %get3A_513, %get3A_507 : vector<16xi1>, vector<16xi32>
        %add3A_529 = arith.constant 128 : i32
        %add3A_530 = arith.addi %mul3A_506, %add3A_529 : i32
        %swap3A_531 = arith.index_cast %add3A_530 : i32 to index
        %swap3A_532 = tpu.vector_load %arg12[%swap3A_531] {strides = array<i32>} : memref<528xi32, #tpu.memory_space<vmem>>, vector<16xi32>,
        tpu.vector_store %arg12[%swap3A_531], %select_n3A_528 {strides = array<i32>} : memref<528xi32, #tpu.memory_space<vmem>>, vector<16xi32>,
        %select_n3A_533 = arith.select %or3A_522, %get3A_517, %get3A_509 : vector<16xi1>, vector<16xi32>
        %add3A_534 = arith.constant 128 : i32
        %add3A_535 = arith.addi %mul3A_506, %add3A_534 : i32
        %swap3A_536 = arith.index_cast %add3A_535 : i32 to index
        %swap3A_537 = tpu.vector_load %arg13[%swap3A_536] {strides = array<i32>} : memref<528xi32, #tpu.memory_space<vmem>>, vector<16xi32>,
        tpu.vector_store %arg13[%swap3A_536], %select_n3A_533 {strides = array<i32>} : memref<528xi32, #tpu.memory_space<vmem>>, vector<16xi32>,
      }
      %scan3A_419 = arith.constant 16 : i32
      %scan3A_420 = arith.constant 0 : i32
      %scan3A_421 = arith.constant 0 : i32
      %scan3A_422 = arith.constant 16 : i32
      %scan3A_423 = arith.addi %scan3A_421, %scan3A_422 : i32
      %scan3A_424 = arith.constant 1 : i32
      scf.for %scan3A_460 = %scan3A_421 to %scan3A_423 step %scan3A_424  : i32 {
        %jit3A_461 = arith.constant 4 : i32
        %div3A_462 = arith.divsi %scan3A_460, %jit3A_461 : i32
        %sign3A_463 = arith.constant 0 : i32
        %sign3A_464 = arith.cmpi sgt, %scan3A_460, %sign3A_463 : i32
        %sign3A_465 = arith.extui %sign3A_464 : i1 to i32
        %sign3A_466 = arith.constant 0 : i32
        %sign3A_467 = arith.cmpi slt, %scan3A_460, %sign3A_466 : i32
        %sign3A_468 = arith.extui %sign3A_467 : i1 to i32
        %sign3A_469 = arith.subi %sign3A_465, %sign3A_468 : i32
        %sign3A_470 = arith.constant 0 : i32
        %sign3A_471 = arith.cmpi sgt, %jit3A_461, %sign3A_470 : i32
        %sign3A_472 = arith.extui %sign3A_471 : i1 to i32
        %sign3A_473 = arith.constant 0 : i32
        %sign3A_474 = arith.cmpi slt, %jit3A_461, %sign3A_473 : i32
        %sign3A_475 = arith.extui %sign3A_474 : i1 to i32
        %sign3A_476 = arith.subi %sign3A_472, %sign3A_475 : i32
        %ne3A_477 = arith.cmpi ne, %sign3A_469, %sign3A_476 : i32
        %rem3A_478 = arith.remsi %scan3A_460, %jit3A_461 : i32
        %ne3A_479 = arith.constant 0 : i32
        %ne3A_480 = arith.cmpi ne, %rem3A_478, %ne3A_479 : i32
        %and3A_481 = arith.andi %ne3A_477, %ne3A_480 : i1
        %sub3A_482 = arith.constant 1 : i32
        %sub3A_483 = arith.subi %div3A_462, %sub3A_482 : i32
        %select_n3A_484 = arith.select %and3A_481, %sub3A_483, %div3A_462 : i32
        %jit3A_485 = arith.constant 4 : i32
        %eq3A = arith.constant 0 : i32
        %eq3A_486 = arith.cmpi eq, %jit3A_485, %eq3A : i32
        %jit3A_487 = arith.constant 1 : i32
        %select_n3A_488 = arith.select %eq3A_486, %jit3A_487, %jit3A_485 : i32
        %rem3A_489 = arith.remsi %scan3A_460, %select_n3A_488 : i32
        %ne3A_490 = arith.constant 0 : i32
        %ne3A_491 = arith.cmpi ne, %rem3A_489, %ne3A_490 : i32
        %lt3A_492 = arith.constant 0 : i32
        %lt3A_493 = arith.cmpi slt, %rem3A_489, %lt3A_492 : i32
        %lt3A_494 = arith.constant 0 : i32
        %lt3A_495 = arith.cmpi slt, %select_n3A_488, %lt3A_494 : i32
        %ne3A_496 = arith.xori %lt3A_493, %lt3A_495 : i1
        %and3A_497 = arith.andi %ne3A_496, %ne3A_491 : i1
        %add3A_498 = arith.addi %rem3A_489, %select_n3A_488 : i32
        %select_n3A_499 = arith.select %and3A_497, %add3A_498, %rem3A_489 : i32
        %mul3A_500 = arith.constant 2 : i32
        %mul3A_501 = arith.muli %select_n3A_484, %mul3A_500 : i32
        %mul3A_502 = arith.constant 4 : i32
        %mul3A_503 = arith.muli %mul3A_501, %mul3A_502 : i32
        %add3A_504 = arith.addi %mul3A_503, %select_n3A_499 : i32
        %mul3A_505 = arith.constant 16 : i32
        %mul3A_506 = arith.muli %add3A_504, %mul3A_505 : i32
        %get3A = arith.index_cast %mul3A_506 : i32 to index
        %get3A_507 = tpu.vector_load %arg12[%get3A] {strides = array<i32>} : memref<528xi32, #tpu.memory_space<vmem>>, vector<16xi32>,
        %get3A_508 = arith.index_cast %mul3A_506 : i32 to index
        %get3A_509 = tpu.vector_load %arg13[%get3A_508] {strides = array<i32>} : memref<528xi32, #tpu.memory_space<vmem>>, vector<16xi32>,
        %add3A_510 = arith.constant 64 : i32
        %add3A_511 = arith.addi %mul3A_506, %add3A_510 : i32
        %get3A_512 = arith.index_cast %add3A_511 : i32 to index
        %get3A_513 = tpu.vector_load %arg12[%get3A_512] {strides = array<i32>} : memref<528xi32, #tpu.memory_space<vmem>>, vector<16xi32>,
        %add3A_514 = arith.constant 64 : i32
        %add3A_515 = arith.addi %mul3A_506, %add3A_514 : i32
        %get3A_516 = arith.index_cast %add3A_515 : i32 to index
        %get3A_517 = tpu.vector_load %arg13[%get3A_516] {strides = array<i32>} : memref<528xi32, #tpu.memory_space<vmem>>, vector<16xi32>,
        %gt3A_518 = arith.cmpi sgt, %get3A_507, %get3A_513 : vector<16xi32>
        %eq3A_519 = arith.cmpi eq, %get3A_507, %get3A_513 : vector<16xi32>
        %lt3A_520 = arith.cmpi slt, %get3A_509, %get3A_517 : vector<16xi32>
        %and3A_521 = arith.andi %eq3A_519, %lt3A_520 : vector<16xi1>
        %or3A_522 = arith.ori %gt3A_518, %and3A_521 : vector<16xi1>
        %select_n3A_523 = arith.select %or3A_522, %get3A_507, %get3A_513 : vector<16xi1>, vector<16xi32>
        %swap3A = arith.index_cast %mul3A_506 : i32 to index
        %swap3A_524 = tpu.vector_load %arg12[%swap3A] {strides = array<i32>} : memref<528xi32, #tpu.memory_space<vmem>>, vector<16xi32>,
        tpu.vector_store %arg12[%swap3A], %select_n3A_523 {strides = array<i32>} : memref<528xi32, #tpu.memory_space<vmem>>, vector<16xi32>,
        %select_n3A_525 = arith.select %or3A_522, %get3A_509, %get3A_517 : vector<16xi1>, vector<16xi32>
        %swap3A_526 = arith.index_cast %mul3A_506 : i32 to index
        %swap3A_527 = tpu.vector_load %arg13[%swap3A_526] {strides = array<i32>} : memref<528xi32, #tpu.memory_space<vmem>>, vector<16xi32>,
        tpu.vector_store %arg13[%swap3A_526], %select_n3A_525 {strides = array<i32>} : memref<528xi32, #tpu.memory_space<vmem>>, vector<16xi32>,
        %select_n3A_528 = arith.select %or3A_522, %get3A_513, %get3A_507 : vector<16xi1>, vector<16xi32>
        %add3A_529 = arith.constant 64 : i32
        %add3A_530 = arith.addi %mul3A_506, %add3A_529 : i32
        %swap3A_531 = arith.index_cast %add3A_530 : i32 to index
        %swap3A_532 = tpu.vector_load %arg12[%swap3A_531] {strides = array<i32>} : memref<528xi32, #tpu.memory_space<vmem>>, vector<16xi32>,
        tpu.vector_store %arg12[%swap3A_531], %select_n3A_528 {strides = array<i32>} : memref<528xi32, #tpu.memory_space<vmem>>, vector<16xi32>,
        %select_n3A_533 = arith.select %or3A_522, %get3A_517, %get3A_509 : vector<16xi1>, vector<16xi32>
        %add3A_534 = arith.constant 64 : i32
        %add3A_535 = arith.addi %mul3A_506, %add3A_534 : i32
        %swap3A_536 = arith.index_cast %add3A_535 : i32 to index
        %swap3A_537 = tpu.vector_load %arg13[%swap3A_536] {strides = array<i32>} : memref<528xi32, #tpu.memory_space<vmem>>, vector<16xi32>,
        tpu.vector_store %arg13[%swap3A_536], %select_n3A_533 {strides = array<i32>} : memref<528xi32, #tpu.memory_space<vmem>>, vector<16xi32>,
      }
      %scan3A_425 = arith.constant 16 : i32
      %scan3A_426 = arith.constant 0 : i32
      %scan3A_427 = arith.constant 0 : i32
      %scan3A_428 = arith.constant 16 : i32
      %scan3A_429 = arith.addi %scan3A_427, %scan3A_428 : i32
      %scan3A_430 = arith.constant 1 : i32
      scf.for %scan3A_460 = %scan3A_427 to %scan3A_429 step %scan3A_430  : i32 {
        %jit3A_461 = arith.constant 2 : i32
        %div3A_462 = arith.divsi %scan3A_460, %jit3A_461 : i32
        %sign3A_463 = arith.constant 0 : i32
        %sign3A_464 = arith.cmpi sgt, %scan3A_460, %sign3A_463 : i32
        %sign3A_465 = arith.extui %sign3A_464 : i1 to i32
        %sign3A_466 = arith.constant 0 : i32
        %sign3A_467 = arith.cmpi slt, %scan3A_460, %sign3A_466 : i32
        %sign3A_468 = arith.extui %sign3A_467 : i1 to i32
        %sign3A_469 = arith.subi %sign3A_465, %sign3A_468 : i32
        %sign3A_470 = arith.constant 0 : i32
        %sign3A_471 = arith.cmpi sgt, %jit3A_461, %sign3A_470 : i32
        %sign3A_472 = arith.extui %sign3A_471 : i1 to i32
        %sign3A_473 = arith.constant 0 : i32
        %sign3A_474 = arith.cmpi slt, %jit3A_461, %sign3A_473 : i32
        %sign3A_475 = arith.extui %sign3A_474 : i1 to i32
        %sign3A_476 = arith.subi %sign3A_472, %sign3A_475 : i32
        %ne3A_477 = arith.cmpi ne, %sign3A_469, %sign3A_476 : i32
        %rem3A_478 = arith.remsi %scan3A_460, %jit3A_461 : i32
        %ne3A_479 = arith.constant 0 : i32
        %ne3A_480 = arith.cmpi ne, %rem3A_478, %ne3A_479 : i32
        %and3A_481 = arith.andi %ne3A_477, %ne3A_480 : i1
        %sub3A_482 = arith.constant 1 : i32
        %sub3A_483 = arith.subi %div3A_462, %sub3A_482 : i32
        %select_n3A_484 = arith.select %and3A_481, %sub3A_483, %div3A_462 : i32
        %jit3A_485 = arith.constant 2 : i32
        %eq3A = arith.constant 0 : i32
        %eq3A_486 = arith.cmpi eq, %jit3A_485, %eq3A : i32
        %jit3A_487 = arith.constant 1 : i32
        %select_n3A_488 = arith.select %eq3A_486, %jit3A_487, %jit3A_485 : i32
        %rem3A_489 = arith.remsi %scan3A_460, %select_n3A_488 : i32
        %ne3A_490 = arith.constant 0 : i32
        %ne3A_491 = arith.cmpi ne, %rem3A_489, %ne3A_490 : i32
        %lt3A_492 = arith.constant 0 : i32
        %lt3A_493 = arith.cmpi slt, %rem3A_489, %lt3A_492 : i32
        %lt3A_494 = arith.constant 0 : i32
        %lt3A_495 = arith.cmpi slt, %select_n3A_488, %lt3A_494 : i32
        %ne3A_496 = arith.xori %lt3A_493, %lt3A_495 : i1
        %and3A_497 = arith.andi %ne3A_496, %ne3A_491 : i1
        %add3A_498 = arith.addi %rem3A_489, %select_n3A_488 : i32
        %select_n3A_499 = arith.select %and3A_497, %add3A_498, %rem3A_489 : i32
        %mul3A_500 = arith.constant 2 : i32
        %mul3A_501 = arith.muli %select_n3A_484, %mul3A_500 : i32
        %mul3A_502 = arith.constant 2 : i32
        %mul3A_503 = arith.muli %mul3A_501, %mul3A_502 : i32
        %add3A_504 = arith.addi %mul3A_503, %select_n3A_499 : i32
        %mul3A_505 = arith.constant 16 : i32
        %mul3A_506 = arith.muli %add3A_504, %mul3A_505 : i32
        %get3A = arith.index_cast %mul3A_506 : i32 to index
        %get3A_507 = tpu.vector_load %arg12[%get3A] {strides = array<i32>} : memref<528xi32, #tpu.memory_space<vmem>>, vector<16xi32>,
        %get3A_508 = arith.index_cast %mul3A_506 : i32 to index
        %get3A_509 = tpu.vector_load %arg13[%get3A_508] {strides = array<i32>} : memref<528xi32, #tpu.memory_space<vmem>>, vector<16xi32>,
        %add3A_510 = arith.constant 32 : i32
        %add3A_511 = arith.addi %mul3A_506, %add3A_510 : i32
        %get3A_512 = arith.index_cast %add3A_511 : i32 to index
        %get3A_513 = tpu.vector_load %arg12[%get3A_512] {strides = array<i32>} : memref<528xi32, #tpu.memory_space<vmem>>, vector<16xi32>,
        %add3A_514 = arith.constant 32 : i32
        %add3A_515 = arith.addi %mul3A_506, %add3A_514 : i32
        %get3A_516 = arith.index_cast %add3A_515 : i32 to index
        %get3A_517 = tpu.vector_load %arg13[%get3A_516] {strides = array<i32>} : memref<528xi32, #tpu.memory_space<vmem>>, vector<16xi32>,
        %gt3A_518 = arith.cmpi sgt, %get3A_507, %get3A_513 : vector<16xi32>
        %eq3A_519 = arith.cmpi eq, %get3A_507, %get3A_513 : vector<16xi32>
        %lt3A_520 = arith.cmpi slt, %get3A_509, %get3A_517 : vector<16xi32>
        %and3A_521 = arith.andi %eq3A_519, %lt3A_520 : vector<16xi1>
        %or3A_522 = arith.ori %gt3A_518, %and3A_521 : vector<16xi1>
        %select_n3A_523 = arith.select %or3A_522, %get3A_507, %get3A_513 : vector<16xi1>, vector<16xi32>
        %swap3A = arith.index_cast %mul3A_506 : i32 to index
        %swap3A_524 = tpu.vector_load %arg12[%swap3A] {strides = array<i32>} : memref<528xi32, #tpu.memory_space<vmem>>, vector<16xi32>,
        tpu.vector_store %arg12[%swap3A], %select_n3A_523 {strides = array<i32>} : memref<528xi32, #tpu.memory_space<vmem>>, vector<16xi32>,
        %select_n3A_525 = arith.select %or3A_522, %get3A_509, %get3A_517 : vector<16xi1>, vector<16xi32>
        %swap3A_526 = arith.index_cast %mul3A_506 : i32 to index
        %swap3A_527 = tpu.vector_load %arg13[%swap3A_526] {strides = array<i32>} : memref<528xi32, #tpu.memory_space<vmem>>, vector<16xi32>,
        tpu.vector_store %arg13[%swap3A_526], %select_n3A_525 {strides = array<i32>} : memref<528xi32, #tpu.memory_space<vmem>>, vector<16xi32>,
        %select_n3A_528 = arith.select %or3A_522, %get3A_513, %get3A_507 : vector<16xi1>, vector<16xi32>
        %add3A_529 = arith.constant 32 : i32
        %add3A_530 = arith.addi %mul3A_506, %add3A_529 : i32
        %swap3A_531 = arith.index_cast %add3A_530 : i32 to index
        %swap3A_532 = tpu.vector_load %arg12[%swap3A_531] {strides = array<i32>} : memref<528xi32, #tpu.memory_space<vmem>>, vector<16xi32>,
        tpu.vector_store %arg12[%swap3A_531], %select_n3A_528 {strides = array<i32>} : memref<528xi32, #tpu.memory_space<vmem>>, vector<16xi32>,
        %select_n3A_533 = arith.select %or3A_522, %get3A_517, %get3A_509 : vector<16xi1>, vector<16xi32>
        %add3A_534 = arith.constant 32 : i32
        %add3A_535 = arith.addi %mul3A_506, %add3A_534 : i32
        %swap3A_536 = arith.index_cast %add3A_535 : i32 to index
        %swap3A_537 = tpu.vector_load %arg13[%swap3A_536] {strides = array<i32>} : memref<528xi32, #tpu.memory_space<vmem>>, vector<16xi32>,
        tpu.vector_store %arg13[%swap3A_536], %select_n3A_533 {strides = array<i32>} : memref<528xi32, #tpu.memory_space<vmem>>, vector<16xi32>,
      }
      %scan3A_431 = arith.constant 16 : i32
      %scan3A_432 = arith.constant 0 : i32
      %scan3A_433 = arith.constant 0 : i32
      %scan3A_434 = arith.constant 16 : i32
      %scan3A_435 = arith.addi %scan3A_433, %scan3A_434 : i32
      %scan3A_436 = arith.constant 1 : i32
      scf.for %scan3A_460 = %scan3A_433 to %scan3A_435 step %scan3A_436  : i32 {
        %jit3A_461 = arith.constant 1 : i32
        %div3A_462 = arith.divsi %scan3A_460, %jit3A_461 : i32
        %sign3A_463 = arith.constant 0 : i32
        %sign3A_464 = arith.cmpi sgt, %scan3A_460, %sign3A_463 : i32
        %sign3A_465 = arith.extui %sign3A_464 : i1 to i32
        %sign3A_466 = arith.constant 0 : i32
        %sign3A_467 = arith.cmpi slt, %scan3A_460, %sign3A_466 : i32
        %sign3A_468 = arith.extui %sign3A_467 : i1 to i32
        %sign3A_469 = arith.subi %sign3A_465, %sign3A_468 : i32
        %sign3A_470 = arith.constant 0 : i32
        %sign3A_471 = arith.cmpi sgt, %jit3A_461, %sign3A_470 : i32
        %sign3A_472 = arith.extui %sign3A_471 : i1 to i32
        %sign3A_473 = arith.constant 0 : i32
        %sign3A_474 = arith.cmpi slt, %jit3A_461, %sign3A_473 : i32
        %sign3A_475 = arith.extui %sign3A_474 : i1 to i32
        %sign3A_476 = arith.subi %sign3A_472, %sign3A_475 : i32
        %ne3A_477 = arith.cmpi ne, %sign3A_469, %sign3A_476 : i32
        %rem3A_478 = arith.remsi %scan3A_460, %jit3A_461 : i32
        %ne3A_479 = arith.constant 0 : i32
        %ne3A_480 = arith.cmpi ne, %rem3A_478, %ne3A_479 : i32
        %and3A_481 = arith.andi %ne3A_477, %ne3A_480 : i1
        %sub3A_482 = arith.constant 1 : i32
        %sub3A_483 = arith.subi %div3A_462, %sub3A_482 : i32
        %select_n3A_484 = arith.select %and3A_481, %sub3A_483, %div3A_462 : i32
        %jit3A_485 = arith.constant 1 : i32
        %eq3A = arith.constant 0 : i32
        %eq3A_486 = arith.cmpi eq, %jit3A_485, %eq3A : i32
        %jit3A_487 = arith.constant 1 : i32
        %select_n3A_488 = arith.select %eq3A_486, %jit3A_487, %jit3A_485 : i32
        %rem3A_489 = arith.remsi %scan3A_460, %select_n3A_488 : i32
        %ne3A_490 = arith.constant 0 : i32
        %ne3A_491 = arith.cmpi ne, %rem3A_489, %ne3A_490 : i32
        %lt3A_492 = arith.constant 0 : i32
        %lt3A_493 = arith.cmpi slt, %rem3A_489, %lt3A_492 : i32
        %lt3A_494 = arith.constant 0 : i32
        %lt3A_495 = arith.cmpi slt, %select_n3A_488, %lt3A_494 : i32
        %ne3A_496 = arith.xori %lt3A_493, %lt3A_495 : i1
        %and3A_497 = arith.andi %ne3A_496, %ne3A_491 : i1
        %add3A_498 = arith.addi %rem3A_489, %select_n3A_488 : i32
        %select_n3A_499 = arith.select %and3A_497, %add3A_498, %rem3A_489 : i32
        %mul3A_500 = arith.constant 2 : i32
        %mul3A_501 = arith.muli %select_n3A_484, %mul3A_500 : i32
        %mul3A_502 = arith.constant 1 : i32
        %mul3A_503 = arith.muli %mul3A_501, %mul3A_502 : i32
        %add3A_504 = arith.addi %mul3A_503, %select_n3A_499 : i32
        %mul3A_505 = arith.constant 16 : i32
        %mul3A_506 = arith.muli %add3A_504, %mul3A_505 : i32
        %get3A = arith.index_cast %mul3A_506 : i32 to index
        %get3A_507 = tpu.vector_load %arg12[%get3A] {strides = array<i32>} : memref<528xi32, #tpu.memory_space<vmem>>, vector<16xi32>,
        %get3A_508 = arith.index_cast %mul3A_506 : i32 to index
        %get3A_509 = tpu.vector_load %arg13[%get3A_508] {strides = array<i32>} : memref<528xi32, #tpu.memory_space<vmem>>, vector<16xi32>,
        %add3A_510 = arith.constant 16 : i32
        %add3A_511 = arith.addi %mul3A_506, %add3A_510 : i32
        %get3A_512 = arith.index_cast %add3A_511 : i32 to index
        %get3A_513 = tpu.vector_load %arg12[%get3A_512] {strides = array<i32>} : memref<528xi32, #tpu.memory_space<vmem>>, vector<16xi32>,
        %add3A_514 = arith.constant 16 : i32
        %add3A_515 = arith.addi %mul3A_506, %add3A_514 : i32
        %get3A_516 = arith.index_cast %add3A_515 : i32 to index
        %get3A_517 = tpu.vector_load %arg13[%get3A_516] {strides = array<i32>} : memref<528xi32, #tpu.memory_space<vmem>>, vector<16xi32>,
        %gt3A_518 = arith.cmpi sgt, %get3A_507, %get3A_513 : vector<16xi32>
        %eq3A_519 = arith.cmpi eq, %get3A_507, %get3A_513 : vector<16xi32>
        %lt3A_520 = arith.cmpi slt, %get3A_509, %get3A_517 : vector<16xi32>
        %and3A_521 = arith.andi %eq3A_519, %lt3A_520 : vector<16xi1>
        %or3A_522 = arith.ori %gt3A_518, %and3A_521 : vector<16xi1>
        %select_n3A_523 = arith.select %or3A_522, %get3A_507, %get3A_513 : vector<16xi1>, vector<16xi32>
        %swap3A = arith.index_cast %mul3A_506 : i32 to index
        %swap3A_524 = tpu.vector_load %arg12[%swap3A] {strides = array<i32>} : memref<528xi32, #tpu.memory_space<vmem>>, vector<16xi32>,
        tpu.vector_store %arg12[%swap3A], %select_n3A_523 {strides = array<i32>} : memref<528xi32, #tpu.memory_space<vmem>>, vector<16xi32>,
        %select_n3A_525 = arith.select %or3A_522, %get3A_509, %get3A_517 : vector<16xi1>, vector<16xi32>
        %swap3A_526 = arith.index_cast %mul3A_506 : i32 to index
        %swap3A_527 = tpu.vector_load %arg13[%swap3A_526] {strides = array<i32>} : memref<528xi32, #tpu.memory_space<vmem>>, vector<16xi32>,
        tpu.vector_store %arg13[%swap3A_526], %select_n3A_525 {strides = array<i32>} : memref<528xi32, #tpu.memory_space<vmem>>, vector<16xi32>,
        %select_n3A_528 = arith.select %or3A_522, %get3A_513, %get3A_507 : vector<16xi1>, vector<16xi32>
        %add3A_529 = arith.constant 16 : i32
        %add3A_530 = arith.addi %mul3A_506, %add3A_529 : i32
        %swap3A_531 = arith.index_cast %add3A_530 : i32 to index
        %swap3A_532 = tpu.vector_load %arg12[%swap3A_531] {strides = array<i32>} : memref<528xi32, #tpu.memory_space<vmem>>, vector<16xi32>,
        tpu.vector_store %arg12[%swap3A_531], %select_n3A_528 {strides = array<i32>} : memref<528xi32, #tpu.memory_space<vmem>>, vector<16xi32>,
        %select_n3A_533 = arith.select %or3A_522, %get3A_517, %get3A_509 : vector<16xi1>, vector<16xi32>
        %add3A_534 = arith.constant 16 : i32
        %add3A_535 = arith.addi %mul3A_506, %add3A_534 : i32
        %swap3A_536 = arith.index_cast %add3A_535 : i32 to index
        %swap3A_537 = tpu.vector_load %arg13[%swap3A_536] {strides = array<i32>} : memref<528xi32, #tpu.memory_space<vmem>>, vector<16xi32>,
        tpu.vector_store %arg13[%swap3A_536], %select_n3A_533 {strides = array<i32>} : memref<528xi32, #tpu.memory_space<vmem>>, vector<16xi32>,
      }
      %scan3A_437 = arith.constant 16 : i32
      %scan3A_438 = arith.constant 0 : i32
      %scan3A_439 = arith.constant 0 : i32
      %scan3A_440 = arith.constant 32 : i32
      %scan3A_441 = arith.addi %scan3A_439, %scan3A_440 : i32
      %scan3A_442 = arith.constant 1 : i32
      scf.for %scan3A_460 = %scan3A_439 to %scan3A_441 step %scan3A_442  : i32 {
        %mul3A_461 = arith.constant 16 : i32
        %mul3A_462 = arith.muli %scan3A_460, %mul3A_461 : i32
        %get3A = arith.index_cast %mul3A_462 : i32 to index
        %get3A_463 = tpu.vector_load %arg12[%get3A] {strides = array<i32>} : memref<528xi32, #tpu.memory_space<vmem>>, vector<16xi32>,
        %get3A_464 = arith.index_cast %mul3A_462 : i32 to index
        %get3A_465 = tpu.vector_load %arg13[%get3A_464] {strides = array<i32>} : memref<528xi32, #tpu.memory_space<vmem>>, vector<16xi32>,
        %masked_sort3A = arith.constant dense<true> : vector<16xi1>
        %masked_sort3A_466 = arith.constant -2147483648 : i32
        %masked_sort3A_467 = vector.broadcast %masked_sort3A_466 : i32 to vector<16xi32>
        %masked_sort3A_468 = arith.xori %get3A_463, %masked_sort3A_467 : vector<16xi32>
        %masked_sort3A_469, %masked_sort3A_470, %masked_sort3A_471 = tpu.sort %masked_sort3A_468, %get3A_465 masked %masked_sort3A {descending = true} : (vector<16xi32>, vector<16xi32>, vector<16xi1>) -> (vector<16xi1>, vector<16xi32>, vector<16xi32>)
        %masked_sort3A_472 = arith.xori %masked_sort3A_470, %masked_sort3A_467 : vector<16xi32>
        %swap3A = arith.index_cast %mul3A_462 : i32 to index
        %swap3A_473 = tpu.vector_load %arg12[%swap3A] {strides = array<i32>} : memref<528xi32, #tpu.memory_space<vmem>>, vector<16xi32>,
        tpu.vector_store %arg12[%swap3A], %masked_sort3A_472 {strides = array<i32>} : memref<528xi32, #tpu.memory_space<vmem>>, vector<16xi32>,
        %swap3A_474 = arith.index_cast %mul3A_462 : i32 to index
        %swap3A_475 = tpu.vector_load %arg13[%swap3A_474] {strides = array<i32>} : memref<528xi32, #tpu.memory_space<vmem>>, vector<16xi32>,
        tpu.vector_store %arg13[%swap3A_474], %masked_sort3A_471 {strides = array<i32>} : memref<528xi32, #tpu.memory_space<vmem>>, vector<16xi32>,
      }
      %scan3A_443 = arith.constant 32 : i32
      %scan3A_444 = arith.constant 0 : i32
      %scan3A_445 = arith.constant 0 : i32
      %scan3A_446 = arith.constant 32 : i32
      %scan3A_447 = arith.addi %scan3A_445, %scan3A_446 : i32
      %scan3A_448 = arith.constant 1 : i32
      scf.for %scan3A_460 = %scan3A_445 to %scan3A_447 step %scan3A_448  : i32 {
        %mul3A_461 = arith.constant 16 : i32
        %mul3A_462 = arith.muli %scan3A_460, %mul3A_461 : i32
        %mul3A_463 = arith.constant 0 : i32
        %mul3A_464 = vector.broadcast %mul3A_463 : i32 to vector<16xi32>
        %mul3A_465 = arith.muli %iota3A_249, %mul3A_464 : vector<16xi32>
        %get3A = arith.index_cast %mul3A_462 : i32 to index
        %get3A_466 = tpu.vector_load %arg13[%get3A] {strides = array<i32>} : memref<528xi32, #tpu.memory_space<vmem>>, vector<16xi32>,
        %gather3A = tpu.vector_load_idx %arg5[%get3A_466] : memref<8192xf32, #tpu.memory_space<vmem>>[vector<16xi32>], vector<16xf32>,
        %add3A_467 = vector.broadcast %mul3A_462 : i32 to vector<16xi32>
        %add3A_468 = arith.addi %iota3A_249, %add3A_467 : vector<16xi32>
        %convert_element_type3A_469 = arith.sitofp %add3A_468 : vector<16xi32> to vector<16xf32>
        %div3A_470 = arith.constant 5.110000e+02 : f32
        %div3A_471 = vector.broadcast %div3A_470 : f32 to vector<16xf32>
        %div3A_472 = arith.divf %convert_element_type3A_469, %div3A_471 : vector<16xf32>
        %eq3A = arith.constant 0.000000e+00 : f32
        %eq3A_473 = vector.broadcast %eq3A : f32 to vector<16xf32>
        %eq3A_474 = arith.cmpf oeq, %gather3A, %eq3A_473 : vector<16xf32>
        %convert_element_type3A_475 = arith.extui %eq3A_474 : vector<16xi1> to vector<16xi32>
        %convert_element_type3A_476 = arith.sitofp %convert_element_type3A_475 : vector<16xi32> to vector<16xf32>
        tpu.vector_store_idx %arg14[%add3A_468, %mul3A_465], %gather3A : memref<512x3xf32, #tpu.memory_space<vmem>>[vector<16xi32>, vector<16xi32>], vector<16xf32>,
        %add3A_477 = arith.constant 1 : i32
        %add3A_478 = vector.broadcast %add3A_477 : i32 to vector<16xi32>
        %add3A_479 = arith.addi %mul3A_465, %add3A_478 : vector<16xi32>
        tpu.vector_store_idx %arg14[%add3A_468, %add3A_479], %div3A_472 : memref<512x3xf32, #tpu.memory_space<vmem>>[vector<16xi32>, vector<16xi32>], vector<16xf32>,
        %add3A_480 = arith.constant 2 : i32
        %add3A_481 = vector.broadcast %add3A_480 : i32 to vector<16xi32>
        %add3A_482 = arith.addi %mul3A_465, %add3A_481 : vector<16xi32>
        tpu.vector_store_idx %arg14[%add3A_468, %add3A_482], %convert_element_type3A_476 : memref<512x3xf32, #tpu.memory_space<vmem>>[vector<16xi32>, vector<16xi32>], vector<16xf32>,
      }
      %scan3A_449 = arith.constant 32 : i32
      "tpu.region"() ({
        %run_scoped3A = tpu.sem_alloc : memref<!tpu.dma_semaphore, #tpu.memory_space<semaphore_mem>>
        %dma_start3A_460 = arith.constant 0 : i32
        %dma_start3A_461 = arith.constant 0 : i32
        %dma_start3A_462 = tpu.memref_slice %arg3[%add3A_248, %dma_start3A_460, %dma_start3A_461] : memref<4096x512x3xf32, #tpu.memory_space<hbm>> -> memref<1x512x3xf32, #tpu.memory_space<hbm>>
        %dma_start3A_463 = tpu.memref_squeeze %dma_start3A_462 : memref<1x512x3xf32, #tpu.memory_space<hbm>> -> memref<512x3xf32, #tpu.memory_space<hbm>>
        %dma_start3A_464 = arith.constant 0 : i32
        %dma_start3A_465 = arith.constant 0 : i32
        %dma_start3A_466 = tpu.memref_slice %arg3[%add3A_248, %dma_start3A_464, %dma_start3A_465] : memref<4096x512x3xf32, #tpu.memory_space<hbm>> -> memref<1x512x3xf32, #tpu.memory_space<hbm>>
        %dma_start3A_467 = tpu.memref_squeeze %dma_start3A_466 : memref<1x512x3xf32, #tpu.memory_space<hbm>> -> memref<512x3xf32, #tpu.memory_space<hbm>>
        tpu.enqueue_dma source(%arg14 : memref<512x3xf32, #tpu.memory_space<vmem>>) target(%dma_start3A_467 : memref<512x3xf32, #tpu.memory_space<hbm>>) target_semaphore(%run_scoped3A : memref<!tpu.dma_semaphore, #tpu.memory_space<semaphore_mem>>)
        %dma_wait3A_468 = arith.constant 0 : i32
        %dma_wait3A_469 = arith.constant 0 : i32
        %dma_wait3A_470 = tpu.memref_slice %arg3[%add3A_248, %dma_wait3A_468, %dma_wait3A_469] : memref<4096x512x3xf32, #tpu.memory_space<hbm>> -> memref<1x512x3xf32, #tpu.memory_space<hbm>>
        %dma_wait3A_471 = tpu.memref_squeeze %dma_wait3A_470 : memref<1x512x3xf32, #tpu.memory_space<hbm>> -> memref<512x3xf32, #tpu.memory_space<hbm>>
        %dma_wait3A_472 = arith.constant 0 : i32
        %dma_wait3A_473 = arith.constant 0 : i32
        %dma_wait3A_474 = tpu.memref_slice %arg3[%add3A_248, %dma_wait3A_472, %dma_wait3A_473] : memref<4096x512x3xf32, #tpu.memory_space<hbm>> -> memref<1x512x3xf32, #tpu.memory_space<hbm>>
        %dma_wait3A_475 = tpu.memref_squeeze %dma_wait3A_474 : memref<1x512x3xf32, #tpu.memory_space<hbm>> -> memref<512x3xf32, #tpu.memory_space<hbm>>
        tpu.wait_dma2 semaphore(%run_scoped3A : memref<!tpu.dma_semaphore, #tpu.memory_space<semaphore_mem>>) src(%arg14 : memref<512x3xf32, #tpu.memory_space<vmem>>) dst(%dma_wait3A_475 : memref<512x3xf32, #tpu.memory_space<hbm>>)
        tpu.yield
      }) : () -> ()
      %add3A_450 = arith.constant 3 : i32
      %add3A_451 = arith.addi %add3A_39, %add3A_450 : i32
      %min3A_452 = arith.constant 4095 : i32
      %min3A_453 = arith.minsi %add3A_451, %min3A_452 : i32
      %dma_start3A_454 = arith.constant 0 : i32
      %dma_start3A_455 = tpu.memref_slice %arg2[%min3A_453, %dma_start3A_454] : memref<4096x8192xf32, #tpu.memory_space<hbm>> -> memref<1x8192xf32, #tpu.memory_space<hbm>>
      %dma_start3A_456 = tpu.memref_squeeze %dma_start3A_455 : memref<1x8192xf32, #tpu.memory_space<hbm>> -> memref<8192xf32, #tpu.memory_space<hbm>>
      %dma_start3A_457 = arith.constant 0 : i32
      %dma_start3A_458 = tpu.memref_slice %arg2[%min3A_453, %dma_start3A_457] : memref<4096x8192xf32, #tpu.memory_space<hbm>> -> memref<1x8192xf32, #tpu.memory_space<hbm>>
      %dma_start3A_459 = tpu.memref_squeeze %dma_start3A_458 : memref<1x8192xf32, #tpu.memory_space<hbm>> -> memref<8192xf32, #tpu.memory_space<hbm>>
      tpu.enqueue_dma source(%dma_start3A_459 : memref<8192xf32, #tpu.memory_space<hbm>>) target(%arg5 : memref<8192xf32, #tpu.memory_space<vmem>>) target_semaphore(%arg16 : memref<!tpu.dma_semaphore, #tpu.memory_space<semaphore_mem>>)
      scf.yield %add3A_317 : i32
    }
    %scan3A_21 = arith.constant 64 : i32
    %dma_wait3A = arith.constant 0 : i32
    %dma_wait3A_22 = arith.constant 0 : i32
    %dma_wait3A_23 = tpu.memref_slice %arg2[%dma_wait3A, %dma_wait3A_22] : memref<4096x8192xf32, #tpu.memory_space<hbm>> -> memref<1x8192xf32, #tpu.memory_space<hbm>>
    %dma_wait3A_24 = tpu.memref_squeeze %dma_wait3A_23 : memref<1x8192xf32, #tpu.memory_space<hbm>> -> memref<8192xf32, #tpu.memory_space<hbm>>
    %dma_wait3A_25 = arith.constant 0 : i32
    %dma_wait3A_26 = tpu.memref_slice %arg2[%dma_wait3A, %dma_wait3A_25] : memref<4096x8192xf32, #tpu.memory_space<hbm>> -> memref<1x8192xf32, #tpu.memory_space<hbm>>
    %dma_wait3A_27 = tpu.memref_squeeze %dma_wait3A_26 : memref<1x8192xf32, #tpu.memory_space<hbm>> -> memref<8192xf32, #tpu.memory_space<hbm>>
    tpu.wait_dma2 semaphore(%arg15 : memref<!tpu.dma_semaphore, #tpu.memory_space<semaphore_mem>>) src(%dma_wait3A_27 : memref<8192xf32, #tpu.memory_space<hbm>>) dst(%arg4 : memref<8192xf32, #tpu.memory_space<vmem>>)
    %dma_wait3A_28 = arith.constant 0 : i32
    %dma_wait3A_29 = arith.constant 0 : i32
    %dma_wait3A_30 = tpu.memref_slice %arg2[%dma_wait3A_28, %dma_wait3A_29] : memref<4096x8192xf32, #tpu.memory_space<hbm>> -> memref<1x8192xf32, #tpu.memory_space<hbm>>
    %dma_wait3A_31 = tpu.memref_squeeze %dma_wait3A_30 : memref<1x8192xf32, #tpu.memory_space<hbm>> -> memref<8192xf32, #tpu.memory_space<hbm>>
    %dma_wait3A_32 = arith.constant 0 : i32
    %dma_wait3A_33 = tpu.memref_slice %arg2[%dma_wait3A_28, %dma_wait3A_32] : memref<4096x8192xf32, #tpu.memory_space<hbm>> -> memref<1x8192xf32, #tpu.memory_space<hbm>>
    %dma_wait3A_34 = tpu.memref_squeeze %dma_wait3A_33 : memref<1x8192xf32, #tpu.memory_space<hbm>> -> memref<8192xf32, #tpu.memory_space<hbm>>
    tpu.wait_dma2 semaphore(%arg16 : memref<!tpu.dma_semaphore, #tpu.memory_space<semaphore_mem>>) src(%dma_wait3A_34 : memref<8192xf32, #tpu.memory_space<hbm>>) dst(%arg5 : memref<8192xf32, #tpu.memory_space<vmem>>)
    return
  }
}

</mosaic_0001>

<sc_bundles>
// kernel: kernel.3.cloned.1.call-start
scs
__scs_entry_jumppad:
0x0: {  	(pc) =	sbr.rel $0x88, $3  }
0x1: {  	(tag) =	ssettag $0x0;
	lr =	simm.s32 $0x1  }
0x2: {  	[smem:$0x3FA0] =	sst lr;
	_ =	strace $0xD0000000  }
0x3: {  	_ = 	snop  }
0x4: {  	_ = 	snop  }
0x5: {  	_ = 	snop  }
0x6: {  	_ = 	snop  }
0x7: {  	_ = 	snop  }
__scs_overlays_trampoline_lowered:
0x8: {  	[smem:$0x3FAF] =	sst s0  }
0x9: {  	[smem:$0x3FB0] =	sst s1  }
0xa: {  	[smem:$0x3FB1] =	sst s2  }
0xb: {  	[smem:$0x3FB2] =	sst s3  }
0xc: {  	[smem:$0x3FB3] =	sst s4  }
0xd: {  	[smem:$0x3FB4] =	sst s5  }
0xe: {  	[smem:$0x3FB5] =	sst s6  }
0xf: {  	[smem:$0x3FB6] =	sst s7  }
0x10: {  	[smem:$0x3FB7] =	sst s8  }
0x11: {  	[smem:$0x3FB8] =	sst s9;
	s0 =	simm.s32 @!p0 $0x0  }
0x12: {  	s1 =	sld [smem:$0x3F9E];
	s0 =	simm.s32 @p0 $0x1  }
0x13: {  	[smem:$0x3FB9] =	sst s0;
	s0 =	simm.s32 @!p1 $0x0  }
0x14: {  	s2 =	sld [smem:$0x3F9D];
	s0 =	simm.s32 @p1 $0x1  }
0x15: {  	[smem:$0x3FBA] =	sst s0;
	s0 =	simm.s32 @!p2 $0x0  }
0x16: {  	s3 =	sld [smem:$0x3FDB];
	s0 =	simm.s32 @p2 $0x1  }
0x17: {  	s4 =	simm.s32 $0x1BF5;
	[smem:$0x3FBC] =	sst s0  }
0x18: {  	s0 =	sld [smem:$0x3F9F];
	_ =	swait.ge [sflag:s4], $0x0  }
0x19: {  	s7 =	sld [smem:$0x3FA0]  }
0x1a: {  	s8 =	sadd.s32 $0xFFFFE003, lr  }
0x1b: {  	s9 =	sadd.s32 $0xFFFFFEF7, lr;
	s5 =	simm.s32 $0xFFFFFFFF;
	p2 =	slt.u32 s8, $0xFFFFF086  }
0x1c: {  	p1 =	slt.u32 s9, $0xF7A;
	s5 =	simm.s32 @!p2 $0x0  }
0x1d: {  	s5 =	simm.s32 @p1 $0x1;
	p0 =	seq.s32 s7, s2  }
0x1e: {  	s7 =	smul.u32 @!p0 $0xF7A, s2;
	p2 =	seq.s32 @!p0 s5, $0x0  }
0x1f: {  	s9 =	smul.u32 $0xF7A, s1;
	s8 =	simm.s32 @!p0 $0x1BF5;
	p2 =	por !p2, p0  }
0x20: {  	[sflag:s8] =	ssyncset.s32 @!p0 $0xFFFFF086;
	s6 =	sadd.s32 @!p0 s3, s7;
	s7 =	simm.s32 @!p0 $0x108  }
0x21: {  	s3 =	sadd.s32 s3, s9;
	s6 =	sadd.s32 @!p0 $0x88, s6;
	s7 =	simm.s32 @p2 $0x1082  }
0x22: {  	[simem:s7], [sflag:s8] =	dma.local @!p0 [hbm:s6], $0xF7A  }
0x23: {  	s9 =	sor.u32 $0xD0000000, s2;
	s6 =	simm.s32 $0x108;
	_ =	swait.ge @!p0 [sflag:s8], $0x0  }
0x24: {  	s3 =	sadd.s32 $0x88, s3;
	s6 =	simm.s32 @!p1 $0x1082;
	[sflag:s4] =	ssyncset.s32 $0xFFFFF086  }
0x25: {  	[simem:s6], [sflag:s4] =	dma.local [hbm:s3], $0xF7A  }
0x26: {  	[smem:$0x3FA0] =	sst s1;
	(tag) =	ssettag s2;
	_ =	strace s9  }
0x27: {  	s1 =	sld [smem:$0x3FB0]  }
0x28: {  	s2 =	sld [smem:$0x3FB1]  }
0x29: {  	s4 =	sld [smem:$0x3FB3]  }
0x2a: {  	p0 =	seq.s32 s5, $0x0;
	s5 =	sld [smem:$0x3FB4]  }
0x2b: {  	s6 =	sld [smem:$0x3FB5]  }
0x2c: {  	s7 =	sld [smem:$0x3FB6]  }
0x2d: {  	s3 =	simm.s32 $0x108;
	s8 =	sld [smem:$0x3FB7]  }
0x2e: {  	s3 =	simm.s32 @!p0 $0x1082;
	s9 =	sld [smem:$0x3FB8]  }
0x2f: {  	lr =	sadd.s32 s0, s3;
	s0 =	sld [smem:$0x3FAF]  }
0x30: {  	s3 =	sld [smem:$0x3FB2]  }
0x31: {  	[smem:$0x3FBB] =	sst s10  }
0x32: {  	s10 =	sld [smem:$0x3FB9];
	_ =	sdelay $0x3  }
0x33: {  	p0 =	seq.s32 s10, $0x1;
	s10 =	sld [smem:$0x3FBB];
	_ =	sdelay $0x3  }
0x34: {  	[smem:$0x3FBB] =	sst s10  }
0x35: {  	s10 =	sld [smem:$0x3FBA];
	_ =	sdelay $0x3  }
0x36: {  	p1 =	seq.s32 s10, $0x1;
	s10 =	sld [smem:$0x3FBB];
	_ =	sdelay $0x3  }
0x37: {  	[smem:$0x3FBB] =	sst s10  }
0x38: {  	s10 =	sld [smem:$0x3FBC]  }
0x39: {  	_ = 	snop;
	(pc) =	sbr.ind lr, $3  }
0x3a: {  	_ = 	snop  }
0x3b: {  	_ = 	snop  }
0x3c: {  	p2 =	seq.s32 s10, $0x1;
	s10 =	sld [smem:$0x3FBB]  }
0x3d: {  	_ =	shalt  }
0x3e: {  	_ =	shalt  }
0x3f: {  	_ =	shalt  }
0x40: {  	_ =	shalt  }
0x41: {  	_ =	shalt  }
0x42: {  	_ =	shalt  }
0x43: {  	_ =	shalt  }
0x44: {  	_ =	shalt  }
0x45: {  	_ =	shalt  }
0x46: {  	_ =	shalt  }
0x47: {  	_ =	shalt  }
0x48: {  	_ =	shalt  }
0x49: {  	_ =	shalt  }
0x4a: {  	_ =	shalt  }
0x4b: {  	_ =	shalt  }
0x4c: {  	_ =	shalt  }
0x4d: {  	_ =	shalt  }
0x4e: {  	_ =	shalt  }
0x4f: {  	_ =	shalt  }
0x50: {  	_ =	shalt  }
0x51: {  	_ =	shalt  }
0x52: {  	_ =	shalt  }
0x53: {  	_ =	shalt  }
0x54: {  	_ =	shalt  }
0x55: {  	_ =	shalt  }
0x56: {  	_ =	shalt  }
0x57: {  	_ =	shalt  }
0x58: {  	_ =	shalt  }
0x59: {  	_ =	shalt  }
0x5a: {  	_ =	shalt  }
0x5b: {  	_ =	shalt  }
0x5c: {  	_ =	shalt  }
0x5d: {  	_ =	shalt  }
0x5e: {  	_ =	shalt  }
0x5f: {  	_ =	shalt  }
0x60: {  	_ =	shalt  }
0x61: {  	_ =	shalt  }
0x62: {  	_ =	shalt  }
0x63: {  	_ =	shalt  }
0x64: {  	_ =	shalt  }
0x65: {  	_ =	shalt  }
0x66: {  	_ =	shalt  }
0x67: {  	_ =	shalt  }
0x68: {  	_ =	shalt  }
0x69: {  	_ =	shalt  }
0x6a: {  	_ =	shalt  }
0x6b: {  	_ =	shalt  }
0x6c: {  	_ =	shalt  }
0x6d: {  	_ =	shalt  }
0x6e: {  	_ =	shalt  }
0x6f: {  	_ =	shalt  }
0x70: {  	_ =	shalt  }
0x71: {  	_ =	shalt  }
0x72: {  	_ =	shalt  }
0x73: {  	_ =	shalt  }
0x74: {  	_ =	shalt  }
0x75: {  	_ =	shalt  }
0x76: {  	_ =	shalt  }
0x77: {  	_ =	shalt  }
0x78: {  	_ =	shalt  }
0x79: {  	_ =	shalt  }
0x7a: {  	_ =	shalt  }
0x7b: {  	_ =	shalt  }
0x7c: {  	_ =	shalt  }
0x7d: {  	_ =	shalt  }
0x7e: {  	_ =	shalt  }
0x7f: {  	_ =	shalt  }
0x80: {  	_ =	shalt  }
0x81: {  	_ =	shalt  }
0x82: {  	_ =	shalt  }
0x83: {  	_ =	shalt  }
0x84: {  	_ =	shalt  }
0x85: {  	_ =	shalt  }
0x86: {  	_ =	shalt  }
0x87: {  	_ =	shalt  }
.Lfunc_end0:
.L_simem_size_0:
called_computation_lowered:
.L_overlay_start_0:
0x88: {  	s2 =	sld [smem:$0x3FD9]  }
0x89: {  	s3 =	sld [smem:$0x3FFE];
	_ =	sdelay $0x1  }
0x8a: {  	s1 =	srdreg.scid  }
0x8b: {  	s0 =	sand.u32 $0x1, s1  }
0x8c: {  	s17 =	sshll.u32 s0, $0xA;
	s2 =	sadd.s32 s3, s2  }
0x8d: {  	s2 =	sadd.s32 s2, s17  }
0x8e: {  	[smem:$0x3FC7] =	sst s2  }
0x8f: {  	_ = 	snop  }
0x90: {  	s2 =	sld [smem:$0x3FC9];
	(tm) =	ssettm $0x1  }
0x91: {  	s18 =	sld [smem:$0x3FFB];
	_ =	sdelay $0x3  }
0x92: {  	_ =	strace s18  }
0x93: {  	s3 =	sld [smem:$0x3FFC];
	_ =	sdelay $0x3  }
0x94: {  	_ =	strace s3  }
0x95: {  	s3 =	sld [smem:$0x3FFD];
	_ =	sdelay $0x3  }
0x96: {  	_ =	strace s3  }
0x97: {  	_ =	strace $0x8FFFFFFF  }
0x98: {  	s19 =	sld [smem:$0x3FDB];
	_ =	sdelay $0x1  }
0x99: {  	s4 =	simm.s32 $_scs_section_size  }
0x9a: {  	s5 =	simm.s32 $_size__tile_overlayer_lowered;
	s6 =	simm.s32 $_tile_overlayer_lowered  }
0x9b: {  	s22 =	simm.s32 $0x1BFF;
	s21 =	sshll.u32 s6, $0x1;
	s3 =	sadd.s32 s4, s19  }
0x9c: {  	s7 =	simm.s32 $0x0;
	s20 =	sshll.u32 s5, $0x1;
	s5 =	sadd.s32 s21, s3  }
0x9d: {  	[timem:s7], [sflag:s22] =	dma.local [hbm:s5], s20  }
0x9e: {  	_ =	swait.ge [sflag:s22], s20  }
0x9f: {  	s4 =	ssub.s32 $0x0, s20;
	[sflag:s22] =	ssyncset.done $0x0  }
0xa0: {  	[sflag:s22] =	ssyncadd.s32 s4;
	_ =	sdelay $0x1  }
0xa1: {  	s23 =	simm.s32 $0x1B8B  }
0xa2: {  	_ =	swait.ge [sflag:s23], $0x1  }
0xa3: {  	[sflag:s23] =	ssyncset.done $0x0  }
0xa4: {  	s25 =	simm.s32 $0x1B8E;
	s24 =	sld [smem:$0x3FFE];
	[sflag:s23] =	ssyncadd.s32 $0xFFFFFFFF  }
0xa5: {  	s26 =	simm.s32 $execute0_lowered;
	[smem:$0x3FD2] =	sst s25  }
0xa6: {  	s5 =	sshll.u32 s26, $0x1;
	_ =	strace $0x80000046;
	[dreg:$0x1] =	wrdreg $0xFFFFFFFF  }
0xa7: {  	s28 =	simm.s32 $_size_execute0_lowered;
	s3 =	sadd.s32 s3, s5;
	[dreg:$0x0] =	wrdreg $0x0  }
0xa8: {  	s5 =	sshll.u32 s28, $0x1;
	[dreg:$0x2] =	wrdreg s3  }
0xa9: {  	[dreg:$0x3] =	wrdreg s5  }
0xaa: {  	[dreg:$0x4] =	wrdreg $0xC0  }
0xab: {  	_ =	task [dreg:s7], $0x5FFFF  }
0xac: {  	[dreg:$0x1] =	wrdreg $0xFFFFFFFF  }
0xad: {  	[dreg:$0x0] =	wrdreg $0x60  }
0xae: {  	[dreg:$0x2] =	wrdreg s2  }
0xaf: {  	[dreg:$0x3] =	wrdreg s24  }
0xb0: {  	[dreg:$0x4] =	wrdreg $0x9  }
0xb1: {  	_ =	task.clear_ibuf [dreg:s7], $0x5FFFF;
	_ =	strace $0x90000046  }
0xb2: {  	s29 =	simm.s32 $0x9;
	_ =	strace $0x80000048  }
0xb3: {  	_ =	swait.ge [sflag:s29], $0x1  }
0xb4: {  	[sflag:s29] =	ssyncadd.s32 $0xFFFFFFFF  }
0xb5: {  	_ =	strace $0x90000048  }
0xb6: {  	_ =	sfence  }
0xb7: {  	s30 =	sld [smem:$0x0];
	_ =	sdelay $0x2  }
0xb8: {  	s31 =	sshll.u32 s1, $0xD;
	s1 =	sshrl.u32 s1, $0x2  }
0xb9: {  	s3 =	sand.u32 $0x4000, s31;
	s1 =	sadd.s32 s1, s30  }
0xba: {  	s0 =	sor.u32 s3, s0;
	s1 =	sshll.u32 s1, $0x11  }
0xbb: {  	s0 =	sor.u32 s1, s0  }
0xbc: {  	s0 =	sadd.s32 $0x8F2B, s0  }
0xbd: {  	[sflag:s0] =	ssyncadd.remote.s32 $0x1  }
0xbe: {  	_ =	sfence.sel $0xFFFF  }
0xbf: {  	[dreg:$0x0] =	wrdreg $0xFFFFFFFF;
	(pc) =	sbr.abs _section_cstart, $3  }
0xc0: {  	[dreg:$0x1] =	wrdreg $0xFFFFFFFF  }
0xc1: {  	_ =	task.clear_ibuf [dreg:s7], $0x2FFFF;
	_ =	strace $0x9FFFFFFF  }
0xc2: {  	(tm) =	ssettm $0x7FFFFFFF  }
0xc3: {  	_ =	shalt  }
tec
execute0_lowered:
.L_overlay_start_1:
0x0: {  	(tag) =	ssettag $0x1  }
0x1: {  	s1 =	rddreg [dreg:$0x0];
	s2 =	simm.s32 $0x0  }
0x2: {  	[smem:$0x7FF] =	sst s2  }
0x3: {  	s0 =	rddreg [dreg:$0x1];
	v0 =	vimm.f32 $5.110000000e+02;
	_ =	strace $0x80000047  }
0x4: {  	(erf) = vrcp.f32 v0  }
0x5: {  	s3 =	srdreg.scid;
	s4 =	stileid.u32;
	s10 =	simm.s32 $0x80  }
0x6: {  	s11 =	simm.s32 $0x400;
	s12 =	simm.s32 $0x2000;
	s3 =	sand.u32 $0x1, s3  }
0x7: {  	s13 =	simm.s32 $0x1;
	s4 =	sshll.u32 s4, $0x8;
	s5 =	sshll.u32 s3, $0x7  }
0x8: {  	s14 =	simm.s32 $0xCC00;
	s3 =	ssub.s32 $0x2, s3;
	s4 =	sor.u32 s5, s4  }
.Ltmp0:
0x9: {  	s7 =	sshrl.u32 s3, $0x1;
	s6 =	sshll.u32 s4, $0xA;
	(pc) =	sbr.rel .LBB2_1-.Ltmp0, $4  }
0xa: {  	s15 =	simm.s32 $0x3;
	v0 =	vlaneseq.u32;
	s3 =	ssub.s32 s3, s7;
	s6 =	sadd.s32 s1, s6  }
0xb: {  	s16 =	simm.s32 $0x2;
	v3 =	vmul.u32 $0xFFFFFFFF, v0;
	s31 =	smax.u32 s3, $0x1;
	[dreg:$0x3] =	wrdreg s6  }
0xc: {  	s17 =	simm.s32 $0x0;
	s6 =	sadd.s32 $0x10, s6;
	[dreg:$0x5] =	wrdreg s31  }
0xd: {  	v2 =	vimm.s32 $0x0;
	vm0 =	vmxor vm0, vm0;
	s8 =	sadd.s32 $0x2400, s0;
	s5 =	sadd.s32 $0x400, s0;
	v3 =	vadd.s32 $0xF, v3;
	[dreg:$0x4] =	wrdreg s6;
	v1 =	vpop (erf)  }
.LBB2_177:
0xe: {  	_ =	swait.ge [sflag:s13], $0x2000  }
0xf: {  	[sflag:s13] =	ssyncset.done $0x0  }
0x10: {  	[sflag:s13] =	ssyncadd.s32 $0xFFFFE000  }
0x11: {  	_ =	swait.ge [sflag:s16], $0x2000  }
0x12: {  	s17 =	sadd.s32 $0x1, s17;
	s0 =	rddreg [dreg:$0x5]  }
0x13: {  	p0 =	sne.s32 s17, s0  }
.Ltmp1:
0x14: {  	_ = 	snop;
	(pc) =	sbr.rel @!p0 .LBB2_178-.Ltmp1, $3  }
0x15: {  	_ =	sdelay $0x1  }
0x16: {  	[sflag:s16] =	ssyncset.done $0x0  }
0x17: {  	[sflag:s16] =	ssyncadd.s32 $0xFFFFE000  }
.LBB2_1:
0x18: {  	s0 =	rddreg [dreg:$0x3]  }
0x19: {  	[tilespmem:s2], [sflag:$0x1] =	stream.strided.gather [hbm4b:s0+s10], $0x2000, s11, s10, $0x38;
	[tilespmem:$0x1CC00] =	vst v63  }
0x1a: {  	s31 =	rddreg [dreg:$0x4];
	s18 =	simm.s32 $0x0;
	s0 =	simm.s32 $0x3FF00000  }
0x1b: {  	[tilespmem:s12], [sflag:$0x2] =	stream.strided.gather [hbm4b:s31+s10], $0x2000, s11, s10, $0x38;
	[tilespmem:$0x1CC00] =	vst v63  }
.LBB2_2:
0x1c: {  	_ =	swait.ge [sflag:s13], $0x2000  }
0x1d: {  	[sflag:s13] =	ssyncset.done $0x0  }
0x1e: {  	s19 =	simm.s32 $0x0;
	[sflag:s13] =	ssyncadd.s32 $0xFFFFE000  }
0x1f: {  	v6 =	vld [tilespmem:s19+$0x0];
	_ =	sdelay $0x1  }
0x20: {  	s3 =	sadd.s32 $0xFFF40000, s0  }
0x21: {  	s6 =	sshra.s32 s3, $0x1F  }
0x22: {  	s21 =	sadd.s32 $0xC0000, s0;
	s22 =	sor.u32 s6, s3  }
0x23: {  	v4 =	vmov s21;
	v5 =	vmov s22;
	v6 =	vand.u32 $0x7FFFFFFF, v6  }
0x24: {  	vm1 =	vlt.s32 v4, v6;
	vm2 =	vge.s32 v4, v6;
	vm3 =	vlt.s32 v5, v6  }
0x25: {  	vm2 =	vmand vm3, vm2;
	v7 =	vsel vm1, $0x1, v2  }
0x26: {  	v8 =	vsel vm2, $0x1, v2;
	(xrf0) =	vadd.scan.msk.s32 $0xffff, v7  }
0x27: {  	(xrf0) =	vadd.scan.msk.s32 $0xffff, v8;
	_ =	sdelay $0x4  }
0x28: {  	p0 =	por $0x1, $0x1;
	s0 =	simm.s32 $0x0;
	v7, _, _ =	vpop (xrf0)  }
0x29: {  	s0 =	simm.s32 @!p0 $0x200;
	(v2sf) =	vpush v7, $0xF;
	v7, _, _ =	vpop (xrf0)  }
0x2a: {  	[tilespmem:s0+$0xC200] =	vst.msk vm1, v6;
	(v2sf) =	vpush v7, $0xF;
	v7 =	vor.u32 s19, v0  }
0x2b: {  	[tilespmem:s0+$0xC480] =	vst.msk vm1, v7  }
0x2c: {  	[tilespmem:s19+$0x4000] =	vst.msk vm2, v6  }
0x2d: {  	s20 =	simm.s32 $0x10;
	[tilespmem:s19+$0x6080] =	vst.msk vm2, v7  }
0x2e: {  	v6 =	vld [tilespmem:s20+$0x0];
	_ =	sdelay $0x4  }
0x2f: {  	v6 =	vand.u32 $0x7FFFFFFF, v6  }
0x30: {  	vm2 =	vlt.s32 v4, v6;
	vm1 =	vge.s32 v4, v6;
	vm3 =	vlt.s32 v5, v6  }
0x31: {  	vm1 =	vmand vm3, vm1;
	v7 =	vsel vm2, $0x1, v2  }
0x32: {  	v8 =	vsel vm1, $0x1, v2;
	(xrf0) =	vadd.scan.msk.s32 $0xffff, v7  }
0x33: {  	(xrf0) =	vadd.scan.msk.s32 $0xffff, v8  }
0x34: {  	s7 =	simm.s32 $0x10;
	s31 =	spop (v2sf)  }
0x35: {  	s3 =	simm.s32 $0x20;
	s0 =	sadd.s32 $0x0, s31;
	s6 =	spop (v2sf)  }
.LBB2_3:
0x36: {  	p0 =	sne.s32 s3, $0x1FF0  }
0x37: {  	p1 =	slt.s32 s0, $0x200;
	s19 =	sadd.s32 s19, s6;
	s6 =	smov.u32 s0  }
0x38: {  	s9 =	smov.u32 s3;
	s3 =	sadd.s32 $0x10, s3;
	s6 =	simm.s32 @!p1 $0x200;
	v7, _, _ =	vpop (xrf0)  }
0x39: {  	v8 =	vor.u32 s20, v0;
	s20 =	smov.u32 s9;
	[tilespmem:s6+$0xC200] =	vst.msk vm2, v6;
	(v2sf) =	vpush v7, $0xF;
	v7, _, _ =	vpop (xrf0)  }
0x3a: {  	[tilespmem:s6+$0xC480] =	vst.msk vm2, v8;
	(v2sf) =	vpush v7, $0xF  }
0x3b: {  	[tilespmem:s19+$0x4000] =	vst.msk vm1, v6  }
0x3c: {  	s7 =	sadd.s32 $0x10, s7;
	[tilespmem:s19+$0x6080] =	vst.msk vm1, v8  }
0x3d: {  	v6 =	vld [tilespmem:s7+$0x0];
	_ =	sdelay $0x4  }
0x3e: {  	v6 =	vand.u32 $0x7FFFFFFF, v6  }
0x3f: {  	vm2 =	vlt.s32 v4, v6;
	vm1 =	vge.s32 v4, v6;
	vm3 =	vlt.s32 v5, v6  }
0x40: {  	vm1 =	vmand vm3, vm1;
	v7 =	vsel vm2, $0x1, v2  }
.Ltmp2:
0x41: {  	v8 =	vsel vm1, $0x1, v2;
	(xrf0) =	vadd.scan.msk.s32 $0xffff, v7;
	(pc) =	sbr.rel @p0 .LBB2_3-.Ltmp2, $3  }
0x42: {  	(xrf0) =	vadd.scan.msk.s32 $0xffff, v8;
	_ =	sdelay $0x1  }
0x43: {  	s6 =	spop (v2sf)  }
0x44: {  	s0 =	sadd.s32 s0, s6;
	s6 =	spop (v2sf)  }
0x45: {  	_ = 	snop  }
0x46: {  	v4, _, _ =	vpop (xrf0)  }
0x47: {  	(v2sf) =	vpush v4, $0xF;
	v4, _, _ =	vpop (xrf0)  }
0x48: {  	(v2sf) =	vpush v4, $0xF;
	_ =	sdelay $0xd  }
0x49: {  	s3 =	spop (v2sf)  }
0x4a: {  	s6 =	sadd.s32 s19, s6;
	s9 =	spop (v2sf)  }
0x4b: {  	s19 =	sadd.s32 s0, s3;
	s23 =	sadd.s32 s6, s9  }
0x4c: {  	p0 =	slt.s32 s0, $0x200;
	s7 =	smov.u32 s0;
	s0 =	sadd.s32 s19, s23  }
0x4d: {  	p6 =	sgt.s32 s19, $0x200;
	p1 =	slt.s32 s0, $0x200  }
0x4e: {  	s7 =	simm.s32 @!p0 $0x200;
	p0 =	por p6, p1  }
.Ltmp3:
0x4f: {  	_ = 	snop;
	(pc) =	sbr.rel @!p0 .LBB2_8-.Ltmp3, $4  }
0x50: {  	[tilespmem:s7+$0xC200] =	vst.msk vm2, v6;
	v4 =	vor.u32 s20, v0  }
0x51: {  	[tilespmem:s7+$0xC480] =	vst.msk vm2, v4  }
0x52: {  	[tilespmem:s6+$0x4000] =	vst.msk vm1, v6  }
0x53: {  	[tilespmem:s6+$0x6080] =	vst.msk vm1, v4  }
0x54: {  	s6 =	simm.s32 $0x0  }
0x55: {  	v4 =	vld [tilespmem:s6+$0x0];
	_ =	sdelay $0x4  }
0x56: {  	s3 =	simm.s32 $0x4000;
	v4 =	vand.u32 $0x7FFFFFFF, v4  }
0x57: {  	s0 =	simm.s32 $0x6080;
	[tilespmem:s3+$0x0] =	vst v4;
	v4 =	vor.u32 s6, v0  }
0x58: {  	s6 =	simm.s32 $0x10;
	[tilespmem:s0+$0x0] =	vst v4  }
0x59: {  	v4 =	vld [tilespmem:s6+$0x0]  }
0x5a: {  	s7 =	simm.s32 $0x20;
	s9 =	simm.s32 $0x10  }
.LBB2_6:
0x5b: {  	p1 =	sne.s32 s7, $0x1FF0;
	_ =	sdelay $0x2  }
.Ltmp4:
0x5c: {  	s3 =	sadd.s32 $0x10, s3;
	v4 =	vand.u32 $0x7FFFFFFF, v4;
	(pc) =	sbr.rel @p1 .LBB2_6-.Ltmp4, $4  }
0x5d: {  	s0 =	sadd.s32 $0x10, s0;
	[tilespmem:s3+$0x0] =	vst v4;
	v4 =	vor.u32 s6, v0;
	s6 =	smov.u32 s7  }
0x5e: {  	s9 =	sadd.s32 $0x10, s9;
	[tilespmem:s0+$0x0] =	vst v4  }
0x5f: {  	v4 =	vld [tilespmem:s9+$0x0]  }
0x60: {  	s7 =	sadd.s32 $0x10, s7  }
0x61: {  	_ =	sdelay $0x2  }
0x62: {  	s3 =	sadd.s32 $0x10, s3;
	v4 =	vand.u32 $0x7FFFFFFF, v4  }
0x63: {  	s0 =	sadd.s32 $0x10, s0;
	[tilespmem:s3+$0x0] =	vst v4;
	v4 =	vor.u32 s6, v0  }
0x64: {  	[tilespmem:s0+$0x0] =	vst v4  }
.LBB2_8:
0x65: {  	s19 =	simm.s32 @p0 $0x0  }
0x66: {  	s20 =	ssub.s32 $0x200, s19  }
0x67: {  	s23 =	simm.s32 @p0 $0x2000;
	p1 =	slt.s32 s20, $0x1  }
0x68: {  	s22 =	simm.s32 @p0 $0xFFFFFFFF;
	p2 =	sle.s32 @!p1 s23, s20  }
0x69: {  	s21 =	simm.s32 @p0 $0x7F800001;
	s0 =	sadd.s32 $0x1, s22;
	p0 =	por p1, p2  }
0x6a: {  	p2 =	sle.s32 @!p0 s21, s0  }
0x6b: {  	p2 =	por p0, p2  }
.Ltmp5:
0x6c: {  	_ = 	snop;
	(pc) =	sbr.rel @!p2 .LBB2_10-.Ltmp5, $1  }
0x6d: {  	_ =	sdelay $0x3  }
.Ltmp6:
0x6e: {  	(pc) =	sbr.rel .LBB2_38-.Ltmp6, $4  }
0x6f: {  	s0 =	smov.u32 s20;
	s3 =	smov.u32 s22;
	s6 =	smov.u32 s21  }
0x70: {  	s7 =	smov.u32 s19;
	s0 =	smov.u32 @p1 s20;
	s3 =	smov.u32 @p1 s22  }
0x71: {  	s6 =	smov.u32 @p1 s21;
	s7 =	smov.u32 @p1 s19;
	s20 =	smov.u32 @p0 s0  }
0x72: {  	s22 =	smov.u32 @p0 s3;
	s21 =	smov.u32 @p0 s6;
	s19 =	smov.u32 @p0 s7  }
.LBB2_31:
0x73: {  	s9 =	simm.s32 $0x4000;
	s26 =	simm.s32 $0xA180;
	s25 =	simm.s32 $0x6080  }
.LBB2_35:
0x74: {  	s6 =	sadd.s32 @p0 $0x10, s9  }
0x75: {  	s7 =	smov.u32 @p0 s6;
	s6 =	sadd.s32 @p0 $0x10, s26  }
0x76: {  	[tilespmem:s7+$0x0] =	vst v4;
	s3 =	smov.u32 @p0 s6  }
0x77: {  	v4 =	vld [tilespmem:s3+$0x0];
	_ =	sdelay $0x2  }
0x78: {  	s3 =	sadd.s32 @p0 $0x10, s25  }
0x79: {  	s0 =	smov.u32 @p0 s3  }
0x7a: {  	[tilespmem:s0+$0x0] =	vst v4  }
.LBB2_36:
0x7b: {  	s0 =	smov.u32 s28  }
0x7c: {  	s0 =	simm.s32 @!p1 $0x0  }
0x7d: {  	s20 =	ssub.s32 s20, s0;
	s0 =	ssub.s32 s23, s28  }
0x7e: {  	s28 =	smov.u32 @p1 s0;
	p0 =	slt.s32 s20, $0x1  }
0x7f: {  	s21 =	smov.u32 @p1 s24;
	s24 =	smov.u32 @p1 s22;
	p1 =	sle.s32 @!p0 s28, s20  }
0x80: {  	s0 =	sadd.s32 $0x1, s24;
	p1 =	por p0, p1  }
0x81: {  	p2 =	sgt.s32 @!p1 s21, s0  }
0x82: {  	p2 =	por p1, !p2  }
.Ltmp7:
0x83: {  	_ = 	snop;
	(pc) =	sbr.rel @p2 .LBB2_37-.Ltmp7, $2  }
0x84: {  	_ =	sdelay $0x2  }
0x85: {  	s22 =	smov.u32 s24;
	s23 =	smov.u32 s28  }
.LBB2_10:
0x86: {  	s0 =	sadd.s32 $0xF, s23  }
0x87: {  	s3 =	sand.u32 $0xF, s0  }
0x88: {  	s6 =	sshra.s32 s0, $0x1F;
	p0 =	slt.s32 s0, $0x1;
	p1 =	sne.s32 s3, $0x0  }
0x89: {  	s29 =	sshrl.u32 s6, $0x1C;
	p0 =	por !p0, !p1  }
0x8a: {  	s3 =	simm.s32 $0x1;
	s0 =	sadd.s32 s29, s0;
	p0 =	por !p0, !p0  }
0x8b: {  	s0 =	sshra.s32 s0, $0x4;
	s3 =	simm.s32 @!p0 $0x0  }
0x8c: {  	s0 =	ssub.s32 s0, s3  }
0x8d: {  	p0 =	slt.s32 s0, $0x1  }
.Ltmp8:
0x8e: {  	_ = 	snop;
	(pc) =	sbr.rel @p0 .LBB2_11-.Ltmp8, $4  }
0x8f: {  	_ = 	snop  }
0x90: {  	s30 =	ssub.s32 s21, s22  }
0x91: {  	s31 =	sshra.s32 s30, $0x1  }
0x92: {  	s24 =	sadd.s32 s22, s31  }
0x93: {  	s28 =	simm.s32 $0x4000  }
0x94: {  	p2 =	sne.s32 s0, $0x1;
	v6 =	vld [tilespmem:s28+$0x0]  }
.Ltmp9:
0x95: {  	_ = 	snop;
	(pc) =	sbr.rel @!p2 .LBB2_13-.Ltmp9, $4  }
0x96: {  	_ = 	snop  }
0x97: {  	s25 =	simm.s32 $0x0  }
0x98: {  	v4 =	vmov s23;
	v5 =	vmov s24;
	s29 =	sadd.s32 $0xFFFFFFFF, s0;
	s26 =	simm.s32 $0x4010;
	p1 =	por $0x0, $0x0;
	v7 =	vor.u32 s25, v0  }
0x99: {  	p3 =	por $0x0, $0x0;
	p4 =	por $0x0, $0x0;
	p0 =	por $0x0, $0x0;
	vm1 =	vlt.s32 v7, v4;
	vm2 =	vgt.s32 v6, v5  }
0x9a: {  	v6 =	vld [tilespmem:s26+$0x0];
	p5 =	sne.s32 s29, $0x1  }
.Ltmp10:
0x9b: {  	_ = 	snop;
	(pc) =	sbr.rel @!p5 .LBB2_15-.Ltmp10, $4  }
0x9c: {  	_ = 	snop  }
0x9d: {  	vm2 =	vmand vm1, vm2;
	s0 =	simm.s32 $0x10  }
0x9e: {  	v7 =	vsel vm2, $0x1, v2;
	v8 =	vor.u32 s0, v0  }
0x9f: {  	s3 =	simm.s32 $0x4020;
	p1 =	por $0x1, $0x1;
	s0 =	sadd.s32 $0xFFFFFFFF, s29;
	(xrf0) =	vadd.scan.msk.s32 $0xffff, v7;
	vm3 =	vlt.s32 v8, v4;
	vm2 =	vgt.s32 v6, v5  }
0xa0: {  	_ =	sdelay $0x4  }
0xa1: {  	v8, _, _ =	vpop (xrf0)  }
0xa2: {  	(v2sf) =	vpush v8, $0xF;
	_ =	sdelay $0x8  }
0xa3: {  	v6 =	vld [tilespmem:s3+$0x0];
	p5 =	sne.s32 s0, $0x1  }
.Ltmp11:
0xa4: {  	_ = 	snop;
	(pc) =	sbr.rel @!p5 .LBB2_17-.Ltmp11, $4  }
0xa5: {  	_ = 	snop  }
0xa6: {  	vm2 =	vmand vm3, vm2;
	s31 =	simm.s32 $0x20  }
0xa7: {  	v7 =	vsel vm2, $0x1, v2;
	v9 =	vor.u32 s31, v0  }
0xa8: {  	s0 =	sadd.s32 $0xFFFFFFFF, s0;
	s3 =	simm.s32 $0x4030;
	p3 =	por $0x1, $0x1;
	vm3 =	vlt.s32 v9, v4;
	(xrf0) =	vadd.scan.msk.s32 $0xffff, v7;
	vm2 =	vgt.s32 v6, v5  }
0xa9: {  	_ =	sdelay $0x4  }
0xaa: {  	v8, _, _ =	vpop (xrf0)  }
0xab: {  	(v2sf) =	vpush v8, $0xF;
	_ =	sdelay $0x3  }
0xac: {  	v6 =	vld [tilespmem:s3+$0x0];
	p5 =	sne.s32 s0, $0x1  }
.Ltmp12:
0xad: {  	_ = 	snop;
	(pc) =	sbr.rel @!p5 .LBB2_19-.Ltmp12, $4  }
0xae: {  	_ = 	snop  }
0xaf: {  	vm2 =	vmand vm3, vm2;
	s31 =	simm.s32 $0x30  }
0xb0: {  	v7 =	vsel vm2, $0x1, v2;
	v9 =	vor.u32 s31, v0  }
0xb1: {  	s0 =	sadd.s32 $0xFFFFFFFF, s0;
	s3 =	simm.s32 $0x4040;
	p4 =	por $0x1, $0x1;
	vm3 =	vlt.s32 v9, v4;
	(xrf0) =	vadd.scan.msk.s32 $0xffff, v7;
	vm2 =	vgt.s32 v6, v5  }
0xb2: {  	_ =	sdelay $0x4  }
0xb3: {  	v8, _, _ =	vpop (xrf0)  }
0xb4: {  	(v2sf) =	vpush v8, $0xF;
	_ =	sdelay $0x3  }
0xb5: {  	v6 =	vld [tilespmem:s3+$0x0];
	vm2 =	vmand vm3, vm2;
	p6 =	sne.s32 s0, $0x1  }
.Ltmp13:
0xb6: {  	v7 =	vsel vm2, $0x1, v2;
	(pc) =	sbr.rel @!p6 .LBB2_21-.Ltmp13, $4  }
0xb7: {  	(xrf0) =	vadd.scan.msk.s32 $0xffff, v7  }
0xb8: {  	s3 =	simm.s32 $0x40  }
0xb9: {  	s7 =	sadd.s32 $0xFFFFFFFF, s0;
	v9 =	vor.u32 s3, v0  }
0xba: {  	s9 =	simm.s32 $0x4050;
	p5 =	por $0x1, $0x1;
	s0 =	simm.s32 $0x0;
	vm3 =	vlt.s32 v9, v4;
	vm2 =	vgt.s32 v6, v5  }
.LBB2_22:
0xbb: {  	v6 =	vld [tilespmem:s9+$0x0];
	p6 =	sne.s32 s7, $0x1;
	s7 =	sadd.s32 $0xFFFFFFFF, s7;
	vm2 =	vmand vm3, vm2;
	s6 =	spop (v2sf)  }
.Ltmp14:
0xbc: {  	v8 =	vsel vm2, $0x1, v2;
	s0 =	sadd.s32 s0, s6;
	(pc) =	sbr.rel @p6 .LBB2_22-.Ltmp14, $4  }
0xbd: {  	(xrf0) =	vadd.scan.msk.s32 $0xffff, v8;
	v7, _, _ =	vpop (xrf0)  }
0xbe: {  	s3 =	sadd.s32 $0x10, s3;
	(v2sf) =	vpush v7, $0xF  }
0xbf: {  	v7 =	vor.u32 s3, v0  }
0xc0: {  	s9 =	sadd.s32 $0x10, s9;
	vm3 =	vlt.s32 v7, v4;
	vm2 =	vgt.s32 v6, v5  }
.LBB2_23:
0xc1: {  	vm2 =	vmand vm3, vm2  }
0xc2: {  	v6 =	vsel vm2, $0x1, v2  }
0xc3: {  	(xrf0) =	vadd.scan.msk.s32 $0xffff, v6;
	_ =	sdelay $0x3  }
0xc4: {  	v6, _, _ =	vpop @p1 (xrf0)  }
0xc5: {  	(v2sf) =	vpush @p1 v6, $0xF  }
0xc6: {  	v6, _, _ =	vpop (xrf0)  }
0xc7: {  	(v2sf) =	vpush v6, $0xF;
	_ =	sdelay $0x6  }
0xc8: {  	s3 =	spop @p5 (v2sf)  }
0xc9: {  	s0 =	sadd.s32 @p5 s0, s3;
	s3 =	simm.s32 $0x0  }
0xca: {  	s3 =	smov.u32 @p5 s0;
	s0 =	spop @p4 (v2sf)  }
0xcb: {  	s0 =	sadd.s32 @p4 s3, s0;
	s3 =	simm.s32 $0x0  }
0xcc: {  	s3 =	smov.u32 @p4 s0;
	s0 =	spop @p3 (v2sf)  }
0xcd: {  	v6 =	vld [tilespmem:s28+$0x0];
	s0 =	sadd.s32 @p3 s3, s0;
	s3 =	simm.s32 $0x0  }
0xce: {  	s3 =	smov.u32 @p3 s0;
	s0 =	spop @p1 (v2sf)  }
0xcf: {  	s0 =	sadd.s32 @p1 s3, s0;
	s3 =	simm.s32 $0x0  }
0xd0: {  	s3 =	smov.u32 @p1 s0;
	s30 =	spop (v2sf)  }
0xd1: {  	s28 =	sadd.s32 s3, s30  }
0xd2: {  	vm4 =	vmmov vm0;
	vm3 =	vgt.s32 v6, v5;
	p1 =	slt.s32 s28, s20  }
.Ltmp15:
0xd3: {  	vm2 =	vmmov vm0;
	vm5 =	vmand vm1, vm3;
	vm4 =	vmmov @p1 vm1;
	(pc) =	sbr.rel @!p2 .LBB2_24-.Ltmp15, $4  }
0xd4: {  	vm2 =	vmneg @p1 vm2;
	vm3 =	vmxor vm4, vm5  }
0xd5: {  	vm1 =	vmand vm2, vm5;
	v7 =	vsel vm3, $0x1, v2  }
0xd6: {  	s31 =	simm.s32 $0x6080;
	v8 =	vsel vm1, $0x1, v2;
	(xrf0) =	vadd.scan.msk.s32 $0xffff, v7  }
0xd7: {  	v7 =	vld [tilespmem:s31+$0x0];
	(xrf0) =	vadd.scan.msk.s32 $0xffff, v8  }
0xd8: {  	_ =	sdelay $0x3  }
0xd9: {  	[tilespmem:s25+$0x8100] =	vst.msk vm3, v6;
	v8, _, _ =	vpop (xrf0)  }
0xda: {  	[tilespmem:s25+$0xA180] =	vst.msk vm3, v7;
	(v2sf) =	vpush v8, $0xF;
	v8, _, _ =	vpop (xrf0)  }
0xdb: {  	[tilespmem:s19+$0xC200] =	vst.msk vm1, v6;
	(v2sf) =	vpush v8, $0xF  }
0xdc: {  	[tilespmem:s19+$0xC480] =	vst.msk vm1, v7  }
0xdd: {  	v6 =	vld [tilespmem:s26+$0x0];
	_ =	sdelay $0x2  }
0xde: {  	s30 =	simm.s32 $0x10  }
0xdf: {  	v7 =	vor.u32 s30, v0  }
0xe0: {  	vm4 =	vmmov vm0;
	vm1 =	vlt.s32 v7, v4;
	vm3 =	vgt.s32 v6, v5  }
0xe1: {  	vm4 =	vmmov @p1 vm1;
	vm5 =	vmand vm1, vm3  }
0xe2: {  	p2 =	sne.s32 s29, $0x1;
	vm3 =	vmxor vm4, vm5  }
.Ltmp16:
0xe3: {  	vm1 =	vmand vm2, vm5;
	v7 =	vsel vm3, $0x1, v2;
	(pc) =	sbr.rel @!p2 .LBB2_26-.Ltmp16, $4  }
0xe4: {  	s7 =	simm.s32 $0x6090;
	v9 =	vsel vm1, $0x1, v2;
	(xrf0) =	vadd.scan.msk.s32 $0xffff, v7  }
0xe5: {  	v7 =	vld [tilespmem:s7+$0x0];
	(xrf0) =	vadd.scan.msk.s32 $0xffff, v9  }
0xe6: {  	s3 =	sadd.s32 $0xFFFFFFFF, s29;
	p0 =	por $0x1, $0x1  }
0xe7: {  	s0 =	simm.s32 $0x0;
	s29 =	smov.u32 s19;
	s6 =	spop (v2sf)  }
.LBB2_27:
0xe8: {  	p2 =	sne.s32 s3, $0x1;
	s0 =	sadd.s32 s0, s6;
	s6 =	spop (v2sf)  }
0xe9: {  	s3 =	sadd.s32 $0xFFFFFFFF, s3;
	[tilespmem:s0+$0x8100] =	vst.msk vm3, v6;
	s29 =	sadd.s32 s29, s6  }
0xea: {  	[tilespmem:s0+$0xA180] =	vst.msk vm3, v7;
	v8, _, _ =	vpop (xrf0)  }
0xeb: {  	[tilespmem:s29+$0xC200] =	vst.msk vm1, v6;
	(v2sf) =	vpush v8, $0xF;
	v6, _, _ =	vpop (xrf0)  }
0xec: {  	[tilespmem:s29+$0xC480] =	vst.msk vm1, v7;
	(v2sf) =	vpush v6, $0xF  }
0xed: {  	s26 =	sadd.s32 $0x10, s26  }
0xee: {  	v6 =	vld [tilespmem:s26+$0x0];
	_ =	sdelay $0x2  }
0xef: {  	s30 =	sadd.s32 $0x10, s30  }
0xf0: {  	v7 =	vor.u32 s30, v0  }
0xf1: {  	vm1 =	vlt.s32 v7, v4;
	vm3 =	vgt.s32 v6, v5  }
0xf2: {  	vm4 =	vmand vm1, vm3;
	vm3 =	vmmov vm0  }
0xf3: {  	vm3 =	vmmov @p1 vm1  }
0xf4: {  	vm1 =	vmand vm2, vm4;
	vm3 =	vmxor vm3, vm4  }
.Ltmp17:
0xf5: {  	v8 =	vsel vm1, $0x1, v2;
	v7 =	vsel vm3, $0x1, v2;
	(pc) =	sbr.rel @p2 .LBB2_27-.Ltmp17, $3  }
0xf6: {  	s7 =	sadd.s32 $0x10, s7;
	(xrf0) =	vadd.scan.msk.s32 $0xffff, v7  }
0xf7: {  	v7 =	vld [tilespmem:s7+$0x0];
	(xrf0) =	vadd.scan.msk.s32 $0xffff, v8;
	_ =	sdelay $0x1  }
0xf8: {  	s6 =	spop (v2sf)  }
.LBB2_28:
0xf9: {  	_ =	sdelay $0x1  }
0xfa: {  	v4, _, _ =	vpop (xrf0)  }
0xfb: {  	(v2sf) =	vpush v4, $0xF;
	v4, _, _ =	vpop (xrf0)  }
0xfc: {  	(v2sf) =	vpush v4, $0xF;
	_ =	sdelay $0xa  }
0xfd: {  	s0 =	sadd.s32 @p0 s0, s6  }
.Ltmp18:
0xfe: {  	s3 =	spop @p0 (v2sf);
	s25 =	smov.u32 @p0 s0;
	(pc) =	sbr.rel .LBB2_29-.Ltmp18, $4  }
0xff: {  	s0 =	sadd.s32 @p0 s29, s3;
	[tilespmem:s25+$0x8100] =	vst.msk vm3, v6  }
0x100: {  	s19 =	smov.u32 @p0 s0;
	[tilespmem:s25+$0xA180] =	vst.msk vm3, v7;
	s30 =	spop (v2sf)  }
0x101: {  	[tilespmem:s19+$0xC200] =	vst.msk vm1, v6;
	s0 =	sadd.s32 s25, s30;
	s31 =	spop (v2sf)  }
0x102: {  	[tilespmem:s19+$0xC480] =	vst.msk vm1, v7;
	s19 =	sadd.s32 s19, s31;
	s0 =	sadd.s32 $0xF, s0  }
.LBB2_11:
0x103: {  	s0 =	simm.s32 $0xF;
	s28 =	simm.s32 $0x0;
	p1 =	por $0x1, $0x1  }
.LBB2_29:
0x104: {  	s3 =	sand.u32 $0xF, s0  }
0x105: {  	s6 =	sshra.s32 s0, $0x1F;
	p0 =	slt.s32 s0, $0x1;
	p2 =	sne.s32 s3, $0x0  }
0x106: {  	s30 =	sshrl.u32 s6, $0x1C;
	p0 =	por !p0, !p2  }
0x107: {  	s3 =	simm.s32 $0x1;
	s31 =	sadd.s32 s30, s0;
	p0 =	por !p0, !p0  }
0x108: {  	s0 =	sshra.s32 s31, $0x4;
	s3 =	simm.s32 @!p0 $0x0  }
0x109: {  	s6 =	ssub.s32 s0, s3  }
0x10a: {  	p0 =	slt.s32 s6, $0x1  }
.Ltmp19:
0x10b: {  	_ = 	snop;
	(pc) =	sbr.rel @p0 .LBB2_36-.Ltmp19, $1  }
0x10c: {  	_ =	sdelay $0x3  }
0x10d: {  	p2 =	sne.s32 s6, $0x1  }
.Ltmp20:
0x10e: {  	_ = 	snop;
	(pc) =	sbr.rel @!p2 .LBB2_31-.Ltmp20, $4  }
0x10f: {  	s9 =	simm.s32 $0x8100  }
0x110: {  	v4 =	vld [tilespmem:s9+$0x0]  }
0x111: {  	s7 =	simm.s32 $0x4000;
	s3 =	simm.s32 $0xA180  }
0x112: {  	s0 =	simm.s32 $0x6080;
	s6 =	sadd.s32 $0xFFFFFFFF, s6;
	p0 =	por $0x0, $0x0  }
0x113: {  	_ =	sdelay $0x1  }
0x114: {  	[tilespmem:s7+$0x0] =	vst v4  }
0x115: {  	v4 =	vld [tilespmem:s3+$0x0];
	_ =	sdelay $0x2  }
0x116: {  	p2 =	sne.s32 s6, $0x1  }
.Ltmp21:
0x117: {  	_ = 	snop;
	(pc) =	sbr.rel @!p2 .LBB2_33-.Ltmp21, $4  }
0x118: {  	s29 =	simm.s32 $0x8110;
	[tilespmem:s0+$0x0] =	vst v4  }
0x119: {  	v4 =	vld [tilespmem:s29+$0x0]  }
0x11a: {  	s30 =	sadd.s32 $0xFFFFFFFF, s6;
	p0 =	por $0x1, $0x1  }
0x11b: {  	s9 =	simm.s32 $0x4000;
	s26 =	simm.s32 $0xA180;
	s25 =	simm.s32 $0x6080  }
.LBB2_34:
0x11c: {  	p2 =	sne.s32 s30, $0x1;
	_ =	sdelay $0x2  }
0x11d: {  	s9 =	sadd.s32 $0x10, s9  }
0x11e: {  	s26 =	sadd.s32 $0x10, s26;
	[tilespmem:s9+$0x0] =	vst v4  }
0x11f: {  	v4 =	vld [tilespmem:s26+$0x0];
	_ =	sdelay $0x1  }
.Ltmp22:
0x120: {  	(pc) =	sbr.rel @p2 .LBB2_34-.Ltmp22, $4  }
0x121: {  	_ = 	snop  }
0x122: {  	s25 =	sadd.s32 $0x10, s25  }
0x123: {  	s29 =	sadd.s32 $0x10, s29;
	[tilespmem:s25+$0x0] =	vst v4  }
0x124: {  	s30 =	sadd.s32 $0xFFFFFFFF, s30;
	v4 =	vld [tilespmem:s29+$0x0]  }
.Ltmp23:
0x125: {  	_ = 	snop;
	(pc) =	sbr.rel .LBB2_35-.Ltmp23, $1  }
0x126: {  	_ =	sdelay $0x3  }
.LBB2_13:
.Ltmp24:
0x127: {  	(pc) =	sbr.rel .LBB2_23-.Ltmp24, $2  }
0x128: {  	_ =	sdelay $0x2  }
0x129: {  	vm3 =	vmmov vm1;
	s0 =	simm.s32 $0x0;
	p5 =	por $0x0, $0x0  }
.LBB2_24:
.Ltmp25:
0x12a: {  	(pc) =	sbr.rel .LBB2_28-.Ltmp25, $2  }
0x12b: {  	_ =	sdelay $0x2  }
0x12c: {  	s0 =	simm.s32 $0x0;
	s29 =	smov.u32 s19  }
.LBB2_15:
.Ltmp26:
0x12d: {  	(pc) =	sbr.rel .LBB2_23-.Ltmp26, $2  }
0x12e: {  	_ =	sdelay $0x2  }
0x12f: {  	s0 =	simm.s32 $0x0;
	p5 =	por $0x0, $0x0  }
.LBB2_26:
.Ltmp27:
0x130: {  	(pc) =	sbr.rel .LBB2_28-.Ltmp27, $2  }
0x131: {  	_ =	sdelay $0x2  }
0x132: {  	s0 =	simm.s32 $0x0;
	s29 =	smov.u32 s19  }
.LBB2_33:
.Ltmp28:
0x133: {  	(pc) =	sbr.rel .LBB2_35-.Ltmp28, $2  }
0x134: {  	_ =	sdelay $0x2  }
0x135: {  	s9 =	simm.s32 $0x4000;
	s26 =	simm.s32 $0xA180;
	s25 =	simm.s32 $0x6080  }
.LBB2_17:
.Ltmp29:
0x136: {  	(pc) =	sbr.rel .LBB2_23-.Ltmp29, $2  }
0x137: {  	_ =	sdelay $0x2  }
0x138: {  	s0 =	simm.s32 $0x0;
	p5 =	por $0x0, $0x0  }
.LBB2_19:
.Ltmp30:
0x139: {  	(pc) =	sbr.rel .LBB2_23-.Ltmp30, $2  }
0x13a: {  	_ =	sdelay $0x3  }
0x13b: {  	s0 =	simm.s32 $0x0;
	p5 =	por $0x0, $0x0  }
.LBB2_21:
.Ltmp31:
0x13c: {  	(pc) =	sbr.rel .LBB2_23-.Ltmp31, $2  }
0x13d: {  	_ =	sdelay $0x2  }
0x13e: {  	s0 =	simm.s32 $0x0  }
.LBB2_37:
0x13f: {  	s0 =	smov.u32 s20  }
0x140: {  	s3 =	smov.u32 s24;
	s6 =	smov.u32 s21;
	s7 =	smov.u32 s19  }
0x141: {  	s0 =	smov.u32 @p0 s20;
	s3 =	smov.u32 @p0 s24;
	s6 =	smov.u32 @p0 s21  }
0x142: {  	s7 =	smov.u32 @p0 s19;
	s20 =	smov.u32 @p1 s0;
	s24 =	smov.u32 @p1 s3  }
0x143: {  	s21 =	smov.u32 @p1 s6;
	s19 =	smov.u32 @p1 s7;
	s22 =	smov.u32 s24  }
.LBB2_38:
0x144: {  	s0 =	sadd.s32 $0xF, s20  }
0x145: {  	s3 =	sand.u32 $0xF, s0  }
0x146: {  	s6 =	sshra.s32 s0, $0x1F;
	p0 =	slt.s32 s0, $0x1;
	p1 =	sne.s32 s3, $0x0  }
0x147: {  	s31 =	sshrl.u32 s6, $0x1C;
	p0 =	por !p0, !p1  }
0x148: {  	s3 =	simm.s32 $0x1;
	s0 =	sadd.s32 s31, s0;
	p0 =	por !p0, !p0  }
0x149: {  	s0 =	sshra.s32 s0, $0x4;
	s3 =	simm.s32 @!p0 $0x0  }
0x14a: {  	s6 =	ssub.s32 s0, s3  }
0x14b: {  	p0 =	slt.s32 s6, $0x1  }
.Ltmp32:
0x14c: {  	_ = 	snop;
	(pc) =	sbr.rel @p0 .LBB2_45-.Ltmp32, $1  }
0x14d: {  	_ =	sdelay $0x3  }
0x14e: {  	p1 =	sne.s32 s6, $0x1  }
.Ltmp33:
0x14f: {  	_ = 	snop;
	(pc) =	sbr.rel @!p1 .LBB2_40-.Ltmp33, $4  }
0x150: {  	_ = 	snop  }
0x151: {  	s0 =	sshll.u32 s19, $0x2;
	s7 =	simm.s32 $0x4000;
	s9 =	simm.s32 $0x6080  }
0x152: {  	p0 =	por $0x0, $0x0;
	s3 =	sshra.s32 s0, $0x2;
	v5 =	vld [tilespmem:s7+$0x0];
	s7 =	sadd.s32 $0xFFFFFFFF, s6  }
0x153: {  	v4 =	vmov s20;
	v6 =	vld [tilespmem:s9+$0x0];
	s0 =	sadd.s32 $0xC200, s3;
	s19 =	sadd.s32 $0xC480, s3;
	s3 =	simm.s32 $0x0  }
0x154: {  	_ = 	snop  }
0x155: {  	v7 =	vor.u32 s3, v0;
	p1 =	sne.s32 s7, $0x1  }
.Ltmp34:
0x156: {  	vm1 =	vlt.s32 v7, v4;
	(pc) =	sbr.rel @!p1 .LBB2_42-.Ltmp34, $4  }
0x157: {  	[tilespmem:s0+$0x0] =	vst.msk vm1, v5  }
0x158: {  	s23 =	simm.s32 $0x4010;
	[tilespmem:s19+$0x0] =	vst.msk vm1, v6  }
0x159: {  	s6 =	simm.s32 $0x6090;
	s24 =	sadd.s32 $0xFFFFFFFF, s7;
	p0 =	por $0x1, $0x1;
	v5 =	vld [tilespmem:s23+$0x0]  }
0x15a: {  	s7 =	simm.s32 $0x0;
	s9 =	smov.u32 s0;
	s20 =	smov.u32 s19;
	v6 =	vld [tilespmem:s6+$0x0]  }
.LBB2_43:
0x15b: {  	p1 =	sne.s32 s24, $0x1;
	s7 =	sadd.s32 $0x10, s7  }
0x15c: {  	v7 =	vor.u32 s7, v0  }
.Ltmp35:
0x15d: {  	s9 =	sadd.s32 $0x10, s9;
	vm1 =	vlt.s32 v7, v4;
	(pc) =	sbr.rel @p1 .LBB2_43-.Ltmp35, $4  }
0x15e: {  	s20 =	sadd.s32 $0x10, s20;
	[tilespmem:s9+$0x0] =	vst.msk vm1, v5  }
0x15f: {  	s23 =	sadd.s32 $0x10, s23;
	[tilespmem:s20+$0x0] =	vst.msk vm1, v6  }
0x160: {  	s6 =	sadd.s32 $0x10, s6;
	v5 =	vld [tilespmem:s23+$0x0]  }
0x161: {  	s24 =	sadd.s32 $0xFFFFFFFF, s24;
	v6 =	vld [tilespmem:s6+$0x0]  }
.LBB2_44:
0x162: {  	s6 =	sadd.s32 @p0 $0x10, s7  }
0x163: {  	s3 =	smov.u32 @p0 s6  }
0x164: {  	v7 =	vor.u32 s3, v0;
	s3 =	sadd.s32 @p0 $0x10, s9  }
0x165: {  	vm1 =	vlt.s32 v7, v4;
	s0 =	smov.u32 @p0 s3;
	s3 =	sadd.s32 @p0 $0x10, s20  }
0x166: {  	[tilespmem:s0+$0x0] =	vst.msk vm1, v5;
	s19 =	smov.u32 @p0 s3  }
0x167: {  	[tilespmem:s19+$0x0] =	vst.msk vm1, v6  }
.LBB2_45:
0x168: {  	s0 =	sshll.u32 s18, $0x1  }
0x169: {  	s3 =	simm.s32 $0x40;
	s19 =	sadd.s32 s4, s0;
	s0 =	simm.s32 $0x0  }
.LBB2_46:
0x16a: {  	p0 =	sne.s32 s3, $0x7C0;
	v4 =	vld [tilespmem:s0+$0xC200]  }
0x16b: {  	v5 =	vld [tilespmem:s0+$0xC480];
	_ =	sdelay $0x3  }
0x16c: {  	v4 =	vxor.u32 $0x80000000, v4  }
0x16d: {  	(xrf1) =	vsort.dscd.msk.u32 $0xffff, v4, v5;
	_ =	sdelay $0xb  }
.Ltmp36:
0x16e: {  	(pc) =	sbr.rel @p0 .LBB2_46-.Ltmp36, $4  }
0x16f: {  	_ = 	snop  }
0x170: {  	v4, v5, _ =	vpop (xrf1)  }
0x171: {  	v4 =	vxor.u32 $0x80000000, v4;
	[tilespmem:s0+$0xC480] =	vst v5  }
0x172: {  	[tilespmem:s0+$0xC200] =	vst v4;
	s0 =	sshra.s32 s3, $0x2;
	s3 =	sadd.s32 $0x40, s3  }
0x173: {  	v4 =	vld [tilespmem:s0+$0xC200]  }
0x174: {  	v5 =	vld [tilespmem:s0+$0xC480];
	_ =	sdelay $0x3  }
0x175: {  	v4 =	vxor.u32 $0x80000000, v4  }
0x176: {  	(xrf1) =	vsort.dscd.msk.u32 $0xffff, v4, v5;
	_ =	sdelay $0xd  }
0x177: {  	v4, v5, _ =	vpop (xrf1)  }
0x178: {  	v4 =	vxor.u32 $0x80000000, v4;
	[tilespmem:s0+$0xC480] =	vst v5  }
0x179: {  	s3 =	simm.s32 $0x0;
	[tilespmem:s0+$0xC200] =	vst v4  }
0x17a: {  	v4 =	vld [tilespmem:s3+$0xC210]  }
0x17b: {  	v7 =	vld [tilespmem:s3+$0xC490]  }
0x17c: {  	v6 =	vld [tilespmem:s3+$0xC200]  }
0x17d: {  	v11 =	vld [tilespmem:s3+$0xC480];
	_ =	sdelay $0x1  }
0x17e: {  	s0 =	simm.s32 $0x20  }
0x17f: {  	v9 =	vld [tilespmem:s0+$0xC210];
	v5 =	vperm.xlane v4, v3;
	v8 =	vperm.xlane v7, v3  }
0x180: {  	v10 =	vld [tilespmem:s0+$0xC490]  }
0x181: {  	v4 =	vld [tilespmem:s0+$0xC200];
	vm1 =	veq.s32 v6, v5;
	vm2 =	vlt.s32 v11, v8  }
0x182: {  	v7 =	vld [tilespmem:s0+$0xC480];
	vm3 =	vgt.s32 v6, v5;
	vm1 =	vmand vm1, vm2  }
0x183: {  	s7 =	simm.s32 $0x100;
	vm1 =	vmor vm3, vm1  }
.LBB2_48:
0x184: {  	s6 =	sshra.s32 s7, $0x2;
	v12 =	vsel vm1, v6, v5;
	v13 =	vsel vm1, v11, v8;
	v11 =	vsel vm1, v8, v11;
	p0 =	sne.s32 s7, $0x780  }
.Ltmp37:
0x185: {  	s7 =	sadd.s32 $0x80, s7;
	v14 =	vsel vm1, v5, v6;
	v5 =	vperm.xlane v9, v3;
	v8 =	vperm.xlane v10, v3;
	v9 =	vld [tilespmem:s6+$0xC210];
	[tilespmem:s3+$0xC990] =	vst v11;
	(pc) =	sbr.rel @p0 .LBB2_48-.Ltmp37, $4  }
0x186: {  	v10 =	vld [tilespmem:s6+$0xC490];
	[tilespmem:s3+$0xC700] =	vst v12;
	v6 =	vmov v4  }
0x187: {  	v4 =	vld [tilespmem:s6+$0xC200];
	vm1 =	veq.s32 v6, v5;
	vm2 =	vlt.s32 v7, v8;
	[tilespmem:s3+$0xC980] =	vst v13;
	v11 =	vmov v7  }
0x188: {  	vm3 =	vgt.s32 v6, v5;
	v7 =	vld [tilespmem:s6+$0xC480];
	vm1 =	vmand vm1, vm2;
	[tilespmem:s3+$0xC710] =	vst v14;
	s3 =	smov.u32 s0;
	s0 =	smov.u32 s6  }
0x189: {  	vm1 =	vmor vm3, vm1  }
0x18a: {  	_ = 	snop  }
0x18b: {  	v9 =	vperm.xlane v9, v3;
	v10 =	vperm.xlane v10, v3  }
0x18c: {  	v12 =	vsel vm1, v8, v11  }
0x18d: {  	v13 =	vsel vm1, v6, v5;
	[tilespmem:s3+$0xC990] =	vst v12;
	vm2 =	veq.s32 v4, v9;
	vm3 =	vlt.s32 v7, v10  }
0x18e: {  	v62 =	vsel vm1, v11, v8;
	[tilespmem:s3+$0xC700] =	vst v13;
	vm2 =	vmand vm2, vm3;
	vm3 =	vgt.s32 v4, v9  }
0x18f: {  	v5 =	vsel vm1, v5, v6;
	[tilespmem:s3+$0xC980] =	vst v62;
	vm1 =	vmor vm3, vm2  }
0x190: {  	[tilespmem:s3+$0xC710] =	vst v5;
	v5 =	vsel vm1, v10, v7  }
0x191: {  	v63 =	vsel vm1, v4, v9;
	[tilespmem:s0+$0xC990] =	vst v5  }
0x192: {  	v4 =	vsel vm1, v9, v4;
	[tilespmem:s0+$0xC700] =	vst v63  }
0x193: {  	v5 =	vsel vm1, v7, v10;
	[tilespmem:s0+$0xC710] =	vst v4  }
0x194: {  	s7 =	simm.s32 $0x40;
	s3 =	simm.s32 $0x0;
	[tilespmem:s0+$0xC980] =	vst v5;
	s0 =	simm.s32 $0x0  }
.LBB2_50:
0x195: {  	p0 =	sne.s32 s7, $0x7C0;
	v4 =	vld [tilespmem:s0+$0xC700]  }
0x196: {  	v5 =	vld [tilespmem:s0+$0xC980];
	_ =	sdelay $0x3  }
0x197: {  	v4 =	vxor.u32 $0x80000000, v4  }
0x198: {  	(xrf1) =	vsort.dscd.msk.u32 $0xffff, v4, v5;
	_ =	sdelay $0xb  }
.Ltmp38:
0x199: {  	(pc) =	sbr.rel @p0 .LBB2_50-.Ltmp38, $4  }
0x19a: {  	_ = 	snop  }
0x19b: {  	v4, v5, _ =	vpop (xrf1)  }
0x19c: {  	v4 =	vxor.u32 $0x80000000, v4;
	[tilespmem:s0+$0xC980] =	vst v5  }
0x19d: {  	[tilespmem:s0+$0xC700] =	vst v4;
	s0 =	sshra.s32 s7, $0x2;
	s7 =	sadd.s32 $0x40, s7  }
0x19e: {  	v4 =	vld [tilespmem:s0+$0xC700]  }
0x19f: {  	v5 =	vld [tilespmem:s0+$0xC980];
	_ =	sdelay $0x3  }
0x1a0: {  	v4 =	vxor.u32 $0x80000000, v4  }
0x1a1: {  	(xrf1) =	vsort.dscd.msk.u32 $0xffff, v4, v5;
	_ =	sdelay $0xa  }
0x1a2: {  	p0 =	por $0x0, $0x0;
	s6 =	simm.s32 $0x1  }
0x1a3: {  	s6 =	simm.s32 @!p0 $0x0  }
0x1a4: {  	s6 =	sadd.s32 $0x0, s6  }
0x1a5: {  	s6 =	sshll.u32 s6, $0x4;
	v4, v5, _ =	vpop (xrf1)  }
0x1a6: {  	s20 =	sor.u32 $0x20, s6;
	v4 =	vxor.u32 $0x80000000, v4;
	[tilespmem:s0+$0xC980] =	vst v5  }
0x1a7: {  	s29 =	sand.u32 $0x1, s3;
	s30 =	sand.u32 $0x1C, s3;
	s6 =	sxor.u32 $0x10, s20;
	[tilespmem:s0+$0xC700] =	vst v4  }
0x1a8: {  	s0 =	sor.u32 s29, s30;
	v4 =	vld [tilespmem:s6+$0xC980]  }
0x1a9: {  	s3 =	sshll.u32 s0, $0x4;
	v5 =	vld [tilespmem:s6+$0xC700]  }
0x1aa: {  	v6 =	vld [tilespmem:s3+$0xC700]  }
0x1ab: {  	v7 =	vld [tilespmem:s3+$0xC980];
	_ =	sdelay $0x2  }
0x1ac: {  	v5 =	vperm.xlane v5, v3;
	v4 =	vperm.xlane v4, v3;
	_ =	sdelay $0x1  }
0x1ad: {  	vm1 =	veq.s32 v6, v5;
	vm2 =	vlt.s32 v7, v4  }
0x1ae: {  	vm3 =	vgt.s32 v6, v5;
	vm1 =	vmand vm1, vm2  }
0x1af: {  	p0 =	por !p0, !p0;
	s0 =	simm.s32 $0x1;
	vm1 =	vmor vm3, vm1  }
0x1b0: {  	s0 =	simm.s32 @!p0 $0x0;
	v8 =	vsel vm1, v6, v5  }
0x1b1: {  	s7 =	simm.s32 $0x1;
	s31 =	sadd.s32 $0x2, s0;
	v63 =	vsel vm1, v7, v4;
	[tilespmem:s3+$0xC200] =	vst v8  }
0x1b2: {  	s6 =	sand.u32 $0x1, s7;
	s9 =	sshll.u32 s31, $0x4;
	v7 =	vsel vm1, v4, v7;
	[tilespmem:s3+$0xC480] =	vst v63  }
0x1b3: {  	s0 =	simm.s32 $0x2;
	s7 =	sor.u32 $0x20, s9;
	v4 =	vsel vm1, v5, v6;
	s3 =	simm.s32 $0x2;
	[tilespmem:s20+$0xC480] =	vst v7  }
.LBB2_52:
0x1b4: {  	p1 =	sne.s32 s3, $0xF;
	s9 =	sand.u32 $0x1C, s0;
	s23 =	sxor.u32 $0x10, s7;
	[tilespmem:s20+$0xC200] =	vst v4  }
0x1b5: {  	s20 =	smov.u32 s7;
	s6 =	sor.u32 s6, s9;
	v4 =	vld [tilespmem:s23+$0xC980]  }
0x1b6: {  	s6 =	sshll.u32 s6, $0x4;
	v5 =	vld [tilespmem:s23+$0xC700]  }
0x1b7: {  	v6 =	vld [tilespmem:s6+$0xC700]  }
0x1b8: {  	v7 =	vld [tilespmem:s6+$0xC980];
	_ =	sdelay $0x2  }
0x1b9: {  	v8 =	vperm.xlane v4, v3;
	v5 =	vperm.xlane v5, v3;
	_ =	sdelay $0x1  }
0x1ba: {  	vm1 =	veq.s32 v6, v5;
	vm2 =	vlt.s32 v7, v8  }
0x1bb: {  	vm3 =	vgt.s32 v6, v5;
	vm1 =	vmand vm1, vm2  }
.Ltmp39:
0x1bc: {  	p0 =	por !p0, !p0;
	s7 =	simm.s32 $0x1;
	vm1 =	vmor vm3, vm1;
	(pc) =	sbr.rel @p1 .LBB2_52-.Ltmp39, $4  }
0x1bd: {  	s0 =	sadd.s32 $0x2, s0;
	s7 =	simm.s32 @!p0 $0x0;
	v9 =	vsel vm1, v6, v5;
	v4 =	vsel vm1, v5, v6  }
0x1be: {  	s7 =	sadd.s32 s7, s0;
	v5 =	vsel vm1, v7, v8;
	[tilespmem:s6+$0xC200] =	vst v9  }
0x1bf: {  	s7 =	sshll.u32 s7, $0x4;
	[tilespmem:s6+$0xC480] =	vst v5;
	v5 =	vsel vm1, v8, v7  }
0x1c0: {  	s7 =	sor.u32 $0x20, s7;
	s6 =	sand.u32 $0x1, s3;
	s3 =	sadd.s32 $0x1, s3;
	[tilespmem:s20+$0xC480] =	vst v5  }
0x1c1: {  	s0 =	sand.u32 $0x1C, s0;
	s3 =	sxor.u32 $0x10, s7;
	[tilespmem:s20+$0xC200] =	vst v4  }
0x1c2: {  	s0 =	sor.u32 s6, s0;
	v4 =	vld [tilespmem:s3+$0xC980]  }
0x1c3: {  	v5 =	vld [tilespmem:s3+$0xC700];
	s0 =	sshll.u32 s0, $0x4  }
0x1c4: {  	v6 =	vld [tilespmem:s0+$0xC700]  }
0x1c5: {  	v7 =	vld [tilespmem:s0+$0xC980];
	_ =	sdelay $0x2  }
0x1c6: {  	v5 =	vperm.xlane v5, v3;
	v4 =	vperm.xlane v4, v3;
	_ =	sdelay $0x1  }
0x1c7: {  	vm1 =	veq.s32 v6, v5;
	vm2 =	vlt.s32 v7, v4  }
0x1c8: {  	vm3 =	vgt.s32 v6, v5;
	vm1 =	vmand vm1, vm2  }
0x1c9: {  	vm1 =	vmor vm3, vm1  }
0x1ca: {  	v8 =	vsel vm1, v6, v5  }
0x1cb: {  	[tilespmem:s0+$0xC200] =	vst v8;
	v8 =	vsel vm1, v7, v4  }
0x1cc: {  	v4 =	vsel vm1, v4, v7;
	[tilespmem:s0+$0xC480] =	vst v8  }
0x1cd: {  	v5 =	vsel vm1, v5, v6;
	[tilespmem:s7+$0xC480] =	vst v4  }
0x1ce: {  	s0 =	simm.s32 $0x0;
	[tilespmem:s7+$0xC200] =	vst v5  }
0x1cf: {  	v4 =	vld [tilespmem:s0+$0xC200]  }
0x1d0: {  	v6 =	vld [tilespmem:s0+$0xC210]  }
0x1d1: {  	v5 =	vld [tilespmem:s0+$0xC490]  }
0x1d2: {  	p0 =	por $0x1, $0x1;
	v7 =	vld [tilespmem:s0+$0xC480]  }
.Ltmp40:
0x1d3: {  	_ = 	snop;
	(pc) =	sbr.rel @!p0 .LBB2_55-.Ltmp40, $2  }
0x1d4: {  	_ =	sdelay $0x2  }
0x1d5: {  	s3 =	simm.s32 $0x80;
	vm1 =	vgt.s32 v4, v6;
	vm2 =	veq.s32 v4, v6;
	vm3 =	vlt.s32 v7, v5  }
.LBB2_54:
0x1d6: {  	p0 =	sne.s32 s3, $0x780;
	vm2 =	vmand vm2, vm3;
	s6 =	smov.u32 s3;
	s3 =	sadd.s32 $0x80, s3  }
0x1d7: {  	vm1 =	vmor vm1, vm2  }
0x1d8: {  	v8 =	vsel vm1, v4, v6;
	v9 =	vsel vm1, v7, v5;
	v6 =	vsel vm1, v6, v4  }
0x1d9: {  	s6 =	sshra.s32 s6, $0x2;
	v5 =	vsel vm1, v5, v7;
	[tilespmem:s0+$0xC200] =	vst v8  }
0x1da: {  	v4 =	vld [tilespmem:s6+$0xC200];
	[tilespmem:s0+$0xC210] =	vst v6  }
0x1db: {  	v6 =	vld [tilespmem:s6+$0xC210];
	[tilespmem:s0+$0xC490] =	vst v5  }
0x1dc: {  	v5 =	vld [tilespmem:s6+$0xC490];
	[tilespmem:s0+$0xC480] =	vst v9;
	s0 =	smov.u32 s6  }
0x1dd: {  	v7 =	vld [tilespmem:s0+$0xC480]  }
.Ltmp41:
0x1de: {  	(pc) =	sbr.rel @p0 .LBB2_54-.Ltmp41, $4  }
0x1df: {  	_ = 	snop  }
0x1e0: {  	vm1 =	vgt.s32 v4, v6  }
0x1e1: {  	vm2 =	veq.s32 v4, v6  }
0x1e2: {  	vm3 =	vlt.s32 v7, v5  }
.LBB2_55:
0x1e3: {  	vm2 =	vmand vm2, vm3  }
0x1e4: {  	p0 =	por $0x1, $0x1;
	vm1 =	vmor vm1, vm2  }
.Ltmp42:
0x1e5: {  	v8 =	vsel vm1, v4, v6;
	(pc) =	sbr.rel @!p0 .LBB2_57-.Ltmp42, $4  }
0x1e6: {  	v4 =	vsel vm1, v6, v4;
	[tilespmem:s0+$0xC200] =	vst v8  }
0x1e7: {  	v63 =	vsel vm1, v5, v7;
	[tilespmem:s0+$0xC210] =	vst v4  }
0x1e8: {  	v4 =	vsel vm1, v7, v5;
	[tilespmem:s0+$0xC490] =	vst v63  }
0x1e9: {  	s3 =	simm.s32 $0x40;
	[tilespmem:s0+$0xC480] =	vst v4;
	s0 =	simm.s32 $0x0  }
.LBB2_56:
0x1ea: {  	p0 =	sne.s32 s3, $0x7C0;
	v4 =	vld [tilespmem:s0+$0xC200]  }
0x1eb: {  	v5 =	vld [tilespmem:s0+$0xC480];
	_ =	sdelay $0x3  }
0x1ec: {  	v4 =	vxor.u32 $0x80000000, v4  }
0x1ed: {  	(xrf1) =	vsort.dscd.msk.u32 $0xffff, v4, v5;
	_ =	sdelay $0xb  }
.Ltmp43:
0x1ee: {  	(pc) =	sbr.rel @p0 .LBB2_56-.Ltmp43, $4  }
0x1ef: {  	_ = 	snop  }
0x1f0: {  	v4, v5, _ =	vpop (xrf1)  }
0x1f1: {  	v4 =	vxor.u32 $0x80000000, v4;
	[tilespmem:s0+$0xC480] =	vst v5  }
0x1f2: {  	[tilespmem:s0+$0xC200] =	vst v4;
	s0 =	sshra.s32 s3, $0x2;
	s3 =	sadd.s32 $0x40, s3  }
.LBB2_57:
0x1f3: {  	v4 =	vld [tilespmem:s0+$0xC200]  }
0x1f4: {  	v5 =	vld [tilespmem:s0+$0xC480];
	_ =	sdelay $0x3  }
0x1f5: {  	v4 =	vxor.u32 $0x80000000, v4  }
0x1f6: {  	(xrf1) =	vsort.dscd.msk.u32 $0xffff, v4, v5;
	_ =	sdelay $0xb  }
0x1f7: {  	s20 =	simm.s32 $0x0  }
0x1f8: {  	s3 =	sand.u32 $0x3, s20;
	s6 =	sand.u32 $0x18, s20  }
0x1f9: {  	s3 =	sor.u32 s3, s6;
	v4, v5, _ =	vpop (xrf1)  }
0x1fa: {  	s23 =	sshll.u32 s3, $0x4;
	v4 =	vxor.u32 $0x80000000, v4;
	[tilespmem:s0+$0xC480] =	vst v5  }
0x1fb: {  	s29 =	sxor.u32 $0x70, s23;
	[tilespmem:s0+$0xC200] =	vst v4  }
0x1fc: {  	v4 =	vld [tilespmem:s29+$0xC480]  }
0x1fd: {  	v5 =	vld [tilespmem:s29+$0xC200]  }
0x1fe: {  	v6 =	vld [tilespmem:s23+$0xC200]  }
0x1ff: {  	v7 =	vld [tilespmem:s23+$0xC480];
	_ =	sdelay $0x2  }
0x200: {  	v5 =	vperm.xlane v5, v3;
	v4 =	vperm.xlane v4, v3;
	_ =	sdelay $0x1  }
0x201: {  	vm1 =	veq.s32 v6, v5;
	vm2 =	vlt.s32 v7, v4  }
0x202: {  	vm3 =	vgt.s32 v6, v5;
	vm1 =	vmand vm1, vm2  }
0x203: {  	vm1 =	vmor vm3, vm1  }
0x204: {  	s30 =	simm.s32 $0x1;
	s0 =	simm.s32 $0x2;
	v8 =	vsel vm1, v4, v7  }
0x205: {  	s3 =	sand.u32 $0x3, s30;
	s31 =	sand.u32 $0x18, s0;
	v9 =	vsel vm1, v5, v6;
	[tilespmem:s23+$0xC9C0] =	vst v8  }
0x206: {  	s6 =	sor.u32 s3, s31;
	s3 =	simm.s32 $0x2;
	v4 =	vsel vm1, v7, v4;
	v5 =	vsel vm1, v6, v5;
	[tilespmem:s23+$0xC740] =	vst v9  }
.LBB2_58:
0x207: {  	p0 =	sne.s32 s3, $0xF;
	s6 =	sshll.u32 s6, $0x4;
	[tilespmem:s23+$0xC980] =	vst v4  }
0x208: {  	s7 =	sxor.u32 $0x70, s6;
	[tilespmem:s23+$0xC700] =	vst v5;
	s23 =	smov.u32 s6  }
0x209: {  	v4 =	vld [tilespmem:s7+$0xC480]  }
0x20a: {  	v5 =	vld [tilespmem:s7+$0xC200]  }
0x20b: {  	v6 =	vld [tilespmem:s23+$0xC200]  }
0x20c: {  	v7 =	vld [tilespmem:s23+$0xC480];
	_ =	sdelay $0x2  }
0x20d: {  	v8 =	vperm.xlane v4, v3;
	v5 =	vperm.xlane v5, v3;
	_ =	sdelay $0x1  }
0x20e: {  	vm1 =	veq.s32 v6, v5;
	vm2 =	vlt.s32 v7, v8  }
.Ltmp44:
0x20f: {  	vm3 =	vgt.s32 v6, v5;
	vm1 =	vmand vm1, vm2;
	(pc) =	sbr.rel @p0 .LBB2_58-.Ltmp44, $4  }
0x210: {  	vm1 =	vmor vm3, vm1  }
0x211: {  	s0 =	sadd.s32 $0x2, s0;
	v4 =	vsel vm1, v7, v8;
	v9 =	vsel vm1, v5, v6;
	v7 =	vsel vm1, v8, v7  }
0x212: {  	s6 =	sand.u32 $0x3, s3;
	s7 =	sand.u32 $0x18, s0;
	v5 =	vsel vm1, v6, v5;
	[tilespmem:s23+$0xC9C0] =	vst v7  }
0x213: {  	s3 =	sadd.s32 $0x1, s3;
	s6 =	sor.u32 s6, s7;
	[tilespmem:s23+$0xC740] =	vst v9  }
0x214: {  	s3 =	sshll.u32 s6, $0x4;
	[tilespmem:s23+$0xC980] =	vst v4  }
0x215: {  	[tilespmem:s23+$0xC700] =	vst v5;
	s0 =	sxor.u32 $0x70, s3  }
0x216: {  	v4 =	vld [tilespmem:s0+$0xC480]  }
0x217: {  	v5 =	vld [tilespmem:s0+$0xC200]  }
0x218: {  	v6 =	vld [tilespmem:s3+$0xC200]  }
0x219: {  	v7 =	vld [tilespmem:s3+$0xC480];
	_ =	sdelay $0x2  }
0x21a: {  	v5 =	vperm.xlane v5, v3;
	v4 =	vperm.xlane v4, v3;
	_ =	sdelay $0x1  }
0x21b: {  	vm1 =	veq.s32 v6, v5;
	vm2 =	vlt.s32 v7, v4  }
0x21c: {  	vm3 =	vgt.s32 v6, v5;
	vm1 =	vmand vm1, vm2  }
0x21d: {  	vm1 =	vmor vm3, vm1  }
0x21e: {  	v8 =	vsel vm1, v4, v7  }
0x21f: {  	s29 =	sand.u32 $0x1C0, s20;
	s30 =	sand.u32 $0x10, s20;
	v9 =	vsel vm1, v5, v6;
	[tilespmem:s3+$0xC9C0] =	vst v8  }
0x220: {  	s0 =	sor.u32 s30, s29;
	v4 =	vsel vm1, v7, v4;
	[tilespmem:s3+$0xC740] =	vst v9  }
0x221: {  	s31 =	sand.u32 $0x180, s20;
	s7 =	sand.u32 $0x50, s0;
	v5 =	vsel vm1, v6, v5;
	[tilespmem:s3+$0xC980] =	vst v4  }
0x222: {  	[tilespmem:s3+$0xC700] =	vst v5;
	s3 =	sor.u32 s7, s31  }
0x223: {  	v4 =	vld [tilespmem:s3+$0xC720]  }
0x224: {  	v5 =	vld [tilespmem:s3+$0xC9A0]  }
0x225: {  	v6 =	vld [tilespmem:s0+$0xC980]  }
0x226: {  	s7 =	simm.s32 $0x10;
	v7 =	vld [tilespmem:s0+$0xC700]  }
.LBB2_60:
0x227: {  	p0 =	sne.s32 s7, $0xF0  }
0x228: {  	s20 =	sadd.s32 $0x20, s20;
	s6 =	smov.u32 s7;
	s7 =	sadd.s32 $0x10, s7  }
0x229: {  	s9 =	sand.u32 $0x1C0, s20;
	s6 =	sand.u32 $0x10, s6  }
0x22a: {  	s6 =	sor.u32 s6, s9  }
0x22b: {  	s9 =	sand.u32 $0x180, s20;
	vm2 =	vlt.s32 v6, v5;
	s23 =	sand.u32 $0x50, s6;
	vm1 =	veq.s32 v7, v4  }
0x22c: {  	vm3 =	vgt.s32 v7, v4;
	s9 =	sor.u32 s23, s9;
	vm1 =	vmand vm1, vm2  }
0x22d: {  	vm1 =	vmor vm3, vm1  }
0x22e: {  	v8 =	vsel vm1, v7, v4;
	v9 =	vsel vm1, v6, v5;
	v5 =	vsel vm1, v5, v6  }
0x22f: {  	v4 =	vsel vm1, v4, v7;
	[tilespmem:s0+$0xC700] =	vst v8  }
0x230: {  	[tilespmem:s0+$0xC980] =	vst v9;
	s0 =	smov.u32 s6  }
0x231: {  	[tilespmem:s3+$0xC720] =	vst v4  }
.Ltmp45:
0x232: {  	v4 =	vld [tilespmem:s9+$0xC720];
	[tilespmem:s3+$0xC9A0] =	vst v5;
	s3 =	smov.u32 s9;
	(pc) =	sbr.rel @p0 .LBB2_60-.Ltmp45, $3  }
0x233: {  	v5 =	vld [tilespmem:s3+$0xC9A0]  }
0x234: {  	v6 =	vld [tilespmem:s0+$0xC980]  }
0x235: {  	v7 =	vld [tilespmem:s0+$0xC700];
	_ =	sdelay $0x1  }
0x236: {  	_ =	sdelay $0x2  }
0x237: {  	vm2 =	vlt.s32 v6, v5;
	vm1 =	veq.s32 v7, v4  }
0x238: {  	vm3 =	vgt.s32 v7, v4;
	vm1 =	vmand vm1, vm2  }
0x239: {  	vm1 =	vmor vm3, vm1  }
0x23a: {  	v8 =	vsel vm1, v7, v4  }
0x23b: {  	v9 =	vsel vm1, v6, v5;
	[tilespmem:s0+$0xC700] =	vst v8  }
0x23c: {  	v4 =	vsel vm1, v4, v7;
	[tilespmem:s0+$0xC980] =	vst v9  }
0x23d: {  	v5 =	vsel vm1, v5, v6;
	[tilespmem:s3+$0xC720] =	vst v4  }
0x23e: {  	s0 =	simm.s32 $0x0;
	[tilespmem:s3+$0xC9A0] =	vst v5  }
0x23f: {  	v4 =	vld [tilespmem:s0+$0xC700]  }
0x240: {  	v6 =	vld [tilespmem:s0+$0xC710]  }
0x241: {  	v5 =	vld [tilespmem:s0+$0xC990]  }
0x242: {  	v7 =	vld [tilespmem:s0+$0xC980];
	_ =	sdelay $0x4  }
0x243: {  	s3 =	simm.s32 $0x80;
	vm1 =	vgt.s32 v4, v6;
	vm2 =	veq.s32 v4, v6;
	vm3 =	vlt.s32 v7, v5  }
.LBB2_62:
0x244: {  	p0 =	sne.s32 s3, $0x780;
	vm2 =	vmand vm2, vm3;
	s6 =	smov.u32 s3;
	s3 =	sadd.s32 $0x80, s3  }
0x245: {  	vm1 =	vmor vm1, vm2  }
0x246: {  	v8 =	vsel vm1, v4, v6;
	v9 =	vsel vm1, v7, v5;
	v6 =	vsel vm1, v6, v4  }
0x247: {  	s6 =	sshra.s32 s6, $0x2;
	v5 =	vsel vm1, v5, v7;
	[tilespmem:s0+$0xC700] =	vst v8  }
0x248: {  	v4 =	vld [tilespmem:s6+$0xC700];
	[tilespmem:s0+$0xC710] =	vst v6  }
0x249: {  	v6 =	vld [tilespmem:s6+$0xC710];
	[tilespmem:s0+$0xC990] =	vst v5  }
0x24a: {  	v5 =	vld [tilespmem:s6+$0xC990];
	[tilespmem:s0+$0xC980] =	vst v9;
	s0 =	smov.u32 s6  }
0x24b: {  	v7 =	vld [tilespmem:s0+$0xC980]  }
.Ltmp46:
0x24c: {  	(pc) =	sbr.rel @p0 .LBB2_62-.Ltmp46, $4  }
0x24d: {  	_ = 	snop  }
0x24e: {  	vm1 =	vgt.s32 v4, v6  }
0x24f: {  	vm2 =	veq.s32 v4, v6  }
0x250: {  	vm3 =	vlt.s32 v7, v5  }
0x251: {  	vm2 =	vmand vm2, vm3  }
0x252: {  	vm1 =	vmor vm1, vm2  }
0x253: {  	v8 =	vsel vm1, v4, v6  }
0x254: {  	v4 =	vsel vm1, v6, v4;
	[tilespmem:s0+$0xC700] =	vst v8  }
0x255: {  	v63 =	vsel vm1, v5, v7;
	[tilespmem:s0+$0xC710] =	vst v4  }
0x256: {  	v4 =	vsel vm1, v7, v5;
	[tilespmem:s0+$0xC990] =	vst v63  }
0x257: {  	s3 =	simm.s32 $0x40;
	[tilespmem:s0+$0xC980] =	vst v4;
	s0 =	simm.s32 $0x0  }
.LBB2_64:
0x258: {  	p0 =	sne.s32 s3, $0x7C0;
	v4 =	vld [tilespmem:s0+$0xC700]  }
0x259: {  	v5 =	vld [tilespmem:s0+$0xC980];
	_ =	sdelay $0x3  }
0x25a: {  	v4 =	vxor.u32 $0x80000000, v4  }
0x25b: {  	(xrf1) =	vsort.dscd.msk.u32 $0xffff, v4, v5;
	_ =	sdelay $0xb  }
.Ltmp47:
0x25c: {  	(pc) =	sbr.rel @p0 .LBB2_64-.Ltmp47, $4  }
0x25d: {  	_ = 	snop  }
0x25e: {  	v4, v5, _ =	vpop (xrf1)  }
0x25f: {  	v4 =	vxor.u32 $0x80000000, v4;
	[tilespmem:s0+$0xC980] =	vst v5  }
0x260: {  	[tilespmem:s0+$0xC700] =	vst v4;
	s0 =	sshra.s32 s3, $0x2;
	s3 =	sadd.s32 $0x40, s3  }
0x261: {  	v4 =	vld [tilespmem:s0+$0xC700]  }
0x262: {  	v5 =	vld [tilespmem:s0+$0xC980];
	_ =	sdelay $0x3  }
0x263: {  	v4 =	vxor.u32 $0x80000000, v4  }
0x264: {  	(xrf1) =	vsort.dscd.msk.u32 $0xffff, v4, v5;
	_ =	sdelay $0xa  }
0x265: {  	s20 =	simm.s32 $0x0  }
0x266: {  	s3 =	sand.u32 $0x10, s20  }
0x267: {  	s6 =	sor.u32 $0x8, s3  }
0x268: {  	s7 =	sor.u32 s20, s6;
	v4, v5, _ =	vpop (xrf1)  }
0x269: {  	s7 =	sshll.u32 s7, $0x4;
	v4 =	vxor.u32 $0x80000000, v4;
	[tilespmem:s0+$0xC980] =	vst v5  }
0x26a: {  	s24 =	sand.u32 $0x7, s20;
	s29 =	sxor.u32 $0x70, s7;
	[tilespmem:s0+$0xC700] =	vst v4  }
0x26b: {  	s3 =	sor.u32 s24, s3;
	v4 =	vld [tilespmem:s29+$0xC980]  }
0x26c: {  	s30 =	sshll.u32 s3, $0x4;
	v5 =	vld [tilespmem:s29+$0xC700]  }
0x26d: {  	v6 =	vld [tilespmem:s30+$0xC700]  }
0x26e: {  	v7 =	vld [tilespmem:s30+$0xC980];
	_ =	sdelay $0x2  }
0x26f: {  	v5 =	vperm.xlane v5, v3;
	v4 =	vperm.xlane v4, v3;
	_ =	sdelay $0x1  }
0x270: {  	vm1 =	veq.s32 v6, v5;
	vm2 =	vlt.s32 v7, v4  }
0x271: {  	vm3 =	vgt.s32 v6, v5;
	vm1 =	vmand vm1, vm2  }
0x272: {  	s0 =	simm.s32 $0x2;
	vm1 =	vmor vm3, vm1  }
0x273: {  	s9 =	sand.u32 $0x10, s0;
	v8 =	vsel vm1, v6, v5  }
0x274: {  	s3 =	simm.s32 $0x1;
	s6 =	sor.u32 s24, s6;
	s23 =	sor.u32 $0x8, s9;
	v63 =	vsel vm1, v7, v4;
	[tilespmem:s30+$0xC200] =	vst v8  }
0x275: {  	s6 =	sshll.u32 s6, $0x4;
	s31 =	sor.u32 s3, s23;
	v7 =	vsel vm1, v4, v7;
	[tilespmem:s30+$0xC480] =	vst v63  }
0x276: {  	s7 =	simm.s32 $0x2;
	s24 =	sshll.u32 s31, $0x4;
	v4 =	vsel vm1, v5, v6;
	[tilespmem:s6+$0xC480] =	vst v7  }
.LBB2_66:
0x277: {  	p0 =	sne.s32 s7, $0xF;
	s25 =	sand.u32 $0x7, s3;
	s24 =	sxor.u32 $0x70, s24;
	[tilespmem:s6+$0xC200] =	vst v4  }
0x278: {  	s3 =	smov.u32 s7;
	s6 =	sor.u32 s25, s9;
	v4 =	vld [tilespmem:s24+$0xC980]  }
0x279: {  	s6 =	sshll.u32 s6, $0x4;
	v5 =	vld [tilespmem:s24+$0xC700]  }
0x27a: {  	v6 =	vld [tilespmem:s6+$0xC700]  }
0x27b: {  	v7 =	vld [tilespmem:s6+$0xC980];
	_ =	sdelay $0x2  }
0x27c: {  	v8 =	vperm.xlane v4, v3;
	v5 =	vperm.xlane v5, v3;
	_ =	sdelay $0x1  }
0x27d: {  	vm1 =	veq.s32 v6, v5;
	vm2 =	vlt.s32 v7, v8  }
0x27e: {  	vm3 =	vgt.s32 v6, v5;
	vm1 =	vmand vm1, vm2  }
.Ltmp48:
0x27f: {  	s0 =	sadd.s32 $0x2, s0;
	vm1 =	vmor vm3, vm1;
	(pc) =	sbr.rel @p0 .LBB2_66-.Ltmp48, $4  }
0x280: {  	s9 =	sand.u32 $0x10, s0;
	v9 =	vsel vm1, v6, v5;
	v4 =	vsel vm1, v5, v6  }
0x281: {  	s24 =	sor.u32 s25, s23;
	s23 =	sor.u32 $0x8, s9;
	v5 =	vsel vm1, v7, v8;
	[tilespmem:s6+$0xC200] =	vst v9  }
0x282: {  	s25 =	sor.u32 s7, s23;
	[tilespmem:s6+$0xC480] =	vst v5;
	s6 =	sshll.u32 s24, $0x4;
	v5 =	vsel vm1, v8, v7  }
0x283: {  	s7 =	sadd.s32 $0x1, s7;
	s24 =	sshll.u32 s25, $0x4;
	[tilespmem:s6+$0xC480] =	vst v5  }
0x284: {  	s0 =	sand.u32 $0x7, s3;
	s28 =	sxor.u32 $0x70, s24;
	[tilespmem:s6+$0xC200] =	vst v4  }
0x285: {  	s29 =	sor.u32 s0, s9;
	v4 =	vld [tilespmem:s28+$0xC980]  }
0x286: {  	v5 =	vld [tilespmem:s28+$0xC700];
	s6 =	sshll.u32 s29, $0x4  }
0x287: {  	v6 =	vld [tilespmem:s6+$0xC700]  }
0x288: {  	v7 =	vld [tilespmem:s6+$0xC980];
	_ =	sdelay $0x2  }
0x289: {  	v5 =	vperm.xlane v5, v3;
	v4 =	vperm.xlane v4, v3;
	_ =	sdelay $0x1  }
0x28a: {  	vm1 =	veq.s32 v6, v5;
	vm2 =	vlt.s32 v7, v4  }
0x28b: {  	vm3 =	vgt.s32 v6, v5;
	vm1 =	vmand vm1, vm2  }
0x28c: {  	vm1 =	vmor vm3, vm1  }
0x28d: {  	v8 =	vsel vm1, v6, v5  }
0x28e: {  	s0 =	sor.u32 s0, s23;
	[tilespmem:s6+$0xC200] =	vst v8;
	v8 =	vsel vm1, v7, v4  }
0x28f: {  	s0 =	sshll.u32 s0, $0x4;
	v4 =	vsel vm1, v4, v7;
	[tilespmem:s6+$0xC480] =	vst v8  }
0x290: {  	s30 =	sand.u32 $0x30, s20;
	s31 =	sand.u32 $0x180, s20;
	v5 =	vsel vm1, v5, v6;
	[tilespmem:s0+$0xC480] =	vst v4  }
0x291: {  	s23 =	sor.u32 s30, s31;
	[tilespmem:s0+$0xC200] =	vst v5  }
0x292: {  	v5 =	vld [tilespmem:s23+$0xC240]  }
0x293: {  	v4 =	vld [tilespmem:s23+$0xC4C0]  }
0x294: {  	v7 =	vld [tilespmem:s23+$0xC200]  }
0x295: {  	v6 =	vld [tilespmem:s23+$0xC480];
	_ =	sdelay $0x4  }
0x296: {  	s3 =	simm.s32 $0x20;
	vm1 =	vgt.s32 v7, v5;
	vm2 =	veq.s32 v7, v5;
	vm3 =	vlt.s32 v6, v4  }
.LBB2_68:
0x297: {  	p0 =	sne.s32 s3, $0x1E0  }
0x298: {  	vm2 =	vmand vm2, vm3;
	s20 =	sadd.s32 $0x10, s20;
	s0 =	smov.u32 s3;
	s3 =	sadd.s32 $0x20, s3  }
0x299: {  	vm1 =	vmor vm1, vm2  }
0x29a: {  	s6 =	sand.u32 $0x30, s20;
	s0 =	sand.u32 $0x180, s0;
	v8 =	vsel vm1, v7, v5;
	v9 =	vsel vm1, v6, v4;
	v5 =	vsel vm1, v5, v7  }
0x29b: {  	s0 =	sor.u32 s6, s0;
	v4 =	vsel vm1, v4, v6;
	[tilespmem:s23+$0xC240] =	vst v5  }
0x29c: {  	v5 =	vld [tilespmem:s0+$0xC240];
	[tilespmem:s23+$0xC4C0] =	vst v4  }
0x29d: {  	v4 =	vld [tilespmem:s0+$0xC4C0];
	[tilespmem:s23+$0xC200] =	vst v8  }
0x29e: {  	v7 =	vld [tilespmem:s0+$0xC200];
	[tilespmem:s23+$0xC480] =	vst v9;
	s23 =	smov.u32 s0  }
0x29f: {  	v6 =	vld [tilespmem:s23+$0xC480]  }
.Ltmp49:
0x2a0: {  	(pc) =	sbr.rel @p0 .LBB2_68-.Ltmp49, $3  }
0x2a1: {  	_ =	sdelay $0x1  }
0x2a2: {  	vm1 =	vgt.s32 v7, v5  }
0x2a3: {  	s0 =	simm.s32 $0x0;
	vm2 =	veq.s32 v7, v5;
	vm3 =	vlt.s32 v6, v4  }
0x2a4: {  	vm2 =	vmand vm2, vm3  }
0x2a5: {  	vm1 =	vmor vm1, vm2  }
0x2a6: {  	v8 =	vsel vm1, v5, v7  }
0x2a7: {  	s3 =	sand.u32 $0x1C0, s0;
	s6 =	sand.u32 $0x10, s0;
	v5 =	vsel vm1, v7, v5;
	[tilespmem:s23+$0xC240] =	vst v8  }
0x2a8: {  	s3 =	sor.u32 s6, s3;
	v8 =	vsel vm1, v4, v6;
	[tilespmem:s23+$0xC200] =	vst v5  }
0x2a9: {  	s31 =	sand.u32 $0x180, s0;
	s7 =	sand.u32 $0x50, s3;
	v4 =	vsel vm1, v6, v4;
	[tilespmem:s23+$0xC4C0] =	vst v8  }
0x2aa: {  	s7 =	sor.u32 s7, s31;
	[tilespmem:s23+$0xC480] =	vst v4  }
0x2ab: {  	v4 =	vld [tilespmem:s7+$0xC220]  }
0x2ac: {  	v5 =	vld [tilespmem:s7+$0xC4A0]  }
0x2ad: {  	v6 =	vld [tilespmem:s3+$0xC480]  }
0x2ae: {  	s9 =	simm.s32 $0x10;
	v7 =	vld [tilespmem:s3+$0xC200]  }
.LBB2_70:
0x2af: {  	p0 =	sne.s32 s9, $0xF0  }
0x2b0: {  	s0 =	sadd.s32 $0x20, s0;
	s6 =	smov.u32 s9;
	s9 =	sadd.s32 $0x10, s9  }
0x2b1: {  	s20 =	sand.u32 $0x1C0, s0;
	s6 =	sand.u32 $0x10, s6  }
0x2b2: {  	s6 =	sor.u32 s6, s20  }
0x2b3: {  	s20 =	sand.u32 $0x180, s0;
	s23 =	sand.u32 $0x50, s6;
	vm2 =	vlt.s32 v6, v5;
	vm1 =	veq.s32 v7, v4  }
0x2b4: {  	s20 =	sor.u32 s23, s20;
	vm3 =	vgt.s32 v7, v4;
	vm1 =	vmand vm1, vm2  }
0x2b5: {  	vm1 =	vmor vm3, vm1  }
0x2b6: {  	v8 =	vsel vm1, v7, v4;
	v9 =	vsel vm1, v6, v5;
	v5 =	vsel vm1, v5, v6  }
0x2b7: {  	v4 =	vsel vm1, v4, v7;
	[tilespmem:s3+$0xC200] =	vst v8  }
0x2b8: {  	[tilespmem:s3+$0xC480] =	vst v9;
	s3 =	smov.u32 s6  }
.Ltmp50:
0x2b9: {  	[tilespmem:s7+$0xC220] =	vst v4;
	(pc) =	sbr.rel @p0 .LBB2_70-.Ltmp50, $4  }
0x2ba: {  	v4 =	vld [tilespmem:s20+$0xC220];
	[tilespmem:s7+$0xC4A0] =	vst v5;
	s7 =	smov.u32 s20  }
0x2bb: {  	v5 =	vld [tilespmem:s7+$0xC4A0]  }
0x2bc: {  	v6 =	vld [tilespmem:s3+$0xC480]  }
0x2bd: {  	v7 =	vld [tilespmem:s3+$0xC200]  }
0x2be: {  	_ =	sdelay $0x3  }
0x2bf: {  	vm2 =	vlt.s32 v6, v5;
	vm1 =	veq.s32 v7, v4  }
0x2c0: {  	vm3 =	vgt.s32 v7, v4;
	vm1 =	vmand vm1, vm2  }
0x2c1: {  	vm1 =	vmor vm3, vm1  }
0x2c2: {  	v8 =	vsel vm1, v7, v4  }
0x2c3: {  	v9 =	vsel vm1, v6, v5;
	[tilespmem:s3+$0xC200] =	vst v8  }
0x2c4: {  	v4 =	vsel vm1, v4, v7;
	[tilespmem:s3+$0xC480] =	vst v9  }
0x2c5: {  	v5 =	vsel vm1, v5, v6;
	[tilespmem:s7+$0xC220] =	vst v4  }
0x2c6: {  	s0 =	simm.s32 $0x0;
	[tilespmem:s7+$0xC4A0] =	vst v5  }
0x2c7: {  	v4 =	vld [tilespmem:s0+$0xC200]  }
0x2c8: {  	v6 =	vld [tilespmem:s0+$0xC210]  }
0x2c9: {  	v5 =	vld [tilespmem:s0+$0xC490]  }
0x2ca: {  	v7 =	vld [tilespmem:s0+$0xC480];
	_ =	sdelay $0x4  }
0x2cb: {  	s3 =	simm.s32 $0x80;
	vm1 =	vgt.s32 v4, v6;
	vm2 =	veq.s32 v4, v6;
	vm3 =	vlt.s32 v7, v5  }
.LBB2_72:
0x2cc: {  	p0 =	sne.s32 s3, $0x780;
	vm2 =	vmand vm2, vm3;
	s6 =	smov.u32 s3;
	s3 =	sadd.s32 $0x80, s3  }
0x2cd: {  	vm1 =	vmor vm1, vm2  }
0x2ce: {  	v8 =	vsel vm1, v4, v6;
	v9 =	vsel vm1, v7, v5;
	v6 =	vsel vm1, v6, v4  }
0x2cf: {  	s6 =	sshra.s32 s6, $0x2;
	v5 =	vsel vm1, v5, v7;
	[tilespmem:s0+$0xC200] =	vst v8  }
0x2d0: {  	v4 =	vld [tilespmem:s6+$0xC200];
	[tilespmem:s0+$0xC210] =	vst v6  }
0x2d1: {  	v6 =	vld [tilespmem:s6+$0xC210];
	[tilespmem:s0+$0xC490] =	vst v5  }
0x2d2: {  	v5 =	vld [tilespmem:s6+$0xC490];
	[tilespmem:s0+$0xC480] =	vst v9;
	s0 =	smov.u32 s6  }
0x2d3: {  	v7 =	vld [tilespmem:s0+$0xC480]  }
.Ltmp51:
0x2d4: {  	(pc) =	sbr.rel @p0 .LBB2_72-.Ltmp51, $4  }
0x2d5: {  	_ = 	snop  }
0x2d6: {  	vm1 =	vgt.s32 v4, v6  }
0x2d7: {  	vm2 =	veq.s32 v4, v6  }
0x2d8: {  	vm3 =	vlt.s32 v7, v5  }
0x2d9: {  	vm2 =	vmand vm2, vm3  }
0x2da: {  	vm1 =	vmor vm1, vm2  }
0x2db: {  	v8 =	vsel vm1, v4, v6  }
0x2dc: {  	v4 =	vsel vm1, v6, v4;
	[tilespmem:s0+$0xC200] =	vst v8  }
0x2dd: {  	v63 =	vsel vm1, v5, v7;
	[tilespmem:s0+$0xC210] =	vst v4  }
0x2de: {  	v4 =	vsel vm1, v7, v5;
	[tilespmem:s0+$0xC490] =	vst v63  }
0x2df: {  	s3 =	simm.s32 $0x0;
	s7 =	simm.s32 $0x40;
	[tilespmem:s0+$0xC480] =	vst v4;
	s0 =	simm.s32 $0x0  }
.LBB2_74:
0x2e0: {  	p0 =	sne.s32 s7, $0x7C0;
	v4 =	vld [tilespmem:s0+$0xC200]  }
0x2e1: {  	v5 =	vld [tilespmem:s0+$0xC480];
	_ =	sdelay $0x3  }
0x2e2: {  	v4 =	vxor.u32 $0x80000000, v4  }
0x2e3: {  	(xrf1) =	vsort.dscd.msk.u32 $0xffff, v4, v5;
	_ =	sdelay $0xb  }
.Ltmp52:
0x2e4: {  	(pc) =	sbr.rel @p0 .LBB2_74-.Ltmp52, $4  }
0x2e5: {  	_ = 	snop  }
0x2e6: {  	v4, v5, _ =	vpop (xrf1)  }
0x2e7: {  	v4 =	vxor.u32 $0x80000000, v4;
	[tilespmem:s0+$0xC480] =	vst v5  }
0x2e8: {  	[tilespmem:s0+$0xC200] =	vst v4;
	s0 =	sshra.s32 s7, $0x2;
	s7 =	sadd.s32 $0x40, s7  }
0x2e9: {  	v4 =	vld [tilespmem:s0+$0xC200]  }
0x2ea: {  	v5 =	vld [tilespmem:s0+$0xC480];
	_ =	sdelay $0x3  }
0x2eb: {  	v4 =	vxor.u32 $0x80000000, v4  }
0x2ec: {  	(xrf1) =	vsort.dscd.msk.u32 $0xffff, v4, v5;
	_ =	sdelay $0xd  }
0x2ed: {  	v4, v5, _ =	vpop (xrf1)  }
0x2ee: {  	v4 =	vxor.u32 $0x80000000, v4;
	[tilespmem:s0+$0xC480] =	vst v5  }
0x2ef: {  	s28 =	sxor.u32 $0x1F0, s3;
	[tilespmem:s0+$0xC200] =	vst v4  }
0x2f0: {  	v4 =	vld [tilespmem:s28+$0xC200]  }
0x2f1: {  	s29 =	simm.s32 $0xC200;
	v5 =	vld [tilespmem:s28+$0xC480]  }
0x2f2: {  	s30 =	simm.s32 $0xC480;
	v6 =	vld [tilespmem:s29+$0x0]  }
0x2f3: {  	v7 =	vld [tilespmem:s30+$0x0];
	_ =	sdelay $0x2  }
0x2f4: {  	v4 =	vperm.xlane v4, v3;
	v5 =	vperm.xlane v5, v3;
	_ =	sdelay $0x1  }
0x2f5: {  	vm1 =	veq.s32 v6, v4;
	vm2 =	vlt.s32 v7, v5  }
0x2f6: {  	vm3 =	vgt.s32 v6, v4;
	vm1 =	vmand vm1, vm2  }
0x2f7: {  	vm1 =	vmor vm3, vm1  }
0x2f8: {  	s20 =	simm.s32 $0xC800;
	v8 =	vsel vm1, v6, v4  }
0x2f9: {  	s0 =	simm.s32 $0xCA80;
	[tilespmem:s20+$0xFFFFFF00] =	vst v8;
	v8 =	vsel vm1, v7, v5  }
0x2fa: {  	v4 =	vsel vm1, v4, v6;
	[tilespmem:s0+$0xFFFFFF00] =	vst v8  }
0x2fb: {  	s31 =	simm.s32 $0x10;
	v5 =	vsel vm1, v5, v7;
	[tilespmem:s20+$0x0] =	vst v4  }
0x2fc: {  	s3 =	sxor.u32 $0x1F0, s31;
	[tilespmem:s0+$0x0] =	vst v5  }
0x2fd: {  	v6 =	vld [tilespmem:s3+$0xC200]  }
0x2fe: {  	s7 =	simm.s32 $0xC490;
	v7 =	vld [tilespmem:s3+$0xC480]  }
0x2ff: {  	s3 =	simm.s32 $0xC210;
	v4 =	vld [tilespmem:s7+$0x0]  }
0x300: {  	s9 =	simm.s32 $0x20;
	v5 =	vld [tilespmem:s3+$0x0]  }
.LBB2_76:
0x301: {  	p0 =	sne.s32 s9, $0xF0;
	_ =	sdelay $0x1  }
0x302: {  	v6 =	vperm.xlane v6, v3;
	v7 =	vperm.xlane v7, v3;
	_ =	sdelay $0x1  }
0x303: {  	vm1 =	veq.s32 v5, v6;
	vm2 =	vlt.s32 v4, v7  }
0x304: {  	vm3 =	vgt.s32 v5, v6;
	vm1 =	vmand vm1, vm2  }
0x305: {  	vm1 =	vmor vm3, vm1  }
0x306: {  	s20 =	sadd.s32 $0x10, s20;
	v8 =	vsel vm1, v5, v6;
	v5 =	vsel vm1, v6, v5;
	v6 =	vsel vm1, v7, v4  }
0x307: {  	s0 =	sadd.s32 $0x10, s0;
	v4 =	vsel vm1, v4, v7;
	[tilespmem:s20+$0xFFFFFF00] =	vst v8  }
0x308: {  	[tilespmem:s0+$0xFFFFFF00] =	vst v4  }
0x309: {  	[tilespmem:s20+$0x0] =	vst v5  }
.Ltmp53:
0x30a: {  	s6 =	sxor.u32 $0x1F0, s9;
	[tilespmem:s0+$0x0] =	vst v6;
	(pc) =	sbr.rel @p0 .LBB2_76-.Ltmp53, $4  }
0x30b: {  	v6 =	vld [tilespmem:s6+$0xC200]  }
0x30c: {  	s3 =	sadd.s32 $0x10, s3;
	v7 =	vld [tilespmem:s6+$0xC480]  }
0x30d: {  	s7 =	sadd.s32 $0x10, s7;
	v5 =	vld [tilespmem:s3+$0x0]  }
0x30e: {  	s9 =	sadd.s32 $0x10, s9;
	v4 =	vld [tilespmem:s7+$0x0]  }
0x30f: {  	_ =	sdelay $0x1  }
0x310: {  	v6 =	vperm.xlane v6, v3;
	v7 =	vperm.xlane v7, v3;
	_ =	sdelay $0x1  }
0x311: {  	vm1 =	veq.s32 v5, v6;
	vm2 =	vlt.s32 v4, v7  }
0x312: {  	vm3 =	vgt.s32 v5, v6;
	vm1 =	vmand vm1, vm2  }
0x313: {  	vm1 =	vmor vm3, vm1  }
0x314: {  	s3 =	sadd.s32 $0x10, s20;
	v8 =	vsel vm1, v5, v6  }
0x315: {  	s0 =	sadd.s32 $0x10, s0;
	s20 =	simm.s32 $0x0;
	[tilespmem:s3+$0xFFFFFF00] =	vst v8;
	v8 =	vsel vm1, v4, v7  }
0x316: {  	s6 =	sand.u32 $0x100, s20;
	v5 =	vsel vm1, v6, v5;
	[tilespmem:s0+$0xFFFFFF00] =	vst v8  }
0x317: {  	p0 =	por $0x1, $0x1;
	s30 =	sor.u32 s6, s20;
	v4 =	vsel vm1, v7, v4;
	[tilespmem:s3+$0x0] =	vst v5  }
.Ltmp54:
0x318: {  	[tilespmem:s0+$0x0] =	vst v4;
	s0 =	sor.u32 $0x80, s30;
	(pc) =	sbr.rel @!p0 .LBB2_79-.Ltmp54, $4  }
0x319: {  	s31 =	sand.u32 $0x70, s20;
	v4 =	vld [tilespmem:s0+$0xC700]  }
0x31a: {  	s3 =	sor.u32 s31, s6;
	v5 =	vld [tilespmem:s0+$0xC980]  }
0x31b: {  	v6 =	vld [tilespmem:s3+$0xC980]  }
0x31c: {  	s7 =	simm.s32 $0x10;
	s9 =	simm.s32 $0x0;
	v7 =	vld [tilespmem:s3+$0xC700]  }
.LBB2_78:
0x31d: {  	p0 =	sne.s32 s7, $0xF0  }
0x31e: {  	s9 =	sadd.s32 $0x20, s9;
	s6 =	smov.u32 s7;
	s7 =	sadd.s32 $0x10, s7  }
0x31f: {  	_ = 	snop  }
0x320: {  	s23 =	sand.u32 $0x100, s9  }
0x321: {  	s24 =	sand.u32 $0x70, s6;
	s6 =	sor.u32 s23, s6;
	vm2 =	vlt.s32 v6, v5;
	vm1 =	veq.s32 v7, v4  }
0x322: {  	s23 =	sor.u32 s24, s23;
	s6 =	sor.u32 $0x80, s6;
	vm3 =	vgt.s32 v7, v4;
	vm1 =	vmand vm1, vm2  }
0x323: {  	vm1 =	vmor vm3, vm1  }
0x324: {  	v8 =	vsel vm1, v7, v4;
	v9 =	vsel vm1, v6, v5;
	v5 =	vsel vm1, v5, v6  }
0x325: {  	v4 =	vsel vm1, v4, v7;
	[tilespmem:s3+$0xC700] =	vst v8  }
0x326: {  	[tilespmem:s3+$0xC980] =	vst v9;
	s3 =	smov.u32 s23  }
.Ltmp55:
0x327: {  	[tilespmem:s0+$0xC700] =	vst v4;
	(pc) =	sbr.rel @p0 .LBB2_78-.Ltmp55, $4  }
0x328: {  	v4 =	vld [tilespmem:s6+$0xC700];
	[tilespmem:s0+$0xC980] =	vst v5;
	s0 =	smov.u32 s6  }
0x329: {  	v5 =	vld [tilespmem:s0+$0xC980]  }
0x32a: {  	v6 =	vld [tilespmem:s3+$0xC980]  }
0x32b: {  	v7 =	vld [tilespmem:s3+$0xC700]  }
.LBB2_79:
0x32c: {  	_ =	sdelay $0x3  }
0x32d: {  	vm2 =	vlt.s32 v6, v5;
	vm1 =	veq.s32 v7, v4  }
0x32e: {  	vm3 =	vgt.s32 v7, v4;
	vm1 =	vmand vm1, vm2  }
0x32f: {  	vm1 =	vmor vm3, vm1  }
0x330: {  	v8 =	vsel vm1, v7, v4  }
0x331: {  	v9 =	vsel vm1, v6, v5;
	[tilespmem:s3+$0xC700] =	vst v8  }
0x332: {  	v4 =	vsel vm1, v4, v7;
	[tilespmem:s3+$0xC980] =	vst v9  }
0x333: {  	s31 =	sand.u32 $0x30, s20;
	s6 =	sand.u32 $0x180, s20;
	v5 =	vsel vm1, v5, v6;
	[tilespmem:s0+$0xC700] =	vst v4  }
0x334: {  	s23 =	sor.u32 s31, s6;
	[tilespmem:s0+$0xC980] =	vst v5  }
0x335: {  	v5 =	vld [tilespmem:s23+$0xC740]  }
0x336: {  	v4 =	vld [tilespmem:s23+$0xC9C0]  }
0x337: {  	v7 =	vld [tilespmem:s23+$0xC700]  }
0x338: {  	p0 =	por $0x1, $0x1;
	v6 =	vld [tilespmem:s23+$0xC980]  }
.Ltmp56:
0x339: {  	_ = 	snop;
	(pc) =	sbr.rel @!p0 .LBB2_81-.Ltmp56, $2  }
0x33a: {  	_ =	sdelay $0x2  }
0x33b: {  	s3 =	simm.s32 $0x0;
	s0 =	simm.s32 $0x20;
	vm1 =	vgt.s32 v7, v5;
	vm2 =	veq.s32 v7, v5;
	vm3 =	vlt.s32 v6, v4  }
.LBB2_80:
0x33c: {  	p0 =	sne.s32 s0, $0x1E0  }
0x33d: {  	vm2 =	vmand vm2, vm3;
	s3 =	sadd.s32 $0x10, s3;
	s6 =	smov.u32 s0;
	s0 =	sadd.s32 $0x20, s0  }
0x33e: {  	vm1 =	vmor vm1, vm2  }
0x33f: {  	s7 =	sand.u32 $0x30, s3;
	s6 =	sand.u32 $0x180, s6;
	v8 =	vsel vm1, v7, v5;
	v9 =	vsel vm1, v6, v4;
	v5 =	vsel vm1, v5, v7  }
0x340: {  	s6 =	sor.u32 s7, s6;
	v4 =	vsel vm1, v4, v6;
	[tilespmem:s23+$0xC740] =	vst v5  }
0x341: {  	v5 =	vld [tilespmem:s6+$0xC740];
	[tilespmem:s23+$0xC9C0] =	vst v4  }
0x342: {  	v4 =	vld [tilespmem:s6+$0xC9C0];
	[tilespmem:s23+$0xC700] =	vst v8  }
0x343: {  	v7 =	vld [tilespmem:s6+$0xC700];
	[tilespmem:s23+$0xC980] =	vst v9;
	s23 =	smov.u32 s6  }
0x344: {  	v6 =	vld [tilespmem:s23+$0xC980]  }
.Ltmp57:
0x345: {  	(pc) =	sbr.rel @p0 .LBB2_80-.Ltmp57, $3  }
0x346: {  	_ =	sdelay $0x1  }
0x347: {  	vm1 =	vgt.s32 v7, v5  }
0x348: {  	vm2 =	veq.s32 v7, v5;
	vm3 =	vlt.s32 v6, v4  }
.LBB2_81:
0x349: {  	vm2 =	vmand vm2, vm3  }
0x34a: {  	vm1 =	vmor vm1, vm2  }
0x34b: {  	v8 =	vsel vm1, v5, v7  }
0x34c: {  	s0 =	sand.u32 $0x1C0, s20;
	s3 =	sand.u32 $0x10, s20;
	v5 =	vsel vm1, v7, v5;
	[tilespmem:s23+$0xC740] =	vst v8  }
0x34d: {  	s0 =	sor.u32 s3, s0;
	v8 =	vsel vm1, v4, v6;
	[tilespmem:s23+$0xC700] =	vst v5  }
0x34e: {  	s31 =	sand.u32 $0x180, s20;
	p0 =	sne.s32 s20, $0xF0;
	s6 =	sand.u32 $0x50, s0;
	v4 =	vsel vm1, v6, v4;
	[tilespmem:s23+$0xC9C0] =	vst v8  }
.Ltmp58:
0x34f: {  	[tilespmem:s23+$0xC980] =	vst v4;
	s23 =	sor.u32 s6, s31;
	(pc) =	sbr.rel @!p0 .LBB2_83-.Ltmp58, $4  }
0x350: {  	v4 =	vld [tilespmem:s23+$0xC720]  }
0x351: {  	v5 =	vld [tilespmem:s23+$0xC9A0]  }
0x352: {  	v6 =	vld [tilespmem:s0+$0xC980]  }
0x353: {  	s7 =	smov.u32 s20;
	s3 =	sadd.s32 $0x10, s20;
	v7 =	vld [tilespmem:s0+$0xC700]  }
.LBB2_82:
0x354: {  	p0 =	sne.s32 s3, $0xF0  }
0x355: {  	s7 =	sadd.s32 $0x20, s7;
	s6 =	smov.u32 s3;
	s3 =	sadd.s32 $0x10, s3  }
0x356: {  	s9 =	sand.u32 $0x1C0, s7;
	s6 =	sand.u32 $0x10, s6  }
0x357: {  	s6 =	sor.u32 s6, s9  }
0x358: {  	s9 =	sand.u32 $0x180, s7;
	s24 =	sand.u32 $0x50, s6;
	vm2 =	vlt.s32 v6, v5;
	vm1 =	veq.s32 v7, v4  }
0x359: {  	s9 =	sor.u32 s24, s9;
	vm3 =	vgt.s32 v7, v4;
	vm1 =	vmand vm1, vm2  }
0x35a: {  	vm1 =	vmor vm3, vm1  }
0x35b: {  	v8 =	vsel vm1, v7, v4;
	v9 =	vsel vm1, v6, v5;
	v5 =	vsel vm1, v5, v6  }
0x35c: {  	v4 =	vsel vm1, v4, v7;
	[tilespmem:s0+$0xC700] =	vst v8  }
0x35d: {  	[tilespmem:s0+$0xC980] =	vst v9;
	s0 =	smov.u32 s6  }
.Ltmp59:
0x35e: {  	[tilespmem:s23+$0xC720] =	vst v4;
	(pc) =	sbr.rel @p0 .LBB2_82-.Ltmp59, $4  }
0x35f: {  	v4 =	vld [tilespmem:s9+$0xC720];
	[tilespmem:s23+$0xC9A0] =	vst v5;
	s23 =	smov.u32 s9  }
0x360: {  	v5 =	vld [tilespmem:s23+$0xC9A0]  }
0x361: {  	v6 =	vld [tilespmem:s0+$0xC980]  }
0x362: {  	v7 =	vld [tilespmem:s0+$0xC700]  }
.LBB2_83:
0x363: {  	_ =	sdelay $0x3  }
0x364: {  	vm2 =	vlt.s32 v6, v5;
	vm1 =	veq.s32 v7, v4  }
0x365: {  	vm3 =	vgt.s32 v7, v4;
	vm1 =	vmand vm1, vm2  }
0x366: {  	vm1 =	vmor vm3, vm1  }
0x367: {  	v8 =	vsel vm1, v7, v4  }
0x368: {  	v9 =	vsel vm1, v6, v5;
	[tilespmem:s0+$0xC700] =	vst v8  }
0x369: {  	v4 =	vsel vm1, v4, v7;
	[tilespmem:s0+$0xC980] =	vst v9  }
0x36a: {  	v5 =	vsel vm1, v5, v6;
	[tilespmem:s23+$0xC720] =	vst v4  }
0x36b: {  	s0 =	sshra.s32 s20, $0x2;
	[tilespmem:s23+$0xC9A0] =	vst v5  }
0x36c: {  	v4 =	vld [tilespmem:s0+$0xC700]  }
0x36d: {  	v6 =	vld [tilespmem:s0+$0xC710]  }
0x36e: {  	v5 =	vld [tilespmem:s0+$0xC990]  }
0x36f: {  	p0 =	sne.s32 s20, $0x780;
	v7 =	vld [tilespmem:s0+$0xC980]  }
.Ltmp60:
0x370: {  	_ = 	snop;
	(pc) =	sbr.rel @!p0 .LBB2_85-.Ltmp60, $2  }
0x371: {  	_ =	sdelay $0x2  }
0x372: {  	s3 =	sadd.s32 $0x80, s20;
	vm1 =	vgt.s32 v4, v6;
	vm2 =	veq.s32 v4, v6;
	vm3 =	vlt.s32 v7, v5  }
.LBB2_84:
0x373: {  	p0 =	sne.s32 s3, $0x780;
	vm2 =	vmand vm2, vm3;
	s6 =	smov.u32 s3;
	s3 =	sadd.s32 $0x80, s3  }
0x374: {  	vm1 =	vmor vm1, vm2  }
0x375: {  	v8 =	vsel vm1, v4, v6;
	v9 =	vsel vm1, v7, v5;
	v6 =	vsel vm1, v6, v4  }
0x376: {  	s6 =	sshra.s32 s6, $0x2;
	v5 =	vsel vm1, v5, v7;
	[tilespmem:s0+$0xC700] =	vst v8  }
0x377: {  	v4 =	vld [tilespmem:s6+$0xC700];
	[tilespmem:s0+$0xC710] =	vst v6  }
0x378: {  	v6 =	vld [tilespmem:s6+$0xC710];
	[tilespmem:s0+$0xC990] =	vst v5  }
0x379: {  	v5 =	vld [tilespmem:s6+$0xC990];
	[tilespmem:s0+$0xC980] =	vst v9;
	s0 =	smov.u32 s6  }
0x37a: {  	v7 =	vld [tilespmem:s0+$0xC980]  }
.Ltmp61:
0x37b: {  	(pc) =	sbr.rel @p0 .LBB2_84-.Ltmp61, $4  }
0x37c: {  	_ = 	snop  }
0x37d: {  	vm1 =	vgt.s32 v4, v6  }
0x37e: {  	vm2 =	veq.s32 v4, v6  }
0x37f: {  	vm3 =	vlt.s32 v7, v5  }
.LBB2_85:
0x380: {  	vm2 =	vmand vm2, vm3  }
0x381: {  	vm1 =	vmor vm1, vm2  }
0x382: {  	v8 =	vsel vm1, v4, v6  }
0x383: {  	v4 =	vsel vm1, v6, v4;
	[tilespmem:s0+$0xC700] =	vst v8  }
0x384: {  	v63 =	vsel vm1, v5, v7;
	[tilespmem:s0+$0xC710] =	vst v4  }
0x385: {  	v4 =	vsel vm1, v7, v5;
	[tilespmem:s0+$0xC990] =	vst v63  }
0x386: {  	s20 =	simm.s32 $0x0;
	s3 =	simm.s32 $0x40;
	[tilespmem:s0+$0xC980] =	vst v4;
	s0 =	simm.s32 $0x0  }
.LBB2_86:
0x387: {  	p0 =	sne.s32 s3, $0x7C0;
	v4 =	vld [tilespmem:s0+$0xC700]  }
0x388: {  	v5 =	vld [tilespmem:s0+$0xC980];
	_ =	sdelay $0x3  }
0x389: {  	v4 =	vxor.u32 $0x80000000, v4  }
0x38a: {  	(xrf1) =	vsort.dscd.msk.u32 $0xffff, v4, v5;
	_ =	sdelay $0xb  }
.Ltmp62:
0x38b: {  	(pc) =	sbr.rel @p0 .LBB2_86-.Ltmp62, $4  }
0x38c: {  	_ = 	snop  }
0x38d: {  	v4, v5, _ =	vpop (xrf1)  }
0x38e: {  	v4 =	vxor.u32 $0x80000000, v4;
	[tilespmem:s0+$0xC980] =	vst v5  }
0x38f: {  	[tilespmem:s0+$0xC700] =	vst v4;
	s0 =	sshra.s32 s3, $0x2;
	s3 =	sadd.s32 $0x40, s3  }
0x390: {  	v4 =	vld [tilespmem:s0+$0xC700]  }
0x391: {  	v5 =	vld [tilespmem:s0+$0xC980];
	_ =	sdelay $0x3  }
0x392: {  	v4 =	vxor.u32 $0x80000000, v4  }
0x393: {  	(xrf1) =	vsort.dscd.msk.u32 $0xffff, v4, v5;
	_ =	sdelay $0xd  }
0x394: {  	v4, v5, _ =	vpop (xrf1)  }
0x395: {  	v4 =	vxor.u32 $0x80000000, v4;
	[tilespmem:s0+$0xC980] =	vst v5  }
0x396: {  	[tilespmem:s0+$0xC700] =	vst v4;
	s0 =	simm.s32 $0xC980  }
0x397: {  	s3 =	simm.s32 $0x10;
	v4 =	vld [tilespmem:s0+$0x0]  }
.LBB2_88:
0x398: {  	p0 =	sne.s32 s3, $0x1F0;
	_ =	sdelay $0x6  }
0x399: {  	v5 =	vor.u32 s20, v0;
	s20 =	smov.u32 s3;
	v4 =	vld.idx.msk [tilespmem:v4+s2+$0x0], $0xffff  }
0x39a: {  	v6 =	vshll.u32 v5, $0x7  }
0x39b: {  	v7 =	vor.u32 $0x1, v6  }
0x39c: {  	v5 =	vcvt.s32.f32 v5;
	v8 =	vor.u32 $0x2, v6;
	_ =	sdelay $0x1  }
.Ltmp63:
0x39d: {  	v5 =	vmul.f32 v5, v1;
	(pc) =	sbr.rel @p0 .LBB2_88-.Ltmp63, $4  }
0x39e: {  	vm1 =	veq.f32 v4, $0.0e+00;
	[tilespmem:v6+s14+$0x0] =	vst.idx.msk $0xffff, v4  }
0x39f: {  	v4 =	vsel vm1, $0x3F800000, v2;
	[tilespmem:v7+s14+$0x0] =	vst.idx.msk $0xffff, v5  }
0x3a0: {  	s0 =	sadd.s32 $0x10, s0;
	[tilespmem:v8+s14+$0x0] =	vst.idx.msk $0xffff, v4  }
0x3a1: {  	s3 =	sadd.s32 $0x10, s3;
	v4 =	vld [tilespmem:s0+$0x0]  }
0x3a2: {  	_ =	sdelay $0x6  }
0x3a3: {  	v5 =	vor.u32 s20, v0  }
0x3a4: {  	v6 =	vshll.u32 v5, $0x7;
	v4 =	vld.idx.msk [tilespmem:v4+s2+$0x0], $0xffff  }
0x3a5: {  	v7 =	vor.u32 $0x1, v6  }
0x3a6: {  	v5 =	vcvt.s32.f32 v5;
	v8 =	vor.u32 $0x2, v6;
	_ =	sdelay $0x1  }
0x3a7: {  	v5 =	vmul.f32 v5, v1  }
0x3a8: {  	vm1 =	veq.f32 v4, $0.0e+00;
	[tilespmem:v6+s14+$0x0] =	vst.idx.msk $0xffff, v4  }
0x3a9: {  	s20 =	sshll.u32 s19, $0xD;
	v4 =	vsel vm1, $0x3F800000, v2;
	[tilespmem:v7+s14+$0x0] =	vst.idx.msk $0xffff, v5  }
0x3aa: {  	s23 =	simm.s32 $0x0;
	s26 =	smin.u32 s19, $0xFFD;
	s0 =	sadd.s32 s5, s20;
	[tilespmem:v8+s14+$0x0] =	vst.idx.msk $0xffff, v4  }
0x3ab: {  	[hbm4b:s0+s23] =	stream.linear.scatter [tilespmem:s14], [sflag:$0x3], $0x10000, $0x38;
	[tilespmem:$0x1CC00] =	vst v63  }
0x3ac: {  	s0 =	sadd.s32 $0x2, s26  }
0x3ad: {  	s3 =	sshll.u32 s0, $0x4  }
0x3ae: {  	_ =	swait.ge [sflag:s15], $0x10000;
	s0 =	sshll.u32 s0, $0xA;
	s3 =	sand.u32 $0x70, s3  }
0x3af: {  	[sflag:s15] =	ssyncset.done $0x0;
	s0 =	sand.u32 $0x7FE000, s0;
	s3 =	sadd.s32 s1, s3  }
0x3b0: {  	[sflag:s15] =	ssyncadd.s32 $0xFFFF0000;
	s0 =	sadd.s32 s0, s3  }
0x3b1: {  	[tilespmem:s23], [sflag:$0x1] =	stream.strided.gather [hbm4b:s0+s10], $0x2000, s11, s10, $0x38;
	[tilespmem:$0x1CC00] =	vst v63  }
0x3b2: {  	_ =	swait.ge [sflag:s16], $0x2000  }
0x3b3: {  	[sflag:s16] =	ssyncset.done $0x0  }
0x3b4: {  	s28 =	ssub.s32 s21, s22;
	s29 =	simm.s32 $0x2000;
	[sflag:s16] =	ssyncadd.s32 $0xFFFFE000  }
0x3b5: {  	s0 =	sshra.s32 s28, $0x1;
	v6 =	vld [tilespmem:s29+$0x0]  }
0x3b6: {  	s0 =	sadd.s32 s22, s0  }
0x3b7: {  	s30 =	sadd.s32 $0xFFF40000, s0  }
0x3b8: {  	s6 =	sshra.s32 s30, $0x1F  }
0x3b9: {  	s21 =	sadd.s32 $0xC0000, s0;
	s22 =	sor.u32 s6, s30  }
0x3ba: {  	v4 =	vmov s21;
	v5 =	vmov s22;
	v6 =	vand.u32 $0x7FFFFFFF, v6  }
0x3bb: {  	vm1 =	vlt.s32 v4, v6;
	vm2 =	vge.s32 v4, v6;
	vm3 =	vlt.s32 v5, v6  }
0x3bc: {  	vm2 =	vmand vm3, vm2;
	v7 =	vsel vm1, $0x1, v2  }
0x3bd: {  	v8 =	vsel vm2, $0x1, v2;
	(xrf0) =	vadd.scan.msk.s32 $0xffff, v7  }
0x3be: {  	(xrf0) =	vadd.scan.msk.s32 $0xffff, v8;
	_ =	sdelay $0x4  }
0x3bf: {  	p0 =	por $0x1, $0x1;
	s0 =	simm.s32 $0x0;
	v7, _, _ =	vpop (xrf0)  }
0x3c0: {  	s0 =	simm.s32 @!p0 $0x200;
	(v2sf) =	vpush v7, $0xF;
	v7, _, _ =	vpop (xrf0)  }
0x3c1: {  	[tilespmem:s0+$0xC200] =	vst.msk vm1, v6;
	(v2sf) =	vpush v7, $0xF;
	v7 =	vor.u32 s23, v0  }
0x3c2: {  	[tilespmem:s0+$0xC480] =	vst.msk vm1, v7  }
0x3c3: {  	[tilespmem:s23+$0x4000] =	vst.msk vm2, v6  }
0x3c4: {  	s24 =	simm.s32 $0x2010;
	[tilespmem:s23+$0x6080] =	vst.msk vm2, v7  }
0x3c5: {  	v6 =	vld [tilespmem:s24+$0x0];
	_ =	sdelay $0x4  }
0x3c6: {  	v6 =	vand.u32 $0x7FFFFFFF, v6  }
0x3c7: {  	vm2 =	vlt.s32 v4, v6;
	vm1 =	vge.s32 v4, v6;
	vm3 =	vlt.s32 v5, v6  }
0x3c8: {  	vm1 =	vmand vm3, vm1;
	v7 =	vsel vm2, $0x1, v2  }
0x3c9: {  	v8 =	vsel vm1, $0x1, v2;
	(xrf0) =	vadd.scan.msk.s32 $0xffff, v7  }
0x3ca: {  	(xrf0) =	vadd.scan.msk.s32 $0xffff, v8  }
0x3cb: {  	s7 =	simm.s32 $0x20;
	s31 =	spop (v2sf)  }
0x3cc: {  	s0 =	simm.s32 $0x10;
	s3 =	sadd.s32 $0x0, s31;
	s6 =	spop (v2sf)  }
.LBB2_90:
0x3cd: {  	p0 =	sne.s32 s7, $0x1FF0  }
0x3ce: {  	p1 =	slt.s32 s3, $0x200;
	s23 =	sadd.s32 s23, s6;
	s6 =	smov.u32 s3  }
0x3cf: {  	s9 =	smov.u32 s7;
	s7 =	sadd.s32 $0x10, s7;
	s6 =	simm.s32 @!p1 $0x200;
	v7, _, _ =	vpop (xrf0)  }
0x3d0: {  	v8 =	vor.u32 s0, v0;
	s0 =	smov.u32 s9;
	[tilespmem:s6+$0xC200] =	vst.msk vm2, v6;
	(v2sf) =	vpush v7, $0xF;
	v7, _, _ =	vpop (xrf0)  }
0x3d1: {  	[tilespmem:s6+$0xC480] =	vst.msk vm2, v8;
	(v2sf) =	vpush v7, $0xF  }
0x3d2: {  	[tilespmem:s23+$0x4000] =	vst.msk vm1, v6  }
0x3d3: {  	s24 =	sadd.s32 $0x10, s24;
	[tilespmem:s23+$0x6080] =	vst.msk vm1, v8  }
0x3d4: {  	v6 =	vld [tilespmem:s24+$0x0];
	_ =	sdelay $0x4  }
0x3d5: {  	v6 =	vand.u32 $0x7FFFFFFF, v6  }
0x3d6: {  	vm2 =	vlt.s32 v4, v6;
	vm1 =	vge.s32 v4, v6;
	vm3 =	vlt.s32 v5, v6  }
0x3d7: {  	vm1 =	vmand vm3, vm1;
	v7 =	vsel vm2, $0x1, v2  }
.Ltmp64:
0x3d8: {  	v8 =	vsel vm1, $0x1, v2;
	(xrf0) =	vadd.scan.msk.s32 $0xffff, v7;
	(pc) =	sbr.rel @p0 .LBB2_90-.Ltmp64, $3  }
0x3d9: {  	(xrf0) =	vadd.scan.msk.s32 $0xffff, v8;
	_ =	sdelay $0x1  }
0x3da: {  	s6 =	spop (v2sf)  }
0x3db: {  	s3 =	sadd.s32 s3, s6;
	s6 =	spop (v2sf)  }
0x3dc: {  	_ = 	snop  }
0x3dd: {  	v4, _, _ =	vpop (xrf0)  }
0x3de: {  	(v2sf) =	vpush v4, $0xF;
	v4, _, _ =	vpop (xrf0)  }
0x3df: {  	(v2sf) =	vpush v4, $0xF;
	_ =	sdelay $0xd  }
0x3e0: {  	s7 =	spop (v2sf)  }
0x3e1: {  	p0 =	slt.s32 s3, $0x200;
	s6 =	sadd.s32 s23, s6;
	s30 =	spop (v2sf)  }
0x3e2: {  	s9 =	smov.u32 s3;
	s3 =	sadd.s32 s3, s7;
	s25 =	sadd.s32 s6, s30  }
0x3e3: {  	s31 =	sadd.s32 s3, s25  }
0x3e4: {  	p6 =	sgt.s32 s3, $0x200;
	p1 =	slt.s32 s31, $0x200  }
0x3e5: {  	s9 =	simm.s32 @!p0 $0x200;
	p0 =	por p6, p1  }
.Ltmp65:
0x3e6: {  	_ = 	snop;
	(pc) =	sbr.rel @!p0 .LBB2_95-.Ltmp65, $4  }
0x3e7: {  	[tilespmem:s9+$0xC200] =	vst.msk vm2, v6;
	v4 =	vor.u32 s0, v0  }
0x3e8: {  	[tilespmem:s9+$0xC480] =	vst.msk vm2, v4  }
0x3e9: {  	[tilespmem:s6+$0x4000] =	vst.msk vm1, v6  }
0x3ea: {  	[tilespmem:s6+$0x6080] =	vst.msk vm1, v4  }
0x3eb: {  	s0 =	simm.s32 $0x2000  }
0x3ec: {  	v4 =	vld [tilespmem:s0+$0x0];
	_ =	sdelay $0x4  }
0x3ed: {  	s6 =	simm.s32 $0x0;
	s7 =	simm.s32 $0x4000;
	v4 =	vand.u32 $0x7FFFFFFF, v4  }
0x3ee: {  	s0 =	simm.s32 $0x6080;
	[tilespmem:s7+$0x0] =	vst v4;
	v4 =	vor.u32 s6, v0  }
0x3ef: {  	s9 =	simm.s32 $0x2010;
	[tilespmem:s0+$0x0] =	vst v4  }
0x3f0: {  	v4 =	vld [tilespmem:s9+$0x0]  }
0x3f1: {  	s23 =	simm.s32 $0x20;
	s6 =	simm.s32 $0x10  }
.LBB2_93:
0x3f2: {  	p1 =	sne.s32 s23, $0x1FF0;
	_ =	sdelay $0x2  }
.Ltmp66:
0x3f3: {  	s7 =	sadd.s32 $0x10, s7;
	v4 =	vand.u32 $0x7FFFFFFF, v4;
	(pc) =	sbr.rel @p1 .LBB2_93-.Ltmp66, $4  }
0x3f4: {  	s0 =	sadd.s32 $0x10, s0;
	[tilespmem:s7+$0x0] =	vst v4;
	v4 =	vor.u32 s6, v0;
	s6 =	smov.u32 s23  }
0x3f5: {  	s9 =	sadd.s32 $0x10, s9;
	[tilespmem:s0+$0x0] =	vst v4  }
0x3f6: {  	v4 =	vld [tilespmem:s9+$0x0]  }
0x3f7: {  	s23 =	sadd.s32 $0x10, s23  }
0x3f8: {  	_ =	sdelay $0x2  }
0x3f9: {  	s7 =	sadd.s32 $0x10, s7;
	v4 =	vand.u32 $0x7FFFFFFF, v4  }
0x3fa: {  	s0 =	sadd.s32 $0x10, s0;
	[tilespmem:s7+$0x0] =	vst v4;
	v4 =	vor.u32 s6, v0  }
0x3fb: {  	[tilespmem:s0+$0x0] =	vst v4  }
.LBB2_95:
0x3fc: {  	s3 =	simm.s32 @p0 $0x0  }
0x3fd: {  	s24 =	ssub.s32 $0x200, s3  }
0x3fe: {  	s25 =	simm.s32 @p0 $0x2000;
	p1 =	slt.s32 s24, $0x1  }
0x3ff: {  	s22 =	simm.s32 @p0 $0xFFFFFFFF;
	p2 =	sle.s32 @!p1 s25, s24  }
0x400: {  	s21 =	simm.s32 @p0 $0x7F800001;
	s0 =	sadd.s32 $0x1, s22;
	p0 =	por p1, p2  }
0x401: {  	p2 =	sle.s32 @!p0 s21, s0  }
0x402: {  	p2 =	por p0, p2  }
.Ltmp67:
0x403: {  	_ = 	snop;
	(pc) =	sbr.rel @!p2 .LBB2_97-.Ltmp67, $1  }
0x404: {  	_ =	sdelay $0x3  }
.Ltmp68:
0x405: {  	(pc) =	sbr.rel .LBB2_125-.Ltmp68, $4  }
0x406: {  	s0 =	smov.u32 s24;
	s6 =	smov.u32 s22;
	s7 =	smov.u32 s21  }
0x407: {  	s9 =	smov.u32 s3;
	s0 =	smov.u32 @p1 s24;
	s6 =	smov.u32 @p1 s22  }
0x408: {  	s7 =	smov.u32 @p1 s21;
	s9 =	smov.u32 @p1 s3;
	s24 =	smov.u32 @p0 s0  }
0x409: {  	s22 =	smov.u32 @p0 s6;
	s21 =	smov.u32 @p0 s7;
	s3 =	smov.u32 @p0 s9  }
.LBB2_118:
0x40a: {  	s23 =	simm.s32 $0x4000;
	s29 =	simm.s32 $0xA180;
	s28 =	simm.s32 $0x6080  }
.LBB2_122:
0x40b: {  	s6 =	sadd.s32 @p0 $0x10, s23  }
0x40c: {  	s9 =	smov.u32 @p0 s6;
	s6 =	sadd.s32 @p0 $0x10, s29  }
0x40d: {  	[tilespmem:s9+$0x0] =	vst v4;
	s7 =	smov.u32 @p0 s6  }
0x40e: {  	v4 =	vld [tilespmem:s7+$0x0];
	_ =	sdelay $0x2  }
0x40f: {  	s6 =	sadd.s32 @p0 $0x10, s28  }
0x410: {  	s0 =	smov.u32 @p0 s6  }
0x411: {  	[tilespmem:s0+$0x0] =	vst v4  }
.LBB2_123:
0x412: {  	s0 =	smov.u32 s30  }
0x413: {  	s0 =	simm.s32 @!p1 $0x0  }
0x414: {  	s24 =	ssub.s32 s24, s0;
	s0 =	ssub.s32 s25, s30  }
0x415: {  	s30 =	smov.u32 @p1 s0;
	p0 =	slt.s32 s24, $0x1  }
0x416: {  	s21 =	smov.u32 @p1 s26;
	s26 =	smov.u32 @p1 s22;
	p1 =	sle.s32 @!p0 s30, s24  }
0x417: {  	s0 =	sadd.s32 $0x1, s26;
	p1 =	por p0, p1  }
0x418: {  	p2 =	sgt.s32 @!p1 s21, s0  }
0x419: {  	p2 =	por p1, !p2  }
.Ltmp69:
0x41a: {  	_ = 	snop;
	(pc) =	sbr.rel @p2 .LBB2_124-.Ltmp69, $2  }
0x41b: {  	_ =	sdelay $0x2  }
0x41c: {  	s22 =	smov.u32 s26;
	s25 =	smov.u32 s30  }
.LBB2_97:
0x41d: {  	s0 =	sadd.s32 $0xF, s25  }
0x41e: {  	s6 =	sand.u32 $0xF, s0  }
0x41f: {  	s7 =	sshra.s32 s0, $0x1F;
	p0 =	slt.s32 s0, $0x1;
	p1 =	sne.s32 s6, $0x0  }
0x420: {  	s29 =	sshrl.u32 s7, $0x1C;
	p0 =	por !p0, !p1  }
0x421: {  	s6 =	simm.s32 $0x1;
	s0 =	sadd.s32 s29, s0;
	p0 =	por !p0, !p0  }
0x422: {  	s0 =	sshra.s32 s0, $0x4;
	s6 =	simm.s32 @!p0 $0x0  }
0x423: {  	s0 =	ssub.s32 s0, s6  }
0x424: {  	p0 =	slt.s32 s0, $0x1  }
.Ltmp70:
0x425: {  	_ = 	snop;
	(pc) =	sbr.rel @p0 .LBB2_98-.Ltmp70, $4  }
0x426: {  	_ = 	snop  }
0x427: {  	s30 =	ssub.s32 s21, s22  }
0x428: {  	s31 =	sshra.s32 s30, $0x1  }
0x429: {  	s26 =	sadd.s32 s22, s31  }
0x42a: {  	s30 =	simm.s32 $0x4000  }
0x42b: {  	p2 =	sne.s32 s0, $0x1;
	v6 =	vld [tilespmem:s30+$0x0]  }
.Ltmp71:
0x42c: {  	_ = 	snop;
	(pc) =	sbr.rel @!p2 .LBB2_100-.Ltmp71, $4  }
0x42d: {  	_ = 	snop  }
0x42e: {  	s28 =	simm.s32 $0x0  }
0x42f: {  	v4 =	vmov s25;
	v5 =	vmov s26;
	s31 =	sadd.s32 $0xFFFFFFFF, s0;
	s29 =	simm.s32 $0x4010;
	p1 =	por $0x0, $0x0;
	v7 =	vor.u32 s28, v0  }
0x430: {  	p3 =	por $0x0, $0x0;
	p4 =	por $0x0, $0x0;
	p0 =	por $0x0, $0x0;
	vm1 =	vlt.s32 v7, v4;
	vm2 =	vgt.s32 v6, v5  }
0x431: {  	v6 =	vld [tilespmem:s29+$0x0];
	p5 =	sne.s32 s31, $0x1  }
.Ltmp72:
0x432: {  	_ = 	snop;
	(pc) =	sbr.rel @!p5 .LBB2_102-.Ltmp72, $4  }
0x433: {  	_ = 	snop  }
0x434: {  	vm2 =	vmand vm1, vm2;
	s0 =	simm.s32 $0x10  }
0x435: {  	v7 =	vsel vm2, $0x1, v2;
	v8 =	vor.u32 s0, v0  }
0x436: {  	s6 =	simm.s32 $0x4020;
	p1 =	por $0x1, $0x1;
	s0 =	sadd.s32 $0xFFFFFFFF, s31;
	(xrf0) =	vadd.scan.msk.s32 $0xffff, v7;
	vm3 =	vlt.s32 v8, v4;
	vm2 =	vgt.s32 v6, v5  }
0x437: {  	_ =	sdelay $0x4  }
0x438: {  	v8, _, _ =	vpop (xrf0)  }
0x439: {  	(v2sf) =	vpush v8, $0xF;
	_ =	sdelay $0x8  }
0x43a: {  	v6 =	vld [tilespmem:s6+$0x0];
	p5 =	sne.s32 s0, $0x1  }
.Ltmp73:
0x43b: {  	_ = 	snop;
	(pc) =	sbr.rel @!p5 .LBB2_104-.Ltmp73, $4  }
0x43c: {  	_ = 	snop  }
0x43d: {  	vm2 =	vmand vm3, vm2;
	s23 =	simm.s32 $0x20  }
0x43e: {  	v7 =	vsel vm2, $0x1, v2;
	v9 =	vor.u32 s23, v0  }
0x43f: {  	s0 =	sadd.s32 $0xFFFFFFFF, s0;
	s6 =	simm.s32 $0x4030;
	p3 =	por $0x1, $0x1;
	vm3 =	vlt.s32 v9, v4;
	(xrf0) =	vadd.scan.msk.s32 $0xffff, v7;
	vm2 =	vgt.s32 v6, v5  }
0x440: {  	_ =	sdelay $0x4  }
0x441: {  	v8, _, _ =	vpop (xrf0)  }
0x442: {  	(v2sf) =	vpush v8, $0xF;
	_ =	sdelay $0x3  }
0x443: {  	v6 =	vld [tilespmem:s6+$0x0];
	p5 =	sne.s32 s0, $0x1  }
.Ltmp74:
0x444: {  	_ = 	snop;
	(pc) =	sbr.rel @!p5 .LBB2_106-.Ltmp74, $4  }
0x445: {  	_ = 	snop  }
0x446: {  	vm2 =	vmand vm3, vm2;
	s23 =	simm.s32 $0x30  }
0x447: {  	v7 =	vsel vm2, $0x1, v2;
	v9 =	vor.u32 s23, v0  }
0x448: {  	s0 =	sadd.s32 $0xFFFFFFFF, s0;
	s6 =	simm.s32 $0x4040;
	p4 =	por $0x1, $0x1;
	vm3 =	vlt.s32 v9, v4;
	(xrf0) =	vadd.scan.msk.s32 $0xffff, v7;
	vm2 =	vgt.s32 v6, v5  }
0x449: {  	_ =	sdelay $0x4  }
0x44a: {  	v8, _, _ =	vpop (xrf0)  }
0x44b: {  	(v2sf) =	vpush v8, $0xF;
	_ =	sdelay $0x3  }
0x44c: {  	v6 =	vld [tilespmem:s6+$0x0];
	vm2 =	vmand vm3, vm2;
	p6 =	sne.s32 s0, $0x1  }
.Ltmp75:
0x44d: {  	v7 =	vsel vm2, $0x1, v2;
	(pc) =	sbr.rel @!p6 .LBB2_108-.Ltmp75, $4  }
0x44e: {  	(xrf0) =	vadd.scan.msk.s32 $0xffff, v7  }
0x44f: {  	s7 =	simm.s32 $0x40  }
0x450: {  	s9 =	sadd.s32 $0xFFFFFFFF, s0;
	v9 =	vor.u32 s7, v0  }
0x451: {  	s23 =	simm.s32 $0x4050;
	p5 =	por $0x1, $0x1;
	s0 =	simm.s32 $0x0;
	vm3 =	vlt.s32 v9, v4;
	vm2 =	vgt.s32 v6, v5  }
.LBB2_109:
0x452: {  	v6 =	vld [tilespmem:s23+$0x0];
	p6 =	sne.s32 s9, $0x1;
	s9 =	sadd.s32 $0xFFFFFFFF, s9;
	vm2 =	vmand vm3, vm2;
	s6 =	spop (v2sf)  }
.Ltmp76:
0x453: {  	v8 =	vsel vm2, $0x1, v2;
	s0 =	sadd.s32 s0, s6;
	(pc) =	sbr.rel @p6 .LBB2_109-.Ltmp76, $4  }
0x454: {  	(xrf0) =	vadd.scan.msk.s32 $0xffff, v8;
	v7, _, _ =	vpop (xrf0)  }
0x455: {  	s7 =	sadd.s32 $0x10, s7;
	(v2sf) =	vpush v7, $0xF  }
0x456: {  	v7 =	vor.u32 s7, v0  }
0x457: {  	s23 =	sadd.s32 $0x10, s23;
	vm3 =	vlt.s32 v7, v4;
	vm2 =	vgt.s32 v6, v5  }
.LBB2_110:
0x458: {  	vm2 =	vmand vm3, vm2  }
0x459: {  	v6 =	vsel vm2, $0x1, v2  }
0x45a: {  	(xrf0) =	vadd.scan.msk.s32 $0xffff, v6;
	_ =	sdelay $0x3  }
0x45b: {  	v6, _, _ =	vpop @p1 (xrf0)  }
0x45c: {  	(v2sf) =	vpush @p1 v6, $0xF  }
0x45d: {  	v6, _, _ =	vpop (xrf0)  }
0x45e: {  	(v2sf) =	vpush v6, $0xF;
	_ =	sdelay $0x6  }
0x45f: {  	s6 =	spop @p5 (v2sf)  }
0x460: {  	s0 =	sadd.s32 @p5 s0, s6;
	s6 =	simm.s32 $0x0  }
0x461: {  	s6 =	smov.u32 @p5 s0;
	s0 =	spop @p4 (v2sf)  }
0x462: {  	s0 =	sadd.s32 @p4 s6, s0;
	s6 =	simm.s32 $0x0  }
0x463: {  	s6 =	smov.u32 @p4 s0;
	s0 =	spop @p3 (v2sf)  }
0x464: {  	v6 =	vld [tilespmem:s30+$0x0];
	s0 =	sadd.s32 @p3 s6, s0;
	s6 =	simm.s32 $0x0  }
0x465: {  	s6 =	smov.u32 @p3 s0;
	s0 =	spop @p1 (v2sf)  }
0x466: {  	s0 =	sadd.s32 @p1 s6, s0;
	s6 =	simm.s32 $0x0  }
0x467: {  	s6 =	smov.u32 @p1 s0;
	s9 =	spop (v2sf)  }
0x468: {  	s30 =	sadd.s32 s6, s9  }
0x469: {  	vm4 =	vmmov vm0;
	vm3 =	vgt.s32 v6, v5;
	p1 =	slt.s32 s30, s24  }
.Ltmp77:
0x46a: {  	vm2 =	vmmov vm0;
	vm5 =	vmand vm1, vm3;
	vm4 =	vmmov @p1 vm1;
	(pc) =	sbr.rel @!p2 .LBB2_111-.Ltmp77, $4  }
0x46b: {  	vm2 =	vmneg @p1 vm2;
	vm3 =	vmxor vm4, vm5  }
0x46c: {  	vm1 =	vmand vm2, vm5;
	v7 =	vsel vm3, $0x1, v2  }
0x46d: {  	s23 =	simm.s32 $0x6080;
	v8 =	vsel vm1, $0x1, v2;
	(xrf0) =	vadd.scan.msk.s32 $0xffff, v7  }
0x46e: {  	v7 =	vld [tilespmem:s23+$0x0];
	(xrf0) =	vadd.scan.msk.s32 $0xffff, v8  }
0x46f: {  	_ =	sdelay $0x3  }
0x470: {  	[tilespmem:s28+$0x8100] =	vst.msk vm3, v6;
	v8, _, _ =	vpop (xrf0)  }
0x471: {  	[tilespmem:s28+$0xA180] =	vst.msk vm3, v7;
	(v2sf) =	vpush v8, $0xF;
	v8, _, _ =	vpop (xrf0)  }
0x472: {  	[tilespmem:s3+$0xC200] =	vst.msk vm1, v6;
	(v2sf) =	vpush v8, $0xF  }
0x473: {  	[tilespmem:s3+$0xC480] =	vst.msk vm1, v7  }
0x474: {  	v6 =	vld [tilespmem:s29+$0x0];
	_ =	sdelay $0x2  }
0x475: {  	s0 =	simm.s32 $0x10  }
0x476: {  	v7 =	vor.u32 s0, v0  }
0x477: {  	vm4 =	vmmov vm0;
	vm1 =	vlt.s32 v7, v4;
	vm3 =	vgt.s32 v6, v5  }
0x478: {  	vm4 =	vmmov @p1 vm1;
	vm5 =	vmand vm1, vm3  }
0x479: {  	p2 =	sne.s32 s31, $0x1;
	vm3 =	vmxor vm4, vm5  }
.Ltmp78:
0x47a: {  	vm1 =	vmand vm2, vm5;
	v7 =	vsel vm3, $0x1, v2;
	(pc) =	sbr.rel @!p2 .LBB2_113-.Ltmp78, $4  }
0x47b: {  	s9 =	simm.s32 $0x6090;
	v9 =	vsel vm1, $0x1, v2;
	(xrf0) =	vadd.scan.msk.s32 $0xffff, v7  }
0x47c: {  	v7 =	vld [tilespmem:s9+$0x0];
	(xrf0) =	vadd.scan.msk.s32 $0xffff, v9  }
0x47d: {  	s7 =	sadd.s32 $0xFFFFFFFF, s31;
	p0 =	por $0x1, $0x1  }
0x47e: {  	s31 =	simm.s32 $0x0;
	s23 =	smov.u32 s3;
	s6 =	spop (v2sf)  }
.LBB2_114:
0x47f: {  	p2 =	sne.s32 s7, $0x1;
	s31 =	sadd.s32 s31, s6;
	s6 =	spop (v2sf)  }
0x480: {  	s7 =	sadd.s32 $0xFFFFFFFF, s7;
	[tilespmem:s31+$0x8100] =	vst.msk vm3, v6;
	s23 =	sadd.s32 s23, s6  }
0x481: {  	[tilespmem:s31+$0xA180] =	vst.msk vm3, v7;
	v8, _, _ =	vpop (xrf0)  }
0x482: {  	[tilespmem:s23+$0xC200] =	vst.msk vm1, v6;
	(v2sf) =	vpush v8, $0xF;
	v6, _, _ =	vpop (xrf0)  }
0x483: {  	[tilespmem:s23+$0xC480] =	vst.msk vm1, v7;
	(v2sf) =	vpush v6, $0xF  }
0x484: {  	s29 =	sadd.s32 $0x10, s29  }
0x485: {  	v6 =	vld [tilespmem:s29+$0x0];
	_ =	sdelay $0x2  }
0x486: {  	s0 =	sadd.s32 $0x10, s0  }
0x487: {  	v7 =	vor.u32 s0, v0  }
0x488: {  	vm1 =	vlt.s32 v7, v4;
	vm3 =	vgt.s32 v6, v5  }
0x489: {  	vm4 =	vmand vm1, vm3;
	vm3 =	vmmov vm0  }
0x48a: {  	vm3 =	vmmov @p1 vm1  }
0x48b: {  	vm1 =	vmand vm2, vm4;
	vm3 =	vmxor vm3, vm4  }
.Ltmp79:
0x48c: {  	v8 =	vsel vm1, $0x1, v2;
	v7 =	vsel vm3, $0x1, v2;
	(pc) =	sbr.rel @p2 .LBB2_114-.Ltmp79, $3  }
0x48d: {  	s9 =	sadd.s32 $0x10, s9;
	(xrf0) =	vadd.scan.msk.s32 $0xffff, v7  }
0x48e: {  	v7 =	vld [tilespmem:s9+$0x0];
	(xrf0) =	vadd.scan.msk.s32 $0xffff, v8;
	_ =	sdelay $0x1  }
0x48f: {  	s6 =	spop (v2sf)  }
.LBB2_115:
0x490: {  	_ =	sdelay $0x1  }
0x491: {  	v4, _, _ =	vpop (xrf0)  }
0x492: {  	(v2sf) =	vpush v4, $0xF;
	v4, _, _ =	vpop (xrf0)  }
0x493: {  	(v2sf) =	vpush v4, $0xF;
	_ =	sdelay $0xa  }
0x494: {  	s0 =	sadd.s32 @p0 s31, s6  }
.Ltmp80:
0x495: {  	s6 =	spop @p0 (v2sf);
	s28 =	smov.u32 @p0 s0;
	(pc) =	sbr.rel .LBB2_116-.Ltmp80, $4  }
0x496: {  	s0 =	sadd.s32 @p0 s23, s6;
	[tilespmem:s28+$0x8100] =	vst.msk vm3, v6  }
0x497: {  	s3 =	smov.u32 @p0 s0;
	[tilespmem:s28+$0xA180] =	vst.msk vm3, v7;
	s29 =	spop (v2sf)  }
0x498: {  	[tilespmem:s3+$0xC200] =	vst.msk vm1, v6;
	s0 =	sadd.s32 s28, s29;
	s31 =	spop (v2sf)  }
0x499: {  	[tilespmem:s3+$0xC480] =	vst.msk vm1, v7;
	s3 =	sadd.s32 s3, s31;
	s0 =	sadd.s32 $0xF, s0  }
.LBB2_98:
0x49a: {  	s0 =	simm.s32 $0xF;
	s30 =	simm.s32 $0x0;
	p1 =	por $0x1, $0x1  }
.LBB2_116:
0x49b: {  	s6 =	sand.u32 $0xF, s0  }
0x49c: {  	s7 =	sshra.s32 s0, $0x1F;
	p0 =	slt.s32 s0, $0x1;
	p2 =	sne.s32 s6, $0x0  }
0x49d: {  	s29 =	sshrl.u32 s7, $0x1C;
	p0 =	por !p0, !p2  }
0x49e: {  	s6 =	simm.s32 $0x1;
	s31 =	sadd.s32 s29, s0;
	p0 =	por !p0, !p0  }
0x49f: {  	s0 =	sshra.s32 s31, $0x4;
	s6 =	simm.s32 @!p0 $0x0  }
0x4a0: {  	s6 =	ssub.s32 s0, s6  }
0x4a1: {  	p0 =	slt.s32 s6, $0x1  }
.Ltmp81:
0x4a2: {  	_ = 	snop;
	(pc) =	sbr.rel @p0 .LBB2_123-.Ltmp81, $1  }
0x4a3: {  	_ =	sdelay $0x3  }
0x4a4: {  	p2 =	sne.s32 s6, $0x1  }
.Ltmp82:
0x4a5: {  	_ = 	snop;
	(pc) =	sbr.rel @!p2 .LBB2_118-.Ltmp82, $4  }
0x4a6: {  	s23 =	simm.s32 $0x8100  }
0x4a7: {  	v4 =	vld [tilespmem:s23+$0x0]  }
0x4a8: {  	s9 =	simm.s32 $0x4000;
	s7 =	simm.s32 $0xA180  }
0x4a9: {  	s0 =	simm.s32 $0x6080;
	s6 =	sadd.s32 $0xFFFFFFFF, s6;
	p0 =	por $0x0, $0x0  }
0x4aa: {  	_ =	sdelay $0x1  }
0x4ab: {  	[tilespmem:s9+$0x0] =	vst v4  }
0x4ac: {  	v4 =	vld [tilespmem:s7+$0x0];
	_ =	sdelay $0x2  }
0x4ad: {  	p2 =	sne.s32 s6, $0x1  }
.Ltmp83:
0x4ae: {  	_ = 	snop;
	(pc) =	sbr.rel @!p2 .LBB2_120-.Ltmp83, $4  }
0x4af: {  	s31 =	simm.s32 $0x8110;
	[tilespmem:s0+$0x0] =	vst v4  }
0x4b0: {  	v4 =	vld [tilespmem:s31+$0x0]  }
0x4b1: {  	s6 =	sadd.s32 $0xFFFFFFFF, s6;
	p0 =	por $0x1, $0x1  }
0x4b2: {  	s23 =	simm.s32 $0x4000;
	s29 =	simm.s32 $0xA180;
	s28 =	simm.s32 $0x6080  }
.LBB2_121:
0x4b3: {  	p2 =	sne.s32 s6, $0x1;
	_ =	sdelay $0x2  }
0x4b4: {  	s23 =	sadd.s32 $0x10, s23  }
0x4b5: {  	s29 =	sadd.s32 $0x10, s29;
	[tilespmem:s23+$0x0] =	vst v4  }
0x4b6: {  	v4 =	vld [tilespmem:s29+$0x0];
	_ =	sdelay $0x1  }
.Ltmp84:
0x4b7: {  	(pc) =	sbr.rel @p2 .LBB2_121-.Ltmp84, $4  }
0x4b8: {  	_ = 	snop  }
0x4b9: {  	s28 =	sadd.s32 $0x10, s28  }
0x4ba: {  	s31 =	sadd.s32 $0x10, s31;
	[tilespmem:s28+$0x0] =	vst v4  }
0x4bb: {  	s6 =	sadd.s32 $0xFFFFFFFF, s6;
	v4 =	vld [tilespmem:s31+$0x0]  }
.Ltmp85:
0x4bc: {  	_ = 	snop;
	(pc) =	sbr.rel .LBB2_122-.Ltmp85, $1  }
0x4bd: {  	_ =	sdelay $0x3  }
.LBB2_100:
.Ltmp86:
0x4be: {  	(pc) =	sbr.rel .LBB2_110-.Ltmp86, $2  }
0x4bf: {  	_ =	sdelay $0x2  }
0x4c0: {  	vm3 =	vmmov vm1;
	s0 =	simm.s32 $0x0;
	p5 =	por $0x0, $0x0  }
.LBB2_111:
.Ltmp87:
0x4c1: {  	(pc) =	sbr.rel .LBB2_115-.Ltmp87, $2  }
0x4c2: {  	_ =	sdelay $0x2  }
0x4c3: {  	s31 =	simm.s32 $0x0;
	s23 =	smov.u32 s3  }
.LBB2_102:
.Ltmp88:
0x4c4: {  	(pc) =	sbr.rel .LBB2_110-.Ltmp88, $2  }
0x4c5: {  	_ =	sdelay $0x2  }
0x4c6: {  	s0 =	simm.s32 $0x0;
	p5 =	por $0x0, $0x0  }
.LBB2_113:
.Ltmp89:
0x4c7: {  	(pc) =	sbr.rel .LBB2_115-.Ltmp89, $2  }
0x4c8: {  	_ =	sdelay $0x2  }
0x4c9: {  	s31 =	simm.s32 $0x0;
	s23 =	smov.u32 s3  }
.LBB2_120:
.Ltmp90:
0x4ca: {  	(pc) =	sbr.rel .LBB2_122-.Ltmp90, $2  }
0x4cb: {  	_ =	sdelay $0x2  }
0x4cc: {  	s23 =	simm.s32 $0x4000;
	s29 =	simm.s32 $0xA180;
	s28 =	simm.s32 $0x6080  }
.LBB2_104:
.Ltmp91:
0x4cd: {  	(pc) =	sbr.rel .LBB2_110-.Ltmp91, $2  }
0x4ce: {  	_ =	sdelay $0x2  }
0x4cf: {  	s0 =	simm.s32 $0x0;
	p5 =	por $0x0, $0x0  }
.LBB2_106:
.Ltmp92:
0x4d0: {  	(pc) =	sbr.rel .LBB2_110-.Ltmp92, $2  }
0x4d1: {  	_ =	sdelay $0x3  }
0x4d2: {  	s0 =	simm.s32 $0x0;
	p5 =	por $0x0, $0x0  }
.LBB2_108:
.Ltmp93:
0x4d3: {  	(pc) =	sbr.rel .LBB2_110-.Ltmp93, $2  }
0x4d4: {  	_ =	sdelay $0x2  }
0x4d5: {  	s0 =	simm.s32 $0x0  }
.LBB2_124:
0x4d6: {  	s0 =	smov.u32 s24  }
0x4d7: {  	s6 =	smov.u32 s26;
	s7 =	smov.u32 s21;
	s9 =	smov.u32 s3  }
0x4d8: {  	s0 =	smov.u32 @p0 s24;
	s6 =	smov.u32 @p0 s26;
	s7 =	smov.u32 @p0 s21  }
0x4d9: {  	s9 =	smov.u32 @p0 s3;
	s24 =	smov.u32 @p1 s0;
	s26 =	smov.u32 @p1 s6  }
0x4da: {  	s21 =	smov.u32 @p1 s7;
	s3 =	smov.u32 @p1 s9;
	s22 =	smov.u32 s26  }
.LBB2_125:
0x4db: {  	s0 =	sadd.s32 $0xF, s24  }
0x4dc: {  	s6 =	sand.u32 $0xF, s0  }
0x4dd: {  	s7 =	sshra.s32 s0, $0x1F;
	p0 =	slt.s32 s0, $0x1;
	p1 =	sne.s32 s6, $0x0  }
0x4de: {  	s31 =	sshrl.u32 s7, $0x1C;
	p0 =	por !p0, !p1  }
0x4df: {  	s6 =	simm.s32 $0x1;
	s0 =	sadd.s32 s31, s0;
	p0 =	por !p0, !p0  }
0x4e0: {  	s0 =	sshra.s32 s0, $0x4;
	s6 =	simm.s32 @!p0 $0x0  }
0x4e1: {  	s6 =	ssub.s32 s0, s6  }
0x4e2: {  	p0 =	slt.s32 s6, $0x1  }
.Ltmp94:
0x4e3: {  	_ = 	snop;
	(pc) =	sbr.rel @p0 .LBB2_132-.Ltmp94, $1  }
0x4e4: {  	_ =	sdelay $0x3  }
0x4e5: {  	p1 =	sne.s32 s6, $0x1  }
.Ltmp95:
0x4e6: {  	_ = 	snop;
	(pc) =	sbr.rel @!p1 .LBB2_127-.Ltmp95, $4  }
0x4e7: {  	_ = 	snop  }
0x4e8: {  	s0 =	sshll.u32 s3, $0x2;
	s7 =	simm.s32 $0x4000;
	s9 =	simm.s32 $0x6080  }
0x4e9: {  	p0 =	por $0x0, $0x0;
	s3 =	sshra.s32 s0, $0x2;
	v5 =	vld [tilespmem:s7+$0x0];
	s7 =	sadd.s32 $0xFFFFFFFF, s6  }
0x4ea: {  	v4 =	vmov s24;
	v6 =	vld [tilespmem:s9+$0x0];
	s0 =	sadd.s32 $0xC200, s3;
	s23 =	sadd.s32 $0xC480, s3;
	s3 =	simm.s32 $0x0  }
0x4eb: {  	_ = 	snop  }
0x4ec: {  	v7 =	vor.u32 s3, v0;
	p1 =	sne.s32 s7, $0x1  }
.Ltmp96:
0x4ed: {  	vm1 =	vlt.s32 v7, v4;
	(pc) =	sbr.rel @!p1 .LBB2_129-.Ltmp96, $4  }
0x4ee: {  	[tilespmem:s0+$0x0] =	vst.msk vm1, v5  }
0x4ef: {  	s25 =	simm.s32 $0x4010;
	[tilespmem:s23+$0x0] =	vst.msk vm1, v6  }
0x4f0: {  	s6 =	simm.s32 $0x6090;
	s26 =	sadd.s32 $0xFFFFFFFF, s7;
	p0 =	por $0x1, $0x1;
	v5 =	vld [tilespmem:s25+$0x0]  }
0x4f1: {  	s7 =	simm.s32 $0x0;
	s9 =	smov.u32 s0;
	s24 =	smov.u32 s23;
	v6 =	vld [tilespmem:s6+$0x0]  }
.LBB2_130:
0x4f2: {  	p1 =	sne.s32 s26, $0x1;
	s7 =	sadd.s32 $0x10, s7  }
0x4f3: {  	v7 =	vor.u32 s7, v0  }
.Ltmp97:
0x4f4: {  	s9 =	sadd.s32 $0x10, s9;
	vm1 =	vlt.s32 v7, v4;
	(pc) =	sbr.rel @p1 .LBB2_130-.Ltmp97, $4  }
0x4f5: {  	s24 =	sadd.s32 $0x10, s24;
	[tilespmem:s9+$0x0] =	vst.msk vm1, v5  }
0x4f6: {  	s25 =	sadd.s32 $0x10, s25;
	[tilespmem:s24+$0x0] =	vst.msk vm1, v6  }
0x4f7: {  	s6 =	sadd.s32 $0x10, s6;
	v5 =	vld [tilespmem:s25+$0x0]  }
0x4f8: {  	s26 =	sadd.s32 $0xFFFFFFFF, s26;
	v6 =	vld [tilespmem:s6+$0x0]  }
.LBB2_131:
0x4f9: {  	s6 =	sadd.s32 @p0 $0x10, s7  }
0x4fa: {  	s3 =	smov.u32 @p0 s6  }
0x4fb: {  	v7 =	vor.u32 s3, v0;
	s3 =	sadd.s32 @p0 $0x10, s9  }
0x4fc: {  	vm1 =	vlt.s32 v7, v4;
	s0 =	smov.u32 @p0 s3;
	s3 =	sadd.s32 @p0 $0x10, s24  }
0x4fd: {  	[tilespmem:s0+$0x0] =	vst.msk vm1, v5;
	s23 =	smov.u32 @p0 s3  }
0x4fe: {  	[tilespmem:s23+$0x0] =	vst.msk vm1, v6  }
.LBB2_132:
0x4ff: {  	s0 =	simm.s32 $0x0;
	s3 =	simm.s32 $0x40  }
.LBB2_133:
0x500: {  	p0 =	sne.s32 s3, $0x7C0;
	v4 =	vld [tilespmem:s0+$0xC200]  }
0x501: {  	v5 =	vld [tilespmem:s0+$0xC480];
	_ =	sdelay $0x3  }
0x502: {  	v4 =	vxor.u32 $0x80000000, v4  }
0x503: {  	(xrf1) =	vsort.dscd.msk.u32 $0xffff, v4, v5;
	_ =	sdelay $0xb  }
.Ltmp98:
0x504: {  	(pc) =	sbr.rel @p0 .LBB2_133-.Ltmp98, $4  }
0x505: {  	_ = 	snop  }
0x506: {  	v4, v5, _ =	vpop (xrf1)  }
0x507: {  	v4 =	vxor.u32 $0x80000000, v4;
	[tilespmem:s0+$0xC480] =	vst v5  }
0x508: {  	[tilespmem:s0+$0xC200] =	vst v4;
	s0 =	sshra.s32 s3, $0x2;
	s3 =	sadd.s32 $0x40, s3  }
0x509: {  	v4 =	vld [tilespmem:s0+$0xC200]  }
0x50a: {  	v5 =	vld [tilespmem:s0+$0xC480];
	_ =	sdelay $0x3  }
0x50b: {  	v4 =	vxor.u32 $0x80000000, v4  }
0x50c: {  	(xrf1) =	vsort.dscd.msk.u32 $0xffff, v4, v5;
	_ =	sdelay $0xd  }
0x50d: {  	v4, v5, _ =	vpop (xrf1)  }
0x50e: {  	v4 =	vxor.u32 $0x80000000, v4;
	[tilespmem:s0+$0xC480] =	vst v5  }
0x50f: {  	s3 =	simm.s32 $0x0;
	[tilespmem:s0+$0xC200] =	vst v4  }
0x510: {  	v4 =	vld [tilespmem:s3+$0xC210]  }
0x511: {  	v7 =	vld [tilespmem:s3+$0xC490]  }
0x512: {  	v6 =	vld [tilespmem:s3+$0xC200]  }
0x513: {  	v11 =	vld [tilespmem:s3+$0xC480];
	_ =	sdelay $0x1  }
0x514: {  	s0 =	simm.s32 $0x20  }
0x515: {  	v9 =	vld [tilespmem:s0+$0xC210];
	v5 =	vperm.xlane v4, v3;
	v8 =	vperm.xlane v7, v3  }
0x516: {  	v10 =	vld [tilespmem:s0+$0xC490]  }
0x517: {  	v4 =	vld [tilespmem:s0+$0xC200];
	vm1 =	veq.s32 v6, v5;
	vm2 =	vlt.s32 v11, v8  }
0x518: {  	v7 =	vld [tilespmem:s0+$0xC480];
	vm3 =	vgt.s32 v6, v5;
	vm1 =	vmand vm1, vm2  }
0x519: {  	s7 =	simm.s32 $0x100;
	vm1 =	vmor vm3, vm1  }
.LBB2_135:
0x51a: {  	s6 =	sshra.s32 s7, $0x2;
	v12 =	vsel vm1, v6, v5;
	v13 =	vsel vm1, v11, v8;
	v11 =	vsel vm1, v8, v11;
	p0 =	sne.s32 s7, $0x780  }
.Ltmp99:
0x51b: {  	s7 =	sadd.s32 $0x80, s7;
	v14 =	vsel vm1, v5, v6;
	v5 =	vperm.xlane v9, v3;
	v8 =	vperm.xlane v10, v3;
	v9 =	vld [tilespmem:s6+$0xC210];
	[tilespmem:s3+$0xC990] =	vst v11;
	(pc) =	sbr.rel @p0 .LBB2_135-.Ltmp99, $4  }
0x51c: {  	v10 =	vld [tilespmem:s6+$0xC490];
	[tilespmem:s3+$0xC700] =	vst v12;
	v6 =	vmov v4  }
0x51d: {  	v4 =	vld [tilespmem:s6+$0xC200];
	vm1 =	veq.s32 v6, v5;
	vm2 =	vlt.s32 v7, v8;
	[tilespmem:s3+$0xC980] =	vst v13;
	v11 =	vmov v7  }
0x51e: {  	vm3 =	vgt.s32 v6, v5;
	v7 =	vld [tilespmem:s6+$0xC480];
	vm1 =	vmand vm1, vm2;
	[tilespmem:s3+$0xC710] =	vst v14;
	s3 =	smov.u32 s0;
	s0 =	smov.u32 s6  }
0x51f: {  	vm1 =	vmor vm3, vm1  }
0x520: {  	_ = 	snop  }
0x521: {  	v9 =	vperm.xlane v9, v3;
	v10 =	vperm.xlane v10, v3  }
0x522: {  	v12 =	vsel vm1, v8, v11  }
0x523: {  	v13 =	vsel vm1, v6, v5;
	[tilespmem:s3+$0xC990] =	vst v12;
	vm2 =	veq.s32 v4, v9;
	vm3 =	vlt.s32 v7, v10  }
0x524: {  	v62 =	vsel vm1, v11, v8;
	[tilespmem:s3+$0xC700] =	vst v13;
	vm2 =	vmand vm2, vm3;
	vm3 =	vgt.s32 v4, v9  }
0x525: {  	v5 =	vsel vm1, v5, v6;
	[tilespmem:s3+$0xC980] =	vst v62;
	vm1 =	vmor vm3, vm2  }
0x526: {  	[tilespmem:s3+$0xC710] =	vst v5;
	v5 =	vsel vm1, v10, v7  }
0x527: {  	v63 =	vsel vm1, v4, v9;
	[tilespmem:s0+$0xC990] =	vst v5  }
0x528: {  	v4 =	vsel vm1, v9, v4;
	[tilespmem:s0+$0xC700] =	vst v63  }
0x529: {  	v5 =	vsel vm1, v7, v10;
	[tilespmem:s0+$0xC710] =	vst v4  }
0x52a: {  	s7 =	simm.s32 $0x40;
	s3 =	simm.s32 $0x0;
	[tilespmem:s0+$0xC980] =	vst v5;
	s0 =	simm.s32 $0x0  }
.LBB2_137:
0x52b: {  	p0 =	sne.s32 s7, $0x7C0;
	v4 =	vld [tilespmem:s0+$0xC700]  }
0x52c: {  	v5 =	vld [tilespmem:s0+$0xC980];
	_ =	sdelay $0x3  }
0x52d: {  	v4 =	vxor.u32 $0x80000000, v4  }
0x52e: {  	(xrf1) =	vsort.dscd.msk.u32 $0xffff, v4, v5;
	_ =	sdelay $0xb  }
.Ltmp100:
0x52f: {  	(pc) =	sbr.rel @p0 .LBB2_137-.Ltmp100, $4  }
0x530: {  	_ = 	snop  }
0x531: {  	v4, v5, _ =	vpop (xrf1)  }
0x532: {  	v4 =	vxor.u32 $0x80000000, v4;
	[tilespmem:s0+$0xC980] =	vst v5  }
0x533: {  	[tilespmem:s0+$0xC700] =	vst v4;
	s0 =	sshra.s32 s7, $0x2;
	s7 =	sadd.s32 $0x40, s7  }
0x534: {  	v4 =	vld [tilespmem:s0+$0xC700]  }
0x535: {  	v5 =	vld [tilespmem:s0+$0xC980];
	_ =	sdelay $0x3  }
0x536: {  	v4 =	vxor.u32 $0x80000000, v4  }
0x537: {  	(xrf1) =	vsort.dscd.msk.u32 $0xffff, v4, v5;
	_ =	sdelay $0xa  }
0x538: {  	p0 =	por $0x0, $0x0;
	s6 =	simm.s32 $0x1  }
0x539: {  	s6 =	simm.s32 @!p0 $0x0  }
0x53a: {  	s6 =	sadd.s32 $0x0, s6  }
0x53b: {  	s6 =	sshll.u32 s6, $0x4;
	v4, v5, _ =	vpop (xrf1)  }
0x53c: {  	s23 =	sor.u32 $0x20, s6;
	v4 =	vxor.u32 $0x80000000, v4;
	[tilespmem:s0+$0xC980] =	vst v5  }
0x53d: {  	s29 =	sand.u32 $0x1, s3;
	s30 =	sand.u32 $0x1C, s3;
	s6 =	sxor.u32 $0x10, s23;
	[tilespmem:s0+$0xC700] =	vst v4  }
0x53e: {  	s0 =	sor.u32 s29, s30;
	v4 =	vld [tilespmem:s6+$0xC980]  }
0x53f: {  	s3 =	sshll.u32 s0, $0x4;
	v5 =	vld [tilespmem:s6+$0xC700]  }
0x540: {  	v6 =	vld [tilespmem:s3+$0xC700]  }
0x541: {  	v7 =	vld [tilespmem:s3+$0xC980];
	_ =	sdelay $0x2  }
0x542: {  	v5 =	vperm.xlane v5, v3;
	v4 =	vperm.xlane v4, v3;
	_ =	sdelay $0x1  }
0x543: {  	vm1 =	veq.s32 v6, v5;
	vm2 =	vlt.s32 v7, v4  }
0x544: {  	vm3 =	vgt.s32 v6, v5;
	vm1 =	vmand vm1, vm2  }
0x545: {  	p0 =	por !p0, !p0;
	s0 =	simm.s32 $0x1;
	vm1 =	vmor vm3, vm1  }
0x546: {  	s0 =	simm.s32 @!p0 $0x0;
	v8 =	vsel vm1, v6, v5  }
0x547: {  	s7 =	simm.s32 $0x1;
	s31 =	sadd.s32 $0x2, s0;
	v63 =	vsel vm1, v7, v4;
	[tilespmem:s3+$0xC200] =	vst v8  }
0x548: {  	s6 =	sand.u32 $0x1, s7;
	s9 =	sshll.u32 s31, $0x4;
	v7 =	vsel vm1, v4, v7;
	[tilespmem:s3+$0xC480] =	vst v63  }
0x549: {  	s0 =	simm.s32 $0x2;
	s7 =	sor.u32 $0x20, s9;
	v4 =	vsel vm1, v5, v6;
	s3 =	simm.s32 $0x2;
	[tilespmem:s23+$0xC480] =	vst v7  }
.LBB2_139:
0x54a: {  	p1 =	sne.s32 s3, $0xF;
	s9 =	sand.u32 $0x1C, s0;
	s24 =	sxor.u32 $0x10, s7;
	[tilespmem:s23+$0xC200] =	vst v4  }
0x54b: {  	s23 =	smov.u32 s7;
	s6 =	sor.u32 s6, s9;
	v4 =	vld [tilespmem:s24+$0xC980]  }
0x54c: {  	s6 =	sshll.u32 s6, $0x4;
	v5 =	vld [tilespmem:s24+$0xC700]  }
0x54d: {  	v6 =	vld [tilespmem:s6+$0xC700]  }
0x54e: {  	v7 =	vld [tilespmem:s6+$0xC980];
	_ =	sdelay $0x2  }
0x54f: {  	v8 =	vperm.xlane v4, v3;
	v5 =	vperm.xlane v5, v3;
	_ =	sdelay $0x1  }
0x550: {  	vm1 =	veq.s32 v6, v5;
	vm2 =	vlt.s32 v7, v8  }
0x551: {  	vm3 =	vgt.s32 v6, v5;
	vm1 =	vmand vm1, vm2  }
.Ltmp101:
0x552: {  	p0 =	por !p0, !p0;
	s7 =	simm.s32 $0x1;
	vm1 =	vmor vm3, vm1;
	(pc) =	sbr.rel @p1 .LBB2_139-.Ltmp101, $4  }
0x553: {  	s0 =	sadd.s32 $0x2, s0;
	s7 =	simm.s32 @!p0 $0x0;
	v9 =	vsel vm1, v6, v5;
	v4 =	vsel vm1, v5, v6  }
0x554: {  	s7 =	sadd.s32 s7, s0;
	v5 =	vsel vm1, v7, v8;
	[tilespmem:s6+$0xC200] =	vst v9  }
0x555: {  	s7 =	sshll.u32 s7, $0x4;
	[tilespmem:s6+$0xC480] =	vst v5;
	v5 =	vsel vm1, v8, v7  }
0x556: {  	s7 =	sor.u32 $0x20, s7;
	s6 =	sand.u32 $0x1, s3;
	s3 =	sadd.s32 $0x1, s3;
	[tilespmem:s23+$0xC480] =	vst v5  }
0x557: {  	s0 =	sand.u32 $0x1C, s0;
	s3 =	sxor.u32 $0x10, s7;
	[tilespmem:s23+$0xC200] =	vst v4  }
0x558: {  	s0 =	sor.u32 s6, s0;
	v4 =	vld [tilespmem:s3+$0xC980]  }
0x559: {  	v5 =	vld [tilespmem:s3+$0xC700];
	s0 =	sshll.u32 s0, $0x4  }
0x55a: {  	v6 =	vld [tilespmem:s0+$0xC700]  }
0x55b: {  	v7 =	vld [tilespmem:s0+$0xC980];
	_ =	sdelay $0x2  }
0x55c: {  	v5 =	vperm.xlane v5, v3;
	v4 =	vperm.xlane v4, v3;
	_ =	sdelay $0x1  }
0x55d: {  	vm1 =	veq.s32 v6, v5;
	vm2 =	vlt.s32 v7, v4  }
0x55e: {  	vm3 =	vgt.s32 v6, v5;
	vm1 =	vmand vm1, vm2  }
0x55f: {  	vm1 =	vmor vm3, vm1  }
0x560: {  	v8 =	vsel vm1, v6, v5  }
0x561: {  	[tilespmem:s0+$0xC200] =	vst v8;
	v8 =	vsel vm1, v7, v4  }
0x562: {  	v4 =	vsel vm1, v4, v7;
	[tilespmem:s0+$0xC480] =	vst v8  }
0x563: {  	v5 =	vsel vm1, v5, v6;
	[tilespmem:s7+$0xC480] =	vst v4  }
0x564: {  	s0 =	simm.s32 $0x0;
	[tilespmem:s7+$0xC200] =	vst v5  }
0x565: {  	v4 =	vld [tilespmem:s0+$0xC200]  }
0x566: {  	v6 =	vld [tilespmem:s0+$0xC210]  }
0x567: {  	v5 =	vld [tilespmem:s0+$0xC490]  }
0x568: {  	p0 =	por $0x1, $0x1;
	v7 =	vld [tilespmem:s0+$0xC480]  }
.Ltmp102:
0x569: {  	_ = 	snop;
	(pc) =	sbr.rel @!p0 .LBB2_142-.Ltmp102, $2  }
0x56a: {  	_ =	sdelay $0x2  }
0x56b: {  	s3 =	simm.s32 $0x80;
	vm1 =	vgt.s32 v4, v6;
	vm2 =	veq.s32 v4, v6;
	vm3 =	vlt.s32 v7, v5  }
.LBB2_141:
0x56c: {  	p0 =	sne.s32 s3, $0x780;
	vm2 =	vmand vm2, vm3;
	s6 =	smov.u32 s3;
	s3 =	sadd.s32 $0x80, s3  }
0x56d: {  	vm1 =	vmor vm1, vm2  }
0x56e: {  	v8 =	vsel vm1, v4, v6;
	v9 =	vsel vm1, v7, v5;
	v6 =	vsel vm1, v6, v4  }
0x56f: {  	s6 =	sshra.s32 s6, $0x2;
	v5 =	vsel vm1, v5, v7;
	[tilespmem:s0+$0xC200] =	vst v8  }
0x570: {  	v4 =	vld [tilespmem:s6+$0xC200];
	[tilespmem:s0+$0xC210] =	vst v6  }
0x571: {  	v6 =	vld [tilespmem:s6+$0xC210];
	[tilespmem:s0+$0xC490] =	vst v5  }
0x572: {  	v5 =	vld [tilespmem:s6+$0xC490];
	[tilespmem:s0+$0xC480] =	vst v9;
	s0 =	smov.u32 s6  }
0x573: {  	v7 =	vld [tilespmem:s0+$0xC480]  }
.Ltmp103:
0x574: {  	(pc) =	sbr.rel @p0 .LBB2_141-.Ltmp103, $4  }
0x575: {  	_ = 	snop  }
0x576: {  	vm1 =	vgt.s32 v4, v6  }
0x577: {  	vm2 =	veq.s32 v4, v6  }
0x578: {  	vm3 =	vlt.s32 v7, v5  }
.LBB2_142:
0x579: {  	vm2 =	vmand vm2, vm3  }
0x57a: {  	p0 =	por $0x1, $0x1;
	vm1 =	vmor vm1, vm2  }
.Ltmp104:
0x57b: {  	v8 =	vsel vm1, v4, v6;
	(pc) =	sbr.rel @!p0 .LBB2_144-.Ltmp104, $4  }
0x57c: {  	v4 =	vsel vm1, v6, v4;
	[tilespmem:s0+$0xC200] =	vst v8  }
0x57d: {  	v63 =	vsel vm1, v5, v7;
	[tilespmem:s0+$0xC210] =	vst v4  }
0x57e: {  	v4 =	vsel vm1, v7, v5;
	[tilespmem:s0+$0xC490] =	vst v63  }
0x57f: {  	s3 =	simm.s32 $0x40;
	[tilespmem:s0+$0xC480] =	vst v4;
	s0 =	simm.s32 $0x0  }
.LBB2_143:
0x580: {  	p0 =	sne.s32 s3, $0x7C0;
	v4 =	vld [tilespmem:s0+$0xC200]  }
0x581: {  	v5 =	vld [tilespmem:s0+$0xC480];
	_ =	sdelay $0x3  }
0x582: {  	v4 =	vxor.u32 $0x80000000, v4  }
0x583: {  	(xrf1) =	vsort.dscd.msk.u32 $0xffff, v4, v5;
	_ =	sdelay $0xb  }
.Ltmp105:
0x584: {  	(pc) =	sbr.rel @p0 .LBB2_143-.Ltmp105, $4  }
0x585: {  	_ = 	snop  }
0x586: {  	v4, v5, _ =	vpop (xrf1)  }
0x587: {  	v4 =	vxor.u32 $0x80000000, v4;
	[tilespmem:s0+$0xC480] =	vst v5  }
0x588: {  	[tilespmem:s0+$0xC200] =	vst v4;
	s0 =	sshra.s32 s3, $0x2;
	s3 =	sadd.s32 $0x40, s3  }
.LBB2_144:
0x589: {  	v4 =	vld [tilespmem:s0+$0xC200]  }
0x58a: {  	v5 =	vld [tilespmem:s0+$0xC480];
	_ =	sdelay $0x3  }
0x58b: {  	v4 =	vxor.u32 $0x80000000, v4  }
0x58c: {  	(xrf1) =	vsort.dscd.msk.u32 $0xffff, v4, v5;
	_ =	sdelay $0xb  }
0x58d: {  	s23 =	simm.s32 $0x0  }
0x58e: {  	s3 =	sand.u32 $0x3, s23;
	s6 =	sand.u32 $0x18, s23  }
0x58f: {  	s3 =	sor.u32 s3, s6;
	v4, v5, _ =	vpop (xrf1)  }
0x590: {  	s24 =	sshll.u32 s3, $0x4;
	v4 =	vxor.u32 $0x80000000, v4;
	[tilespmem:s0+$0xC480] =	vst v5  }
0x591: {  	s29 =	sxor.u32 $0x70, s24;
	[tilespmem:s0+$0xC200] =	vst v4  }
0x592: {  	v4 =	vld [tilespmem:s29+$0xC480]  }
0x593: {  	v5 =	vld [tilespmem:s29+$0xC200]  }
0x594: {  	v6 =	vld [tilespmem:s24+$0xC200]  }
0x595: {  	v7 =	vld [tilespmem:s24+$0xC480];
	_ =	sdelay $0x2  }
0x596: {  	v5 =	vperm.xlane v5, v3;
	v4 =	vperm.xlane v4, v3;
	_ =	sdelay $0x1  }
0x597: {  	vm1 =	veq.s32 v6, v5;
	vm2 =	vlt.s32 v7, v4  }
0x598: {  	vm3 =	vgt.s32 v6, v5;
	vm1 =	vmand vm1, vm2  }
0x599: {  	vm1 =	vmor vm3, vm1  }
0x59a: {  	s30 =	simm.s32 $0x1;
	s0 =	simm.s32 $0x2;
	v8 =	vsel vm1, v4, v7  }
0x59b: {  	s3 =	sand.u32 $0x3, s30;
	s31 =	sand.u32 $0x18, s0;
	v9 =	vsel vm1, v5, v6;
	[tilespmem:s24+$0xC9C0] =	vst v8  }
0x59c: {  	s6 =	sor.u32 s3, s31;
	s3 =	simm.s32 $0x2;
	v4 =	vsel vm1, v7, v4;
	v5 =	vsel vm1, v6, v5;
	[tilespmem:s24+$0xC740] =	vst v9  }
.LBB2_145:
0x59d: {  	p0 =	sne.s32 s3, $0xF;
	s6 =	sshll.u32 s6, $0x4;
	[tilespmem:s24+$0xC980] =	vst v4  }
0x59e: {  	s7 =	sxor.u32 $0x70, s6;
	[tilespmem:s24+$0xC700] =	vst v5;
	s24 =	smov.u32 s6  }
0x59f: {  	v4 =	vld [tilespmem:s7+$0xC480]  }
0x5a0: {  	v5 =	vld [tilespmem:s7+$0xC200]  }
0x5a1: {  	v6 =	vld [tilespmem:s24+$0xC200]  }
0x5a2: {  	v7 =	vld [tilespmem:s24+$0xC480];
	_ =	sdelay $0x2  }
0x5a3: {  	v8 =	vperm.xlane v4, v3;
	v5 =	vperm.xlane v5, v3;
	_ =	sdelay $0x1  }
0x5a4: {  	vm1 =	veq.s32 v6, v5;
	vm2 =	vlt.s32 v7, v8  }
.Ltmp106:
0x5a5: {  	vm3 =	vgt.s32 v6, v5;
	vm1 =	vmand vm1, vm2;
	(pc) =	sbr.rel @p0 .LBB2_145-.Ltmp106, $4  }
0x5a6: {  	vm1 =	vmor vm3, vm1  }
0x5a7: {  	s0 =	sadd.s32 $0x2, s0;
	v4 =	vsel vm1, v7, v8;
	v9 =	vsel vm1, v5, v6;
	v7 =	vsel vm1, v8, v7  }
0x5a8: {  	s6 =	sand.u32 $0x3, s3;
	s7 =	sand.u32 $0x18, s0;
	v5 =	vsel vm1, v6, v5;
	[tilespmem:s24+$0xC9C0] =	vst v7  }
0x5a9: {  	s3 =	sadd.s32 $0x1, s3;
	s6 =	sor.u32 s6, s7;
	[tilespmem:s24+$0xC740] =	vst v9  }
0x5aa: {  	s3 =	sshll.u32 s6, $0x4;
	[tilespmem:s24+$0xC980] =	vst v4  }
0x5ab: {  	[tilespmem:s24+$0xC700] =	vst v5;
	s0 =	sxor.u32 $0x70, s3  }
0x5ac: {  	v4 =	vld [tilespmem:s0+$0xC480]  }
0x5ad: {  	v5 =	vld [tilespmem:s0+$0xC200]  }
0x5ae: {  	v6 =	vld [tilespmem:s3+$0xC200]  }
0x5af: {  	v7 =	vld [tilespmem:s3+$0xC480];
	_ =	sdelay $0x2  }
0x5b0: {  	v5 =	vperm.xlane v5, v3;
	v4 =	vperm.xlane v4, v3;
	_ =	sdelay $0x1  }
0x5b1: {  	vm1 =	veq.s32 v6, v5;
	vm2 =	vlt.s32 v7, v4  }
0x5b2: {  	vm3 =	vgt.s32 v6, v5;
	vm1 =	vmand vm1, vm2  }
0x5b3: {  	vm1 =	vmor vm3, vm1  }
0x5b4: {  	v8 =	vsel vm1, v4, v7  }
0x5b5: {  	s29 =	sand.u32 $0x1C0, s23;
	s30 =	sand.u32 $0x10, s23;
	v9 =	vsel vm1, v5, v6;
	[tilespmem:s3+$0xC9C0] =	vst v8  }
0x5b6: {  	s0 =	sor.u32 s30, s29;
	v4 =	vsel vm1, v7, v4;
	[tilespmem:s3+$0xC740] =	vst v9  }
0x5b7: {  	s31 =	sand.u32 $0x180, s23;
	s7 =	sand.u32 $0x50, s0;
	v5 =	vsel vm1, v6, v5;
	[tilespmem:s3+$0xC980] =	vst v4  }
0x5b8: {  	[tilespmem:s3+$0xC700] =	vst v5;
	s3 =	sor.u32 s7, s31  }
0x5b9: {  	v4 =	vld [tilespmem:s3+$0xC720]  }
0x5ba: {  	v5 =	vld [tilespmem:s3+$0xC9A0]  }
0x5bb: {  	v6 =	vld [tilespmem:s0+$0xC980]  }
0x5bc: {  	s7 =	simm.s32 $0x10;
	v7 =	vld [tilespmem:s0+$0xC700]  }
.LBB2_147:
0x5bd: {  	p0 =	sne.s32 s7, $0xF0  }
0x5be: {  	s23 =	sadd.s32 $0x20, s23;
	s6 =	smov.u32 s7;
	s7 =	sadd.s32 $0x10, s7  }
0x5bf: {  	s9 =	sand.u32 $0x1C0, s23;
	s6 =	sand.u32 $0x10, s6  }
0x5c0: {  	s6 =	sor.u32 s6, s9  }
0x5c1: {  	s9 =	sand.u32 $0x180, s23;
	vm2 =	vlt.s32 v6, v5;
	s24 =	sand.u32 $0x50, s6;
	vm1 =	veq.s32 v7, v4  }
0x5c2: {  	vm3 =	vgt.s32 v7, v4;
	s9 =	sor.u32 s24, s9;
	vm1 =	vmand vm1, vm2  }
0x5c3: {  	vm1 =	vmor vm3, vm1  }
0x5c4: {  	v8 =	vsel vm1, v7, v4;
	v9 =	vsel vm1, v6, v5;
	v5 =	vsel vm1, v5, v6  }
0x5c5: {  	v4 =	vsel vm1, v4, v7;
	[tilespmem:s0+$0xC700] =	vst v8  }
0x5c6: {  	[tilespmem:s0+$0xC980] =	vst v9;
	s0 =	smov.u32 s6  }
0x5c7: {  	[tilespmem:s3+$0xC720] =	vst v4  }
.Ltmp107:
0x5c8: {  	v4 =	vld [tilespmem:s9+$0xC720];
	[tilespmem:s3+$0xC9A0] =	vst v5;
	s3 =	smov.u32 s9;
	(pc) =	sbr.rel @p0 .LBB2_147-.Ltmp107, $3  }
0x5c9: {  	v5 =	vld [tilespmem:s3+$0xC9A0]  }
0x5ca: {  	v6 =	vld [tilespmem:s0+$0xC980]  }
0x5cb: {  	v7 =	vld [tilespmem:s0+$0xC700];
	_ =	sdelay $0x1  }
0x5cc: {  	_ =	sdelay $0x2  }
0x5cd: {  	vm2 =	vlt.s32 v6, v5;
	vm1 =	veq.s32 v7, v4  }
0x5ce: {  	vm3 =	vgt.s32 v7, v4;
	vm1 =	vmand vm1, vm2  }
0x5cf: {  	vm1 =	vmor vm3, vm1  }
0x5d0: {  	v8 =	vsel vm1, v7, v4  }
0x5d1: {  	v9 =	vsel vm1, v6, v5;
	[tilespmem:s0+$0xC700] =	vst v8  }
0x5d2: {  	v4 =	vsel vm1, v4, v7;
	[tilespmem:s0+$0xC980] =	vst v9  }
0x5d3: {  	v5 =	vsel vm1, v5, v6;
	[tilespmem:s3+$0xC720] =	vst v4  }
0x5d4: {  	s0 =	simm.s32 $0x0;
	[tilespmem:s3+$0xC9A0] =	vst v5  }
0x5d5: {  	v4 =	vld [tilespmem:s0+$0xC700]  }
0x5d6: {  	v6 =	vld [tilespmem:s0+$0xC710]  }
0x5d7: {  	v5 =	vld [tilespmem:s0+$0xC990]  }
0x5d8: {  	v7 =	vld [tilespmem:s0+$0xC980];
	_ =	sdelay $0x4  }
0x5d9: {  	s3 =	simm.s32 $0x80;
	vm1 =	vgt.s32 v4, v6;
	vm2 =	veq.s32 v4, v6;
	vm3 =	vlt.s32 v7, v5  }
.LBB2_149:
0x5da: {  	p0 =	sne.s32 s3, $0x780;
	vm2 =	vmand vm2, vm3;
	s6 =	smov.u32 s3;
	s3 =	sadd.s32 $0x80, s3  }
0x5db: {  	vm1 =	vmor vm1, vm2  }
0x5dc: {  	v8 =	vsel vm1, v4, v6;
	v9 =	vsel vm1, v7, v5;
	v6 =	vsel vm1, v6, v4  }
0x5dd: {  	s6 =	sshra.s32 s6, $0x2;
	v5 =	vsel vm1, v5, v7;
	[tilespmem:s0+$0xC700] =	vst v8  }
0x5de: {  	v4 =	vld [tilespmem:s6+$0xC700];
	[tilespmem:s0+$0xC710] =	vst v6  }
0x5df: {  	v6 =	vld [tilespmem:s6+$0xC710];
	[tilespmem:s0+$0xC990] =	vst v5  }
0x5e0: {  	v5 =	vld [tilespmem:s6+$0xC990];
	[tilespmem:s0+$0xC980] =	vst v9;
	s0 =	smov.u32 s6  }
0x5e1: {  	v7 =	vld [tilespmem:s0+$0xC980]  }
.Ltmp108:
0x5e2: {  	(pc) =	sbr.rel @p0 .LBB2_149-.Ltmp108, $4  }
0x5e3: {  	_ = 	snop  }
0x5e4: {  	vm1 =	vgt.s32 v4, v6  }
0x5e5: {  	vm2 =	veq.s32 v4, v6  }
0x5e6: {  	vm3 =	vlt.s32 v7, v5  }
0x5e7: {  	vm2 =	vmand vm2, vm3  }
0x5e8: {  	vm1 =	vmor vm1, vm2  }
0x5e9: {  	v8 =	vsel vm1, v4, v6  }
0x5ea: {  	v4 =	vsel vm1, v6, v4;
	[tilespmem:s0+$0xC700] =	vst v8  }
0x5eb: {  	v63 =	vsel vm1, v5, v7;
	[tilespmem:s0+$0xC710] =	vst v4  }
0x5ec: {  	v4 =	vsel vm1, v7, v5;
	[tilespmem:s0+$0xC990] =	vst v63  }
0x5ed: {  	s3 =	simm.s32 $0x40;
	[tilespmem:s0+$0xC980] =	vst v4;
	s0 =	simm.s32 $0x0  }
.LBB2_151:
0x5ee: {  	p0 =	sne.s32 s3, $0x7C0;
	v4 =	vld [tilespmem:s0+$0xC700]  }
0x5ef: {  	v5 =	vld [tilespmem:s0+$0xC980];
	_ =	sdelay $0x3  }
0x5f0: {  	v4 =	vxor.u32 $0x80000000, v4  }
0x5f1: {  	(xrf1) =	vsort.dscd.msk.u32 $0xffff, v4, v5;
	_ =	sdelay $0xb  }
.Ltmp109:
0x5f2: {  	(pc) =	sbr.rel @p0 .LBB2_151-.Ltmp109, $4  }
0x5f3: {  	_ = 	snop  }
0x5f4: {  	v4, v5, _ =	vpop (xrf1)  }
0x5f5: {  	v4 =	vxor.u32 $0x80000000, v4;
	[tilespmem:s0+$0xC980] =	vst v5  }
0x5f6: {  	[tilespmem:s0+$0xC700] =	vst v4;
	s0 =	sshra.s32 s3, $0x2;
	s3 =	sadd.s32 $0x40, s3  }
0x5f7: {  	v4 =	vld [tilespmem:s0+$0xC700]  }
0x5f8: {  	v5 =	vld [tilespmem:s0+$0xC980];
	_ =	sdelay $0x3  }
0x5f9: {  	v4 =	vxor.u32 $0x80000000, v4  }
0x5fa: {  	(xrf1) =	vsort.dscd.msk.u32 $0xffff, v4, v5;
	_ =	sdelay $0xa  }
0x5fb: {  	s23 =	simm.s32 $0x0  }
0x5fc: {  	s3 =	sand.u32 $0x10, s23  }
0x5fd: {  	s6 =	sor.u32 $0x8, s3  }
0x5fe: {  	s7 =	sor.u32 s23, s6;
	v4, v5, _ =	vpop (xrf1)  }
0x5ff: {  	s7 =	sshll.u32 s7, $0x4;
	v4 =	vxor.u32 $0x80000000, v4;
	[tilespmem:s0+$0xC980] =	vst v5  }
0x600: {  	s25 =	sand.u32 $0x7, s23;
	s29 =	sxor.u32 $0x70, s7;
	[tilespmem:s0+$0xC700] =	vst v4  }
0x601: {  	s3 =	sor.u32 s25, s3;
	v4 =	vld [tilespmem:s29+$0xC980]  }
0x602: {  	s30 =	sshll.u32 s3, $0x4;
	v5 =	vld [tilespmem:s29+$0xC700]  }
0x603: {  	v6 =	vld [tilespmem:s30+$0xC700]  }
0x604: {  	v7 =	vld [tilespmem:s30+$0xC980];
	_ =	sdelay $0x2  }
0x605: {  	v5 =	vperm.xlane v5, v3;
	v4 =	vperm.xlane v4, v3;
	_ =	sdelay $0x1  }
0x606: {  	vm1 =	veq.s32 v6, v5;
	vm2 =	vlt.s32 v7, v4  }
0x607: {  	vm3 =	vgt.s32 v6, v5;
	vm1 =	vmand vm1, vm2  }
0x608: {  	s0 =	simm.s32 $0x2;
	vm1 =	vmor vm3, vm1  }
0x609: {  	s9 =	sand.u32 $0x10, s0;
	v8 =	vsel vm1, v6, v5  }
0x60a: {  	s3 =	simm.s32 $0x1;
	s6 =	sor.u32 s25, s6;
	s24 =	sor.u32 $0x8, s9;
	v63 =	vsel vm1, v7, v4;
	[tilespmem:s30+$0xC200] =	vst v8  }
0x60b: {  	s6 =	sshll.u32 s6, $0x4;
	s31 =	sor.u32 s3, s24;
	v7 =	vsel vm1, v4, v7;
	[tilespmem:s30+$0xC480] =	vst v63  }
0x60c: {  	s7 =	simm.s32 $0x2;
	s25 =	sshll.u32 s31, $0x4;
	v4 =	vsel vm1, v5, v6;
	[tilespmem:s6+$0xC480] =	vst v7  }
.LBB2_153:
0x60d: {  	p0 =	sne.s32 s7, $0xF;
	s26 =	sand.u32 $0x7, s3;
	s25 =	sxor.u32 $0x70, s25;
	[tilespmem:s6+$0xC200] =	vst v4  }
0x60e: {  	s3 =	smov.u32 s7;
	s6 =	sor.u32 s26, s9;
	v4 =	vld [tilespmem:s25+$0xC980]  }
0x60f: {  	s6 =	sshll.u32 s6, $0x4;
	v5 =	vld [tilespmem:s25+$0xC700]  }
0x610: {  	v6 =	vld [tilespmem:s6+$0xC700]  }
0x611: {  	v7 =	vld [tilespmem:s6+$0xC980];
	_ =	sdelay $0x2  }
0x612: {  	v8 =	vperm.xlane v4, v3;
	v5 =	vperm.xlane v5, v3;
	_ =	sdelay $0x1  }
0x613: {  	vm1 =	veq.s32 v6, v5;
	vm2 =	vlt.s32 v7, v8  }
0x614: {  	vm3 =	vgt.s32 v6, v5;
	vm1 =	vmand vm1, vm2  }
.Ltmp110:
0x615: {  	s0 =	sadd.s32 $0x2, s0;
	vm1 =	vmor vm3, vm1;
	(pc) =	sbr.rel @p0 .LBB2_153-.Ltmp110, $4  }
0x616: {  	s9 =	sand.u32 $0x10, s0;
	v9 =	vsel vm1, v6, v5;
	v4 =	vsel vm1, v5, v6  }
0x617: {  	s25 =	sor.u32 s26, s24;
	s24 =	sor.u32 $0x8, s9;
	v5 =	vsel vm1, v7, v8;
	[tilespmem:s6+$0xC200] =	vst v9  }
0x618: {  	s26 =	sor.u32 s7, s24;
	[tilespmem:s6+$0xC480] =	vst v5;
	s6 =	sshll.u32 s25, $0x4;
	v5 =	vsel vm1, v8, v7  }
0x619: {  	s7 =	sadd.s32 $0x1, s7;
	s25 =	sshll.u32 s26, $0x4;
	[tilespmem:s6+$0xC480] =	vst v5  }
0x61a: {  	s0 =	sand.u32 $0x7, s3;
	s28 =	sxor.u32 $0x70, s25;
	[tilespmem:s6+$0xC200] =	vst v4  }
0x61b: {  	s29 =	sor.u32 s0, s9;
	v4 =	vld [tilespmem:s28+$0xC980]  }
0x61c: {  	v5 =	vld [tilespmem:s28+$0xC700];
	s6 =	sshll.u32 s29, $0x4  }
0x61d: {  	v6 =	vld [tilespmem:s6+$0xC700]  }
0x61e: {  	v7 =	vld [tilespmem:s6+$0xC980];
	_ =	sdelay $0x2  }
0x61f: {  	v5 =	vperm.xlane v5, v3;
	v4 =	vperm.xlane v4, v3;
	_ =	sdelay $0x1  }
0x620: {  	vm1 =	veq.s32 v6, v5;
	vm2 =	vlt.s32 v7, v4  }
0x621: {  	vm3 =	vgt.s32 v6, v5;
	vm1 =	vmand vm1, vm2  }
0x622: {  	vm1 =	vmor vm3, vm1  }
0x623: {  	v8 =	vsel vm1, v6, v5  }
0x624: {  	s0 =	sor.u32 s0, s24;
	[tilespmem:s6+$0xC200] =	vst v8;
	v8 =	vsel vm1, v7, v4  }
0x625: {  	s0 =	sshll.u32 s0, $0x4;
	v4 =	vsel vm1, v4, v7;
	[tilespmem:s6+$0xC480] =	vst v8  }
0x626: {  	s30 =	sand.u32 $0x30, s23;
	s31 =	sand.u32 $0x180, s23;
	v5 =	vsel vm1, v5, v6;
	[tilespmem:s0+$0xC480] =	vst v4  }
0x627: {  	s24 =	sor.u32 s30, s31;
	[tilespmem:s0+$0xC200] =	vst v5  }
0x628: {  	v5 =	vld [tilespmem:s24+$0xC240]  }
0x629: {  	v4 =	vld [tilespmem:s24+$0xC4C0]  }
0x62a: {  	v7 =	vld [tilespmem:s24+$0xC200]  }
0x62b: {  	v6 =	vld [tilespmem:s24+$0xC480];
	_ =	sdelay $0x4  }
0x62c: {  	s3 =	simm.s32 $0x20;
	vm1 =	vgt.s32 v7, v5;
	vm2 =	veq.s32 v7, v5;
	vm3 =	vlt.s32 v6, v4  }
.LBB2_155:
0x62d: {  	p0 =	sne.s32 s3, $0x1E0  }
0x62e: {  	vm2 =	vmand vm2, vm3;
	s23 =	sadd.s32 $0x10, s23;
	s0 =	smov.u32 s3;
	s3 =	sadd.s32 $0x20, s3  }
0x62f: {  	vm1 =	vmor vm1, vm2  }
0x630: {  	s6 =	sand.u32 $0x30, s23;
	s0 =	sand.u32 $0x180, s0;
	v8 =	vsel vm1, v7, v5;
	v9 =	vsel vm1, v6, v4;
	v5 =	vsel vm1, v5, v7  }
0x631: {  	s0 =	sor.u32 s6, s0;
	v4 =	vsel vm1, v4, v6;
	[tilespmem:s24+$0xC240] =	vst v5  }
0x632: {  	v5 =	vld [tilespmem:s0+$0xC240];
	[tilespmem:s24+$0xC4C0] =	vst v4  }
0x633: {  	v4 =	vld [tilespmem:s0+$0xC4C0];
	[tilespmem:s24+$0xC200] =	vst v8  }
0x634: {  	v7 =	vld [tilespmem:s0+$0xC200];
	[tilespmem:s24+$0xC480] =	vst v9;
	s24 =	smov.u32 s0  }
0x635: {  	v6 =	vld [tilespmem:s24+$0xC480]  }
.Ltmp111:
0x636: {  	(pc) =	sbr.rel @p0 .LBB2_155-.Ltmp111, $3  }
0x637: {  	_ =	sdelay $0x1  }
0x638: {  	vm1 =	vgt.s32 v7, v5  }
0x639: {  	s0 =	simm.s32 $0x0;
	vm2 =	veq.s32 v7, v5;
	vm3 =	vlt.s32 v6, v4  }
0x63a: {  	vm2 =	vmand vm2, vm3  }
0x63b: {  	vm1 =	vmor vm1, vm2  }
0x63c: {  	v8 =	vsel vm1, v5, v7  }
0x63d: {  	s3 =	sand.u32 $0x1C0, s0;
	s6 =	sand.u32 $0x10, s0;
	v5 =	vsel vm1, v7, v5;
	[tilespmem:s24+$0xC240] =	vst v8  }
0x63e: {  	s3 =	sor.u32 s6, s3;
	v8 =	vsel vm1, v4, v6;
	[tilespmem:s24+$0xC200] =	vst v5  }
0x63f: {  	s31 =	sand.u32 $0x180, s0;
	s7 =	sand.u32 $0x50, s3;
	v4 =	vsel vm1, v6, v4;
	[tilespmem:s24+$0xC4C0] =	vst v8  }
0x640: {  	s7 =	sor.u32 s7, s31;
	[tilespmem:s24+$0xC480] =	vst v4  }
0x641: {  	v4 =	vld [tilespmem:s7+$0xC220]  }
0x642: {  	v5 =	vld [tilespmem:s7+$0xC4A0]  }
0x643: {  	v6 =	vld [tilespmem:s3+$0xC480]  }
0x644: {  	s9 =	simm.s32 $0x10;
	v7 =	vld [tilespmem:s3+$0xC200]  }
.LBB2_157:
0x645: {  	p0 =	sne.s32 s9, $0xF0  }
0x646: {  	s0 =	sadd.s32 $0x20, s0;
	s6 =	smov.u32 s9;
	s9 =	sadd.s32 $0x10, s9  }
0x647: {  	s23 =	sand.u32 $0x1C0, s0;
	s6 =	sand.u32 $0x10, s6  }
0x648: {  	s6 =	sor.u32 s6, s23  }
0x649: {  	s23 =	sand.u32 $0x180, s0;
	s24 =	sand.u32 $0x50, s6;
	vm2 =	vlt.s32 v6, v5;
	vm1 =	veq.s32 v7, v4  }
0x64a: {  	s23 =	sor.u32 s24, s23;
	vm3 =	vgt.s32 v7, v4;
	vm1 =	vmand vm1, vm2  }
0x64b: {  	vm1 =	vmor vm3, vm1  }
0x64c: {  	v8 =	vsel vm1, v7, v4;
	v9 =	vsel vm1, v6, v5;
	v5 =	vsel vm1, v5, v6  }
0x64d: {  	v4 =	vsel vm1, v4, v7;
	[tilespmem:s3+$0xC200] =	vst v8  }
0x64e: {  	[tilespmem:s3+$0xC480] =	vst v9;
	s3 =	smov.u32 s6  }
.Ltmp112:
0x64f: {  	[tilespmem:s7+$0xC220] =	vst v4;
	(pc) =	sbr.rel @p0 .LBB2_157-.Ltmp112, $4  }
0x650: {  	v4 =	vld [tilespmem:s23+$0xC220];
	[tilespmem:s7+$0xC4A0] =	vst v5;
	s7 =	smov.u32 s23  }
0x651: {  	v5 =	vld [tilespmem:s7+$0xC4A0]  }
0x652: {  	v6 =	vld [tilespmem:s3+$0xC480]  }
0x653: {  	v7 =	vld [tilespmem:s3+$0xC200]  }
0x654: {  	_ =	sdelay $0x3  }
0x655: {  	vm2 =	vlt.s32 v6, v5;
	vm1 =	veq.s32 v7, v4  }
0x656: {  	vm3 =	vgt.s32 v7, v4;
	vm1 =	vmand vm1, vm2  }
0x657: {  	vm1 =	vmor vm3, vm1  }
0x658: {  	v8 =	vsel vm1, v7, v4  }
0x659: {  	v9 =	vsel vm1, v6, v5;
	[tilespmem:s3+$0xC200] =	vst v8  }
0x65a: {  	v4 =	vsel vm1, v4, v7;
	[tilespmem:s3+$0xC480] =	vst v9  }
0x65b: {  	v5 =	vsel vm1, v5, v6;
	[tilespmem:s7+$0xC220] =	vst v4  }
0x65c: {  	s0 =	simm.s32 $0x0;
	[tilespmem:s7+$0xC4A0] =	vst v5  }
0x65d: {  	v4 =	vld [tilespmem:s0+$0xC200]  }
0x65e: {  	v6 =	vld [tilespmem:s0+$0xC210]  }
0x65f: {  	v5 =	vld [tilespmem:s0+$0xC490]  }
0x660: {  	v7 =	vld [tilespmem:s0+$0xC480];
	_ =	sdelay $0x4  }
0x661: {  	s3 =	simm.s32 $0x80;
	vm1 =	vgt.s32 v4, v6;
	vm2 =	veq.s32 v4, v6;
	vm3 =	vlt.s32 v7, v5  }
.LBB2_159:
0x662: {  	p0 =	sne.s32 s3, $0x780;
	vm2 =	vmand vm2, vm3;
	s6 =	smov.u32 s3;
	s3 =	sadd.s32 $0x80, s3  }
0x663: {  	vm1 =	vmor vm1, vm2  }
0x664: {  	v8 =	vsel vm1, v4, v6;
	v9 =	vsel vm1, v7, v5;
	v6 =	vsel vm1, v6, v4  }
0x665: {  	s6 =	sshra.s32 s6, $0x2;
	v5 =	vsel vm1, v5, v7;
	[tilespmem:s0+$0xC200] =	vst v8  }
0x666: {  	v4 =	vld [tilespmem:s6+$0xC200];
	[tilespmem:s0+$0xC210] =	vst v6  }
0x667: {  	v6 =	vld [tilespmem:s6+$0xC210];
	[tilespmem:s0+$0xC490] =	vst v5  }
0x668: {  	v5 =	vld [tilespmem:s6+$0xC490];
	[tilespmem:s0+$0xC480] =	vst v9;
	s0 =	smov.u32 s6  }
0x669: {  	v7 =	vld [tilespmem:s0+$0xC480]  }
.Ltmp113:
0x66a: {  	(pc) =	sbr.rel @p0 .LBB2_159-.Ltmp113, $4  }
0x66b: {  	_ = 	snop  }
0x66c: {  	vm1 =	vgt.s32 v4, v6  }
0x66d: {  	vm2 =	veq.s32 v4, v6  }
0x66e: {  	vm3 =	vlt.s32 v7, v5  }
0x66f: {  	vm2 =	vmand vm2, vm3  }
0x670: {  	vm1 =	vmor vm1, vm2  }
0x671: {  	v8 =	vsel vm1, v4, v6  }
0x672: {  	v4 =	vsel vm1, v6, v4;
	[tilespmem:s0+$0xC200] =	vst v8  }
0x673: {  	v63 =	vsel vm1, v5, v7;
	[tilespmem:s0+$0xC210] =	vst v4  }
0x674: {  	v4 =	vsel vm1, v7, v5;
	[tilespmem:s0+$0xC490] =	vst v63  }
0x675: {  	s3 =	simm.s32 $0x0;
	s7 =	simm.s32 $0x40;
	[tilespmem:s0+$0xC480] =	vst v4;
	s0 =	simm.s32 $0x0  }
.LBB2_161:
0x676: {  	p0 =	sne.s32 s7, $0x7C0;
	v4 =	vld [tilespmem:s0+$0xC200]  }
0x677: {  	v5 =	vld [tilespmem:s0+$0xC480];
	_ =	sdelay $0x3  }
0x678: {  	v4 =	vxor.u32 $0x80000000, v4  }
0x679: {  	(xrf1) =	vsort.dscd.msk.u32 $0xffff, v4, v5;
	_ =	sdelay $0xb  }
.Ltmp114:
0x67a: {  	(pc) =	sbr.rel @p0 .LBB2_161-.Ltmp114, $4  }
0x67b: {  	_ = 	snop  }
0x67c: {  	v4, v5, _ =	vpop (xrf1)  }
0x67d: {  	v4 =	vxor.u32 $0x80000000, v4;
	[tilespmem:s0+$0xC480] =	vst v5  }
0x67e: {  	[tilespmem:s0+$0xC200] =	vst v4;
	s0 =	sshra.s32 s7, $0x2;
	s7 =	sadd.s32 $0x40, s7  }
0x67f: {  	v4 =	vld [tilespmem:s0+$0xC200]  }
0x680: {  	v5 =	vld [tilespmem:s0+$0xC480];
	_ =	sdelay $0x3  }
0x681: {  	v4 =	vxor.u32 $0x80000000, v4  }
0x682: {  	(xrf1) =	vsort.dscd.msk.u32 $0xffff, v4, v5;
	_ =	sdelay $0xd  }
0x683: {  	v4, v5, _ =	vpop (xrf1)  }
0x684: {  	v4 =	vxor.u32 $0x80000000, v4;
	[tilespmem:s0+$0xC480] =	vst v5  }
0x685: {  	s28 =	sxor.u32 $0x1F0, s3;
	[tilespmem:s0+$0xC200] =	vst v4  }
0x686: {  	v4 =	vld [tilespmem:s28+$0xC200]  }
0x687: {  	s29 =	simm.s32 $0xC200;
	v5 =	vld [tilespmem:s28+$0xC480]  }
0x688: {  	s30 =	simm.s32 $0xC480;
	v6 =	vld [tilespmem:s29+$0x0]  }
0x689: {  	v7 =	vld [tilespmem:s30+$0x0];
	_ =	sdelay $0x2  }
0x68a: {  	v4 =	vperm.xlane v4, v3;
	v5 =	vperm.xlane v5, v3;
	_ =	sdelay $0x1  }
0x68b: {  	vm1 =	veq.s32 v6, v4;
	vm2 =	vlt.s32 v7, v5  }
0x68c: {  	vm3 =	vgt.s32 v6, v4;
	vm1 =	vmand vm1, vm2  }
0x68d: {  	vm1 =	vmor vm3, vm1  }
0x68e: {  	s23 =	simm.s32 $0xC800;
	v8 =	vsel vm1, v6, v4  }
0x68f: {  	s0 =	simm.s32 $0xCA80;
	[tilespmem:s23+$0xFFFFFF00] =	vst v8;
	v8 =	vsel vm1, v7, v5  }
0x690: {  	v4 =	vsel vm1, v4, v6;
	[tilespmem:s0+$0xFFFFFF00] =	vst v8  }
0x691: {  	s31 =	simm.s32 $0x10;
	v5 =	vsel vm1, v5, v7;
	[tilespmem:s23+$0x0] =	vst v4  }
0x692: {  	s3 =	sxor.u32 $0x1F0, s31;
	[tilespmem:s0+$0x0] =	vst v5  }
0x693: {  	v6 =	vld [tilespmem:s3+$0xC200]  }
0x694: {  	s7 =	simm.s32 $0xC490;
	v7 =	vld [tilespmem:s3+$0xC480]  }
0x695: {  	s3 =	simm.s32 $0xC210;
	v4 =	vld [tilespmem:s7+$0x0]  }
0x696: {  	s9 =	simm.s32 $0x20;
	v5 =	vld [tilespmem:s3+$0x0]  }
.LBB2_163:
0x697: {  	p0 =	sne.s32 s9, $0xF0;
	_ =	sdelay $0x1  }
0x698: {  	v6 =	vperm.xlane v6, v3;
	v7 =	vperm.xlane v7, v3;
	_ =	sdelay $0x1  }
0x699: {  	vm1 =	veq.s32 v5, v6;
	vm2 =	vlt.s32 v4, v7  }
0x69a: {  	vm3 =	vgt.s32 v5, v6;
	vm1 =	vmand vm1, vm2  }
0x69b: {  	vm1 =	vmor vm3, vm1  }
0x69c: {  	s23 =	sadd.s32 $0x10, s23;
	v8 =	vsel vm1, v5, v6;
	v5 =	vsel vm1, v6, v5;
	v6 =	vsel vm1, v7, v4  }
0x69d: {  	s0 =	sadd.s32 $0x10, s0;
	v4 =	vsel vm1, v4, v7;
	[tilespmem:s23+$0xFFFFFF00] =	vst v8  }
0x69e: {  	[tilespmem:s0+$0xFFFFFF00] =	vst v4  }
0x69f: {  	[tilespmem:s23+$0x0] =	vst v5  }
.Ltmp115:
0x6a0: {  	s6 =	sxor.u32 $0x1F0, s9;
	[tilespmem:s0+$0x0] =	vst v6;
	(pc) =	sbr.rel @p0 .LBB2_163-.Ltmp115, $4  }
0x6a1: {  	v6 =	vld [tilespmem:s6+$0xC200]  }
0x6a2: {  	s3 =	sadd.s32 $0x10, s3;
	v7 =	vld [tilespmem:s6+$0xC480]  }
0x6a3: {  	s7 =	sadd.s32 $0x10, s7;
	v5 =	vld [tilespmem:s3+$0x0]  }
0x6a4: {  	s9 =	sadd.s32 $0x10, s9;
	v4 =	vld [tilespmem:s7+$0x0]  }
0x6a5: {  	_ =	sdelay $0x1  }
0x6a6: {  	v6 =	vperm.xlane v6, v3;
	v7 =	vperm.xlane v7, v3;
	_ =	sdelay $0x1  }
0x6a7: {  	vm1 =	veq.s32 v5, v6;
	vm2 =	vlt.s32 v4, v7  }
0x6a8: {  	vm3 =	vgt.s32 v5, v6;
	vm1 =	vmand vm1, vm2  }
0x6a9: {  	vm1 =	vmor vm3, vm1  }
0x6aa: {  	s3 =	sadd.s32 $0x10, s23;
	v8 =	vsel vm1, v5, v6  }
0x6ab: {  	s0 =	sadd.s32 $0x10, s0;
	s23 =	simm.s32 $0x0;
	[tilespmem:s3+$0xFFFFFF00] =	vst v8;
	v8 =	vsel vm1, v4, v7  }
0x6ac: {  	s6 =	sand.u32 $0x100, s23;
	v5 =	vsel vm1, v6, v5;
	[tilespmem:s0+$0xFFFFFF00] =	vst v8  }
0x6ad: {  	p0 =	por $0x1, $0x1;
	s30 =	sor.u32 s6, s23;
	v4 =	vsel vm1, v7, v4;
	[tilespmem:s3+$0x0] =	vst v5  }
.Ltmp116:
0x6ae: {  	[tilespmem:s0+$0x0] =	vst v4;
	s0 =	sor.u32 $0x80, s30;
	(pc) =	sbr.rel @!p0 .LBB2_166-.Ltmp116, $4  }
0x6af: {  	s31 =	sand.u32 $0x70, s23;
	v4 =	vld [tilespmem:s0+$0xC700]  }
0x6b0: {  	s3 =	sor.u32 s31, s6;
	v5 =	vld [tilespmem:s0+$0xC980]  }
0x6b1: {  	v6 =	vld [tilespmem:s3+$0xC980]  }
0x6b2: {  	s7 =	simm.s32 $0x10;
	s9 =	simm.s32 $0x0;
	v7 =	vld [tilespmem:s3+$0xC700]  }
.LBB2_165:
0x6b3: {  	p0 =	sne.s32 s7, $0xF0  }
0x6b4: {  	s9 =	sadd.s32 $0x20, s9;
	s6 =	smov.u32 s7;
	s7 =	sadd.s32 $0x10, s7  }
0x6b5: {  	_ = 	snop  }
0x6b6: {  	s24 =	sand.u32 $0x100, s9  }
0x6b7: {  	s25 =	sand.u32 $0x70, s6;
	s6 =	sor.u32 s24, s6;
	vm2 =	vlt.s32 v6, v5;
	vm1 =	veq.s32 v7, v4  }
0x6b8: {  	s24 =	sor.u32 s25, s24;
	s6 =	sor.u32 $0x80, s6;
	vm3 =	vgt.s32 v7, v4;
	vm1 =	vmand vm1, vm2  }
0x6b9: {  	vm1 =	vmor vm3, vm1  }
0x6ba: {  	v8 =	vsel vm1, v7, v4;
	v9 =	vsel vm1, v6, v5;
	v5 =	vsel vm1, v5, v6  }
0x6bb: {  	v4 =	vsel vm1, v4, v7;
	[tilespmem:s3+$0xC700] =	vst v8  }
0x6bc: {  	[tilespmem:s3+$0xC980] =	vst v9;
	s3 =	smov.u32 s24  }
.Ltmp117:
0x6bd: {  	[tilespmem:s0+$0xC700] =	vst v4;
	(pc) =	sbr.rel @p0 .LBB2_165-.Ltmp117, $4  }
0x6be: {  	v4 =	vld [tilespmem:s6+$0xC700];
	[tilespmem:s0+$0xC980] =	vst v5;
	s0 =	smov.u32 s6  }
0x6bf: {  	v5 =	vld [tilespmem:s0+$0xC980]  }
0x6c0: {  	v6 =	vld [tilespmem:s3+$0xC980]  }
0x6c1: {  	v7 =	vld [tilespmem:s3+$0xC700]  }
.LBB2_166:
0x6c2: {  	_ =	sdelay $0x3  }
0x6c3: {  	vm2 =	vlt.s32 v6, v5;
	vm1 =	veq.s32 v7, v4  }
0x6c4: {  	vm3 =	vgt.s32 v7, v4;
	vm1 =	vmand vm1, vm2  }
0x6c5: {  	vm1 =	vmor vm3, vm1  }
0x6c6: {  	v8 =	vsel vm1, v7, v4  }
0x6c7: {  	v9 =	vsel vm1, v6, v5;
	[tilespmem:s3+$0xC700] =	vst v8  }
0x6c8: {  	v4 =	vsel vm1, v4, v7;
	[tilespmem:s3+$0xC980] =	vst v9  }
0x6c9: {  	s31 =	sand.u32 $0x30, s23;
	s6 =	sand.u32 $0x180, s23;
	v5 =	vsel vm1, v5, v6;
	[tilespmem:s0+$0xC700] =	vst v4  }
0x6ca: {  	s24 =	sor.u32 s31, s6;
	[tilespmem:s0+$0xC980] =	vst v5  }
0x6cb: {  	v5 =	vld [tilespmem:s24+$0xC740]  }
0x6cc: {  	v4 =	vld [tilespmem:s24+$0xC9C0]  }
0x6cd: {  	v7 =	vld [tilespmem:s24+$0xC700]  }
0x6ce: {  	p0 =	por $0x1, $0x1;
	v6 =	vld [tilespmem:s24+$0xC980]  }
.Ltmp118:
0x6cf: {  	_ = 	snop;
	(pc) =	sbr.rel @!p0 .LBB2_168-.Ltmp118, $2  }
0x6d0: {  	_ =	sdelay $0x2  }
0x6d1: {  	s3 =	simm.s32 $0x0;
	s0 =	simm.s32 $0x20;
	vm1 =	vgt.s32 v7, v5;
	vm2 =	veq.s32 v7, v5;
	vm3 =	vlt.s32 v6, v4  }
.LBB2_167:
0x6d2: {  	p0 =	sne.s32 s0, $0x1E0  }
0x6d3: {  	vm2 =	vmand vm2, vm3;
	s3 =	sadd.s32 $0x10, s3;
	s6 =	smov.u32 s0;
	s0 =	sadd.s32 $0x20, s0  }
0x6d4: {  	vm1 =	vmor vm1, vm2  }
0x6d5: {  	s7 =	sand.u32 $0x30, s3;
	s6 =	sand.u32 $0x180, s6;
	v8 =	vsel vm1, v7, v5;
	v9 =	vsel vm1, v6, v4;
	v5 =	vsel vm1, v5, v7  }
0x6d6: {  	s6 =	sor.u32 s7, s6;
	v4 =	vsel vm1, v4, v6;
	[tilespmem:s24+$0xC740] =	vst v5  }
0x6d7: {  	v5 =	vld [tilespmem:s6+$0xC740];
	[tilespmem:s24+$0xC9C0] =	vst v4  }
0x6d8: {  	v4 =	vld [tilespmem:s6+$0xC9C0];
	[tilespmem:s24+$0xC700] =	vst v8  }
0x6d9: {  	v7 =	vld [tilespmem:s6+$0xC700];
	[tilespmem:s24+$0xC980] =	vst v9;
	s24 =	smov.u32 s6  }
0x6da: {  	v6 =	vld [tilespmem:s24+$0xC980]  }
.Ltmp119:
0x6db: {  	(pc) =	sbr.rel @p0 .LBB2_167-.Ltmp119, $3  }
0x6dc: {  	_ =	sdelay $0x1  }
0x6dd: {  	vm1 =	vgt.s32 v7, v5  }
0x6de: {  	vm2 =	veq.s32 v7, v5;
	vm3 =	vlt.s32 v6, v4  }
.LBB2_168:
0x6df: {  	vm2 =	vmand vm2, vm3  }
0x6e0: {  	vm1 =	vmor vm1, vm2  }
0x6e1: {  	v8 =	vsel vm1, v5, v7  }
0x6e2: {  	s0 =	sand.u32 $0x1C0, s23;
	s3 =	sand.u32 $0x10, s23;
	v5 =	vsel vm1, v7, v5;
	[tilespmem:s24+$0xC740] =	vst v8  }
0x6e3: {  	s0 =	sor.u32 s3, s0;
	v8 =	vsel vm1, v4, v6;
	[tilespmem:s24+$0xC700] =	vst v5  }
0x6e4: {  	s31 =	sand.u32 $0x180, s23;
	p0 =	sne.s32 s23, $0xF0;
	s6 =	sand.u32 $0x50, s0;
	v4 =	vsel vm1, v6, v4;
	[tilespmem:s24+$0xC9C0] =	vst v8  }
.Ltmp120:
0x6e5: {  	[tilespmem:s24+$0xC980] =	vst v4;
	s24 =	sor.u32 s6, s31;
	(pc) =	sbr.rel @!p0 .LBB2_170-.Ltmp120, $4  }
0x6e6: {  	v4 =	vld [tilespmem:s24+$0xC720]  }
0x6e7: {  	v5 =	vld [tilespmem:s24+$0xC9A0]  }
0x6e8: {  	v6 =	vld [tilespmem:s0+$0xC980]  }
0x6e9: {  	s7 =	smov.u32 s23;
	s3 =	sadd.s32 $0x10, s23;
	v7 =	vld [tilespmem:s0+$0xC700]  }
.LBB2_169:
0x6ea: {  	p0 =	sne.s32 s3, $0xF0  }
0x6eb: {  	s7 =	sadd.s32 $0x20, s7;
	s6 =	smov.u32 s3;
	s3 =	sadd.s32 $0x10, s3  }
0x6ec: {  	s9 =	sand.u32 $0x1C0, s7;
	s6 =	sand.u32 $0x10, s6  }
0x6ed: {  	s6 =	sor.u32 s6, s9  }
0x6ee: {  	s9 =	sand.u32 $0x180, s7;
	s25 =	sand.u32 $0x50, s6;
	vm2 =	vlt.s32 v6, v5;
	vm1 =	veq.s32 v7, v4  }
0x6ef: {  	s9 =	sor.u32 s25, s9;
	vm3 =	vgt.s32 v7, v4;
	vm1 =	vmand vm1, vm2  }
0x6f0: {  	vm1 =	vmor vm3, vm1  }
0x6f1: {  	v8 =	vsel vm1, v7, v4;
	v9 =	vsel vm1, v6, v5;
	v5 =	vsel vm1, v5, v6  }
0x6f2: {  	v4 =	vsel vm1, v4, v7;
	[tilespmem:s0+$0xC700] =	vst v8  }
0x6f3: {  	[tilespmem:s0+$0xC980] =	vst v9;
	s0 =	smov.u32 s6  }
.Ltmp121:
0x6f4: {  	[tilespmem:s24+$0xC720] =	vst v4;
	(pc) =	sbr.rel @p0 .LBB2_169-.Ltmp121, $4  }
0x6f5: {  	v4 =	vld [tilespmem:s9+$0xC720];
	[tilespmem:s24+$0xC9A0] =	vst v5;
	s24 =	smov.u32 s9  }
0x6f6: {  	v5 =	vld [tilespmem:s24+$0xC9A0]  }
0x6f7: {  	v6 =	vld [tilespmem:s0+$0xC980]  }
0x6f8: {  	v7 =	vld [tilespmem:s0+$0xC700]  }
.LBB2_170:
0x6f9: {  	_ =	sdelay $0x3  }
0x6fa: {  	vm2 =	vlt.s32 v6, v5;
	vm1 =	veq.s32 v7, v4  }
0x6fb: {  	vm3 =	vgt.s32 v7, v4;
	vm1 =	vmand vm1, vm2  }
0x6fc: {  	vm1 =	vmor vm3, vm1  }
0x6fd: {  	v8 =	vsel vm1, v7, v4  }
0x6fe: {  	v9 =	vsel vm1, v6, v5;
	[tilespmem:s0+$0xC700] =	vst v8  }
0x6ff: {  	v4 =	vsel vm1, v4, v7;
	[tilespmem:s0+$0xC980] =	vst v9  }
0x700: {  	v5 =	vsel vm1, v5, v6;
	[tilespmem:s24+$0xC720] =	vst v4  }
0x701: {  	s0 =	sshra.s32 s23, $0x2;
	[tilespmem:s24+$0xC9A0] =	vst v5  }
0x702: {  	v4 =	vld [tilespmem:s0+$0xC700]  }
0x703: {  	v6 =	vld [tilespmem:s0+$0xC710]  }
0x704: {  	v5 =	vld [tilespmem:s0+$0xC990]  }
0x705: {  	p0 =	sne.s32 s23, $0x780;
	v7 =	vld [tilespmem:s0+$0xC980]  }
.Ltmp122:
0x706: {  	_ = 	snop;
	(pc) =	sbr.rel @!p0 .LBB2_172-.Ltmp122, $2  }
0x707: {  	_ =	sdelay $0x2  }
0x708: {  	s3 =	sadd.s32 $0x80, s23;
	vm1 =	vgt.s32 v4, v6;
	vm2 =	veq.s32 v4, v6;
	vm3 =	vlt.s32 v7, v5  }
.LBB2_171:
0x709: {  	p0 =	sne.s32 s3, $0x780;
	vm2 =	vmand vm2, vm3;
	s6 =	smov.u32 s3;
	s3 =	sadd.s32 $0x80, s3  }
0x70a: {  	vm1 =	vmor vm1, vm2  }
0x70b: {  	v8 =	vsel vm1, v4, v6;
	v9 =	vsel vm1, v7, v5;
	v6 =	vsel vm1, v6, v4  }
0x70c: {  	s6 =	sshra.s32 s6, $0x2;
	v5 =	vsel vm1, v5, v7;
	[tilespmem:s0+$0xC700] =	vst v8  }
0x70d: {  	v4 =	vld [tilespmem:s6+$0xC700];
	[tilespmem:s0+$0xC710] =	vst v6  }
0x70e: {  	v6 =	vld [tilespmem:s6+$0xC710];
	[tilespmem:s0+$0xC990] =	vst v5  }
0x70f: {  	v5 =	vld [tilespmem:s6+$0xC990];
	[tilespmem:s0+$0xC980] =	vst v9;
	s0 =	smov.u32 s6  }
0x710: {  	v7 =	vld [tilespmem:s0+$0xC980]  }
.Ltmp123:
0x711: {  	(pc) =	sbr.rel @p0 .LBB2_171-.Ltmp123, $4  }
0x712: {  	_ = 	snop  }
0x713: {  	vm1 =	vgt.s32 v4, v6  }
0x714: {  	vm2 =	veq.s32 v4, v6  }
0x715: {  	vm3 =	vlt.s32 v7, v5  }
.LBB2_172:
0x716: {  	vm2 =	vmand vm2, vm3  }
0x717: {  	vm1 =	vmor vm1, vm2  }
0x718: {  	v8 =	vsel vm1, v4, v6  }
0x719: {  	v4 =	vsel vm1, v6, v4;
	[tilespmem:s0+$0xC700] =	vst v8  }
0x71a: {  	v63 =	vsel vm1, v5, v7;
	[tilespmem:s0+$0xC710] =	vst v4  }
0x71b: {  	v4 =	vsel vm1, v7, v5;
	[tilespmem:s0+$0xC990] =	vst v63  }
0x71c: {  	s23 =	simm.s32 $0x0;
	s3 =	simm.s32 $0x40;
	[tilespmem:s0+$0xC980] =	vst v4;
	s0 =	simm.s32 $0x0  }
.LBB2_173:
0x71d: {  	p0 =	sne.s32 s3, $0x7C0;
	v4 =	vld [tilespmem:s0+$0xC700]  }
0x71e: {  	v5 =	vld [tilespmem:s0+$0xC980];
	_ =	sdelay $0x3  }
0x71f: {  	v4 =	vxor.u32 $0x80000000, v4  }
0x720: {  	(xrf1) =	vsort.dscd.msk.u32 $0xffff, v4, v5;
	_ =	sdelay $0xb  }
.Ltmp124:
0x721: {  	(pc) =	sbr.rel @p0 .LBB2_173-.Ltmp124, $4  }
0x722: {  	_ = 	snop  }
0x723: {  	v4, v5, _ =	vpop (xrf1)  }
0x724: {  	v4 =	vxor.u32 $0x80000000, v4;
	[tilespmem:s0+$0xC980] =	vst v5  }
0x725: {  	[tilespmem:s0+$0xC700] =	vst v4;
	s0 =	sshra.s32 s3, $0x2;
	s3 =	sadd.s32 $0x40, s3  }
0x726: {  	v4 =	vld [tilespmem:s0+$0xC700]  }
0x727: {  	v5 =	vld [tilespmem:s0+$0xC980];
	_ =	sdelay $0x3  }
0x728: {  	v4 =	vxor.u32 $0x80000000, v4  }
0x729: {  	(xrf1) =	vsort.dscd.msk.u32 $0xffff, v4, v5;
	_ =	sdelay $0xd  }
0x72a: {  	v4, v5, _ =	vpop (xrf1)  }
0x72b: {  	v4 =	vxor.u32 $0x80000000, v4;
	[tilespmem:s0+$0xC980] =	vst v5  }
0x72c: {  	[tilespmem:s0+$0xC700] =	vst v4;
	s0 =	simm.s32 $0xC980  }
0x72d: {  	s3 =	simm.s32 $0x10;
	v4 =	vld [tilespmem:s0+$0x0]  }
.LBB2_175:
0x72e: {  	p0 =	sne.s32 s3, $0x1F0;
	_ =	sdelay $0x6  }
0x72f: {  	v5 =	vor.u32 s23, v0;
	s23 =	smov.u32 s3;
	v4 =	vld.idx.msk [tilespmem:v4+s12+$0x0], $0xffff  }
0x730: {  	v6 =	vshll.u32 v5, $0x7  }
0x731: {  	v7 =	vor.u32 $0x1, v6  }
0x732: {  	v5 =	vcvt.s32.f32 v5;
	v8 =	vor.u32 $0x2, v6;
	_ =	sdelay $0x1  }
.Ltmp125:
0x733: {  	v5 =	vmul.f32 v5, v1;
	(pc) =	sbr.rel @p0 .LBB2_175-.Ltmp125, $4  }
0x734: {  	vm1 =	veq.f32 v4, $0.0e+00;
	[tilespmem:v6+s14+$0x0] =	vst.idx.msk $0xffff, v4  }
0x735: {  	v4 =	vsel vm1, $0x3F800000, v2;
	[tilespmem:v7+s14+$0x0] =	vst.idx.msk $0xffff, v5  }
0x736: {  	s0 =	sadd.s32 $0x10, s0;
	[tilespmem:v8+s14+$0x0] =	vst.idx.msk $0xffff, v4  }
0x737: {  	s3 =	sadd.s32 $0x10, s3;
	v4 =	vld [tilespmem:s0+$0x0]  }
0x738: {  	_ =	sdelay $0x6  }
0x739: {  	v5 =	vor.u32 s23, v0  }
0x73a: {  	v6 =	vshll.u32 v5, $0x7;
	v4 =	vld.idx.msk [tilespmem:v4+s12+$0x0], $0xffff  }
0x73b: {  	v7 =	vor.u32 $0x1, v6  }
0x73c: {  	v5 =	vcvt.s32.f32 v5;
	v8 =	vor.u32 $0x2, v6;
	_ =	sdelay $0x1  }
0x73d: {  	v5 =	vmul.f32 v5, v1  }
0x73e: {  	vm1 =	veq.f32 v4, $0.0e+00;
	[tilespmem:v6+s14+$0x0] =	vst.idx.msk $0xffff, v4  }
0x73f: {  	v4 =	vsel vm1, $0x3F800000, v2;
	[tilespmem:v7+s14+$0x0] =	vst.idx.msk $0xffff, v5  }
0x740: {  	s0 =	sadd.s32 s20, s8;
	s30 =	smin.u32 s19, $0xFFC;
	[tilespmem:v8+s14+$0x0] =	vst.idx.msk $0xffff, v4  }
0x741: {  	[hbm4b:s0+s2] =	stream.linear.scatter [tilespmem:s14], [sflag:$0x3], $0x10000, $0x38;
	[tilespmem:$0x1CC00] =	vst v63  }
0x742: {  	s31 =	ssub.s32 s21, s22;
	s18 =	sadd.s32 $0x1, s18;
	s0 =	sadd.s32 $0x3, s30  }
0x743: {  	p0 =	sne.s32 s18, $0x40;
	s3 =	sshll.u32 s0, $0x4;
	_ =	swait.ge [sflag:s15], $0x10000  }
0x744: {  	s0 =	sshll.u32 s0, $0xA;
	s3 =	sand.u32 $0x70, s3;
	[sflag:s15] =	ssyncset.done $0x0  }
.Ltmp126:
0x745: {  	s0 =	sand.u32 $0x7FE000, s0;
	s3 =	sadd.s32 s1, s3;
	(pc) =	sbr.rel @p0 .LBB2_2-.Ltmp126, $4  }
.Ltmp127:
0x746: {  	[sflag:s15] =	ssyncadd.s32 $0xFFFF0000;
	s0 =	sadd.s32 s0, s3;
	(pc) =	sbr.rel @!p0 .LBB2_177-.Ltmp127, $4  }
0x747: {  	[tilespmem:s12], [sflag:$0x2] =	stream.strided.gather [hbm4b:s0+s10], $0x2000, s11, s10, $0x38;
	[tilespmem:$0x1CC00] =	vst v63  }
0x748: {  	s0 =	sshra.s32 s31, $0x1  }
0x749: {  	s0 =	sadd.s32 s22, s0  }
0x74a: {  	_ = 	snop  }
.LBB2_40:
.Ltmp128:
0x74b: {  	(pc) =	sbr.rel .LBB2_44-.Ltmp128, $2  }
0x74c: {  	_ =	sdelay $0x2  }
0x74d: {  	s7 =	simm.s32 $0x0;
	s9 =	smov.u32 s0;
	s20 =	smov.u32 s19  }
.LBB2_127:
.Ltmp129:
0x74e: {  	(pc) =	sbr.rel .LBB2_131-.Ltmp129, $2  }
0x74f: {  	_ =	sdelay $0x2  }
0x750: {  	s7 =	simm.s32 $0x0;
	s9 =	smov.u32 s0;
	s24 =	smov.u32 s23  }
.LBB2_42:
.Ltmp130:
0x751: {  	(pc) =	sbr.rel .LBB2_44-.Ltmp130, $2  }
0x752: {  	_ =	sdelay $0x2  }
0x753: {  	s7 =	simm.s32 $0x0;
	s9 =	smov.u32 s0;
	s20 =	smov.u32 s19  }
.LBB2_129:
.Ltmp131:
0x754: {  	(pc) =	sbr.rel .LBB2_131-.Ltmp131, $2  }
0x755: {  	_ =	sdelay $0x2  }
0x756: {  	s7 =	simm.s32 $0x0;
	s9 =	smov.u32 s0;
	s24 =	smov.u32 s23  }
.LBB2_178:
0x757: {  	_ =	sfence.sel $0x180000  }
0x758: {  	[bflag:$0x0] =	sbarrier.arrive $0xFFFF  }
0x759: {  	_ =	strace $0x90000047  }
0x75a: {  	s0 =	stileid.u32;
	[bflag:$0x2] =	sbarrier.arrive $0xFFFF  }
0x75b: {  	p0 =	sne.s32 s0, $0x0;
	s0 =	rddreg [dreg:$0x2]  }
0x75c: {  	s0 =	sadd.s32 @!p0 $0x100000, s0  }
0x75d: {  	[sflag:s0] =	ssyncadd.tile.s32 @!p0 $0x1;
	_ =	shalt  }
.Lfunc_end2:
_tile_overlayer_lowered:
.L_overlay_start_2:
0x75e: {  	(tag) =	ssettag $0x2  }
0x75f: {  	s0 =	rddreg [dreg:$0x0];
	s2 =	stileid.u32  }
0x760: {  	s1 =	rddreg [dreg:$0x1];
	p0 =	sne.s32 s2, $0x0  }
0x761: {  	s3 =	rddreg [dreg:$0x2];
	[bflag:$0x3] =	sbarrier.arrive $0xFFFF;
	s2 =	simm.s32 @!p0 $0x1C03  }
0x762: {  	[timem:s3], [sflag:s2] =	dma.local @!p0 [hbm:s0], s1  }
0x763: {  	s0 =	simm.s32 @!p0 $0x3  }
0x764: {  	_ =	swait.ge @!p0 [sflag:s0], s1  }
0x765: {  	s1 =	ssub.s32 @!p0 $0x0, s1;
	[sflag:s0] =	ssyncset.done @!p0 $0x0  }
0x766: {  	[sflag:s0] =	ssyncadd.s32 @!p0 s1  }
0x767: {  	[bflag:$0x3] =	sbarrier.arrive $0xFFFF  }
0x768: {  	_ =	shalt  }

</sc_bundles>
